<compile_context>
chip_gen: v7x
topology: tpu7x:2x2x1
jax: 0.10.2.dev20260603
libtpu: 0.0.44.dev20260713+nightly
codegen_flags: <defaults>
</compile_context>

<pallas_src>
import functools

import jax
import jax.numpy as jnp
from jax import lax
from jax.experimental import pallas as pl
from jax.experimental.pallas import tpu as pltpu
from jax.experimental.pallas import tpu_sc as plsc

_B, _C, _T = 16, 64, 1000
_K = 64
_KL = 9
_TV = _T - _KL + 1
_R = 8
_NB = 4
_DO = 64
_F = 2 * _K

_L = 128
_NCH = 8
_W = _L + _KL - 1
_TP = _NCH * _L + (_KL - 1)
_G = 64


def _feats_kernel(x_ref, kern_ref, thr_ref, mask_ref, tones_ref,
                  out_ref, m_ref):
    @pl.when(pl.program_id(0) == 0)
    def _build_m():
        d = (lax.broadcasted_iota(jnp.int32, (_W, _L), 0)
             - lax.broadcasted_iota(jnp.int32, (_W, _L), 1))
        diags = [(d == j).astype(jnp.bfloat16) for j in range(_KL)]
        for k in range(_K):
            tb = diags[0] * kern_ref[k, 0].astype(jnp.bfloat16)
            for j in range(1, _KL):
                tb = tb + diags[j] * kern_ref[k, j].astype(jnp.bfloat16)
            m_ref[:_W, k * _L:(k + 1) * _L] = tb
        m_ref[_W:, :] = -thr_ref[:, :]

    a = jnp.concatenate(
        [x_ref[:, ch * _L:ch * _L + _W] for ch in range(_NCH)], axis=0)
    ones_col = jnp.ones((_NCH * _G, 1), jnp.bfloat16)
    a = jnp.concatenate([a, ones_col], axis=1)
    conv = jnp.dot(a, m_ref[:, :],
                   preferred_element_type=jnp.float32).astype(jnp.bfloat16)
    nrows = (_NCH - 1) * _G
    conv_main = conv[:nrows, :]
    conv_last = conv[nrows:, :]
    one = jnp.bfloat16(1.0)
    zero = jnp.bfloat16(0.0)
    ind_main = jnp.where(conv_main > zero, one, zero)
    ind_last = jnp.where(conv_last > zero, mask_ref[:, :], zero)
    ind = jnp.concatenate([ind_main, ind_last], axis=0)
    counts = jnp.dot(ind, tones_ref[:, :], preferred_element_type=jnp.float32)
    total = counts[:_G, :]
    for ch in range(1, _NCH):
        total = total + counts[ch * _G:(ch + 1) * _G, :]
    ppv = total * (1.0 / _TV)
    mb = mask_ref[:, :] > zero
    neg = jnp.full(conv_last.shape, jnp.bfloat16(-3e38))
    conv_last_m = jnp.where(mb, conv_last, neg)
    m = conv_main[:_G, :]
    for ch in range(1, _NCH - 1):
        m = jnp.maximum(m, conv_main[ch * _G:(ch + 1) * _G, :])
    m = jnp.maximum(m, conv_last_m)
    m3 = m.reshape(_G, _K, _L)
    mx = jnp.max(m3, axis=-1).astype(jnp.float32)
    out_ref[:, :] = jnp.concatenate([ppv, mx], axis=1)


_CW = 128
_CH = _C // 2


def _sc_segsum_kernel(rid_hbm, feats_hbm, out_hbm, rid_v, buf_v, acc_v,
                      shared):
    cid = lax.axis_index("c")
    sid = lax.axis_index("s")
    col = sid * _CW
    pltpu.sync_copy(rid_hbm.at[pl.ds(cid * _CH, _CH)], rid_v)
    pltpu.sync_copy(feats_hbm.at[pl.ds(cid * _CH, _CH), pl.ds(col, _CW)],
                    buf_v)
    for r in range(_R):
        for v in range(_CW // 16):
            acc_v[r, v * 16:(v + 1) * 16] = jnp.zeros((16,), jnp.float32)
    pltpu.sync_copy(acc_v, shared.at[sid])
    pltpu.sync_copy(buf_v, shared.at[sid].at[rid_v], add=True)
    pltpu.sync_copy(shared.at[sid], out_hbm.at[cid, :, pl.ds(col, _CW)])


def _head_kernel(rid_ref, pooled_ref, w_ref, b_ref, out_ref):
    rid = rid_ref[:, :]
    rows = lax.broadcasted_iota(jnp.int32, (_R, _C), 0)
    m = (rid == rows).astype(jnp.float32)
    counts = jnp.maximum(jnp.sum(m, axis=1, keepdims=True), 1.0)
    pooled = (pooled_ref[0] + pooled_ref[1]) * (1.0 / counts)
    wc = jnp.concatenate([w_ref[n] for n in range(_NB)], axis=1)
    bc = jnp.concatenate([b_ref[n:n + 1, :] for n in range(_NB)], axis=1)
    for b in range(_B):
        pb = pooled[:, b * _F:(b + 1) * _F]
        ob = jnp.dot(pb, wc, preferred_element_type=jnp.float32)
        out_ref[b * _R:(b + 1) * _R, :] = ob + bc


def kernel(x, region_ids, kernels, biases, W, b):
    xr = x.reshape(_B * _C, _T)
    xp = jnp.pad(xr, ((0, 0), (0, _TP - _T))).astype(jnp.bfloat16)
    k2 = kernels.reshape(_K, _KL).astype(jnp.float32)

    thr = jnp.repeat(-biases.astype(jnp.float32), _L).reshape(1, _K * _L)
    thr = thr.astype(jnp.bfloat16)
    lane_t = jnp.arange(_K * _L) % _L
    maskv = (lane_t < (_TV - (_NCH - 1) * _L)).astype(jnp.bfloat16)
    maskv = maskv.reshape(1, _K * _L)
    tones = (jnp.arange(_K * _L)[:, None] // _L
             == jnp.arange(_K)[None, :]).astype(jnp.bfloat16)

    ncb = _C // _G
    feats_2d = pl.pallas_call(
        _feats_kernel,
        grid=(_B * _C // _G,),
        in_specs=[
            pl.BlockSpec((_G, _TP), lambda i: (i, 0)),
            pl.BlockSpec((_K, _KL), lambda i: (0, 0)),
            pl.BlockSpec((1, _K * _L), lambda i: (0, 0)),
            pl.BlockSpec((1, _K * _L), lambda i: (0, 0)),
            pl.BlockSpec((_K * _L, _K), lambda i: (0, 0)),
        ],
        out_specs=pl.BlockSpec((_G, _F), lambda i: (i % ncb, i // ncb)),
        out_shape=jax.ShapeDtypeStruct((_C, _B * _F), jnp.float32),
        scratch_shapes=[pltpu.VMEM((_W + 1, _K * _L), jnp.bfloat16)],
    )(xp, k2, thr, maskv, tones)

    rid = region_ids.astype(jnp.int32).reshape(1, _C)

    sc_segsum = functools.partial(
        pl.kernel,
        mesh=plsc.VectorSubcoreMesh(core_axis_name="c", subcore_axis_name="s"),
        out_type=jax.ShapeDtypeStruct((2, _R, _B * _F), jnp.float32),
        scratch_types=[
            pltpu.VMEM((_CH,), jnp.int32),
            pltpu.VMEM((_CH, _CW), jnp.float32),
            pltpu.VMEM((_R, _CW), jnp.float32),
            pltpu.VMEM_SHARED((16, _R, _CW), jnp.float32),
        ],
    )(_sc_segsum_kernel)
    pooled_sum = sc_segsum(region_ids.astype(jnp.int32), feats_2d)

    out = pl.pallas_call(
        _head_kernel,
        in_specs=[
            pl.BlockSpec((1, _C), lambda: (0, 0)),
            pl.BlockSpec((2, _R, _B * _F), lambda: (0, 0, 0)),
            pl.BlockSpec((_NB, _F, _DO), lambda: (0, 0, 0)),
            pl.BlockSpec((_NB, _DO), lambda: (0, 0)),
        ],
        out_specs=pl.BlockSpec((_B * _R, _NB * _DO), lambda: (0, 0)),
        out_shape=jax.ShapeDtypeStruct((_B * _R, _NB * _DO), jnp.float32),
    )(rid, pooled_sum, W, b)

    out = out.reshape(_B, _R, _NB, _DO).transpose(0, 2, 1, 3)
    return out.reshape(_B, _NB, _R * _DO)

# --- scband reference (transcript-rebuilt; emitter-appended) ---
"""Pipeline reference for scband-shared-precomputing-regions2-bins-36447092474166 (READ-ONLY COPY).

The authoritative reference and input builder live on the scoring server;
editing this copy changes nothing except your own understanding.
"""

import jax, jax.numpy as jnp
import numpy as np

B, C, T = 16, 64, 1000   # batch, EEG channels, time samples
K = 64                   # num rocket kernels (shared, univariate)
KL = 9                   # max_receptive_field / kernel length
R = 8                    # number of regions (channel groups in the path)
NB = 4                   # number of bins
DO = 64                  # per-region output features of the bin pooling head


def setup_inputs(seed: int = 0) -> dict:
    key = jax.random.key(seed)
    ks = jax.random.split(key, 6)
    x = jax.random.normal(ks[0], (B, C, T), dtype=jnp.float32)
    region_ids = jnp.sort(jax.random.randint(ks[1], (C,), 0, R))
    # shared univariate rocket kernels (precomputing is per channel, shared across bins)
    kernels = jax.random.normal(ks[2], (K, 1, KL), dtype=jnp.float32)
    biases = jax.random.uniform(ks[3], (K,), minval=-1.0, maxval=1.0, dtype=jnp.float32)
    # per-bin pooling heads; in_features = 2 * num_kernels (PPV + max per kernel)
    W = jax.random.normal(ks[4], (NB, 2 * K, DO), dtype=jnp.float32) / np.sqrt(2 * K)
    b = jnp.zeros((NB, DO), dtype=jnp.float32)
    return {"x": x, "region_ids": region_ids, "kernels": kernels, "biases": biases, "W": W, "b": b}


def reference(x, region_ids, kernels, biases, W, b):
    Bs, Cs, Ts = x.shape
    # --- shared per-channel precompute (UnivariateRocketKernels) ---
    xr = x.reshape(Bs * Cs, 1, Ts)
    conv = jax.lax.conv_general_dilated(
        xr, kernels, window_strides=(1,), padding='VALID',
        dimension_numbers=('NCH', 'OIH', 'NCH'))
    conv = conv + biases[None, :, None]
    ppv = jnp.mean((conv > 0).astype(jnp.float32), axis=-1)   # [B*C, K]
    mx = jnp.max(conv, axis=-1)                                # [B*C, K]
    feats = jnp.concatenate([ppv, mx], axis=-1).reshape(Bs, Cs, 2 * K)
    # --- region pooling: segment-mean over channels within each region ---
    ft = jnp.transpose(feats, (1, 0, 2)).reshape(Cs, Bs * 2 * K)
    seg = jax.ops.segment_sum(ft, region_ids, num_segments=R)
    counts = jnp.clip(jnp.bincount(region_ids, length=R), 1, None).astype(jnp.float32)
    pooled = (seg / counts[:, None]).reshape(R, Bs, 2 * K).transpose(1, 0, 2)  # [B, R, 2K]
    # --- per-bin pooling heads over precomputed region features ---
    out = jnp.einsum('brf,nfd->bnrd', pooled, W) + b[None, :, None, :]
    return out.reshape(Bs, NB, R * DO)

if __name__ == "__main__":
    import jax
    _d = setup_inputs()
    print(jax.jit(kernel)(*tuple(_d.values())))

</pallas_src>

<mosaic_0001>
#map = affine_map<(d0, d1) -> (0)>
#map1 = affine_map<(d0, d1) -> (0, 0)>
#map2 = affine_map<(d0, d1) -> (0, 0, 0)>
module attributes {stable_mosaic.version = 14 : i64} {
  func.func @_sc_segsum_kernel(%arg0: i32, %arg1: i32, %arg2: memref<64xi32, #tpu.memory_space<hbm>>, %arg3: memref<64x2048xf32, #tpu.memory_space<hbm>>, %arg4: memref<2x8x2048xf32, #tpu.memory_space<hbm>>, %arg5: memref<32xi32, #tpu.memory_space<vmem>>, %arg6: memref<32x128xf32, #tpu.memory_space<vmem>>, %arg7: memref<8x128xf32, #tpu.memory_space<vmem>>, %arg8: memref<16x8x128xf32, #tpu.memory_space<vmem_shared>>) attributes {dimension_semantics = [#tpu.dimension_semantics<core_parallel>, #tpu.dimension_semantics<subcore_parallel>], iteration_bounds = array<i64: 2, 16>, scalar_prefetch = 0 : i64, scratch_operands = 4 : i64, tpu.core_type = #tpu.core_type<sc_vector_subcore>, window_params = [{transform_indices = #map}, {transform_indices = #map1}, {transform_indices = #map2}]} {
    %mul3A = arith.constant 128 : i32
    %mul3A_0 = arith.muli %arg1, %mul3A : i32
    %mul3A_1 = arith.constant 32 : i32
    %mul3A_2 = arith.muli %arg0, %mul3A_1 : i32
    "tpu.region"() ({
      %run_scoped3A = tpu.sem_alloc : memref<!tpu.dma_semaphore, #tpu.memory_space<semaphore_mem>>
      %dma_start3A = tpu.memref_slice %arg2[%mul3A_2] : memref<64xi32, #tpu.memory_space<hbm>> -> memref<32xi32, #tpu.memory_space<hbm>>
      %dma_start3A_515 = tpu.memref_slice %arg2[%mul3A_2] : memref<64xi32, #tpu.memory_space<hbm>> -> memref<32xi32, #tpu.memory_space<hbm>>
      tpu.enqueue_dma source(%dma_start3A_515 : memref<32xi32, #tpu.memory_space<hbm>>) target(%arg5 : memref<32xi32, #tpu.memory_space<vmem>>) target_semaphore(%run_scoped3A : memref<!tpu.dma_semaphore, #tpu.memory_space<semaphore_mem>>)
      %dma_wait3A = tpu.memref_slice %arg2[%mul3A_2] : memref<64xi32, #tpu.memory_space<hbm>> -> memref<32xi32, #tpu.memory_space<hbm>>
      %dma_wait3A_516 = tpu.memref_slice %arg2[%mul3A_2] : memref<64xi32, #tpu.memory_space<hbm>> -> memref<32xi32, #tpu.memory_space<hbm>>
      tpu.wait_dma2 semaphore(%run_scoped3A : memref<!tpu.dma_semaphore, #tpu.memory_space<semaphore_mem>>) src(%dma_wait3A_516 : memref<32xi32, #tpu.memory_space<hbm>>) dst(%arg5 : memref<32xi32, #tpu.memory_space<vmem>>)
      tpu.yield
    }) : () -> ()
    %mul3A_3 = arith.constant 32 : i32
    %mul3A_4 = arith.muli %arg0, %mul3A_3 : i32
    "tpu.region"() ({
      %run_scoped3A = tpu.sem_alloc : memref<!tpu.dma_semaphore, #tpu.memory_space<semaphore_mem>>
      %dma_start3A = tpu.memref_slice %arg3[%mul3A_4, %mul3A_0] : memref<64x2048xf32, #tpu.memory_space<hbm>> -> memref<32x128xf32, #tpu.memory_space<hbm>>
      %dma_start3A_515 = tpu.memref_slice %arg3[%mul3A_4, %mul3A_0] : memref<64x2048xf32, #tpu.memory_space<hbm>> -> memref<32x128xf32, #tpu.memory_space<hbm>>
      tpu.enqueue_dma source(%dma_start3A_515 : memref<32x128xf32, #tpu.memory_space<hbm>>) target(%arg6 : memref<32x128xf32, #tpu.memory_space<vmem>>) target_semaphore(%run_scoped3A : memref<!tpu.dma_semaphore, #tpu.memory_space<semaphore_mem>>)
      %dma_wait3A = tpu.memref_slice %arg3[%mul3A_4, %mul3A_0] : memref<64x2048xf32, #tpu.memory_space<hbm>> -> memref<32x128xf32, #tpu.memory_space<hbm>>
      %dma_wait3A_516 = tpu.memref_slice %arg3[%mul3A_4, %mul3A_0] : memref<64x2048xf32, #tpu.memory_space<hbm>> -> memref<32x128xf32, #tpu.memory_space<hbm>>
      tpu.wait_dma2 semaphore(%run_scoped3A : memref<!tpu.dma_semaphore, #tpu.memory_space<semaphore_mem>>) src(%dma_wait3A_516 : memref<32x128xf32, #tpu.memory_space<hbm>>) dst(%arg6 : memref<32x128xf32, #tpu.memory_space<vmem>>)
      tpu.yield
    }) : () -> ()
    %broadcast_in_dim3A = arith.constant 0.000000e+00 : f32
    %broadcast_in_dim3A_5 = vector.broadcast %broadcast_in_dim3A : f32 to vector<16xf32>
    %swap3A = arith.constant 0 : i32
    %swap3A_6 = arith.index_cast %swap3A : i32 to index
    %swap3A_7 = arith.constant 0 : index
    %swap3A_8 = tpu.vector_load %arg7[%swap3A_6, %swap3A_7] {strides = array<i32>} : memref<8x128xf32, #tpu.memory_space<vmem>>, vector<1x16xf32>,
    %swap3A_9 = vector.shape_cast %swap3A_8 : vector<1x16xf32> to vector<16xf32>
    %swap3A_10 = vector.shape_cast %broadcast_in_dim3A_5 : vector<16xf32> to vector<1x16xf32>
    tpu.vector_store %arg7[%swap3A_6, %swap3A_7], %swap3A_10 {strides = array<i32>} : memref<8x128xf32, #tpu.memory_space<vmem>>, vector<1x16xf32>,
    %broadcast_in_dim3A_11 = arith.constant 0.000000e+00 : f32
    %broadcast_in_dim3A_12 = vector.broadcast %broadcast_in_dim3A_11 : f32 to vector<16xf32>
    %swap3A_13 = arith.constant 0 : i32
    %swap3A_14 = arith.index_cast %swap3A_13 : i32 to index
    %swap3A_15 = arith.constant 16 : index
    %swap3A_16 = tpu.vector_load %arg7[%swap3A_14, %swap3A_15] {strides = array<i32>} : memref<8x128xf32, #tpu.memory_space<vmem>>, vector<1x16xf32>,
    %swap3A_17 = vector.shape_cast %swap3A_16 : vector<1x16xf32> to vector<16xf32>
    %swap3A_18 = vector.shape_cast %broadcast_in_dim3A_12 : vector<16xf32> to vector<1x16xf32>
    tpu.vector_store %arg7[%swap3A_14, %swap3A_15], %swap3A_18 {strides = array<i32>} : memref<8x128xf32, #tpu.memory_space<vmem>>, vector<1x16xf32>,
    %broadcast_in_dim3A_19 = arith.constant 0.000000e+00 : f32
    %broadcast_in_dim3A_20 = vector.broadcast %broadcast_in_dim3A_19 : f32 to vector<16xf32>
    %swap3A_21 = arith.constant 0 : i32
    %swap3A_22 = arith.index_cast %swap3A_21 : i32 to index
    %swap3A_23 = arith.constant 32 : index
    %swap3A_24 = tpu.vector_load %arg7[%swap3A_22, %swap3A_23] {strides = array<i32>} : memref<8x128xf32, #tpu.memory_space<vmem>>, vector<1x16xf32>,
    %swap3A_25 = vector.shape_cast %swap3A_24 : vector<1x16xf32> to vector<16xf32>
    %swap3A_26 = vector.shape_cast %broadcast_in_dim3A_20 : vector<16xf32> to vector<1x16xf32>
    tpu.vector_store %arg7[%swap3A_22, %swap3A_23], %swap3A_26 {strides = array<i32>} : memref<8x128xf32, #tpu.memory_space<vmem>>, vector<1x16xf32>,
    %broadcast_in_dim3A_27 = arith.constant 0.000000e+00 : f32
    %broadcast_in_dim3A_28 = vector.broadcast %broadcast_in_dim3A_27 : f32 to vector<16xf32>
    %swap3A_29 = arith.constant 0 : i32
    %swap3A_30 = arith.index_cast %swap3A_29 : i32 to index
    %swap3A_31 = arith.constant 48 : index
    %swap3A_32 = tpu.vector_load %arg7[%swap3A_30, %swap3A_31] {strides = array<i32>} : memref<8x128xf32, #tpu.memory_space<vmem>>, vector<1x16xf32>,
    %swap3A_33 = vector.shape_cast %swap3A_32 : vector<1x16xf32> to vector<16xf32>
    %swap3A_34 = vector.shape_cast %broadcast_in_dim3A_28 : vector<16xf32> to vector<1x16xf32>
    tpu.vector_store %arg7[%swap3A_30, %swap3A_31], %swap3A_34 {strides = array<i32>} : memref<8x128xf32, #tpu.memory_space<vmem>>, vector<1x16xf32>,
    %broadcast_in_dim3A_35 = arith.constant 0.000000e+00 : f32
    %broadcast_in_dim3A_36 = vector.broadcast %broadcast_in_dim3A_35 : f32 to vector<16xf32>
    %swap3A_37 = arith.constant 0 : i32
    %swap3A_38 = arith.index_cast %swap3A_37 : i32 to index
    %swap3A_39 = arith.constant 64 : index
    %swap3A_40 = tpu.vector_load %arg7[%swap3A_38, %swap3A_39] {strides = array<i32>} : memref<8x128xf32, #tpu.memory_space<vmem>>, vector<1x16xf32>,
    %swap3A_41 = vector.shape_cast %swap3A_40 : vector<1x16xf32> to vector<16xf32>
    %swap3A_42 = vector.shape_cast %broadcast_in_dim3A_36 : vector<16xf32> to vector<1x16xf32>
    tpu.vector_store %arg7[%swap3A_38, %swap3A_39], %swap3A_42 {strides = array<i32>} : memref<8x128xf32, #tpu.memory_space<vmem>>, vector<1x16xf32>,
    %broadcast_in_dim3A_43 = arith.constant 0.000000e+00 : f32
    %broadcast_in_dim3A_44 = vector.broadcast %broadcast_in_dim3A_43 : f32 to vector<16xf32>
    %swap3A_45 = arith.constant 0 : i32
    %swap3A_46 = arith.index_cast %swap3A_45 : i32 to index
    %swap3A_47 = arith.constant 80 : index
    %swap3A_48 = tpu.vector_load %arg7[%swap3A_46, %swap3A_47] {strides = array<i32>} : memref<8x128xf32, #tpu.memory_space<vmem>>, vector<1x16xf32>,
    %swap3A_49 = vector.shape_cast %swap3A_48 : vector<1x16xf32> to vector<16xf32>
    %swap3A_50 = vector.shape_cast %broadcast_in_dim3A_44 : vector<16xf32> to vector<1x16xf32>
    tpu.vector_store %arg7[%swap3A_46, %swap3A_47], %swap3A_50 {strides = array<i32>} : memref<8x128xf32, #tpu.memory_space<vmem>>, vector<1x16xf32>,
    %broadcast_in_dim3A_51 = arith.constant 0.000000e+00 : f32
    %broadcast_in_dim3A_52 = vector.broadcast %broadcast_in_dim3A_51 : f32 to vector<16xf32>
    %swap3A_53 = arith.constant 0 : i32
    %swap3A_54 = arith.index_cast %swap3A_53 : i32 to index
    %swap3A_55 = arith.constant 96 : index
    %swap3A_56 = tpu.vector_load %arg7[%swap3A_54, %swap3A_55] {strides = array<i32>} : memref<8x128xf32, #tpu.memory_space<vmem>>, vector<1x16xf32>,
    %swap3A_57 = vector.shape_cast %swap3A_56 : vector<1x16xf32> to vector<16xf32>
    %swap3A_58 = vector.shape_cast %broadcast_in_dim3A_52 : vector<16xf32> to vector<1x16xf32>
    tpu.vector_store %arg7[%swap3A_54, %swap3A_55], %swap3A_58 {strides = array<i32>} : memref<8x128xf32, #tpu.memory_space<vmem>>, vector<1x16xf32>,
    %broadcast_in_dim3A_59 = arith.constant 0.000000e+00 : f32
    %broadcast_in_dim3A_60 = vector.broadcast %broadcast_in_dim3A_59 : f32 to vector<16xf32>
    %swap3A_61 = arith.constant 0 : i32
    %swap3A_62 = arith.index_cast %swap3A_61 : i32 to index
    %swap3A_63 = arith.constant 112 : index
    %swap3A_64 = tpu.vector_load %arg7[%swap3A_62, %swap3A_63] {strides = array<i32>} : memref<8x128xf32, #tpu.memory_space<vmem>>, vector<1x16xf32>,
    %swap3A_65 = vector.shape_cast %swap3A_64 : vector<1x16xf32> to vector<16xf32>
    %swap3A_66 = vector.shape_cast %broadcast_in_dim3A_60 : vector<16xf32> to vector<1x16xf32>
    tpu.vector_store %arg7[%swap3A_62, %swap3A_63], %swap3A_66 {strides = array<i32>} : memref<8x128xf32, #tpu.memory_space<vmem>>, vector<1x16xf32>,
    %broadcast_in_dim3A_67 = arith.constant 0.000000e+00 : f32
    %broadcast_in_dim3A_68 = vector.broadcast %broadcast_in_dim3A_67 : f32 to vector<16xf32>
    %swap3A_69 = arith.constant 1 : i32
    %swap3A_70 = arith.index_cast %swap3A_69 : i32 to index
    %swap3A_71 = arith.constant 0 : index
    %swap3A_72 = tpu.vector_load %arg7[%swap3A_70, %swap3A_71] {strides = array<i32>} : memref<8x128xf32, #tpu.memory_space<vmem>>, vector<1x16xf32>,
    %swap3A_73 = vector.shape_cast %swap3A_72 : vector<1x16xf32> to vector<16xf32>
    %swap3A_74 = vector.shape_cast %broadcast_in_dim3A_68 : vector<16xf32> to vector<1x16xf32>
    tpu.vector_store %arg7[%swap3A_70, %swap3A_71], %swap3A_74 {strides = array<i32>} : memref<8x128xf32, #tpu.memory_space<vmem>>, vector<1x16xf32>,
    %broadcast_in_dim3A_75 = arith.constant 0.000000e+00 : f32
    %broadcast_in_dim3A_76 = vector.broadcast %broadcast_in_dim3A_75 : f32 to vector<16xf32>
    %swap3A_77 = arith.constant 1 : i32
    %swap3A_78 = arith.index_cast %swap3A_77 : i32 to index
    %swap3A_79 = arith.constant 16 : index
    %swap3A_80 = tpu.vector_load %arg7[%swap3A_78, %swap3A_79] {strides = array<i32>} : memref<8x128xf32, #tpu.memory_space<vmem>>, vector<1x16xf32>,
    %swap3A_81 = vector.shape_cast %swap3A_80 : vector<1x16xf32> to vector<16xf32>
    %swap3A_82 = vector.shape_cast %broadcast_in_dim3A_76 : vector<16xf32> to vector<1x16xf32>
    tpu.vector_store %arg7[%swap3A_78, %swap3A_79], %swap3A_82 {strides = array<i32>} : memref<8x128xf32, #tpu.memory_space<vmem>>, vector<1x16xf32>,
    %broadcast_in_dim3A_83 = arith.constant 0.000000e+00 : f32
    %broadcast_in_dim3A_84 = vector.broadcast %broadcast_in_dim3A_83 : f32 to vector<16xf32>
    %swap3A_85 = arith.constant 1 : i32
    %swap3A_86 = arith.index_cast %swap3A_85 : i32 to index
    %swap3A_87 = arith.constant 32 : index
    %swap3A_88 = tpu.vector_load %arg7[%swap3A_86, %swap3A_87] {strides = array<i32>} : memref<8x128xf32, #tpu.memory_space<vmem>>, vector<1x16xf32>,
    %swap3A_89 = vector.shape_cast %swap3A_88 : vector<1x16xf32> to vector<16xf32>
    %swap3A_90 = vector.shape_cast %broadcast_in_dim3A_84 : vector<16xf32> to vector<1x16xf32>
    tpu.vector_store %arg7[%swap3A_86, %swap3A_87], %swap3A_90 {strides = array<i32>} : memref<8x128xf32, #tpu.memory_space<vmem>>, vector<1x16xf32>,
    %broadcast_in_dim3A_91 = arith.constant 0.000000e+00 : f32
    %broadcast_in_dim3A_92 = vector.broadcast %broadcast_in_dim3A_91 : f32 to vector<16xf32>
    %swap3A_93 = arith.constant 1 : i32
    %swap3A_94 = arith.index_cast %swap3A_93 : i32 to index
    %swap3A_95 = arith.constant 48 : index
    %swap3A_96 = tpu.vector_load %arg7[%swap3A_94, %swap3A_95] {strides = array<i32>} : memref<8x128xf32, #tpu.memory_space<vmem>>, vector<1x16xf32>,
    %swap3A_97 = vector.shape_cast %swap3A_96 : vector<1x16xf32> to vector<16xf32>
    %swap3A_98 = vector.shape_cast %broadcast_in_dim3A_92 : vector<16xf32> to vector<1x16xf32>
    tpu.vector_store %arg7[%swap3A_94, %swap3A_95], %swap3A_98 {strides = array<i32>} : memref<8x128xf32, #tpu.memory_space<vmem>>, vector<1x16xf32>,
    %broadcast_in_dim3A_99 = arith.constant 0.000000e+00 : f32
    %broadcast_in_dim3A_100 = vector.broadcast %broadcast_in_dim3A_99 : f32 to vector<16xf32>
    %swap3A_101 = arith.constant 1 : i32
    %swap3A_102 = arith.index_cast %swap3A_101 : i32 to index
    %swap3A_103 = arith.constant 64 : index
    %swap3A_104 = tpu.vector_load %arg7[%swap3A_102, %swap3A_103] {strides = array<i32>} : memref<8x128xf32, #tpu.memory_space<vmem>>, vector<1x16xf32>,
    %swap3A_105 = vector.shape_cast %swap3A_104 : vector<1x16xf32> to vector<16xf32>
    %swap3A_106 = vector.shape_cast %broadcast_in_dim3A_100 : vector<16xf32> to vector<1x16xf32>
    tpu.vector_store %arg7[%swap3A_102, %swap3A_103], %swap3A_106 {strides = array<i32>} : memref<8x128xf32, #tpu.memory_space<vmem>>, vector<1x16xf32>,
    %broadcast_in_dim3A_107 = arith.constant 0.000000e+00 : f32
    %broadcast_in_dim3A_108 = vector.broadcast %broadcast_in_dim3A_107 : f32 to vector<16xf32>
    %swap3A_109 = arith.constant 1 : i32
    %swap3A_110 = arith.index_cast %swap3A_109 : i32 to index
    %swap3A_111 = arith.constant 80 : index
    %swap3A_112 = tpu.vector_load %arg7[%swap3A_110, %swap3A_111] {strides = array<i32>} : memref<8x128xf32, #tpu.memory_space<vmem>>, vector<1x16xf32>,
    %swap3A_113 = vector.shape_cast %swap3A_112 : vector<1x16xf32> to vector<16xf32>
    %swap3A_114 = vector.shape_cast %broadcast_in_dim3A_108 : vector<16xf32> to vector<1x16xf32>
    tpu.vector_store %arg7[%swap3A_110, %swap3A_111], %swap3A_114 {strides = array<i32>} : memref<8x128xf32, #tpu.memory_space<vmem>>, vector<1x16xf32>,
    %broadcast_in_dim3A_115 = arith.constant 0.000000e+00 : f32
    %broadcast_in_dim3A_116 = vector.broadcast %broadcast_in_dim3A_115 : f32 to vector<16xf32>
    %swap3A_117 = arith.constant 1 : i32
    %swap3A_118 = arith.index_cast %swap3A_117 : i32 to index
    %swap3A_119 = arith.constant 96 : index
    %swap3A_120 = tpu.vector_load %arg7[%swap3A_118, %swap3A_119] {strides = array<i32>} : memref<8x128xf32, #tpu.memory_space<vmem>>, vector<1x16xf32>,
    %swap3A_121 = vector.shape_cast %swap3A_120 : vector<1x16xf32> to vector<16xf32>
    %swap3A_122 = vector.shape_cast %broadcast_in_dim3A_116 : vector<16xf32> to vector<1x16xf32>
    tpu.vector_store %arg7[%swap3A_118, %swap3A_119], %swap3A_122 {strides = array<i32>} : memref<8x128xf32, #tpu.memory_space<vmem>>, vector<1x16xf32>,
    %broadcast_in_dim3A_123 = arith.constant 0.000000e+00 : f32
    %broadcast_in_dim3A_124 = vector.broadcast %broadcast_in_dim3A_123 : f32 to vector<16xf32>
    %swap3A_125 = arith.constant 1 : i32
    %swap3A_126 = arith.index_cast %swap3A_125 : i32 to index
    %swap3A_127 = arith.constant 112 : index
    %swap3A_128 = tpu.vector_load %arg7[%swap3A_126, %swap3A_127] {strides = array<i32>} : memref<8x128xf32, #tpu.memory_space<vmem>>, vector<1x16xf32>,
    %swap3A_129 = vector.shape_cast %swap3A_128 : vector<1x16xf32> to vector<16xf32>
    %swap3A_130 = vector.shape_cast %broadcast_in_dim3A_124 : vector<16xf32> to vector<1x16xf32>
    tpu.vector_store %arg7[%swap3A_126, %swap3A_127], %swap3A_130 {strides = array<i32>} : memref<8x128xf32, #tpu.memory_space<vmem>>, vector<1x16xf32>,
    %broadcast_in_dim3A_131 = arith.constant 0.000000e+00 : f32
    %broadcast_in_dim3A_132 = vector.broadcast %broadcast_in_dim3A_131 : f32 to vector<16xf32>
    %swap3A_133 = arith.constant 2 : i32
    %swap3A_134 = arith.index_cast %swap3A_133 : i32 to index
    %swap3A_135 = arith.constant 0 : index
    %swap3A_136 = tpu.vector_load %arg7[%swap3A_134, %swap3A_135] {strides = array<i32>} : memref<8x128xf32, #tpu.memory_space<vmem>>, vector<1x16xf32>,
    %swap3A_137 = vector.shape_cast %swap3A_136 : vector<1x16xf32> to vector<16xf32>
    %swap3A_138 = vector.shape_cast %broadcast_in_dim3A_132 : vector<16xf32> to vector<1x16xf32>
    tpu.vector_store %arg7[%swap3A_134, %swap3A_135], %swap3A_138 {strides = array<i32>} : memref<8x128xf32, #tpu.memory_space<vmem>>, vector<1x16xf32>,
    %broadcast_in_dim3A_139 = arith.constant 0.000000e+00 : f32
    %broadcast_in_dim3A_140 = vector.broadcast %broadcast_in_dim3A_139 : f32 to vector<16xf32>
    %swap3A_141 = arith.constant 2 : i32
    %swap3A_142 = arith.index_cast %swap3A_141 : i32 to index
    %swap3A_143 = arith.constant 16 : index
    %swap3A_144 = tpu.vector_load %arg7[%swap3A_142, %swap3A_143] {strides = array<i32>} : memref<8x128xf32, #tpu.memory_space<vmem>>, vector<1x16xf32>,
    %swap3A_145 = vector.shape_cast %swap3A_144 : vector<1x16xf32> to vector<16xf32>
    %swap3A_146 = vector.shape_cast %broadcast_in_dim3A_140 : vector<16xf32> to vector<1x16xf32>
    tpu.vector_store %arg7[%swap3A_142, %swap3A_143], %swap3A_146 {strides = array<i32>} : memref<8x128xf32, #tpu.memory_space<vmem>>, vector<1x16xf32>,
    %broadcast_in_dim3A_147 = arith.constant 0.000000e+00 : f32
    %broadcast_in_dim3A_148 = vector.broadcast %broadcast_in_dim3A_147 : f32 to vector<16xf32>
    %swap3A_149 = arith.constant 2 : i32
    %swap3A_150 = arith.index_cast %swap3A_149 : i32 to index
    %swap3A_151 = arith.constant 32 : index
    %swap3A_152 = tpu.vector_load %arg7[%swap3A_150, %swap3A_151] {strides = array<i32>} : memref<8x128xf32, #tpu.memory_space<vmem>>, vector<1x16xf32>,
    %swap3A_153 = vector.shape_cast %swap3A_152 : vector<1x16xf32> to vector<16xf32>
    %swap3A_154 = vector.shape_cast %broadcast_in_dim3A_148 : vector<16xf32> to vector<1x16xf32>
    tpu.vector_store %arg7[%swap3A_150, %swap3A_151], %swap3A_154 {strides = array<i32>} : memref<8x128xf32, #tpu.memory_space<vmem>>, vector<1x16xf32>,
    %broadcast_in_dim3A_155 = arith.constant 0.000000e+00 : f32
    %broadcast_in_dim3A_156 = vector.broadcast %broadcast_in_dim3A_155 : f32 to vector<16xf32>
    %swap3A_157 = arith.constant 2 : i32
    %swap3A_158 = arith.index_cast %swap3A_157 : i32 to index
    %swap3A_159 = arith.constant 48 : index
    %swap3A_160 = tpu.vector_load %arg7[%swap3A_158, %swap3A_159] {strides = array<i32>} : memref<8x128xf32, #tpu.memory_space<vmem>>, vector<1x16xf32>,
    %swap3A_161 = vector.shape_cast %swap3A_160 : vector<1x16xf32> to vector<16xf32>
    %swap3A_162 = vector.shape_cast %broadcast_in_dim3A_156 : vector<16xf32> to vector<1x16xf32>
    tpu.vector_store %arg7[%swap3A_158, %swap3A_159], %swap3A_162 {strides = array<i32>} : memref<8x128xf32, #tpu.memory_space<vmem>>, vector<1x16xf32>,
    %broadcast_in_dim3A_163 = arith.constant 0.000000e+00 : f32
    %broadcast_in_dim3A_164 = vector.broadcast %broadcast_in_dim3A_163 : f32 to vector<16xf32>
    %swap3A_165 = arith.constant 2 : i32
    %swap3A_166 = arith.index_cast %swap3A_165 : i32 to index
    %swap3A_167 = arith.constant 64 : index
    %swap3A_168 = tpu.vector_load %arg7[%swap3A_166, %swap3A_167] {strides = array<i32>} : memref<8x128xf32, #tpu.memory_space<vmem>>, vector<1x16xf32>,
    %swap3A_169 = vector.shape_cast %swap3A_168 : vector<1x16xf32> to vector<16xf32>
    %swap3A_170 = vector.shape_cast %broadcast_in_dim3A_164 : vector<16xf32> to vector<1x16xf32>
    tpu.vector_store %arg7[%swap3A_166, %swap3A_167], %swap3A_170 {strides = array<i32>} : memref<8x128xf32, #tpu.memory_space<vmem>>, vector<1x16xf32>,
    %broadcast_in_dim3A_171 = arith.constant 0.000000e+00 : f32
    %broadcast_in_dim3A_172 = vector.broadcast %broadcast_in_dim3A_171 : f32 to vector<16xf32>
    %swap3A_173 = arith.constant 2 : i32
    %swap3A_174 = arith.index_cast %swap3A_173 : i32 to index
    %swap3A_175 = arith.constant 80 : index
    %swap3A_176 = tpu.vector_load %arg7[%swap3A_174, %swap3A_175] {strides = array<i32>} : memref<8x128xf32, #tpu.memory_space<vmem>>, vector<1x16xf32>,
    %swap3A_177 = vector.shape_cast %swap3A_176 : vector<1x16xf32> to vector<16xf32>
    %swap3A_178 = vector.shape_cast %broadcast_in_dim3A_172 : vector<16xf32> to vector<1x16xf32>
    tpu.vector_store %arg7[%swap3A_174, %swap3A_175], %swap3A_178 {strides = array<i32>} : memref<8x128xf32, #tpu.memory_space<vmem>>, vector<1x16xf32>,
    %broadcast_in_dim3A_179 = arith.constant 0.000000e+00 : f32
    %broadcast_in_dim3A_180 = vector.broadcast %broadcast_in_dim3A_179 : f32 to vector<16xf32>
    %swap3A_181 = arith.constant 2 : i32
    %swap3A_182 = arith.index_cast %swap3A_181 : i32 to index
    %swap3A_183 = arith.constant 96 : index
    %swap3A_184 = tpu.vector_load %arg7[%swap3A_182, %swap3A_183] {strides = array<i32>} : memref<8x128xf32, #tpu.memory_space<vmem>>, vector<1x16xf32>,
    %swap3A_185 = vector.shape_cast %swap3A_184 : vector<1x16xf32> to vector<16xf32>
    %swap3A_186 = vector.shape_cast %broadcast_in_dim3A_180 : vector<16xf32> to vector<1x16xf32>
    tpu.vector_store %arg7[%swap3A_182, %swap3A_183], %swap3A_186 {strides = array<i32>} : memref<8x128xf32, #tpu.memory_space<vmem>>, vector<1x16xf32>,
    %broadcast_in_dim3A_187 = arith.constant 0.000000e+00 : f32
    %broadcast_in_dim3A_188 = vector.broadcast %broadcast_in_dim3A_187 : f32 to vector<16xf32>
    %swap3A_189 = arith.constant 2 : i32
    %swap3A_190 = arith.index_cast %swap3A_189 : i32 to index
    %swap3A_191 = arith.constant 112 : index
    %swap3A_192 = tpu.vector_load %arg7[%swap3A_190, %swap3A_191] {strides = array<i32>} : memref<8x128xf32, #tpu.memory_space<vmem>>, vector<1x16xf32>,
    %swap3A_193 = vector.shape_cast %swap3A_192 : vector<1x16xf32> to vector<16xf32>
    %swap3A_194 = vector.shape_cast %broadcast_in_dim3A_188 : vector<16xf32> to vector<1x16xf32>
    tpu.vector_store %arg7[%swap3A_190, %swap3A_191], %swap3A_194 {strides = array<i32>} : memref<8x128xf32, #tpu.memory_space<vmem>>, vector<1x16xf32>,
    %broadcast_in_dim3A_195 = arith.constant 0.000000e+00 : f32
    %broadcast_in_dim3A_196 = vector.broadcast %broadcast_in_dim3A_195 : f32 to vector<16xf32>
    %swap3A_197 = arith.constant 3 : i32
    %swap3A_198 = arith.index_cast %swap3A_197 : i32 to index
    %swap3A_199 = arith.constant 0 : index
    %swap3A_200 = tpu.vector_load %arg7[%swap3A_198, %swap3A_199] {strides = array<i32>} : memref<8x128xf32, #tpu.memory_space<vmem>>, vector<1x16xf32>,
    %swap3A_201 = vector.shape_cast %swap3A_200 : vector<1x16xf32> to vector<16xf32>
    %swap3A_202 = vector.shape_cast %broadcast_in_dim3A_196 : vector<16xf32> to vector<1x16xf32>
    tpu.vector_store %arg7[%swap3A_198, %swap3A_199], %swap3A_202 {strides = array<i32>} : memref<8x128xf32, #tpu.memory_space<vmem>>, vector<1x16xf32>,
    %broadcast_in_dim3A_203 = arith.constant 0.000000e+00 : f32
    %broadcast_in_dim3A_204 = vector.broadcast %broadcast_in_dim3A_203 : f32 to vector<16xf32>
    %swap3A_205 = arith.constant 3 : i32
    %swap3A_206 = arith.index_cast %swap3A_205 : i32 to index
    %swap3A_207 = arith.constant 16 : index
    %swap3A_208 = tpu.vector_load %arg7[%swap3A_206, %swap3A_207] {strides = array<i32>} : memref<8x128xf32, #tpu.memory_space<vmem>>, vector<1x16xf32>,
    %swap3A_209 = vector.shape_cast %swap3A_208 : vector<1x16xf32> to vector<16xf32>
    %swap3A_210 = vector.shape_cast %broadcast_in_dim3A_204 : vector<16xf32> to vector<1x16xf32>
    tpu.vector_store %arg7[%swap3A_206, %swap3A_207], %swap3A_210 {strides = array<i32>} : memref<8x128xf32, #tpu.memory_space<vmem>>, vector<1x16xf32>,
    %broadcast_in_dim3A_211 = arith.constant 0.000000e+00 : f32
    %broadcast_in_dim3A_212 = vector.broadcast %broadcast_in_dim3A_211 : f32 to vector<16xf32>
    %swap3A_213 = arith.constant 3 : i32
    %swap3A_214 = arith.index_cast %swap3A_213 : i32 to index
    %swap3A_215 = arith.constant 32 : index
    %swap3A_216 = tpu.vector_load %arg7[%swap3A_214, %swap3A_215] {strides = array<i32>} : memref<8x128xf32, #tpu.memory_space<vmem>>, vector<1x16xf32>,
    %swap3A_217 = vector.shape_cast %swap3A_216 : vector<1x16xf32> to vector<16xf32>
    %swap3A_218 = vector.shape_cast %broadcast_in_dim3A_212 : vector<16xf32> to vector<1x16xf32>
    tpu.vector_store %arg7[%swap3A_214, %swap3A_215], %swap3A_218 {strides = array<i32>} : memref<8x128xf32, #tpu.memory_space<vmem>>, vector<1x16xf32>,
    %broadcast_in_dim3A_219 = arith.constant 0.000000e+00 : f32
    %broadcast_in_dim3A_220 = vector.broadcast %broadcast_in_dim3A_219 : f32 to vector<16xf32>
    %swap3A_221 = arith.constant 3 : i32
    %swap3A_222 = arith.index_cast %swap3A_221 : i32 to index
    %swap3A_223 = arith.constant 48 : index
    %swap3A_224 = tpu.vector_load %arg7[%swap3A_222, %swap3A_223] {strides = array<i32>} : memref<8x128xf32, #tpu.memory_space<vmem>>, vector<1x16xf32>,
    %swap3A_225 = vector.shape_cast %swap3A_224 : vector<1x16xf32> to vector<16xf32>
    %swap3A_226 = vector.shape_cast %broadcast_in_dim3A_220 : vector<16xf32> to vector<1x16xf32>
    tpu.vector_store %arg7[%swap3A_222, %swap3A_223], %swap3A_226 {strides = array<i32>} : memref<8x128xf32, #tpu.memory_space<vmem>>, vector<1x16xf32>,
    %broadcast_in_dim3A_227 = arith.constant 0.000000e+00 : f32
    %broadcast_in_dim3A_228 = vector.broadcast %broadcast_in_dim3A_227 : f32 to vector<16xf32>
    %swap3A_229 = arith.constant 3 : i32
    %swap3A_230 = arith.index_cast %swap3A_229 : i32 to index
    %swap3A_231 = arith.constant 64 : index
    %swap3A_232 = tpu.vector_load %arg7[%swap3A_230, %swap3A_231] {strides = array<i32>} : memref<8x128xf32, #tpu.memory_space<vmem>>, vector<1x16xf32>,
    %swap3A_233 = vector.shape_cast %swap3A_232 : vector<1x16xf32> to vector<16xf32>
    %swap3A_234 = vector.shape_cast %broadcast_in_dim3A_228 : vector<16xf32> to vector<1x16xf32>
    tpu.vector_store %arg7[%swap3A_230, %swap3A_231], %swap3A_234 {strides = array<i32>} : memref<8x128xf32, #tpu.memory_space<vmem>>, vector<1x16xf32>,
    %broadcast_in_dim3A_235 = arith.constant 0.000000e+00 : f32
    %broadcast_in_dim3A_236 = vector.broadcast %broadcast_in_dim3A_235 : f32 to vector<16xf32>
    %swap3A_237 = arith.constant 3 : i32
    %swap3A_238 = arith.index_cast %swap3A_237 : i32 to index
    %swap3A_239 = arith.constant 80 : index
    %swap3A_240 = tpu.vector_load %arg7[%swap3A_238, %swap3A_239] {strides = array<i32>} : memref<8x128xf32, #tpu.memory_space<vmem>>, vector<1x16xf32>,
    %swap3A_241 = vector.shape_cast %swap3A_240 : vector<1x16xf32> to vector<16xf32>
    %swap3A_242 = vector.shape_cast %broadcast_in_dim3A_236 : vector<16xf32> to vector<1x16xf32>
    tpu.vector_store %arg7[%swap3A_238, %swap3A_239], %swap3A_242 {strides = array<i32>} : memref<8x128xf32, #tpu.memory_space<vmem>>, vector<1x16xf32>,
    %broadcast_in_dim3A_243 = arith.constant 0.000000e+00 : f32
    %broadcast_in_dim3A_244 = vector.broadcast %broadcast_in_dim3A_243 : f32 to vector<16xf32>
    %swap3A_245 = arith.constant 3 : i32
    %swap3A_246 = arith.index_cast %swap3A_245 : i32 to index
    %swap3A_247 = arith.constant 96 : index
    %swap3A_248 = tpu.vector_load %arg7[%swap3A_246, %swap3A_247] {strides = array<i32>} : memref<8x128xf32, #tpu.memory_space<vmem>>, vector<1x16xf32>,
    %swap3A_249 = vector.shape_cast %swap3A_248 : vector<1x16xf32> to vector<16xf32>
    %swap3A_250 = vector.shape_cast %broadcast_in_dim3A_244 : vector<16xf32> to vector<1x16xf32>
    tpu.vector_store %arg7[%swap3A_246, %swap3A_247], %swap3A_250 {strides = array<i32>} : memref<8x128xf32, #tpu.memory_space<vmem>>, vector<1x16xf32>,
    %broadcast_in_dim3A_251 = arith.constant 0.000000e+00 : f32
    %broadcast_in_dim3A_252 = vector.broadcast %broadcast_in_dim3A_251 : f32 to vector<16xf32>
    %swap3A_253 = arith.constant 3 : i32
    %swap3A_254 = arith.index_cast %swap3A_253 : i32 to index
    %swap3A_255 = arith.constant 112 : index
    %swap3A_256 = tpu.vector_load %arg7[%swap3A_254, %swap3A_255] {strides = array<i32>} : memref<8x128xf32, #tpu.memory_space<vmem>>, vector<1x16xf32>,
    %swap3A_257 = vector.shape_cast %swap3A_256 : vector<1x16xf32> to vector<16xf32>
    %swap3A_258 = vector.shape_cast %broadcast_in_dim3A_252 : vector<16xf32> to vector<1x16xf32>
    tpu.vector_store %arg7[%swap3A_254, %swap3A_255], %swap3A_258 {strides = array<i32>} : memref<8x128xf32, #tpu.memory_space<vmem>>, vector<1x16xf32>,
    %broadcast_in_dim3A_259 = arith.constant 0.000000e+00 : f32
    %broadcast_in_dim3A_260 = vector.broadcast %broadcast_in_dim3A_259 : f32 to vector<16xf32>
    %swap3A_261 = arith.constant 4 : i32
    %swap3A_262 = arith.index_cast %swap3A_261 : i32 to index
    %swap3A_263 = arith.constant 0 : index
    %swap3A_264 = tpu.vector_load %arg7[%swap3A_262, %swap3A_263] {strides = array<i32>} : memref<8x128xf32, #tpu.memory_space<vmem>>, vector<1x16xf32>,
    %swap3A_265 = vector.shape_cast %swap3A_264 : vector<1x16xf32> to vector<16xf32>
    %swap3A_266 = vector.shape_cast %broadcast_in_dim3A_260 : vector<16xf32> to vector<1x16xf32>
    tpu.vector_store %arg7[%swap3A_262, %swap3A_263], %swap3A_266 {strides = array<i32>} : memref<8x128xf32, #tpu.memory_space<vmem>>, vector<1x16xf32>,
    %broadcast_in_dim3A_267 = arith.constant 0.000000e+00 : f32
    %broadcast_in_dim3A_268 = vector.broadcast %broadcast_in_dim3A_267 : f32 to vector<16xf32>
    %swap3A_269 = arith.constant 4 : i32
    %swap3A_270 = arith.index_cast %swap3A_269 : i32 to index
    %swap3A_271 = arith.constant 16 : index
    %swap3A_272 = tpu.vector_load %arg7[%swap3A_270, %swap3A_271] {strides = array<i32>} : memref<8x128xf32, #tpu.memory_space<vmem>>, vector<1x16xf32>,
    %swap3A_273 = vector.shape_cast %swap3A_272 : vector<1x16xf32> to vector<16xf32>
    %swap3A_274 = vector.shape_cast %broadcast_in_dim3A_268 : vector<16xf32> to vector<1x16xf32>
    tpu.vector_store %arg7[%swap3A_270, %swap3A_271], %swap3A_274 {strides = array<i32>} : memref<8x128xf32, #tpu.memory_space<vmem>>, vector<1x16xf32>,
    %broadcast_in_dim3A_275 = arith.constant 0.000000e+00 : f32
    %broadcast_in_dim3A_276 = vector.broadcast %broadcast_in_dim3A_275 : f32 to vector<16xf32>
    %swap3A_277 = arith.constant 4 : i32
    %swap3A_278 = arith.index_cast %swap3A_277 : i32 to index
    %swap3A_279 = arith.constant 32 : index
    %swap3A_280 = tpu.vector_load %arg7[%swap3A_278, %swap3A_279] {strides = array<i32>} : memref<8x128xf32, #tpu.memory_space<vmem>>, vector<1x16xf32>,
    %swap3A_281 = vector.shape_cast %swap3A_280 : vector<1x16xf32> to vector<16xf32>
    %swap3A_282 = vector.shape_cast %broadcast_in_dim3A_276 : vector<16xf32> to vector<1x16xf32>
    tpu.vector_store %arg7[%swap3A_278, %swap3A_279], %swap3A_282 {strides = array<i32>} : memref<8x128xf32, #tpu.memory_space<vmem>>, vector<1x16xf32>,
    %broadcast_in_dim3A_283 = arith.constant 0.000000e+00 : f32
    %broadcast_in_dim3A_284 = vector.broadcast %broadcast_in_dim3A_283 : f32 to vector<16xf32>
    %swap3A_285 = arith.constant 4 : i32
    %swap3A_286 = arith.index_cast %swap3A_285 : i32 to index
    %swap3A_287 = arith.constant 48 : index
    %swap3A_288 = tpu.vector_load %arg7[%swap3A_286, %swap3A_287] {strides = array<i32>} : memref<8x128xf32, #tpu.memory_space<vmem>>, vector<1x16xf32>,
    %swap3A_289 = vector.shape_cast %swap3A_288 : vector<1x16xf32> to vector<16xf32>
    %swap3A_290 = vector.shape_cast %broadcast_in_dim3A_284 : vector<16xf32> to vector<1x16xf32>
    tpu.vector_store %arg7[%swap3A_286, %swap3A_287], %swap3A_290 {strides = array<i32>} : memref<8x128xf32, #tpu.memory_space<vmem>>, vector<1x16xf32>,
    %broadcast_in_dim3A_291 = arith.constant 0.000000e+00 : f32
    %broadcast_in_dim3A_292 = vector.broadcast %broadcast_in_dim3A_291 : f32 to vector<16xf32>
    %swap3A_293 = arith.constant 4 : i32
    %swap3A_294 = arith.index_cast %swap3A_293 : i32 to index
    %swap3A_295 = arith.constant 64 : index
    %swap3A_296 = tpu.vector_load %arg7[%swap3A_294, %swap3A_295] {strides = array<i32>} : memref<8x128xf32, #tpu.memory_space<vmem>>, vector<1x16xf32>,
    %swap3A_297 = vector.shape_cast %swap3A_296 : vector<1x16xf32> to vector<16xf32>
    %swap3A_298 = vector.shape_cast %broadcast_in_dim3A_292 : vector<16xf32> to vector<1x16xf32>
    tpu.vector_store %arg7[%swap3A_294, %swap3A_295], %swap3A_298 {strides = array<i32>} : memref<8x128xf32, #tpu.memory_space<vmem>>, vector<1x16xf32>,
    %broadcast_in_dim3A_299 = arith.constant 0.000000e+00 : f32
    %broadcast_in_dim3A_300 = vector.broadcast %broadcast_in_dim3A_299 : f32 to vector<16xf32>
    %swap3A_301 = arith.constant 4 : i32
    %swap3A_302 = arith.index_cast %swap3A_301 : i32 to index
    %swap3A_303 = arith.constant 80 : index
    %swap3A_304 = tpu.vector_load %arg7[%swap3A_302, %swap3A_303] {strides = array<i32>} : memref<8x128xf32, #tpu.memory_space<vmem>>, vector<1x16xf32>,
    %swap3A_305 = vector.shape_cast %swap3A_304 : vector<1x16xf32> to vector<16xf32>
    %swap3A_306 = vector.shape_cast %broadcast_in_dim3A_300 : vector<16xf32> to vector<1x16xf32>
    tpu.vector_store %arg7[%swap3A_302, %swap3A_303], %swap3A_306 {strides = array<i32>} : memref<8x128xf32, #tpu.memory_space<vmem>>, vector<1x16xf32>,
    %broadcast_in_dim3A_307 = arith.constant 0.000000e+00 : f32
    %broadcast_in_dim3A_308 = vector.broadcast %broadcast_in_dim3A_307 : f32 to vector<16xf32>
    %swap3A_309 = arith.constant 4 : i32
    %swap3A_310 = arith.index_cast %swap3A_309 : i32 to index
    %swap3A_311 = arith.constant 96 : index
    %swap3A_312 = tpu.vector_load %arg7[%swap3A_310, %swap3A_311] {strides = array<i32>} : memref<8x128xf32, #tpu.memory_space<vmem>>, vector<1x16xf32>,
    %swap3A_313 = vector.shape_cast %swap3A_312 : vector<1x16xf32> to vector<16xf32>
    %swap3A_314 = vector.shape_cast %broadcast_in_dim3A_308 : vector<16xf32> to vector<1x16xf32>
    tpu.vector_store %arg7[%swap3A_310, %swap3A_311], %swap3A_314 {strides = array<i32>} : memref<8x128xf32, #tpu.memory_space<vmem>>, vector<1x16xf32>,
    %broadcast_in_dim3A_315 = arith.constant 0.000000e+00 : f32
    %broadcast_in_dim3A_316 = vector.broadcast %broadcast_in_dim3A_315 : f32 to vector<16xf32>
    %swap3A_317 = arith.constant 4 : i32
    %swap3A_318 = arith.index_cast %swap3A_317 : i32 to index
    %swap3A_319 = arith.constant 112 : index
    %swap3A_320 = tpu.vector_load %arg7[%swap3A_318, %swap3A_319] {strides = array<i32>} : memref<8x128xf32, #tpu.memory_space<vmem>>, vector<1x16xf32>,
    %swap3A_321 = vector.shape_cast %swap3A_320 : vector<1x16xf32> to vector<16xf32>
    %swap3A_322 = vector.shape_cast %broadcast_in_dim3A_316 : vector<16xf32> to vector<1x16xf32>
    tpu.vector_store %arg7[%swap3A_318, %swap3A_319], %swap3A_322 {strides = array<i32>} : memref<8x128xf32, #tpu.memory_space<vmem>>, vector<1x16xf32>,
    %broadcast_in_dim3A_323 = arith.constant 0.000000e+00 : f32
    %broadcast_in_dim3A_324 = vector.broadcast %broadcast_in_dim3A_323 : f32 to vector<16xf32>
    %swap3A_325 = arith.constant 5 : i32
    %swap3A_326 = arith.index_cast %swap3A_325 : i32 to index
    %swap3A_327 = arith.constant 0 : index
    %swap3A_328 = tpu.vector_load %arg7[%swap3A_326, %swap3A_327] {strides = array<i32>} : memref<8x128xf32, #tpu.memory_space<vmem>>, vector<1x16xf32>,
    %swap3A_329 = vector.shape_cast %swap3A_328 : vector<1x16xf32> to vector<16xf32>
    %swap3A_330 = vector.shape_cast %broadcast_in_dim3A_324 : vector<16xf32> to vector<1x16xf32>
    tpu.vector_store %arg7[%swap3A_326, %swap3A_327], %swap3A_330 {strides = array<i32>} : memref<8x128xf32, #tpu.memory_space<vmem>>, vector<1x16xf32>,
    %broadcast_in_dim3A_331 = arith.constant 0.000000e+00 : f32
    %broadcast_in_dim3A_332 = vector.broadcast %broadcast_in_dim3A_331 : f32 to vector<16xf32>
    %swap3A_333 = arith.constant 5 : i32
    %swap3A_334 = arith.index_cast %swap3A_333 : i32 to index
    %swap3A_335 = arith.constant 16 : index
    %swap3A_336 = tpu.vector_load %arg7[%swap3A_334, %swap3A_335] {strides = array<i32>} : memref<8x128xf32, #tpu.memory_space<vmem>>, vector<1x16xf32>,
    %swap3A_337 = vector.shape_cast %swap3A_336 : vector<1x16xf32> to vector<16xf32>
    %swap3A_338 = vector.shape_cast %broadcast_in_dim3A_332 : vector<16xf32> to vector<1x16xf32>
    tpu.vector_store %arg7[%swap3A_334, %swap3A_335], %swap3A_338 {strides = array<i32>} : memref<8x128xf32, #tpu.memory_space<vmem>>, vector<1x16xf32>,
    %broadcast_in_dim3A_339 = arith.constant 0.000000e+00 : f32
    %broadcast_in_dim3A_340 = vector.broadcast %broadcast_in_dim3A_339 : f32 to vector<16xf32>
    %swap3A_341 = arith.constant 5 : i32
    %swap3A_342 = arith.index_cast %swap3A_341 : i32 to index
    %swap3A_343 = arith.constant 32 : index
    %swap3A_344 = tpu.vector_load %arg7[%swap3A_342, %swap3A_343] {strides = array<i32>} : memref<8x128xf32, #tpu.memory_space<vmem>>, vector<1x16xf32>,
    %swap3A_345 = vector.shape_cast %swap3A_344 : vector<1x16xf32> to vector<16xf32>
    %swap3A_346 = vector.shape_cast %broadcast_in_dim3A_340 : vector<16xf32> to vector<1x16xf32>
    tpu.vector_store %arg7[%swap3A_342, %swap3A_343], %swap3A_346 {strides = array<i32>} : memref<8x128xf32, #tpu.memory_space<vmem>>, vector<1x16xf32>,
    %broadcast_in_dim3A_347 = arith.constant 0.000000e+00 : f32
    %broadcast_in_dim3A_348 = vector.broadcast %broadcast_in_dim3A_347 : f32 to vector<16xf32>
    %swap3A_349 = arith.constant 5 : i32
    %swap3A_350 = arith.index_cast %swap3A_349 : i32 to index
    %swap3A_351 = arith.constant 48 : index
    %swap3A_352 = tpu.vector_load %arg7[%swap3A_350, %swap3A_351] {strides = array<i32>} : memref<8x128xf32, #tpu.memory_space<vmem>>, vector<1x16xf32>,
    %swap3A_353 = vector.shape_cast %swap3A_352 : vector<1x16xf32> to vector<16xf32>
    %swap3A_354 = vector.shape_cast %broadcast_in_dim3A_348 : vector<16xf32> to vector<1x16xf32>
    tpu.vector_store %arg7[%swap3A_350, %swap3A_351], %swap3A_354 {strides = array<i32>} : memref<8x128xf32, #tpu.memory_space<vmem>>, vector<1x16xf32>,
    %broadcast_in_dim3A_355 = arith.constant 0.000000e+00 : f32
    %broadcast_in_dim3A_356 = vector.broadcast %broadcast_in_dim3A_355 : f32 to vector<16xf32>
    %swap3A_357 = arith.constant 5 : i32
    %swap3A_358 = arith.index_cast %swap3A_357 : i32 to index
    %swap3A_359 = arith.constant 64 : index
    %swap3A_360 = tpu.vector_load %arg7[%swap3A_358, %swap3A_359] {strides = array<i32>} : memref<8x128xf32, #tpu.memory_space<vmem>>, vector<1x16xf32>,
    %swap3A_361 = vector.shape_cast %swap3A_360 : vector<1x16xf32> to vector<16xf32>
    %swap3A_362 = vector.shape_cast %broadcast_in_dim3A_356 : vector<16xf32> to vector<1x16xf32>
    tpu.vector_store %arg7[%swap3A_358, %swap3A_359], %swap3A_362 {strides = array<i32>} : memref<8x128xf32, #tpu.memory_space<vmem>>, vector<1x16xf32>,
    %broadcast_in_dim3A_363 = arith.constant 0.000000e+00 : f32
    %broadcast_in_dim3A_364 = vector.broadcast %broadcast_in_dim3A_363 : f32 to vector<16xf32>
    %swap3A_365 = arith.constant 5 : i32
    %swap3A_366 = arith.index_cast %swap3A_365 : i32 to index
    %swap3A_367 = arith.constant 80 : index
    %swap3A_368 = tpu.vector_load %arg7[%swap3A_366, %swap3A_367] {strides = array<i32>} : memref<8x128xf32, #tpu.memory_space<vmem>>, vector<1x16xf32>,
    %swap3A_369 = vector.shape_cast %swap3A_368 : vector<1x16xf32> to vector<16xf32>
    %swap3A_370 = vector.shape_cast %broadcast_in_dim3A_364 : vector<16xf32> to vector<1x16xf32>
    tpu.vector_store %arg7[%swap3A_366, %swap3A_367], %swap3A_370 {strides = array<i32>} : memref<8x128xf32, #tpu.memory_space<vmem>>, vector<1x16xf32>,
    %broadcast_in_dim3A_371 = arith.constant 0.000000e+00 : f32
    %broadcast_in_dim3A_372 = vector.broadcast %broadcast_in_dim3A_371 : f32 to vector<16xf32>
    %swap3A_373 = arith.constant 5 : i32
    %swap3A_374 = arith.index_cast %swap3A_373 : i32 to index
    %swap3A_375 = arith.constant 96 : index
    %swap3A_376 = tpu.vector_load %arg7[%swap3A_374, %swap3A_375] {strides = array<i32>} : memref<8x128xf32, #tpu.memory_space<vmem>>, vector<1x16xf32>,
    %swap3A_377 = vector.shape_cast %swap3A_376 : vector<1x16xf32> to vector<16xf32>
    %swap3A_378 = vector.shape_cast %broadcast_in_dim3A_372 : vector<16xf32> to vector<1x16xf32>
    tpu.vector_store %arg7[%swap3A_374, %swap3A_375], %swap3A_378 {strides = array<i32>} : memref<8x128xf32, #tpu.memory_space<vmem>>, vector<1x16xf32>,
    %broadcast_in_dim3A_379 = arith.constant 0.000000e+00 : f32
    %broadcast_in_dim3A_380 = vector.broadcast %broadcast_in_dim3A_379 : f32 to vector<16xf32>
    %swap3A_381 = arith.constant 5 : i32
    %swap3A_382 = arith.index_cast %swap3A_381 : i32 to index
    %swap3A_383 = arith.constant 112 : index
    %swap3A_384 = tpu.vector_load %arg7[%swap3A_382, %swap3A_383] {strides = array<i32>} : memref<8x128xf32, #tpu.memory_space<vmem>>, vector<1x16xf32>,
    %swap3A_385 = vector.shape_cast %swap3A_384 : vector<1x16xf32> to vector<16xf32>
    %swap3A_386 = vector.shape_cast %broadcast_in_dim3A_380 : vector<16xf32> to vector<1x16xf32>
    tpu.vector_store %arg7[%swap3A_382, %swap3A_383], %swap3A_386 {strides = array<i32>} : memref<8x128xf32, #tpu.memory_space<vmem>>, vector<1x16xf32>,
    %broadcast_in_dim3A_387 = arith.constant 0.000000e+00 : f32
    %broadcast_in_dim3A_388 = vector.broadcast %broadcast_in_dim3A_387 : f32 to vector<16xf32>
    %swap3A_389 = arith.constant 6 : i32
    %swap3A_390 = arith.index_cast %swap3A_389 : i32 to index
    %swap3A_391 = arith.constant 0 : index
    %swap3A_392 = tpu.vector_load %arg7[%swap3A_390, %swap3A_391] {strides = array<i32>} : memref<8x128xf32, #tpu.memory_space<vmem>>, vector<1x16xf32>,
    %swap3A_393 = vector.shape_cast %swap3A_392 : vector<1x16xf32> to vector<16xf32>
    %swap3A_394 = vector.shape_cast %broadcast_in_dim3A_388 : vector<16xf32> to vector<1x16xf32>
    tpu.vector_store %arg7[%swap3A_390, %swap3A_391], %swap3A_394 {strides = array<i32>} : memref<8x128xf32, #tpu.memory_space<vmem>>, vector<1x16xf32>,
    %broadcast_in_dim3A_395 = arith.constant 0.000000e+00 : f32
    %broadcast_in_dim3A_396 = vector.broadcast %broadcast_in_dim3A_395 : f32 to vector<16xf32>
    %swap3A_397 = arith.constant 6 : i32
    %swap3A_398 = arith.index_cast %swap3A_397 : i32 to index
    %swap3A_399 = arith.constant 16 : index
    %swap3A_400 = tpu.vector_load %arg7[%swap3A_398, %swap3A_399] {strides = array<i32>} : memref<8x128xf32, #tpu.memory_space<vmem>>, vector<1x16xf32>,
    %swap3A_401 = vector.shape_cast %swap3A_400 : vector<1x16xf32> to vector<16xf32>
    %swap3A_402 = vector.shape_cast %broadcast_in_dim3A_396 : vector<16xf32> to vector<1x16xf32>
    tpu.vector_store %arg7[%swap3A_398, %swap3A_399], %swap3A_402 {strides = array<i32>} : memref<8x128xf32, #tpu.memory_space<vmem>>, vector<1x16xf32>,
    %broadcast_in_dim3A_403 = arith.constant 0.000000e+00 : f32
    %broadcast_in_dim3A_404 = vector.broadcast %broadcast_in_dim3A_403 : f32 to vector<16xf32>
    %swap3A_405 = arith.constant 6 : i32
    %swap3A_406 = arith.index_cast %swap3A_405 : i32 to index
    %swap3A_407 = arith.constant 32 : index
    %swap3A_408 = tpu.vector_load %arg7[%swap3A_406, %swap3A_407] {strides = array<i32>} : memref<8x128xf32, #tpu.memory_space<vmem>>, vector<1x16xf32>,
    %swap3A_409 = vector.shape_cast %swap3A_408 : vector<1x16xf32> to vector<16xf32>
    %swap3A_410 = vector.shape_cast %broadcast_in_dim3A_404 : vector<16xf32> to vector<1x16xf32>
    tpu.vector_store %arg7[%swap3A_406, %swap3A_407], %swap3A_410 {strides = array<i32>} : memref<8x128xf32, #tpu.memory_space<vmem>>, vector<1x16xf32>,
    %broadcast_in_dim3A_411 = arith.constant 0.000000e+00 : f32
    %broadcast_in_dim3A_412 = vector.broadcast %broadcast_in_dim3A_411 : f32 to vector<16xf32>
    %swap3A_413 = arith.constant 6 : i32
    %swap3A_414 = arith.index_cast %swap3A_413 : i32 to index
    %swap3A_415 = arith.constant 48 : index
    %swap3A_416 = tpu.vector_load %arg7[%swap3A_414, %swap3A_415] {strides = array<i32>} : memref<8x128xf32, #tpu.memory_space<vmem>>, vector<1x16xf32>,
    %swap3A_417 = vector.shape_cast %swap3A_416 : vector<1x16xf32> to vector<16xf32>
    %swap3A_418 = vector.shape_cast %broadcast_in_dim3A_412 : vector<16xf32> to vector<1x16xf32>
    tpu.vector_store %arg7[%swap3A_414, %swap3A_415], %swap3A_418 {strides = array<i32>} : memref<8x128xf32, #tpu.memory_space<vmem>>, vector<1x16xf32>,
    %broadcast_in_dim3A_419 = arith.constant 0.000000e+00 : f32
    %broadcast_in_dim3A_420 = vector.broadcast %broadcast_in_dim3A_419 : f32 to vector<16xf32>
    %swap3A_421 = arith.constant 6 : i32
    %swap3A_422 = arith.index_cast %swap3A_421 : i32 to index
    %swap3A_423 = arith.constant 64 : index
    %swap3A_424 = tpu.vector_load %arg7[%swap3A_422, %swap3A_423] {strides = array<i32>} : memref<8x128xf32, #tpu.memory_space<vmem>>, vector<1x16xf32>,
    %swap3A_425 = vector.shape_cast %swap3A_424 : vector<1x16xf32> to vector<16xf32>
    %swap3A_426 = vector.shape_cast %broadcast_in_dim3A_420 : vector<16xf32> to vector<1x16xf32>
    tpu.vector_store %arg7[%swap3A_422, %swap3A_423], %swap3A_426 {strides = array<i32>} : memref<8x128xf32, #tpu.memory_space<vmem>>, vector<1x16xf32>,
    %broadcast_in_dim3A_427 = arith.constant 0.000000e+00 : f32
    %broadcast_in_dim3A_428 = vector.broadcast %broadcast_in_dim3A_427 : f32 to vector<16xf32>
    %swap3A_429 = arith.constant 6 : i32
    %swap3A_430 = arith.index_cast %swap3A_429 : i32 to index
    %swap3A_431 = arith.constant 80 : index
    %swap3A_432 = tpu.vector_load %arg7[%swap3A_430, %swap3A_431] {strides = array<i32>} : memref<8x128xf32, #tpu.memory_space<vmem>>, vector<1x16xf32>,
    %swap3A_433 = vector.shape_cast %swap3A_432 : vector<1x16xf32> to vector<16xf32>
    %swap3A_434 = vector.shape_cast %broadcast_in_dim3A_428 : vector<16xf32> to vector<1x16xf32>
    tpu.vector_store %arg7[%swap3A_430, %swap3A_431], %swap3A_434 {strides = array<i32>} : memref<8x128xf32, #tpu.memory_space<vmem>>, vector<1x16xf32>,
    %broadcast_in_dim3A_435 = arith.constant 0.000000e+00 : f32
    %broadcast_in_dim3A_436 = vector.broadcast %broadcast_in_dim3A_435 : f32 to vector<16xf32>
    %swap3A_437 = arith.constant 6 : i32
    %swap3A_438 = arith.index_cast %swap3A_437 : i32 to index
    %swap3A_439 = arith.constant 96 : index
    %swap3A_440 = tpu.vector_load %arg7[%swap3A_438, %swap3A_439] {strides = array<i32>} : memref<8x128xf32, #tpu.memory_space<vmem>>, vector<1x16xf32>,
    %swap3A_441 = vector.shape_cast %swap3A_440 : vector<1x16xf32> to vector<16xf32>
    %swap3A_442 = vector.shape_cast %broadcast_in_dim3A_436 : vector<16xf32> to vector<1x16xf32>
    tpu.vector_store %arg7[%swap3A_438, %swap3A_439], %swap3A_442 {strides = array<i32>} : memref<8x128xf32, #tpu.memory_space<vmem>>, vector<1x16xf32>,
    %broadcast_in_dim3A_443 = arith.constant 0.000000e+00 : f32
    %broadcast_in_dim3A_444 = vector.broadcast %broadcast_in_dim3A_443 : f32 to vector<16xf32>
    %swap3A_445 = arith.constant 6 : i32
    %swap3A_446 = arith.index_cast %swap3A_445 : i32 to index
    %swap3A_447 = arith.constant 112 : index
    %swap3A_448 = tpu.vector_load %arg7[%swap3A_446, %swap3A_447] {strides = array<i32>} : memref<8x128xf32, #tpu.memory_space<vmem>>, vector<1x16xf32>,
    %swap3A_449 = vector.shape_cast %swap3A_448 : vector<1x16xf32> to vector<16xf32>
    %swap3A_450 = vector.shape_cast %broadcast_in_dim3A_444 : vector<16xf32> to vector<1x16xf32>
    tpu.vector_store %arg7[%swap3A_446, %swap3A_447], %swap3A_450 {strides = array<i32>} : memref<8x128xf32, #tpu.memory_space<vmem>>, vector<1x16xf32>,
    %broadcast_in_dim3A_451 = arith.constant 0.000000e+00 : f32
    %broadcast_in_dim3A_452 = vector.broadcast %broadcast_in_dim3A_451 : f32 to vector<16xf32>
    %swap3A_453 = arith.constant 7 : i32
    %swap3A_454 = arith.index_cast %swap3A_453 : i32 to index
    %swap3A_455 = arith.constant 0 : index
    %swap3A_456 = tpu.vector_load %arg7[%swap3A_454, %swap3A_455] {strides = array<i32>} : memref<8x128xf32, #tpu.memory_space<vmem>>, vector<1x16xf32>,
    %swap3A_457 = vector.shape_cast %swap3A_456 : vector<1x16xf32> to vector<16xf32>
    %swap3A_458 = vector.shape_cast %broadcast_in_dim3A_452 : vector<16xf32> to vector<1x16xf32>
    tpu.vector_store %arg7[%swap3A_454, %swap3A_455], %swap3A_458 {strides = array<i32>} : memref<8x128xf32, #tpu.memory_space<vmem>>, vector<1x16xf32>,
    %broadcast_in_dim3A_459 = arith.constant 0.000000e+00 : f32
    %broadcast_in_dim3A_460 = vector.broadcast %broadcast_in_dim3A_459 : f32 to vector<16xf32>
    %swap3A_461 = arith.constant 7 : i32
    %swap3A_462 = arith.index_cast %swap3A_461 : i32 to index
    %swap3A_463 = arith.constant 16 : index
    %swap3A_464 = tpu.vector_load %arg7[%swap3A_462, %swap3A_463] {strides = array<i32>} : memref<8x128xf32, #tpu.memory_space<vmem>>, vector<1x16xf32>,
    %swap3A_465 = vector.shape_cast %swap3A_464 : vector<1x16xf32> to vector<16xf32>
    %swap3A_466 = vector.shape_cast %broadcast_in_dim3A_460 : vector<16xf32> to vector<1x16xf32>
    tpu.vector_store %arg7[%swap3A_462, %swap3A_463], %swap3A_466 {strides = array<i32>} : memref<8x128xf32, #tpu.memory_space<vmem>>, vector<1x16xf32>,
    %broadcast_in_dim3A_467 = arith.constant 0.000000e+00 : f32
    %broadcast_in_dim3A_468 = vector.broadcast %broadcast_in_dim3A_467 : f32 to vector<16xf32>
    %swap3A_469 = arith.constant 7 : i32
    %swap3A_470 = arith.index_cast %swap3A_469 : i32 to index
    %swap3A_471 = arith.constant 32 : index
    %swap3A_472 = tpu.vector_load %arg7[%swap3A_470, %swap3A_471] {strides = array<i32>} : memref<8x128xf32, #tpu.memory_space<vmem>>, vector<1x16xf32>,
    %swap3A_473 = vector.shape_cast %swap3A_472 : vector<1x16xf32> to vector<16xf32>
    %swap3A_474 = vector.shape_cast %broadcast_in_dim3A_468 : vector<16xf32> to vector<1x16xf32>
    tpu.vector_store %arg7[%swap3A_470, %swap3A_471], %swap3A_474 {strides = array<i32>} : memref<8x128xf32, #tpu.memory_space<vmem>>, vector<1x16xf32>,
    %broadcast_in_dim3A_475 = arith.constant 0.000000e+00 : f32
    %broadcast_in_dim3A_476 = vector.broadcast %broadcast_in_dim3A_475 : f32 to vector<16xf32>
    %swap3A_477 = arith.constant 7 : i32
    %swap3A_478 = arith.index_cast %swap3A_477 : i32 to index
    %swap3A_479 = arith.constant 48 : index
    %swap3A_480 = tpu.vector_load %arg7[%swap3A_478, %swap3A_479] {strides = array<i32>} : memref<8x128xf32, #tpu.memory_space<vmem>>, vector<1x16xf32>,
    %swap3A_481 = vector.shape_cast %swap3A_480 : vector<1x16xf32> to vector<16xf32>
    %swap3A_482 = vector.shape_cast %broadcast_in_dim3A_476 : vector<16xf32> to vector<1x16xf32>
    tpu.vector_store %arg7[%swap3A_478, %swap3A_479], %swap3A_482 {strides = array<i32>} : memref<8x128xf32, #tpu.memory_space<vmem>>, vector<1x16xf32>,
    %broadcast_in_dim3A_483 = arith.constant 0.000000e+00 : f32
    %broadcast_in_dim3A_484 = vector.broadcast %broadcast_in_dim3A_483 : f32 to vector<16xf32>
    %swap3A_485 = arith.constant 7 : i32
    %swap3A_486 = arith.index_cast %swap3A_485 : i32 to index
    %swap3A_487 = arith.constant 64 : index
    %swap3A_488 = tpu.vector_load %arg7[%swap3A_486, %swap3A_487] {strides = array<i32>} : memref<8x128xf32, #tpu.memory_space<vmem>>, vector<1x16xf32>,
    %swap3A_489 = vector.shape_cast %swap3A_488 : vector<1x16xf32> to vector<16xf32>
    %swap3A_490 = vector.shape_cast %broadcast_in_dim3A_484 : vector<16xf32> to vector<1x16xf32>
    tpu.vector_store %arg7[%swap3A_486, %swap3A_487], %swap3A_490 {strides = array<i32>} : memref<8x128xf32, #tpu.memory_space<vmem>>, vector<1x16xf32>,
    %broadcast_in_dim3A_491 = arith.constant 0.000000e+00 : f32
    %broadcast_in_dim3A_492 = vector.broadcast %broadcast_in_dim3A_491 : f32 to vector<16xf32>
    %swap3A_493 = arith.constant 7 : i32
    %swap3A_494 = arith.index_cast %swap3A_493 : i32 to index
    %swap3A_495 = arith.constant 80 : index
    %swap3A_496 = tpu.vector_load %arg7[%swap3A_494, %swap3A_495] {strides = array<i32>} : memref<8x128xf32, #tpu.memory_space<vmem>>, vector<1x16xf32>,
    %swap3A_497 = vector.shape_cast %swap3A_496 : vector<1x16xf32> to vector<16xf32>
    %swap3A_498 = vector.shape_cast %broadcast_in_dim3A_492 : vector<16xf32> to vector<1x16xf32>
    tpu.vector_store %arg7[%swap3A_494, %swap3A_495], %swap3A_498 {strides = array<i32>} : memref<8x128xf32, #tpu.memory_space<vmem>>, vector<1x16xf32>,
    %broadcast_in_dim3A_499 = arith.constant 0.000000e+00 : f32
    %broadcast_in_dim3A_500 = vector.broadcast %broadcast_in_dim3A_499 : f32 to vector<16xf32>
    %swap3A_501 = arith.constant 7 : i32
    %swap3A_502 = arith.index_cast %swap3A_501 : i32 to index
    %swap3A_503 = arith.constant 96 : index
    %swap3A_504 = tpu.vector_load %arg7[%swap3A_502, %swap3A_503] {strides = array<i32>} : memref<8x128xf32, #tpu.memory_space<vmem>>, vector<1x16xf32>,
    %swap3A_505 = vector.shape_cast %swap3A_504 : vector<1x16xf32> to vector<16xf32>
    %swap3A_506 = vector.shape_cast %broadcast_in_dim3A_500 : vector<16xf32> to vector<1x16xf32>
    tpu.vector_store %arg7[%swap3A_502, %swap3A_503], %swap3A_506 {strides = array<i32>} : memref<8x128xf32, #tpu.memory_space<vmem>>, vector<1x16xf32>,
    %broadcast_in_dim3A_507 = arith.constant 0.000000e+00 : f32
    %broadcast_in_dim3A_508 = vector.broadcast %broadcast_in_dim3A_507 : f32 to vector<16xf32>
    %swap3A_509 = arith.constant 7 : i32
    %swap3A_510 = arith.index_cast %swap3A_509 : i32 to index
    %swap3A_511 = arith.constant 112 : index
    %swap3A_512 = tpu.vector_load %arg7[%swap3A_510, %swap3A_511] {strides = array<i32>} : memref<8x128xf32, #tpu.memory_space<vmem>>, vector<1x16xf32>,
    %swap3A_513 = vector.shape_cast %swap3A_512 : vector<1x16xf32> to vector<16xf32>
    %swap3A_514 = vector.shape_cast %broadcast_in_dim3A_508 : vector<16xf32> to vector<1x16xf32>
    tpu.vector_store %arg7[%swap3A_510, %swap3A_511], %swap3A_514 {strides = array<i32>} : memref<8x128xf32, #tpu.memory_space<vmem>>, vector<1x16xf32>,
    "tpu.region"() ({
      %run_scoped3A = tpu.sem_alloc : memref<!tpu.dma_semaphore, #tpu.memory_space<semaphore_mem>>
      %dma_start3A = arith.constant 0 : i32
      %dma_start3A_515 = arith.constant 0 : i32
      %dma_start3A_516 = tpu.memref_slice %arg8[%arg1, %dma_start3A, %dma_start3A_515] : memref<16x8x128xf32, #tpu.memory_space<vmem_shared>> -> memref<1x8x128xf32, #tpu.memory_space<vmem_shared>>
      %dma_start3A_517 = tpu.memref_squeeze %dma_start3A_516 : memref<1x8x128xf32, #tpu.memory_space<vmem_shared>> -> memref<8x128xf32, #tpu.memory_space<vmem_shared>>
      %dma_start3A_518 = arith.constant 0 : i32
      %dma_start3A_519 = arith.constant 0 : i32
      %dma_start3A_520 = tpu.memref_slice %arg8[%arg1, %dma_start3A_518, %dma_start3A_519] : memref<16x8x128xf32, #tpu.memory_space<vmem_shared>> -> memref<1x8x128xf32, #tpu.memory_space<vmem_shared>>
      %dma_start3A_521 = tpu.memref_squeeze %dma_start3A_520 : memref<1x8x128xf32, #tpu.memory_space<vmem_shared>> -> memref<8x128xf32, #tpu.memory_space<vmem_shared>>
      tpu.enqueue_dma source(%arg7 : memref<8x128xf32, #tpu.memory_space<vmem>>) target(%dma_start3A_521 : memref<8x128xf32, #tpu.memory_space<vmem_shared>>) target_semaphore(%run_scoped3A : memref<!tpu.dma_semaphore, #tpu.memory_space<semaphore_mem>>)
      %dma_wait3A = arith.constant 0 : i32
      %dma_wait3A_522 = arith.constant 0 : i32
      %dma_wait3A_523 = tpu.memref_slice %arg8[%arg1, %dma_wait3A, %dma_wait3A_522] : memref<16x8x128xf32, #tpu.memory_space<vmem_shared>> -> memref<1x8x128xf32, #tpu.memory_space<vmem_shared>>
      %dma_wait3A_524 = tpu.memref_squeeze %dma_wait3A_523 : memref<1x8x128xf32, #tpu.memory_space<vmem_shared>> -> memref<8x128xf32, #tpu.memory_space<vmem_shared>>
      %dma_wait3A_525 = arith.constant 0 : i32
      %dma_wait3A_526 = arith.constant 0 : i32
      %dma_wait3A_527 = tpu.memref_slice %arg8[%arg1, %dma_wait3A_525, %dma_wait3A_526] : memref<16x8x128xf32, #tpu.memory_space<vmem_shared>> -> memref<1x8x128xf32, #tpu.memory_space<vmem_shared>>
      %dma_wait3A_528 = tpu.memref_squeeze %dma_wait3A_527 : memref<1x8x128xf32, #tpu.memory_space<vmem_shared>> -> memref<8x128xf32, #tpu.memory_space<vmem_shared>>
      tpu.wait_dma2 semaphore(%run_scoped3A : memref<!tpu.dma_semaphore, #tpu.memory_space<semaphore_mem>>) src(%arg7 : memref<8x128xf32, #tpu.memory_space<vmem>>) dst(%dma_wait3A_528 : memref<8x128xf32, #tpu.memory_space<vmem_shared>>)
      tpu.yield
    }) : () -> ()
    "tpu.region"() ({
      %run_scoped3A = tpu.sem_alloc : memref<!tpu.dma_semaphore, #tpu.memory_space<semaphore_mem>>
      %dma_start3A = arith.constant 0 : i32
      %dma_start3A_515 = arith.constant 0 : i32
      %dma_start3A_516 = tpu.memref_slice %arg8[%arg1, %dma_start3A, %dma_start3A_515] : memref<16x8x128xf32, #tpu.memory_space<vmem_shared>> -> memref<1x8x128xf32, #tpu.memory_space<vmem_shared>>
      %dma_start3A_517 = tpu.memref_squeeze %dma_start3A_516 : memref<1x8x128xf32, #tpu.memory_space<vmem_shared>> -> memref<8x128xf32, #tpu.memory_space<vmem_shared>>
      %dma_start3A_518 = arith.constant 0 : i32
      %dma_start3A_519 = arith.constant 0 : i32
      %dma_start3A_520 = tpu.memref_slice %dma_start3A_517[%dma_start3A_518, %dma_start3A_519] : memref<8x128xf32, #tpu.memory_space<vmem_shared>> -> memref<8x128xf32, #tpu.memory_space<vmem_shared>>
      tpu.enqueue_indirect_dma source(%arg6 : memref<32x128xf32, #tpu.memory_space<vmem>>) target(%dma_start3A_520 : memref<8x128xf32, #tpu.memory_space<vmem_shared>>) offsets(%arg5 : memref<32xi32, #tpu.memory_space<vmem>>) semaphore(%run_scoped3A : memref<!tpu.dma_semaphore, #tpu.memory_space<semaphore_mem>>) {add = true}
      %dma_wait3A = arith.constant 0 : i32
      %dma_wait3A_521 = arith.constant 0 : i32
      %dma_wait3A_522 = tpu.memref_slice %arg8[%arg1, %dma_wait3A, %dma_wait3A_521] : memref<16x8x128xf32, #tpu.memory_space<vmem_shared>> -> memref<1x8x128xf32, #tpu.memory_space<vmem_shared>>
      %dma_wait3A_523 = tpu.memref_squeeze %dma_wait3A_522 : memref<1x8x128xf32, #tpu.memory_space<vmem_shared>> -> memref<8x128xf32, #tpu.memory_space<vmem_shared>>
      %dma_wait3A_524 = arith.constant 0 : i32
      %dma_wait3A_525 = arith.constant 0 : i32
      %dma_wait3A_526 = tpu.memref_slice %dma_wait3A_523[%dma_wait3A_524, %dma_wait3A_525] : memref<8x128xf32, #tpu.memory_space<vmem_shared>> -> memref<8x128xf32, #tpu.memory_space<vmem_shared>>
      tpu.wait_indirect_dma semaphore(%run_scoped3A : memref<!tpu.dma_semaphore, #tpu.memory_space<semaphore_mem>>) src(%arg6 : memref<32x128xf32, #tpu.memory_space<vmem>>) dst(%dma_wait3A_526 : memref<8x128xf32, #tpu.memory_space<vmem_shared>>)
      tpu.yield
    }) : () -> ()
    "tpu.region"() ({
      %run_scoped3A = tpu.sem_alloc : memref<!tpu.dma_semaphore, #tpu.memory_space<semaphore_mem>>
      %dma_start3A = arith.constant 0 : i32
      %dma_start3A_515 = tpu.memref_slice %arg4[%arg0, %dma_start3A, %mul3A_0] : memref<2x8x2048xf32, #tpu.memory_space<hbm>> -> memref<1x8x128xf32, #tpu.memory_space<hbm>>
      %dma_start3A_516 = tpu.memref_squeeze %dma_start3A_515 : memref<1x8x128xf32, #tpu.memory_space<hbm>> -> memref<8x128xf32, #tpu.memory_space<hbm>>
      %dma_start3A_517 = arith.constant 0 : i32
      %dma_start3A_518 = arith.constant 0 : i32
      %dma_start3A_519 = tpu.memref_slice %arg8[%arg1, %dma_start3A_517, %dma_start3A_518] : memref<16x8x128xf32, #tpu.memory_space<vmem_shared>> -> memref<1x8x128xf32, #tpu.memory_space<vmem_shared>>
      %dma_start3A_520 = tpu.memref_squeeze %dma_start3A_519 : memref<1x8x128xf32, #tpu.memory_space<vmem_shared>> -> memref<8x128xf32, #tpu.memory_space<vmem_shared>>
      tpu.enqueue_dma source(%dma_start3A_520 : memref<8x128xf32, #tpu.memory_space<vmem_shared>>) target(%dma_start3A_516 : memref<8x128xf32, #tpu.memory_space<hbm>>) target_semaphore(%run_scoped3A : memref<!tpu.dma_semaphore, #tpu.memory_space<semaphore_mem>>)
      %dma_wait3A = arith.constant 0 : i32
      %dma_wait3A_521 = tpu.memref_slice %arg4[%arg0, %dma_wait3A, %mul3A_0] : memref<2x8x2048xf32, #tpu.memory_space<hbm>> -> memref<1x8x128xf32, #tpu.memory_space<hbm>>
      %dma_wait3A_522 = tpu.memref_squeeze %dma_wait3A_521 : memref<1x8x128xf32, #tpu.memory_space<hbm>> -> memref<8x128xf32, #tpu.memory_space<hbm>>
      %dma_wait3A_523 = arith.constant 0 : i32
      %dma_wait3A_524 = arith.constant 0 : i32
      %dma_wait3A_525 = tpu.memref_slice %arg8[%arg1, %dma_wait3A_523, %dma_wait3A_524] : memref<16x8x128xf32, #tpu.memory_space<vmem_shared>> -> memref<1x8x128xf32, #tpu.memory_space<vmem_shared>>
      %dma_wait3A_526 = tpu.memref_squeeze %dma_wait3A_525 : memref<1x8x128xf32, #tpu.memory_space<vmem_shared>> -> memref<8x128xf32, #tpu.memory_space<vmem_shared>>
      tpu.wait_dma2 semaphore(%run_scoped3A : memref<!tpu.dma_semaphore, #tpu.memory_space<semaphore_mem>>) src(%dma_wait3A_526 : memref<8x128xf32, #tpu.memory_space<vmem_shared>>) dst(%dma_wait3A_522 : memref<8x128xf32, #tpu.memory_space<hbm>>)
      tpu.yield
    }) : () -> ()
    return
  }
}

module attributes {stable_mosaic.version = 14 : i64} {
  func.func @_head_kernel(%arg0: memref<1x64xi32, #tpu.memory_space<vmem>>, %arg1: memref<2x8x2048xf32, #tpu.memory_space<vmem>>, %arg2: memref<4x128x64xf32, #tpu.memory_space<vmem>>, %arg3: memref<4x64xf32, #tpu.memory_space<vmem>>, %arg4: memref<128x256xf32, #tpu.memory_space<vmem>>) attributes {dimension_semantics = [], scalar_prefetch = 0 : i64, scratch_operands = 0 : i64, tpu.core_type = #tpu.core_type<tc>} {
    %get3A = arith.constant 0 : index
    %get3A_0 = arith.constant 0 : index
    %get3A_1 = vector.load %arg0[%get3A, %get3A_0] : memref<1x64xi32, #tpu.memory_space<vmem>>, vector<1x64xi32>
    %iota3A = tpu.iota {dimensions = array<i32: 0>} : vector<8x64xi32>
    %eq3A = vector.broadcast %get3A_1 : vector<1x64xi32> to vector<8x64xi32>
    %eq3A_2 = arith.cmpi eq, %eq3A, %iota3A : vector<8x64xi32>
    %convert_element_type3A = arith.extui %eq3A_2 : vector<8x64xi1> to vector<8x64xi32>
    %convert_element_type3A_3 = arith.sitofp %convert_element_type3A : vector<8x64xi32> to vector<8x64xf32>
    %reduce_sum3A = arith.constant dense<0.000000e+00> : vector<8xf32>
    %reduce_sum3A_4 = vector.multi_reduction <add>, %convert_element_type3A_3, %reduce_sum3A [1] : vector<8x64xf32> to vector<8xf32>
    %broadcast_in_dim3A = vector.shape_cast %reduce_sum3A_4 : vector<8xf32> to vector<8x1xf32>
    %max3A = arith.constant 1.000000e+00 : f32
    %max3A_5 = vector.broadcast %max3A : f32 to vector<8x1xf32>
    %max3A_6 = arith.maximumf %broadcast_in_dim3A, %max3A_5 : vector<8x1xf32>
    %get3A_7 = arith.constant 0 : index
    %get3A_8 = arith.constant 0 : index
    %get3A_9 = arith.constant 0 : index
    %get3A_10 = vector.load %arg1[%get3A_7, %get3A_8, %get3A_9] : memref<2x8x2048xf32, #tpu.memory_space<vmem>>, vector<1x8x2048xf32>
    %get3A_11 = vector.shape_cast %get3A_10 : vector<1x8x2048xf32> to vector<8x2048xf32>
    %get3A_12 = arith.constant 1 : index
    %get3A_13 = arith.constant 0 : index
    %get3A_14 = arith.constant 0 : index
    %get3A_15 = vector.load %arg1[%get3A_12, %get3A_13, %get3A_14] : memref<2x8x2048xf32, #tpu.memory_space<vmem>>, vector<1x8x2048xf32>
    %get3A_16 = vector.shape_cast %get3A_15 : vector<1x8x2048xf32> to vector<8x2048xf32>
    %add3A = arith.addf %get3A_11, %get3A_16 : vector<8x2048xf32>
    %div3A = arith.constant 1.000000e+00 : f32
    %div3A_17 = vector.broadcast %div3A : f32 to vector<8x1xf32>
    %div3A_18 = arith.divf %div3A_17, %max3A_6 : vector<8x1xf32>
    %mul3A = vector.broadcast %div3A_18 : vector<8x1xf32> to vector<8x2048xf32>
    %mul3A_19 = arith.mulf %add3A, %mul3A : vector<8x2048xf32>
    %get3A_20 = arith.constant 0 : index
    %get3A_21 = arith.constant 0 : index
    %get3A_22 = arith.constant 0 : index
    %get3A_23 = vector.load %arg2[%get3A_20, %get3A_21, %get3A_22] : memref<4x128x64xf32, #tpu.memory_space<vmem>>, vector<1x128x64xf32>
    %get3A_24 = vector.shape_cast %get3A_23 : vector<1x128x64xf32> to vector<128x64xf32>
    %get3A_25 = arith.constant 1 : index
    %get3A_26 = arith.constant 0 : index
    %get3A_27 = arith.constant 0 : index
    %get3A_28 = vector.load %arg2[%get3A_25, %get3A_26, %get3A_27] : memref<4x128x64xf32, #tpu.memory_space<vmem>>, vector<1x128x64xf32>
    %get3A_29 = vector.shape_cast %get3A_28 : vector<1x128x64xf32> to vector<128x64xf32>
    %get3A_30 = arith.constant 2 : index
    %get3A_31 = arith.constant 0 : index
    %get3A_32 = arith.constant 0 : index
    %get3A_33 = vector.load %arg2[%get3A_30, %get3A_31, %get3A_32] : memref<4x128x64xf32, #tpu.memory_space<vmem>>, vector<1x128x64xf32>
    %get3A_34 = vector.shape_cast %get3A_33 : vector<1x128x64xf32> to vector<128x64xf32>
    %get3A_35 = arith.constant 3 : index
    %get3A_36 = arith.constant 0 : index
    %get3A_37 = arith.constant 0 : index
    %get3A_38 = vector.load %arg2[%get3A_35, %get3A_36, %get3A_37] : memref<4x128x64xf32, #tpu.memory_space<vmem>>, vector<1x128x64xf32>
    %get3A_39 = vector.shape_cast %get3A_38 : vector<1x128x64xf32> to vector<128x64xf32>
    %concatenate3A = tpu.concatenate %get3A_24, %get3A_29, %get3A_34, %get3A_39 in 1 : vector<128x64xf32>, vector<128x64xf32>, vector<128x64xf32>, vector<128x64xf32> -> vector<128x256xf32>
    %get3A_40 = arith.constant 0 : index
    %get3A_41 = arith.constant 0 : index
    %get3A_42 = vector.load %arg3[%get3A_40, %get3A_41] : memref<4x64xf32, #tpu.memory_space<vmem>>, vector<1x64xf32>
    %get3A_43 = arith.constant 1 : index
    %get3A_44 = arith.constant 0 : index
    %get3A_45 = vector.load %arg3[%get3A_43, %get3A_44] : memref<4x64xf32, #tpu.memory_space<vmem>>, vector<1x64xf32>
    %get3A_46 = arith.constant 2 : index
    %get3A_47 = arith.constant 0 : index
    %get3A_48 = vector.load %arg3[%get3A_46, %get3A_47] : memref<4x64xf32, #tpu.memory_space<vmem>>, vector<1x64xf32>
    %get3A_49 = arith.constant 3 : index
    %get3A_50 = arith.constant 0 : index
    %get3A_51 = vector.load %arg3[%get3A_49, %get3A_50] : memref<4x64xf32, #tpu.memory_space<vmem>>, vector<1x64xf32>
    %concatenate3A_52 = tpu.concatenate %get3A_42, %get3A_45, %get3A_48, %get3A_51 in 1 : vector<1x64xf32>, vector<1x64xf32>, vector<1x64xf32>, vector<1x64xf32> -> vector<1x256xf32>
    %slice3A = vector.extract_strided_slice %mul3A_19 {offsets = [0, 0], sizes = [8, 128], strides = [1, 1]} : vector<8x2048xf32> to vector<8x128xf32>
    %dot_general3A = arith.constant dense<0.000000e+00> : vector<8x256xf32>
    %dot_general3A_53 = tpu.matmul %slice3A, %concatenate3A, %dot_general3A {dimension_numbers = #tpu.dot_dimension_numbers<[1], [0], [0], [1], [0, 0, 1, 1], [], []>, transpose_lhs_hint = false} : vector<8x128xf32>, vector<128x256xf32>, vector<8x256xf32> -> vector<8x256xf32>
    %add3A_54 = vector.broadcast %concatenate3A_52 : vector<1x256xf32> to vector<8x256xf32>
    %add3A_55 = arith.addf %dot_general3A_53, %add3A_54 : vector<8x256xf32>
    %swap3A = arith.constant 0 : index
    %swap3A_56 = arith.constant 0 : index
    %swap3A_57 = vector.load %arg4[%swap3A, %swap3A_56] : memref<128x256xf32, #tpu.memory_space<vmem>>, vector<8x256xf32>
    tpu.vector_store %arg4[%swap3A, %swap3A_56], %add3A_55 {strides = array<i32>} : memref<128x256xf32, #tpu.memory_space<vmem>>, vector<8x256xf32>,
    %slice3A_58 = vector.extract_strided_slice %mul3A_19 {offsets = [0, 128], sizes = [8, 128], strides = [1, 1]} : vector<8x2048xf32> to vector<8x128xf32>
    %dot_general3A_59 = arith.constant dense<0.000000e+00> : vector<8x256xf32>
    %dot_general3A_60 = tpu.matmul %slice3A_58, %concatenate3A, %dot_general3A_59 {dimension_numbers = #tpu.dot_dimension_numbers<[1], [0], [0], [1], [0, 0, 1, 1], [], []>, transpose_lhs_hint = false} : vector<8x128xf32>, vector<128x256xf32>, vector<8x256xf32> -> vector<8x256xf32>
    %add3A_61 = vector.broadcast %concatenate3A_52 : vector<1x256xf32> to vector<8x256xf32>
    %add3A_62 = arith.addf %dot_general3A_60, %add3A_61 : vector<8x256xf32>
    %swap3A_63 = arith.constant 8 : index
    %swap3A_64 = arith.constant 0 : index
    %swap3A_65 = vector.load %arg4[%swap3A_63, %swap3A_64] : memref<128x256xf32, #tpu.memory_space<vmem>>, vector<8x256xf32>
    tpu.vector_store %arg4[%swap3A_63, %swap3A_64], %add3A_62 {strides = array<i32>} : memref<128x256xf32, #tpu.memory_space<vmem>>, vector<8x256xf32>,
    %slice3A_66 = vector.extract_strided_slice %mul3A_19 {offsets = [0, 256], sizes = [8, 128], strides = [1, 1]} : vector<8x2048xf32> to vector<8x128xf32>
    %dot_general3A_67 = arith.constant dense<0.000000e+00> : vector<8x256xf32>
    %dot_general3A_68 = tpu.matmul %slice3A_66, %concatenate3A, %dot_general3A_67 {dimension_numbers = #tpu.dot_dimension_numbers<[1], [0], [0], [1], [0, 0, 1, 1], [], []>, transpose_lhs_hint = false} : vector<8x128xf32>, vector<128x256xf32>, vector<8x256xf32> -> vector<8x256xf32>
    %add3A_69 = vector.broadcast %concatenate3A_52 : vector<1x256xf32> to vector<8x256xf32>
    %add3A_70 = arith.addf %dot_general3A_68, %add3A_69 : vector<8x256xf32>
    %swap3A_71 = arith.constant 16 : index
    %swap3A_72 = arith.constant 0 : index
    %swap3A_73 = vector.load %arg4[%swap3A_71, %swap3A_72] : memref<128x256xf32, #tpu.memory_space<vmem>>, vector<8x256xf32>
    tpu.vector_store %arg4[%swap3A_71, %swap3A_72], %add3A_70 {strides = array<i32>} : memref<128x256xf32, #tpu.memory_space<vmem>>, vector<8x256xf32>,
    %slice3A_74 = vector.extract_strided_slice %mul3A_19 {offsets = [0, 384], sizes = [8, 128], strides = [1, 1]} : vector<8x2048xf32> to vector<8x128xf32>
    %dot_general3A_75 = arith.constant dense<0.000000e+00> : vector<8x256xf32>
    %dot_general3A_76 = tpu.matmul %slice3A_74, %concatenate3A, %dot_general3A_75 {dimension_numbers = #tpu.dot_dimension_numbers<[1], [0], [0], [1], [0, 0, 1, 1], [], []>, transpose_lhs_hint = false} : vector<8x128xf32>, vector<128x256xf32>, vector<8x256xf32> -> vector<8x256xf32>
    %add3A_77 = vector.broadcast %concatenate3A_52 : vector<1x256xf32> to vector<8x256xf32>
    %add3A_78 = arith.addf %dot_general3A_76, %add3A_77 : vector<8x256xf32>
    %swap3A_79 = arith.constant 24 : index
    %swap3A_80 = arith.constant 0 : index
    %swap3A_81 = vector.load %arg4[%swap3A_79, %swap3A_80] : memref<128x256xf32, #tpu.memory_space<vmem>>, vector<8x256xf32>
    tpu.vector_store %arg4[%swap3A_79, %swap3A_80], %add3A_78 {strides = array<i32>} : memref<128x256xf32, #tpu.memory_space<vmem>>, vector<8x256xf32>,
    %slice3A_82 = vector.extract_strided_slice %mul3A_19 {offsets = [0, 512], sizes = [8, 128], strides = [1, 1]} : vector<8x2048xf32> to vector<8x128xf32>
    %dot_general3A_83 = arith.constant dense<0.000000e+00> : vector<8x256xf32>
    %dot_general3A_84 = tpu.matmul %slice3A_82, %concatenate3A, %dot_general3A_83 {dimension_numbers = #tpu.dot_dimension_numbers<[1], [0], [0], [1], [0, 0, 1, 1], [], []>, transpose_lhs_hint = false} : vector<8x128xf32>, vector<128x256xf32>, vector<8x256xf32> -> vector<8x256xf32>
    %add3A_85 = vector.broadcast %concatenate3A_52 : vector<1x256xf32> to vector<8x256xf32>
    %add3A_86 = arith.addf %dot_general3A_84, %add3A_85 : vector<8x256xf32>
    %swap3A_87 = arith.constant 32 : index
    %swap3A_88 = arith.constant 0 : index
    %swap3A_89 = vector.load %arg4[%swap3A_87, %swap3A_88] : memref<128x256xf32, #tpu.memory_space<vmem>>, vector<8x256xf32>
    tpu.vector_store %arg4[%swap3A_87, %swap3A_88], %add3A_86 {strides = array<i32>} : memref<128x256xf32, #tpu.memory_space<vmem>>, vector<8x256xf32>,
    %slice3A_90 = vector.extract_strided_slice %mul3A_19 {offsets = [0, 640], sizes = [8, 128], strides = [1, 1]} : vector<8x2048xf32> to vector<8x128xf32>
    %dot_general3A_91 = arith.constant dense<0.000000e+00> : vector<8x256xf32>
    %dot_general3A_92 = tpu.matmul %slice3A_90, %concatenate3A, %dot_general3A_91 {dimension_numbers = #tpu.dot_dimension_numbers<[1], [0], [0], [1], [0, 0, 1, 1], [], []>, transpose_lhs_hint = false} : vector<8x128xf32>, vector<128x256xf32>, vector<8x256xf32> -> vector<8x256xf32>
    %add3A_93 = vector.broadcast %concatenate3A_52 : vector<1x256xf32> to vector<8x256xf32>
    %add3A_94 = arith.addf %dot_general3A_92, %add3A_93 : vector<8x256xf32>
    %swap3A_95 = arith.constant 40 : index
    %swap3A_96 = arith.constant 0 : index
    %swap3A_97 = vector.load %arg4[%swap3A_95, %swap3A_96] : memref<128x256xf32, #tpu.memory_space<vmem>>, vector<8x256xf32>
    tpu.vector_store %arg4[%swap3A_95, %swap3A_96], %add3A_94 {strides = array<i32>} : memref<128x256xf32, #tpu.memory_space<vmem>>, vector<8x256xf32>,
    %slice3A_98 = vector.extract_strided_slice %mul3A_19 {offsets = [0, 768], sizes = [8, 128], strides = [1, 1]} : vector<8x2048xf32> to vector<8x128xf32>
    %dot_general3A_99 = arith.constant dense<0.000000e+00> : vector<8x256xf32>
    %dot_general3A_100 = tpu.matmul %slice3A_98, %concatenate3A, %dot_general3A_99 {dimension_numbers = #tpu.dot_dimension_numbers<[1], [0], [0], [1], [0, 0, 1, 1], [], []>, transpose_lhs_hint = false} : vector<8x128xf32>, vector<128x256xf32>, vector<8x256xf32> -> vector<8x256xf32>
    %add3A_101 = vector.broadcast %concatenate3A_52 : vector<1x256xf32> to vector<8x256xf32>
    %add3A_102 = arith.addf %dot_general3A_100, %add3A_101 : vector<8x256xf32>
    %swap3A_103 = arith.constant 48 : index
    %swap3A_104 = arith.constant 0 : index
    %swap3A_105 = vector.load %arg4[%swap3A_103, %swap3A_104] : memref<128x256xf32, #tpu.memory_space<vmem>>, vector<8x256xf32>
    tpu.vector_store %arg4[%swap3A_103, %swap3A_104], %add3A_102 {strides = array<i32>} : memref<128x256xf32, #tpu.memory_space<vmem>>, vector<8x256xf32>,
    %slice3A_106 = vector.extract_strided_slice %mul3A_19 {offsets = [0, 896], sizes = [8, 128], strides = [1, 1]} : vector<8x2048xf32> to vector<8x128xf32>
    %dot_general3A_107 = arith.constant dense<0.000000e+00> : vector<8x256xf32>
    %dot_general3A_108 = tpu.matmul %slice3A_106, %concatenate3A, %dot_general3A_107 {dimension_numbers = #tpu.dot_dimension_numbers<[1], [0], [0], [1], [0, 0, 1, 1], [], []>, transpose_lhs_hint = false} : vector<8x128xf32>, vector<128x256xf32>, vector<8x256xf32> -> vector<8x256xf32>
    %add3A_109 = vector.broadcast %concatenate3A_52 : vector<1x256xf32> to vector<8x256xf32>
    %add3A_110 = arith.addf %dot_general3A_108, %add3A_109 : vector<8x256xf32>
    %swap3A_111 = arith.constant 56 : index
    %swap3A_112 = arith.constant 0 : index
    %swap3A_113 = vector.load %arg4[%swap3A_111, %swap3A_112] : memref<128x256xf32, #tpu.memory_space<vmem>>, vector<8x256xf32>
    tpu.vector_store %arg4[%swap3A_111, %swap3A_112], %add3A_110 {strides = array<i32>} : memref<128x256xf32, #tpu.memory_space<vmem>>, vector<8x256xf32>,
    %slice3A_114 = vector.extract_strided_slice %mul3A_19 {offsets = [0, 1024], sizes = [8, 128], strides = [1, 1]} : vector<8x2048xf32> to vector<8x128xf32>
    %dot_general3A_115 = arith.constant dense<0.000000e+00> : vector<8x256xf32>
    %dot_general3A_116 = tpu.matmul %slice3A_114, %concatenate3A, %dot_general3A_115 {dimension_numbers = #tpu.dot_dimension_numbers<[1], [0], [0], [1], [0, 0, 1, 1], [], []>, transpose_lhs_hint = false} : vector<8x128xf32>, vector<128x256xf32>, vector<8x256xf32> -> vector<8x256xf32>
    %add3A_117 = vector.broadcast %concatenate3A_52 : vector<1x256xf32> to vector<8x256xf32>
    %add3A_118 = arith.addf %dot_general3A_116, %add3A_117 : vector<8x256xf32>
    %swap3A_119 = arith.constant 64 : index
    %swap3A_120 = arith.constant 0 : index
    %swap3A_121 = vector.load %arg4[%swap3A_119, %swap3A_120] : memref<128x256xf32, #tpu.memory_space<vmem>>, vector<8x256xf32>
    tpu.vector_store %arg4[%swap3A_119, %swap3A_120], %add3A_118 {strides = array<i32>} : memref<128x256xf32, #tpu.memory_space<vmem>>, vector<8x256xf32>,
    %slice3A_122 = vector.extract_strided_slice %mul3A_19 {offsets = [0, 1152], sizes = [8, 128], strides = [1, 1]} : vector<8x2048xf32> to vector<8x128xf32>
    %dot_general3A_123 = arith.constant dense<0.000000e+00> : vector<8x256xf32>
    %dot_general3A_124 = tpu.matmul %slice3A_122, %concatenate3A, %dot_general3A_123 {dimension_numbers = #tpu.dot_dimension_numbers<[1], [0], [0], [1], [0, 0, 1, 1], [], []>, transpose_lhs_hint = false} : vector<8x128xf32>, vector<128x256xf32>, vector<8x256xf32> -> vector<8x256xf32>
    %add3A_125 = vector.broadcast %concatenate3A_52 : vector<1x256xf32> to vector<8x256xf32>
    %add3A_126 = arith.addf %dot_general3A_124, %add3A_125 : vector<8x256xf32>
    %swap3A_127 = arith.constant 72 : index
    %swap3A_128 = arith.constant 0 : index
    %swap3A_129 = vector.load %arg4[%swap3A_127, %swap3A_128] : memref<128x256xf32, #tpu.memory_space<vmem>>, vector<8x256xf32>
    tpu.vector_store %arg4[%swap3A_127, %swap3A_128], %add3A_126 {strides = array<i32>} : memref<128x256xf32, #tpu.memory_space<vmem>>, vector<8x256xf32>,
    %slice3A_130 = vector.extract_strided_slice %mul3A_19 {offsets = [0, 1280], sizes = [8, 128], strides = [1, 1]} : vector<8x2048xf32> to vector<8x128xf32>
    %dot_general3A_131 = arith.constant dense<0.000000e+00> : vector<8x256xf32>
    %dot_general3A_132 = tpu.matmul %slice3A_130, %concatenate3A, %dot_general3A_131 {dimension_numbers = #tpu.dot_dimension_numbers<[1], [0], [0], [1], [0, 0, 1, 1], [], []>, transpose_lhs_hint = false} : vector<8x128xf32>, vector<128x256xf32>, vector<8x256xf32> -> vector<8x256xf32>
    %add3A_133 = vector.broadcast %concatenate3A_52 : vector<1x256xf32> to vector<8x256xf32>
    %add3A_134 = arith.addf %dot_general3A_132, %add3A_133 : vector<8x256xf32>
    %swap3A_135 = arith.constant 80 : index
    %swap3A_136 = arith.constant 0 : index
    %swap3A_137 = vector.load %arg4[%swap3A_135, %swap3A_136] : memref<128x256xf32, #tpu.memory_space<vmem>>, vector<8x256xf32>
    tpu.vector_store %arg4[%swap3A_135, %swap3A_136], %add3A_134 {strides = array<i32>} : memref<128x256xf32, #tpu.memory_space<vmem>>, vector<8x256xf32>,
    %slice3A_138 = vector.extract_strided_slice %mul3A_19 {offsets = [0, 1408], sizes = [8, 128], strides = [1, 1]} : vector<8x2048xf32> to vector<8x128xf32>
    %dot_general3A_139 = arith.constant dense<0.000000e+00> : vector<8x256xf32>
    %dot_general3A_140 = tpu.matmul %slice3A_138, %concatenate3A, %dot_general3A_139 {dimension_numbers = #tpu.dot_dimension_numbers<[1], [0], [0], [1], [0, 0, 1, 1], [], []>, transpose_lhs_hint = false} : vector<8x128xf32>, vector<128x256xf32>, vector<8x256xf32> -> vector<8x256xf32>
    %add3A_141 = vector.broadcast %concatenate3A_52 : vector<1x256xf32> to vector<8x256xf32>
    %add3A_142 = arith.addf %dot_general3A_140, %add3A_141 : vector<8x256xf32>
    %swap3A_143 = arith.constant 88 : index
    %swap3A_144 = arith.constant 0 : index
    %swap3A_145 = vector.load %arg4[%swap3A_143, %swap3A_144] : memref<128x256xf32, #tpu.memory_space<vmem>>, vector<8x256xf32>
    tpu.vector_store %arg4[%swap3A_143, %swap3A_144], %add3A_142 {strides = array<i32>} : memref<128x256xf32, #tpu.memory_space<vmem>>, vector<8x256xf32>,
    %slice3A_146 = vector.extract_strided_slice %mul3A_19 {offsets = [0, 1536], sizes = [8, 128], strides = [1, 1]} : vector<8x2048xf32> to vector<8x128xf32>
    %dot_general3A_147 = arith.constant dense<0.000000e+00> : vector<8x256xf32>
    %dot_general3A_148 = tpu.matmul %slice3A_146, %concatenate3A, %dot_general3A_147 {dimension_numbers = #tpu.dot_dimension_numbers<[1], [0], [0], [1], [0, 0, 1, 1], [], []>, transpose_lhs_hint = false} : vector<8x128xf32>, vector<128x256xf32>, vector<8x256xf32> -> vector<8x256xf32>
    %add3A_149 = vector.broadcast %concatenate3A_52 : vector<1x256xf32> to vector<8x256xf32>
    %add3A_150 = arith.addf %dot_general3A_148, %add3A_149 : vector<8x256xf32>
    %swap3A_151 = arith.constant 96 : index
    %swap3A_152 = arith.constant 0 : index
    %swap3A_153 = vector.load %arg4[%swap3A_151, %swap3A_152] : memref<128x256xf32, #tpu.memory_space<vmem>>, vector<8x256xf32>
    tpu.vector_store %arg4[%swap3A_151, %swap3A_152], %add3A_150 {strides = array<i32>} : memref<128x256xf32, #tpu.memory_space<vmem>>, vector<8x256xf32>,
    %slice3A_154 = vector.extract_strided_slice %mul3A_19 {offsets = [0, 1664], sizes = [8, 128], strides = [1, 1]} : vector<8x2048xf32> to vector<8x128xf32>
    %dot_general3A_155 = arith.constant dense<0.000000e+00> : vector<8x256xf32>
    %dot_general3A_156 = tpu.matmul %slice3A_154, %concatenate3A, %dot_general3A_155 {dimension_numbers = #tpu.dot_dimension_numbers<[1], [0], [0], [1], [0, 0, 1, 1], [], []>, transpose_lhs_hint = false} : vector<8x128xf32>, vector<128x256xf32>, vector<8x256xf32> -> vector<8x256xf32>
    %add3A_157 = vector.broadcast %concatenate3A_52 : vector<1x256xf32> to vector<8x256xf32>
    %add3A_158 = arith.addf %dot_general3A_156, %add3A_157 : vector<8x256xf32>
    %swap3A_159 = arith.constant 104 : index
    %swap3A_160 = arith.constant 0 : index
    %swap3A_161 = vector.load %arg4[%swap3A_159, %swap3A_160] : memref<128x256xf32, #tpu.memory_space<vmem>>, vector<8x256xf32>
    tpu.vector_store %arg4[%swap3A_159, %swap3A_160], %add3A_158 {strides = array<i32>} : memref<128x256xf32, #tpu.memory_space<vmem>>, vector<8x256xf32>,
    %slice3A_162 = vector.extract_strided_slice %mul3A_19 {offsets = [0, 1792], sizes = [8, 128], strides = [1, 1]} : vector<8x2048xf32> to vector<8x128xf32>
    %dot_general3A_163 = arith.constant dense<0.000000e+00> : vector<8x256xf32>
    %dot_general3A_164 = tpu.matmul %slice3A_162, %concatenate3A, %dot_general3A_163 {dimension_numbers = #tpu.dot_dimension_numbers<[1], [0], [0], [1], [0, 0, 1, 1], [], []>, transpose_lhs_hint = false} : vector<8x128xf32>, vector<128x256xf32>, vector<8x256xf32> -> vector<8x256xf32>
    %add3A_165 = vector.broadcast %concatenate3A_52 : vector<1x256xf32> to vector<8x256xf32>
    %add3A_166 = arith.addf %dot_general3A_164, %add3A_165 : vector<8x256xf32>
    %swap3A_167 = arith.constant 112 : index
    %swap3A_168 = arith.constant 0 : index
    %swap3A_169 = vector.load %arg4[%swap3A_167, %swap3A_168] : memref<128x256xf32, #tpu.memory_space<vmem>>, vector<8x256xf32>
    tpu.vector_store %arg4[%swap3A_167, %swap3A_168], %add3A_166 {strides = array<i32>} : memref<128x256xf32, #tpu.memory_space<vmem>>, vector<8x256xf32>,
    %slice3A_170 = vector.extract_strided_slice %mul3A_19 {offsets = [0, 1920], sizes = [8, 128], strides = [1, 1]} : vector<8x2048xf32> to vector<8x128xf32>
    %dot_general3A_171 = arith.constant dense<0.000000e+00> : vector<8x256xf32>
    %dot_general3A_172 = tpu.matmul %slice3A_170, %concatenate3A, %dot_general3A_171 {dimension_numbers = #tpu.dot_dimension_numbers<[1], [0], [0], [1], [0, 0, 1, 1], [], []>, transpose_lhs_hint = false} : vector<8x128xf32>, vector<128x256xf32>, vector<8x256xf32> -> vector<8x256xf32>
    %add3A_173 = vector.broadcast %concatenate3A_52 : vector<1x256xf32> to vector<8x256xf32>
    %add3A_174 = arith.addf %dot_general3A_172, %add3A_173 : vector<8x256xf32>
    %swap3A_175 = arith.constant 120 : index
    %swap3A_176 = arith.constant 0 : index
    %swap3A_177 = vector.load %arg4[%swap3A_175, %swap3A_176] : memref<128x256xf32, #tpu.memory_space<vmem>>, vector<8x256xf32>
    tpu.vector_store %arg4[%swap3A_175, %swap3A_176], %add3A_174 {strides = array<i32>} : memref<128x256xf32, #tpu.memory_space<vmem>>, vector<8x256xf32>,
    return
  }
}

module attributes {stable_mosaic.version = 14 : i64} {
  func.func @_feats_kernel(%arg0: i32, %arg1: memref<64x1032xbf16, #tpu.memory_space<vmem>>, %arg2: memref<64x9xf32, #tpu.memory_space<vmem>>, %arg3: memref<1x8192xbf16, #tpu.memory_space<vmem>>, %arg4: memref<1x8192xbf16, #tpu.memory_space<vmem>>, %arg5: memref<8192x64xbf16, #tpu.memory_space<vmem>>, %arg6: memref<64x128xf32, #tpu.memory_space<vmem>>, %arg7: memref<137x8192xbf16, #tpu.memory_space<vmem>>) attributes {dimension_semantics = [#tpu.dimension_semantics<arbitrary>], iteration_bounds = array<i64: 16>, scalar_prefetch = 0 : i64, scratch_operands = 1 : i64, tpu.core_type = #tpu.core_type<tc>, window_params = [{transform_indices = @transform_0, window_bounds = array<i64: 64, 1032>}, {pipeline_mode = #tpu.pipeline_mode<synchronous>, transform_indices = @transform_1, window_bounds = array<i64: 64, 9>}, {pipeline_mode = #tpu.pipeline_mode<synchronous>, transform_indices = @transform_2, window_bounds = array<i64: 1, 8192>}, {pipeline_mode = #tpu.pipeline_mode<synchronous>, transform_indices = @transform_3, window_bounds = array<i64: 1, 8192>}, {pipeline_mode = #tpu.pipeline_mode<synchronous>, transform_indices = @transform_4, window_bounds = array<i64: 8192, 64>}, {transform_indices = @transform_5, window_bounds = array<i64: 64, 128>}]} {
    %eq3A = arith.constant 0 : i32
    %eq3A_0 = arith.cmpi eq, %arg0, %eq3A : i32
    %convert_element_type3A = arith.extui %eq3A_0 : i1 to i32
    %cond3A = arith.constant 0 : i32
    %cond3A_1 = arith.cmpi ne, %convert_element_type3A, %cond3A : i32
    scf.if %cond3A_1 {
      %iota3A = tpu.iota {dimensions = array<i32: 0>} : vector<136x128xi32>
      %iota3A_100 = tpu.iota {dimensions = array<i32: 1>} : vector<136x128xi32>
      %sub3A = arith.subi %iota3A, %iota3A_100 : vector<136x128xi32>
      %eq3A_101 = arith.constant 0 : i32
      %eq3A_102 = vector.broadcast %eq3A_101 : i32 to vector<136x128xi32>
      %eq3A_103 = arith.cmpi eq, %sub3A, %eq3A_102 : vector<136x128xi32>
      %convert_element_type3A_104 = arith.extui %eq3A_103 : vector<136x128xi1> to vector<136x128xi32>
      %convert_element_type3A_105 = arith.sitofp %convert_element_type3A_104 : vector<136x128xi32> to vector<136x128xf32>
      %convert_element_type3A_106 = arith.truncf %convert_element_type3A_105 : vector<136x128xf32> to vector<136x128xbf16>
      %eq3A_107 = arith.constant 1 : i32
      %eq3A_108 = vector.broadcast %eq3A_107 : i32 to vector<136x128xi32>
      %eq3A_109 = arith.cmpi eq, %sub3A, %eq3A_108 : vector<136x128xi32>
      %convert_element_type3A_110 = arith.extui %eq3A_109 : vector<136x128xi1> to vector<136x128xi32>
      %convert_element_type3A_111 = arith.sitofp %convert_element_type3A_110 : vector<136x128xi32> to vector<136x128xf32>
      %convert_element_type3A_112 = arith.truncf %convert_element_type3A_111 : vector<136x128xf32> to vector<136x128xbf16>
      %eq3A_113 = arith.constant 2 : i32
      %eq3A_114 = vector.broadcast %eq3A_113 : i32 to vector<136x128xi32>
      %eq3A_115 = arith.cmpi eq, %sub3A, %eq3A_114 : vector<136x128xi32>
      %convert_element_type3A_116 = arith.extui %eq3A_115 : vector<136x128xi1> to vector<136x128xi32>
      %convert_element_type3A_117 = arith.sitofp %convert_element_type3A_116 : vector<136x128xi32> to vector<136x128xf32>
      %convert_element_type3A_118 = arith.truncf %convert_element_type3A_117 : vector<136x128xf32> to vector<136x128xbf16>
      %eq3A_119 = arith.constant 3 : i32
      %eq3A_120 = vector.broadcast %eq3A_119 : i32 to vector<136x128xi32>
      %eq3A_121 = arith.cmpi eq, %sub3A, %eq3A_120 : vector<136x128xi32>
      %convert_element_type3A_122 = arith.extui %eq3A_121 : vector<136x128xi1> to vector<136x128xi32>
      %convert_element_type3A_123 = arith.sitofp %convert_element_type3A_122 : vector<136x128xi32> to vector<136x128xf32>
      %convert_element_type3A_124 = arith.truncf %convert_element_type3A_123 : vector<136x128xf32> to vector<136x128xbf16>
      %eq3A_125 = arith.constant 4 : i32
      %eq3A_126 = vector.broadcast %eq3A_125 : i32 to vector<136x128xi32>
      %eq3A_127 = arith.cmpi eq, %sub3A, %eq3A_126 : vector<136x128xi32>
      %convert_element_type3A_128 = arith.extui %eq3A_127 : vector<136x128xi1> to vector<136x128xi32>
      %convert_element_type3A_129 = arith.sitofp %convert_element_type3A_128 : vector<136x128xi32> to vector<136x128xf32>
      %convert_element_type3A_130 = arith.truncf %convert_element_type3A_129 : vector<136x128xf32> to vector<136x128xbf16>
      %eq3A_131 = arith.constant 5 : i32
      %eq3A_132 = vector.broadcast %eq3A_131 : i32 to vector<136x128xi32>
      %eq3A_133 = arith.cmpi eq, %sub3A, %eq3A_132 : vector<136x128xi32>
      %convert_element_type3A_134 = arith.extui %eq3A_133 : vector<136x128xi1> to vector<136x128xi32>
      %convert_element_type3A_135 = arith.sitofp %convert_element_type3A_134 : vector<136x128xi32> to vector<136x128xf32>
      %convert_element_type3A_136 = arith.truncf %convert_element_type3A_135 : vector<136x128xf32> to vector<136x128xbf16>
      %eq3A_137 = arith.constant 6 : i32
      %eq3A_138 = vector.broadcast %eq3A_137 : i32 to vector<136x128xi32>
      %eq3A_139 = arith.cmpi eq, %sub3A, %eq3A_138 : vector<136x128xi32>
      %convert_element_type3A_140 = arith.extui %eq3A_139 : vector<136x128xi1> to vector<136x128xi32>
      %convert_element_type3A_141 = arith.sitofp %convert_element_type3A_140 : vector<136x128xi32> to vector<136x128xf32>
      %convert_element_type3A_142 = arith.truncf %convert_element_type3A_141 : vector<136x128xf32> to vector<136x128xbf16>
      %eq3A_143 = arith.constant 7 : i32
      %eq3A_144 = vector.broadcast %eq3A_143 : i32 to vector<136x128xi32>
      %eq3A_145 = arith.cmpi eq, %sub3A, %eq3A_144 : vector<136x128xi32>
      %convert_element_type3A_146 = arith.extui %eq3A_145 : vector<136x128xi1> to vector<136x128xi32>
      %convert_element_type3A_147 = arith.sitofp %convert_element_type3A_146 : vector<136x128xi32> to vector<136x128xf32>
      %convert_element_type3A_148 = arith.truncf %convert_element_type3A_147 : vector<136x128xf32> to vector<136x128xbf16>
      %eq3A_149 = arith.constant 8 : i32
      %eq3A_150 = vector.broadcast %eq3A_149 : i32 to vector<136x128xi32>
      %eq3A_151 = arith.cmpi eq, %sub3A, %eq3A_150 : vector<136x128xi32>
      %convert_element_type3A_152 = arith.extui %eq3A_151 : vector<136x128xi1> to vector<136x128xi32>
      %convert_element_type3A_153 = arith.sitofp %convert_element_type3A_152 : vector<136x128xi32> to vector<136x128xf32>
      %convert_element_type3A_154 = arith.truncf %convert_element_type3A_153 : vector<136x128xf32> to vector<136x128xbf16>
      %get3A_155 = arith.constant 0 : index
      %get3A_156 = arith.constant 0 : index
      %get3A_157 = vector.load %arg2[%get3A_155, %get3A_156] : memref<64x9xf32, #tpu.memory_space<vmem>>, vector<1x1xf32>
      %get3A_158 = vector.extract %get3A_157[0, 0] : f32 from vector<1x1xf32>
      %convert_element_type3A_159 = arith.truncf %get3A_158 : f32 to bf16
      %mul3A_160 = vector.broadcast %convert_element_type3A_159 : bf16 to vector<136x128xbf16>
      %mul3A_161 = arith.mulf %convert_element_type3A_106, %mul3A_160 : vector<136x128xbf16>
      %get3A_162 = arith.constant 0 : index
      %get3A_163 = arith.constant 1 : index
      %get3A_164 = vector.load %arg2[%get3A_162, %get3A_163] : memref<64x9xf32, #tpu.memory_space<vmem>>, vector<1x1xf32>
      %get3A_165 = vector.extract %get3A_164[0, 0] : f32 from vector<1x1xf32>
      %convert_element_type3A_166 = arith.truncf %get3A_165 : f32 to bf16
      %mul3A_167 = vector.broadcast %convert_element_type3A_166 : bf16 to vector<136x128xbf16>
      %mul3A_168 = arith.mulf %convert_element_type3A_112, %mul3A_167 : vector<136x128xbf16>
      %add3A_169 = arith.addf %mul3A_161, %mul3A_168 : vector<136x128xbf16>
      %get3A_170 = arith.constant 0 : index
      %get3A_171 = arith.constant 2 : index
      %get3A_172 = vector.load %arg2[%get3A_170, %get3A_171] : memref<64x9xf32, #tpu.memory_space<vmem>>, vector<1x1xf32>
      %get3A_173 = vector.extract %get3A_172[0, 0] : f32 from vector<1x1xf32>
      %convert_element_type3A_174 = arith.truncf %get3A_173 : f32 to bf16
      %mul3A_175 = vector.broadcast %convert_element_type3A_174 : bf16 to vector<136x128xbf16>
      %mul3A_176 = arith.mulf %convert_element_type3A_118, %mul3A_175 : vector<136x128xbf16>
      %add3A_177 = arith.addf %add3A_169, %mul3A_176 : vector<136x128xbf16>
      %get3A_178 = arith.constant 0 : index
      %get3A_179 = arith.constant 3 : index
      %get3A_180 = vector.load %arg2[%get3A_178, %get3A_179] : memref<64x9xf32, #tpu.memory_space<vmem>>, vector<1x1xf32>
      %get3A_181 = vector.extract %get3A_180[0, 0] : f32 from vector<1x1xf32>
      %convert_element_type3A_182 = arith.truncf %get3A_181 : f32 to bf16
      %mul3A_183 = vector.broadcast %convert_element_type3A_182 : bf16 to vector<136x128xbf16>
      %mul3A_184 = arith.mulf %convert_element_type3A_124, %mul3A_183 : vector<136x128xbf16>
      %add3A_185 = arith.addf %add3A_177, %mul3A_184 : vector<136x128xbf16>
      %get3A_186 = arith.constant 0 : index
      %get3A_187 = arith.constant 4 : index
      %get3A_188 = vector.load %arg2[%get3A_186, %get3A_187] : memref<64x9xf32, #tpu.memory_space<vmem>>, vector<1x1xf32>
      %get3A_189 = vector.extract %get3A_188[0, 0] : f32 from vector<1x1xf32>
      %convert_element_type3A_190 = arith.truncf %get3A_189 : f32 to bf16
      %mul3A_191 = vector.broadcast %convert_element_type3A_190 : bf16 to vector<136x128xbf16>
      %mul3A_192 = arith.mulf %convert_element_type3A_130, %mul3A_191 : vector<136x128xbf16>
      %add3A_193 = arith.addf %add3A_185, %mul3A_192 : vector<136x128xbf16>
      %get3A_194 = arith.constant 0 : index
      %get3A_195 = arith.constant 5 : index
      %get3A_196 = vector.load %arg2[%get3A_194, %get3A_195] : memref<64x9xf32, #tpu.memory_space<vmem>>, vector<1x1xf32>
      %get3A_197 = vector.extract %get3A_196[0, 0] : f32 from vector<1x1xf32>
      %convert_element_type3A_198 = arith.truncf %get3A_197 : f32 to bf16
      %mul3A_199 = vector.broadcast %convert_element_type3A_198 : bf16 to vector<136x128xbf16>
      %mul3A_200 = arith.mulf %convert_element_type3A_136, %mul3A_199 : vector<136x128xbf16>
      %add3A_201 = arith.addf %add3A_193, %mul3A_200 : vector<136x128xbf16>
      %get3A_202 = arith.constant 0 : index
      %get3A_203 = arith.constant 6 : index
      %get3A_204 = vector.load %arg2[%get3A_202, %get3A_203] : memref<64x9xf32, #tpu.memory_space<vmem>>, vector<1x1xf32>
      %get3A_205 = vector.extract %get3A_204[0, 0] : f32 from vector<1x1xf32>
      %convert_element_type3A_206 = arith.truncf %get3A_205 : f32 to bf16
      %mul3A_207 = vector.broadcast %convert_element_type3A_206 : bf16 to vector<136x128xbf16>
      %mul3A_208 = arith.mulf %convert_element_type3A_142, %mul3A_207 : vector<136x128xbf16>
      %add3A_209 = arith.addf %add3A_201, %mul3A_208 : vector<136x128xbf16>
      %get3A_210 = arith.constant 0 : index
      %get3A_211 = arith.constant 7 : index
      %get3A_212 = vector.load %arg2[%get3A_210, %get3A_211] : memref<64x9xf32, #tpu.memory_space<vmem>>, vector<1x1xf32>
      %get3A_213 = vector.extract %get3A_212[0, 0] : f32 from vector<1x1xf32>
      %convert_element_type3A_214 = arith.truncf %get3A_213 : f32 to bf16
      %mul3A_215 = vector.broadcast %convert_element_type3A_214 : bf16 to vector<136x128xbf16>
      %mul3A_216 = arith.mulf %convert_element_type3A_148, %mul3A_215 : vector<136x128xbf16>
      %add3A_217 = arith.addf %add3A_209, %mul3A_216 : vector<136x128xbf16>
      %get3A_218 = arith.constant 0 : index
      %get3A_219 = arith.constant 8 : index
      %get3A_220 = vector.load %arg2[%get3A_218, %get3A_219] : memref<64x9xf32, #tpu.memory_space<vmem>>, vector<1x1xf32>
      %get3A_221 = vector.extract %get3A_220[0, 0] : f32 from vector<1x1xf32>
      %convert_element_type3A_222 = arith.truncf %get3A_221 : f32 to bf16
      %mul3A_223 = vector.broadcast %convert_element_type3A_222 : bf16 to vector<136x128xbf16>
      %mul3A_224 = arith.mulf %convert_element_type3A_154, %mul3A_223 : vector<136x128xbf16>
      %add3A_225 = arith.addf %add3A_217, %mul3A_224 : vector<136x128xbf16>
      %swap3A_226 = arith.constant 0 : index
      %swap3A_227 = arith.constant 0 : index
      %swap3A_228 = vector.load %arg7[%swap3A_226, %swap3A_227] : memref<137x8192xbf16, #tpu.memory_space<vmem>>, vector<136x128xbf16>
      tpu.vector_store %arg7[%swap3A_226, %swap3A_227], %add3A_225 {strides = array<i32>} : memref<137x8192xbf16, #tpu.memory_space<vmem>>, vector<136x128xbf16>,
      %get3A_229 = arith.constant 1 : index
      %get3A_230 = arith.constant 0 : index
      %get3A_231 = vector.load %arg2[%get3A_229, %get3A_230] : memref<64x9xf32, #tpu.memory_space<vmem>>, vector<1x1xf32>
      %get3A_232 = vector.extract %get3A_231[0, 0] : f32 from vector<1x1xf32>
      %convert_element_type3A_233 = arith.truncf %get3A_232 : f32 to bf16
      %mul3A_234 = vector.broadcast %convert_element_type3A_233 : bf16 to vector<136x128xbf16>
      %mul3A_235 = arith.mulf %convert_element_type3A_106, %mul3A_234 : vector<136x128xbf16>
      %get3A_236 = arith.constant 1 : index
      %get3A_237 = arith.constant 1 : index
      %get3A_238 = vector.load %arg2[%get3A_236, %get3A_237] : memref<64x9xf32, #tpu.memory_space<vmem>>, vector<1x1xf32>
      %get3A_239 = vector.extract %get3A_238[0, 0] : f32 from vector<1x1xf32>
      %convert_element_type3A_240 = arith.truncf %get3A_239 : f32 to bf16
      %mul3A_241 = vector.broadcast %convert_element_type3A_240 : bf16 to vector<136x128xbf16>
      %mul3A_242 = arith.mulf %convert_element_type3A_112, %mul3A_241 : vector<136x128xbf16>
      %add3A_243 = arith.addf %mul3A_235, %mul3A_242 : vector<136x128xbf16>
      %get3A_244 = arith.constant 1 : index
      %get3A_245 = arith.constant 2 : index
      %get3A_246 = vector.load %arg2[%get3A_244, %get3A_245] : memref<64x9xf32, #tpu.memory_space<vmem>>, vector<1x1xf32>
      %get3A_247 = vector.extract %get3A_246[0, 0] : f32 from vector<1x1xf32>
      %convert_element_type3A_248 = arith.truncf %get3A_247 : f32 to bf16
      %mul3A_249 = vector.broadcast %convert_element_type3A_248 : bf16 to vector<136x128xbf16>
      %mul3A_250 = arith.mulf %convert_element_type3A_118, %mul3A_249 : vector<136x128xbf16>
      %add3A_251 = arith.addf %add3A_243, %mul3A_250 : vector<136x128xbf16>
      %get3A_252 = arith.constant 1 : index
      %get3A_253 = arith.constant 3 : index
      %get3A_254 = vector.load %arg2[%get3A_252, %get3A_253] : memref<64x9xf32, #tpu.memory_space<vmem>>, vector<1x1xf32>
      %get3A_255 = vector.extract %get3A_254[0, 0] : f32 from vector<1x1xf32>
      %convert_element_type3A_256 = arith.truncf %get3A_255 : f32 to bf16
      %mul3A_257 = vector.broadcast %convert_element_type3A_256 : bf16 to vector<136x128xbf16>
      %mul3A_258 = arith.mulf %convert_element_type3A_124, %mul3A_257 : vector<136x128xbf16>
      %add3A_259 = arith.addf %add3A_251, %mul3A_258 : vector<136x128xbf16>
      %get3A_260 = arith.constant 1 : index
      %get3A_261 = arith.constant 4 : index
      %get3A_262 = vector.load %arg2[%get3A_260, %get3A_261] : memref<64x9xf32, #tpu.memory_space<vmem>>, vector<1x1xf32>
      %get3A_263 = vector.extract %get3A_262[0, 0] : f32 from vector<1x1xf32>
      %convert_element_type3A_264 = arith.truncf %get3A_263 : f32 to bf16
      %mul3A_265 = vector.broadcast %convert_element_type3A_264 : bf16 to vector<136x128xbf16>
      %mul3A_266 = arith.mulf %convert_element_type3A_130, %mul3A_265 : vector<136x128xbf16>
      %add3A_267 = arith.addf %add3A_259, %mul3A_266 : vector<136x128xbf16>
      %get3A_268 = arith.constant 1 : index
      %get3A_269 = arith.constant 5 : index
      %get3A_270 = vector.load %arg2[%get3A_268, %get3A_269] : memref<64x9xf32, #tpu.memory_space<vmem>>, vector<1x1xf32>
      %get3A_271 = vector.extract %get3A_270[0, 0] : f32 from vector<1x1xf32>
      %convert_element_type3A_272 = arith.truncf %get3A_271 : f32 to bf16
      %mul3A_273 = vector.broadcast %convert_element_type3A_272 : bf16 to vector<136x128xbf16>
      %mul3A_274 = arith.mulf %convert_element_type3A_136, %mul3A_273 : vector<136x128xbf16>
      %add3A_275 = arith.addf %add3A_267, %mul3A_274 : vector<136x128xbf16>
      %get3A_276 = arith.constant 1 : index
      %get3A_277 = arith.constant 6 : index
      %get3A_278 = vector.load %arg2[%get3A_276, %get3A_277] : memref<64x9xf32, #tpu.memory_space<vmem>>, vector<1x1xf32>
      %get3A_279 = vector.extract %get3A_278[0, 0] : f32 from vector<1x1xf32>
      %convert_element_type3A_280 = arith.truncf %get3A_279 : f32 to bf16
      %mul3A_281 = vector.broadcast %convert_element_type3A_280 : bf16 to vector<136x128xbf16>
      %mul3A_282 = arith.mulf %convert_element_type3A_142, %mul3A_281 : vector<136x128xbf16>
      %add3A_283 = arith.addf %add3A_275, %mul3A_282 : vector<136x128xbf16>
      %get3A_284 = arith.constant 1 : index
      %get3A_285 = arith.constant 7 : index
      %get3A_286 = vector.load %arg2[%get3A_284, %get3A_285] : memref<64x9xf32, #tpu.memory_space<vmem>>, vector<1x1xf32>
      %get3A_287 = vector.extract %get3A_286[0, 0] : f32 from vector<1x1xf32>
      %convert_element_type3A_288 = arith.truncf %get3A_287 : f32 to bf16
      %mul3A_289 = vector.broadcast %convert_element_type3A_288 : bf16 to vector<136x128xbf16>
      %mul3A_290 = arith.mulf %convert_element_type3A_148, %mul3A_289 : vector<136x128xbf16>
      %add3A_291 = arith.addf %add3A_283, %mul3A_290 : vector<136x128xbf16>
      %get3A_292 = arith.constant 1 : index
      %get3A_293 = arith.constant 8 : index
      %get3A_294 = vector.load %arg2[%get3A_292, %get3A_293] : memref<64x9xf32, #tpu.memory_space<vmem>>, vector<1x1xf32>
      %get3A_295 = vector.extract %get3A_294[0, 0] : f32 from vector<1x1xf32>
      %convert_element_type3A_296 = arith.truncf %get3A_295 : f32 to bf16
      %mul3A_297 = vector.broadcast %convert_element_type3A_296 : bf16 to vector<136x128xbf16>
      %mul3A_298 = arith.mulf %convert_element_type3A_154, %mul3A_297 : vector<136x128xbf16>
      %add3A_299 = arith.addf %add3A_291, %mul3A_298 : vector<136x128xbf16>
      %swap3A_300 = arith.constant 0 : index
      %swap3A_301 = arith.constant 128 : index
      %swap3A_302 = vector.load %arg7[%swap3A_300, %swap3A_301] : memref<137x8192xbf16, #tpu.memory_space<vmem>>, vector<136x128xbf16>
      tpu.vector_store %arg7[%swap3A_300, %swap3A_301], %add3A_299 {strides = array<i32>} : memref<137x8192xbf16, #tpu.memory_space<vmem>>, vector<136x128xbf16>,
      %get3A_303 = arith.constant 2 : index
      %get3A_304 = arith.constant 0 : index
      %get3A_305 = vector.load %arg2[%get3A_303, %get3A_304] : memref<64x9xf32, #tpu.memory_space<vmem>>, vector<1x1xf32>
      %get3A_306 = vector.extract %get3A_305[0, 0] : f32 from vector<1x1xf32>
      %convert_element_type3A_307 = arith.truncf %get3A_306 : f32 to bf16
      %mul3A_308 = vector.broadcast %convert_element_type3A_307 : bf16 to vector<136x128xbf16>
      %mul3A_309 = arith.mulf %convert_element_type3A_106, %mul3A_308 : vector<136x128xbf16>
      %get3A_310 = arith.constant 2 : index
      %get3A_311 = arith.constant 1 : index
      %get3A_312 = vector.load %arg2[%get3A_310, %get3A_311] : memref<64x9xf32, #tpu.memory_space<vmem>>, vector<1x1xf32>
      %get3A_313 = vector.extract %get3A_312[0, 0] : f32 from vector<1x1xf32>
      %convert_element_type3A_314 = arith.truncf %get3A_313 : f32 to bf16
      %mul3A_315 = vector.broadcast %convert_element_type3A_314 : bf16 to vector<136x128xbf16>
      %mul3A_316 = arith.mulf %convert_element_type3A_112, %mul3A_315 : vector<136x128xbf16>
      %add3A_317 = arith.addf %mul3A_309, %mul3A_316 : vector<136x128xbf16>
      %get3A_318 = arith.constant 2 : index
      %get3A_319 = arith.constant 2 : index
      %get3A_320 = vector.load %arg2[%get3A_318, %get3A_319] : memref<64x9xf32, #tpu.memory_space<vmem>>, vector<1x1xf32>
      %get3A_321 = vector.extract %get3A_320[0, 0] : f32 from vector<1x1xf32>
      %convert_element_type3A_322 = arith.truncf %get3A_321 : f32 to bf16
      %mul3A_323 = vector.broadcast %convert_element_type3A_322 : bf16 to vector<136x128xbf16>
      %mul3A_324 = arith.mulf %convert_element_type3A_118, %mul3A_323 : vector<136x128xbf16>
      %add3A_325 = arith.addf %add3A_317, %mul3A_324 : vector<136x128xbf16>
      %get3A_326 = arith.constant 2 : index
      %get3A_327 = arith.constant 3 : index
      %get3A_328 = vector.load %arg2[%get3A_326, %get3A_327] : memref<64x9xf32, #tpu.memory_space<vmem>>, vector<1x1xf32>
      %get3A_329 = vector.extract %get3A_328[0, 0] : f32 from vector<1x1xf32>
      %convert_element_type3A_330 = arith.truncf %get3A_329 : f32 to bf16
      %mul3A_331 = vector.broadcast %convert_element_type3A_330 : bf16 to vector<136x128xbf16>
      %mul3A_332 = arith.mulf %convert_element_type3A_124, %mul3A_331 : vector<136x128xbf16>
      %add3A_333 = arith.addf %add3A_325, %mul3A_332 : vector<136x128xbf16>
      %get3A_334 = arith.constant 2 : index
      %get3A_335 = arith.constant 4 : index
      %get3A_336 = vector.load %arg2[%get3A_334, %get3A_335] : memref<64x9xf32, #tpu.memory_space<vmem>>, vector<1x1xf32>
      %get3A_337 = vector.extract %get3A_336[0, 0] : f32 from vector<1x1xf32>
      %convert_element_type3A_338 = arith.truncf %get3A_337 : f32 to bf16
      %mul3A_339 = vector.broadcast %convert_element_type3A_338 : bf16 to vector<136x128xbf16>
      %mul3A_340 = arith.mulf %convert_element_type3A_130, %mul3A_339 : vector<136x128xbf16>
      %add3A_341 = arith.addf %add3A_333, %mul3A_340 : vector<136x128xbf16>
      %get3A_342 = arith.constant 2 : index
      %get3A_343 = arith.constant 5 : index
      %get3A_344 = vector.load %arg2[%get3A_342, %get3A_343] : memref<64x9xf32, #tpu.memory_space<vmem>>, vector<1x1xf32>
      %get3A_345 = vector.extract %get3A_344[0, 0] : f32 from vector<1x1xf32>
      %convert_element_type3A_346 = arith.truncf %get3A_345 : f32 to bf16
      %mul3A_347 = vector.broadcast %convert_element_type3A_346 : bf16 to vector<136x128xbf16>
      %mul3A_348 = arith.mulf %convert_element_type3A_136, %mul3A_347 : vector<136x128xbf16>
      %add3A_349 = arith.addf %add3A_341, %mul3A_348 : vector<136x128xbf16>
      %get3A_350 = arith.constant 2 : index
      %get3A_351 = arith.constant 6 : index
      %get3A_352 = vector.load %arg2[%get3A_350, %get3A_351] : memref<64x9xf32, #tpu.memory_space<vmem>>, vector<1x1xf32>
      %get3A_353 = vector.extract %get3A_352[0, 0] : f32 from vector<1x1xf32>
      %convert_element_type3A_354 = arith.truncf %get3A_353 : f32 to bf16
      %mul3A_355 = vector.broadcast %convert_element_type3A_354 : bf16 to vector<136x128xbf16>
      %mul3A_356 = arith.mulf %convert_element_type3A_142, %mul3A_355 : vector<136x128xbf16>
      %add3A_357 = arith.addf %add3A_349, %mul3A_356 : vector<136x128xbf16>
      %get3A_358 = arith.constant 2 : index
      %get3A_359 = arith.constant 7 : index
      %get3A_360 = vector.load %arg2[%get3A_358, %get3A_359] : memref<64x9xf32, #tpu.memory_space<vmem>>, vector<1x1xf32>
      %get3A_361 = vector.extract %get3A_360[0, 0] : f32 from vector<1x1xf32>
      %convert_element_type3A_362 = arith.truncf %get3A_361 : f32 to bf16
      %mul3A_363 = vector.broadcast %convert_element_type3A_362 : bf16 to vector<136x128xbf16>
      %mul3A_364 = arith.mulf %convert_element_type3A_148, %mul3A_363 : vector<136x128xbf16>
      %add3A_365 = arith.addf %add3A_357, %mul3A_364 : vector<136x128xbf16>
      %get3A_366 = arith.constant 2 : index
      %get3A_367 = arith.constant 8 : index
      %get3A_368 = vector.load %arg2[%get3A_366, %get3A_367] : memref<64x9xf32, #tpu.memory_space<vmem>>, vector<1x1xf32>
      %get3A_369 = vector.extract %get3A_368[0, 0] : f32 from vector<1x1xf32>
      %convert_element_type3A_370 = arith.truncf %get3A_369 : f32 to bf16
      %mul3A_371 = vector.broadcast %convert_element_type3A_370 : bf16 to vector<136x128xbf16>
      %mul3A_372 = arith.mulf %convert_element_type3A_154, %mul3A_371 : vector<136x128xbf16>
      %add3A_373 = arith.addf %add3A_365, %mul3A_372 : vector<136x128xbf16>
      %swap3A_374 = arith.constant 0 : index
      %swap3A_375 = arith.constant 256 : index
      %swap3A_376 = vector.load %arg7[%swap3A_374, %swap3A_375] : memref<137x8192xbf16, #tpu.memory_space<vmem>>, vector<136x128xbf16>
      tpu.vector_store %arg7[%swap3A_374, %swap3A_375], %add3A_373 {strides = array<i32>} : memref<137x8192xbf16, #tpu.memory_space<vmem>>, vector<136x128xbf16>,
      %get3A_377 = arith.constant 3 : index
      %get3A_378 = arith.constant 0 : index
      %get3A_379 = vector.load %arg2[%get3A_377, %get3A_378] : memref<64x9xf32, #tpu.memory_space<vmem>>, vector<1x1xf32>
      %get3A_380 = vector.extract %get3A_379[0, 0] : f32 from vector<1x1xf32>
      %convert_element_type3A_381 = arith.truncf %get3A_380 : f32 to bf16
      %mul3A_382 = vector.broadcast %convert_element_type3A_381 : bf16 to vector<136x128xbf16>
      %mul3A_383 = arith.mulf %convert_element_type3A_106, %mul3A_382 : vector<136x128xbf16>
      %get3A_384 = arith.constant 3 : index
      %get3A_385 = arith.constant 1 : index
      %get3A_386 = vector.load %arg2[%get3A_384, %get3A_385] : memref<64x9xf32, #tpu.memory_space<vmem>>, vector<1x1xf32>
      %get3A_387 = vector.extract %get3A_386[0, 0] : f32 from vector<1x1xf32>
      %convert_element_type3A_388 = arith.truncf %get3A_387 : f32 to bf16
      %mul3A_389 = vector.broadcast %convert_element_type3A_388 : bf16 to vector<136x128xbf16>
      %mul3A_390 = arith.mulf %convert_element_type3A_112, %mul3A_389 : vector<136x128xbf16>
      %add3A_391 = arith.addf %mul3A_383, %mul3A_390 : vector<136x128xbf16>
      %get3A_392 = arith.constant 3 : index
      %get3A_393 = arith.constant 2 : index
      %get3A_394 = vector.load %arg2[%get3A_392, %get3A_393] : memref<64x9xf32, #tpu.memory_space<vmem>>, vector<1x1xf32>
      %get3A_395 = vector.extract %get3A_394[0, 0] : f32 from vector<1x1xf32>
      %convert_element_type3A_396 = arith.truncf %get3A_395 : f32 to bf16
      %mul3A_397 = vector.broadcast %convert_element_type3A_396 : bf16 to vector<136x128xbf16>
      %mul3A_398 = arith.mulf %convert_element_type3A_118, %mul3A_397 : vector<136x128xbf16>
      %add3A_399 = arith.addf %add3A_391, %mul3A_398 : vector<136x128xbf16>
      %get3A_400 = arith.constant 3 : index
      %get3A_401 = arith.constant 3 : index
      %get3A_402 = vector.load %arg2[%get3A_400, %get3A_401] : memref<64x9xf32, #tpu.memory_space<vmem>>, vector<1x1xf32>
      %get3A_403 = vector.extract %get3A_402[0, 0] : f32 from vector<1x1xf32>
      %convert_element_type3A_404 = arith.truncf %get3A_403 : f32 to bf16
      %mul3A_405 = vector.broadcast %convert_element_type3A_404 : bf16 to vector<136x128xbf16>
      %mul3A_406 = arith.mulf %convert_element_type3A_124, %mul3A_405 : vector<136x128xbf16>
      %add3A_407 = arith.addf %add3A_399, %mul3A_406 : vector<136x128xbf16>
      %get3A_408 = arith.constant 3 : index
      %get3A_409 = arith.constant 4 : index
      %get3A_410 = vector.load %arg2[%get3A_408, %get3A_409] : memref<64x9xf32, #tpu.memory_space<vmem>>, vector<1x1xf32>
      %get3A_411 = vector.extract %get3A_410[0, 0] : f32 from vector<1x1xf32>
      %convert_element_type3A_412 = arith.truncf %get3A_411 : f32 to bf16
      %mul3A_413 = vector.broadcast %convert_element_type3A_412 : bf16 to vector<136x128xbf16>
      %mul3A_414 = arith.mulf %convert_element_type3A_130, %mul3A_413 : vector<136x128xbf16>
      %add3A_415 = arith.addf %add3A_407, %mul3A_414 : vector<136x128xbf16>
      %get3A_416 = arith.constant 3 : index
      %get3A_417 = arith.constant 5 : index
      %get3A_418 = vector.load %arg2[%get3A_416, %get3A_417] : memref<64x9xf32, #tpu.memory_space<vmem>>, vector<1x1xf32>
      %get3A_419 = vector.extract %get3A_418[0, 0] : f32 from vector<1x1xf32>
      %convert_element_type3A_420 = arith.truncf %get3A_419 : f32 to bf16
      %mul3A_421 = vector.broadcast %convert_element_type3A_420 : bf16 to vector<136x128xbf16>
      %mul3A_422 = arith.mulf %convert_element_type3A_136, %mul3A_421 : vector<136x128xbf16>
      %add3A_423 = arith.addf %add3A_415, %mul3A_422 : vector<136x128xbf16>
      %get3A_424 = arith.constant 3 : index
      %get3A_425 = arith.constant 6 : index
      %get3A_426 = vector.load %arg2[%get3A_424, %get3A_425] : memref<64x9xf32, #tpu.memory_space<vmem>>, vector<1x1xf32>
      %get3A_427 = vector.extract %get3A_426[0, 0] : f32 from vector<1x1xf32>
      %convert_element_type3A_428 = arith.truncf %get3A_427 : f32 to bf16
      %mul3A_429 = vector.broadcast %convert_element_type3A_428 : bf16 to vector<136x128xbf16>
      %mul3A_430 = arith.mulf %convert_element_type3A_142, %mul3A_429 : vector<136x128xbf16>
      %add3A_431 = arith.addf %add3A_423, %mul3A_430 : vector<136x128xbf16>
      %get3A_432 = arith.constant 3 : index
      %get3A_433 = arith.constant 7 : index
      %get3A_434 = vector.load %arg2[%get3A_432, %get3A_433] : memref<64x9xf32, #tpu.memory_space<vmem>>, vector<1x1xf32>
      %get3A_435 = vector.extract %get3A_434[0, 0] : f32 from vector<1x1xf32>
      %convert_element_type3A_436 = arith.truncf %get3A_435 : f32 to bf16
      %mul3A_437 = vector.broadcast %convert_element_type3A_436 : bf16 to vector<136x128xbf16>
      %mul3A_438 = arith.mulf %convert_element_type3A_148, %mul3A_437 : vector<136x128xbf16>
      %add3A_439 = arith.addf %add3A_431, %mul3A_438 : vector<136x128xbf16>
      %get3A_440 = arith.constant 3 : index
      %get3A_441 = arith.constant 8 : index
      %get3A_442 = vector.load %arg2[%get3A_440, %get3A_441] : memref<64x9xf32, #tpu.memory_space<vmem>>, vector<1x1xf32>
      %get3A_443 = vector.extract %get3A_442[0, 0] : f32 from vector<1x1xf32>
      %convert_element_type3A_444 = arith.truncf %get3A_443 : f32 to bf16
      %mul3A_445 = vector.broadcast %convert_element_type3A_444 : bf16 to vector<136x128xbf16>
      %mul3A_446 = arith.mulf %convert_element_type3A_154, %mul3A_445 : vector<136x128xbf16>
      %add3A_447 = arith.addf %add3A_439, %mul3A_446 : vector<136x128xbf16>
      %swap3A_448 = arith.constant 0 : index
      %swap3A_449 = arith.constant 384 : index
      %swap3A_450 = vector.load %arg7[%swap3A_448, %swap3A_449] : memref<137x8192xbf16, #tpu.memory_space<vmem>>, vector<136x128xbf16>
      tpu.vector_store %arg7[%swap3A_448, %swap3A_449], %add3A_447 {strides = array<i32>} : memref<137x8192xbf16, #tpu.memory_space<vmem>>, vector<136x128xbf16>,
      %get3A_451 = arith.constant 4 : index
      %get3A_452 = arith.constant 0 : index
      %get3A_453 = vector.load %arg2[%get3A_451, %get3A_452] : memref<64x9xf32, #tpu.memory_space<vmem>>, vector<1x1xf32>
      %get3A_454 = vector.extract %get3A_453[0, 0] : f32 from vector<1x1xf32>
      %convert_element_type3A_455 = arith.truncf %get3A_454 : f32 to bf16
      %mul3A_456 = vector.broadcast %convert_element_type3A_455 : bf16 to vector<136x128xbf16>
      %mul3A_457 = arith.mulf %convert_element_type3A_106, %mul3A_456 : vector<136x128xbf16>
      %get3A_458 = arith.constant 4 : index
      %get3A_459 = arith.constant 1 : index
      %get3A_460 = vector.load %arg2[%get3A_458, %get3A_459] : memref<64x9xf32, #tpu.memory_space<vmem>>, vector<1x1xf32>
      %get3A_461 = vector.extract %get3A_460[0, 0] : f32 from vector<1x1xf32>
      %convert_element_type3A_462 = arith.truncf %get3A_461 : f32 to bf16
      %mul3A_463 = vector.broadcast %convert_element_type3A_462 : bf16 to vector<136x128xbf16>
      %mul3A_464 = arith.mulf %convert_element_type3A_112, %mul3A_463 : vector<136x128xbf16>
      %add3A_465 = arith.addf %mul3A_457, %mul3A_464 : vector<136x128xbf16>
      %get3A_466 = arith.constant 4 : index
      %get3A_467 = arith.constant 2 : index
      %get3A_468 = vector.load %arg2[%get3A_466, %get3A_467] : memref<64x9xf32, #tpu.memory_space<vmem>>, vector<1x1xf32>
      %get3A_469 = vector.extract %get3A_468[0, 0] : f32 from vector<1x1xf32>
      %convert_element_type3A_470 = arith.truncf %get3A_469 : f32 to bf16
      %mul3A_471 = vector.broadcast %convert_element_type3A_470 : bf16 to vector<136x128xbf16>
      %mul3A_472 = arith.mulf %convert_element_type3A_118, %mul3A_471 : vector<136x128xbf16>
      %add3A_473 = arith.addf %add3A_465, %mul3A_472 : vector<136x128xbf16>
      %get3A_474 = arith.constant 4 : index
      %get3A_475 = arith.constant 3 : index
      %get3A_476 = vector.load %arg2[%get3A_474, %get3A_475] : memref<64x9xf32, #tpu.memory_space<vmem>>, vector<1x1xf32>
      %get3A_477 = vector.extract %get3A_476[0, 0] : f32 from vector<1x1xf32>
      %convert_element_type3A_478 = arith.truncf %get3A_477 : f32 to bf16
      %mul3A_479 = vector.broadcast %convert_element_type3A_478 : bf16 to vector<136x128xbf16>
      %mul3A_480 = arith.mulf %convert_element_type3A_124, %mul3A_479 : vector<136x128xbf16>
      %add3A_481 = arith.addf %add3A_473, %mul3A_480 : vector<136x128xbf16>
      %get3A_482 = arith.constant 4 : index
      %get3A_483 = arith.constant 4 : index
      %get3A_484 = vector.load %arg2[%get3A_482, %get3A_483] : memref<64x9xf32, #tpu.memory_space<vmem>>, vector<1x1xf32>
      %get3A_485 = vector.extract %get3A_484[0, 0] : f32 from vector<1x1xf32>
      %convert_element_type3A_486 = arith.truncf %get3A_485 : f32 to bf16
      %mul3A_487 = vector.broadcast %convert_element_type3A_486 : bf16 to vector<136x128xbf16>
      %mul3A_488 = arith.mulf %convert_element_type3A_130, %mul3A_487 : vector<136x128xbf16>
      %add3A_489 = arith.addf %add3A_481, %mul3A_488 : vector<136x128xbf16>
      %get3A_490 = arith.constant 4 : index
      %get3A_491 = arith.constant 5 : index
      %get3A_492 = vector.load %arg2[%get3A_490, %get3A_491] : memref<64x9xf32, #tpu.memory_space<vmem>>, vector<1x1xf32>
      %get3A_493 = vector.extract %get3A_492[0, 0] : f32 from vector<1x1xf32>
      %convert_element_type3A_494 = arith.truncf %get3A_493 : f32 to bf16
      %mul3A_495 = vector.broadcast %convert_element_type3A_494 : bf16 to vector<136x128xbf16>
      %mul3A_496 = arith.mulf %convert_element_type3A_136, %mul3A_495 : vector<136x128xbf16>
      %add3A_497 = arith.addf %add3A_489, %mul3A_496 : vector<136x128xbf16>
      %get3A_498 = arith.constant 4 : index
      %get3A_499 = arith.constant 6 : index
      %get3A_500 = vector.load %arg2[%get3A_498, %get3A_499] : memref<64x9xf32, #tpu.memory_space<vmem>>, vector<1x1xf32>
      %get3A_501 = vector.extract %get3A_500[0, 0] : f32 from vector<1x1xf32>
      %convert_element_type3A_502 = arith.truncf %get3A_501 : f32 to bf16
      %mul3A_503 = vector.broadcast %convert_element_type3A_502 : bf16 to vector<136x128xbf16>
      %mul3A_504 = arith.mulf %convert_element_type3A_142, %mul3A_503 : vector<136x128xbf16>
      %add3A_505 = arith.addf %add3A_497, %mul3A_504 : vector<136x128xbf16>
      %get3A_506 = arith.constant 4 : index
      %get3A_507 = arith.constant 7 : index
      %get3A_508 = vector.load %arg2[%get3A_506, %get3A_507] : memref<64x9xf32, #tpu.memory_space<vmem>>, vector<1x1xf32>
      %get3A_509 = vector.extract %get3A_508[0, 0] : f32 from vector<1x1xf32>
      %convert_element_type3A_510 = arith.truncf %get3A_509 : f32 to bf16
      %mul3A_511 = vector.broadcast %convert_element_type3A_510 : bf16 to vector<136x128xbf16>
      %mul3A_512 = arith.mulf %convert_element_type3A_148, %mul3A_511 : vector<136x128xbf16>
      %add3A_513 = arith.addf %add3A_505, %mul3A_512 : vector<136x128xbf16>
      %get3A_514 = arith.constant 4 : index
      %get3A_515 = arith.constant 8 : index
      %get3A_516 = vector.load %arg2[%get3A_514, %get3A_515] : memref<64x9xf32, #tpu.memory_space<vmem>>, vector<1x1xf32>
      %get3A_517 = vector.extract %get3A_516[0, 0] : f32 from vector<1x1xf32>
      %convert_element_type3A_518 = arith.truncf %get3A_517 : f32 to bf16
      %mul3A_519 = vector.broadcast %convert_element_type3A_518 : bf16 to vector<136x128xbf16>
      %mul3A_520 = arith.mulf %convert_element_type3A_154, %mul3A_519 : vector<136x128xbf16>
      %add3A_521 = arith.addf %add3A_513, %mul3A_520 : vector<136x128xbf16>
      %swap3A_522 = arith.constant 0 : index
      %swap3A_523 = arith.constant 512 : index
      %swap3A_524 = vector.load %arg7[%swap3A_522, %swap3A_523] : memref<137x8192xbf16, #tpu.memory_space<vmem>>, vector<136x128xbf16>
      tpu.vector_store %arg7[%swap3A_522, %swap3A_523], %add3A_521 {strides = array<i32>} : memref<137x8192xbf16, #tpu.memory_space<vmem>>, vector<136x128xbf16>,
      %get3A_525 = arith.constant 5 : index
      %get3A_526 = arith.constant 0 : index
      %get3A_527 = vector.load %arg2[%get3A_525, %get3A_526] : memref<64x9xf32, #tpu.memory_space<vmem>>, vector<1x1xf32>
      %get3A_528 = vector.extract %get3A_527[0, 0] : f32 from vector<1x1xf32>
      %convert_element_type3A_529 = arith.truncf %get3A_528 : f32 to bf16
      %mul3A_530 = vector.broadcast %convert_element_type3A_529 : bf16 to vector<136x128xbf16>
      %mul3A_531 = arith.mulf %convert_element_type3A_106, %mul3A_530 : vector<136x128xbf16>
      %get3A_532 = arith.constant 5 : index
      %get3A_533 = arith.constant 1 : index
      %get3A_534 = vector.load %arg2[%get3A_532, %get3A_533] : memref<64x9xf32, #tpu.memory_space<vmem>>, vector<1x1xf32>
      %get3A_535 = vector.extract %get3A_534[0, 0] : f32 from vector<1x1xf32>
      %convert_element_type3A_536 = arith.truncf %get3A_535 : f32 to bf16
      %mul3A_537 = vector.broadcast %convert_element_type3A_536 : bf16 to vector<136x128xbf16>
      %mul3A_538 = arith.mulf %convert_element_type3A_112, %mul3A_537 : vector<136x128xbf16>
      %add3A_539 = arith.addf %mul3A_531, %mul3A_538 : vector<136x128xbf16>
      %get3A_540 = arith.constant 5 : index
      %get3A_541 = arith.constant 2 : index
      %get3A_542 = vector.load %arg2[%get3A_540, %get3A_541] : memref<64x9xf32, #tpu.memory_space<vmem>>, vector<1x1xf32>
      %get3A_543 = vector.extract %get3A_542[0, 0] : f32 from vector<1x1xf32>
      %convert_element_type3A_544 = arith.truncf %get3A_543 : f32 to bf16
      %mul3A_545 = vector.broadcast %convert_element_type3A_544 : bf16 to vector<136x128xbf16>
      %mul3A_546 = arith.mulf %convert_element_type3A_118, %mul3A_545 : vector<136x128xbf16>
      %add3A_547 = arith.addf %add3A_539, %mul3A_546 : vector<136x128xbf16>
      %get3A_548 = arith.constant 5 : index
      %get3A_549 = arith.constant 3 : index
      %get3A_550 = vector.load %arg2[%get3A_548, %get3A_549] : memref<64x9xf32, #tpu.memory_space<vmem>>, vector<1x1xf32>
      %get3A_551 = vector.extract %get3A_550[0, 0] : f32 from vector<1x1xf32>
      %convert_element_type3A_552 = arith.truncf %get3A_551 : f32 to bf16
      %mul3A_553 = vector.broadcast %convert_element_type3A_552 : bf16 to vector<136x128xbf16>
      %mul3A_554 = arith.mulf %convert_element_type3A_124, %mul3A_553 : vector<136x128xbf16>
      %add3A_555 = arith.addf %add3A_547, %mul3A_554 : vector<136x128xbf16>
      %get3A_556 = arith.constant 5 : index
      %get3A_557 = arith.constant 4 : index
      %get3A_558 = vector.load %arg2[%get3A_556, %get3A_557] : memref<64x9xf32, #tpu.memory_space<vmem>>, vector<1x1xf32>
      %get3A_559 = vector.extract %get3A_558[0, 0] : f32 from vector<1x1xf32>
      %convert_element_type3A_560 = arith.truncf %get3A_559 : f32 to bf16
      %mul3A_561 = vector.broadcast %convert_element_type3A_560 : bf16 to vector<136x128xbf16>
      %mul3A_562 = arith.mulf %convert_element_type3A_130, %mul3A_561 : vector<136x128xbf16>
      %add3A_563 = arith.addf %add3A_555, %mul3A_562 : vector<136x128xbf16>
      %get3A_564 = arith.constant 5 : index
      %get3A_565 = arith.constant 5 : index
      %get3A_566 = vector.load %arg2[%get3A_564, %get3A_565] : memref<64x9xf32, #tpu.memory_space<vmem>>, vector<1x1xf32>
      %get3A_567 = vector.extract %get3A_566[0, 0] : f32 from vector<1x1xf32>
      %convert_element_type3A_568 = arith.truncf %get3A_567 : f32 to bf16
      %mul3A_569 = vector.broadcast %convert_element_type3A_568 : bf16 to vector<136x128xbf16>
      %mul3A_570 = arith.mulf %convert_element_type3A_136, %mul3A_569 : vector<136x128xbf16>
      %add3A_571 = arith.addf %add3A_563, %mul3A_570 : vector<136x128xbf16>
      %get3A_572 = arith.constant 5 : index
      %get3A_573 = arith.constant 6 : index
      %get3A_574 = vector.load %arg2[%get3A_572, %get3A_573] : memref<64x9xf32, #tpu.memory_space<vmem>>, vector<1x1xf32>
      %get3A_575 = vector.extract %get3A_574[0, 0] : f32 from vector<1x1xf32>
      %convert_element_type3A_576 = arith.truncf %get3A_575 : f32 to bf16
      %mul3A_577 = vector.broadcast %convert_element_type3A_576 : bf16 to vector<136x128xbf16>
      %mul3A_578 = arith.mulf %convert_element_type3A_142, %mul3A_577 : vector<136x128xbf16>
      %add3A_579 = arith.addf %add3A_571, %mul3A_578 : vector<136x128xbf16>
      %get3A_580 = arith.constant 5 : index
      %get3A_581 = arith.constant 7 : index
      %get3A_582 = vector.load %arg2[%get3A_580, %get3A_581] : memref<64x9xf32, #tpu.memory_space<vmem>>, vector<1x1xf32>
      %get3A_583 = vector.extract %get3A_582[0, 0] : f32 from vector<1x1xf32>
      %convert_element_type3A_584 = arith.truncf %get3A_583 : f32 to bf16
      %mul3A_585 = vector.broadcast %convert_element_type3A_584 : bf16 to vector<136x128xbf16>
      %mul3A_586 = arith.mulf %convert_element_type3A_148, %mul3A_585 : vector<136x128xbf16>
      %add3A_587 = arith.addf %add3A_579, %mul3A_586 : vector<136x128xbf16>
      %get3A_588 = arith.constant 5 : index
      %get3A_589 = arith.constant 8 : index
      %get3A_590 = vector.load %arg2[%get3A_588, %get3A_589] : memref<64x9xf32, #tpu.memory_space<vmem>>, vector<1x1xf32>
      %get3A_591 = vector.extract %get3A_590[0, 0] : f32 from vector<1x1xf32>
      %convert_element_type3A_592 = arith.truncf %get3A_591 : f32 to bf16
      %mul3A_593 = vector.broadcast %convert_element_type3A_592 : bf16 to vector<136x128xbf16>
      %mul3A_594 = arith.mulf %convert_element_type3A_154, %mul3A_593 : vector<136x128xbf16>
      %add3A_595 = arith.addf %add3A_587, %mul3A_594 : vector<136x128xbf16>
      %swap3A_596 = arith.constant 0 : index
      %swap3A_597 = arith.constant 640 : index
      %swap3A_598 = vector.load %arg7[%swap3A_596, %swap3A_597] : memref<137x8192xbf16, #tpu.memory_space<vmem>>, vector<136x128xbf16>
      tpu.vector_store %arg7[%swap3A_596, %swap3A_597], %add3A_595 {strides = array<i32>} : memref<137x8192xbf16, #tpu.memory_space<vmem>>, vector<136x128xbf16>,
      %get3A_599 = arith.constant 6 : index
      %get3A_600 = arith.constant 0 : index
      %get3A_601 = vector.load %arg2[%get3A_599, %get3A_600] : memref<64x9xf32, #tpu.memory_space<vmem>>, vector<1x1xf32>
      %get3A_602 = vector.extract %get3A_601[0, 0] : f32 from vector<1x1xf32>
      %convert_element_type3A_603 = arith.truncf %get3A_602 : f32 to bf16
      %mul3A_604 = vector.broadcast %convert_element_type3A_603 : bf16 to vector<136x128xbf16>
      %mul3A_605 = arith.mulf %convert_element_type3A_106, %mul3A_604 : vector<136x128xbf16>
      %get3A_606 = arith.constant 6 : index
      %get3A_607 = arith.constant 1 : index
      %get3A_608 = vector.load %arg2[%get3A_606, %get3A_607] : memref<64x9xf32, #tpu.memory_space<vmem>>, vector<1x1xf32>
      %get3A_609 = vector.extract %get3A_608[0, 0] : f32 from vector<1x1xf32>
      %convert_element_type3A_610 = arith.truncf %get3A_609 : f32 to bf16
      %mul3A_611 = vector.broadcast %convert_element_type3A_610 : bf16 to vector<136x128xbf16>
      %mul3A_612 = arith.mulf %convert_element_type3A_112, %mul3A_611 : vector<136x128xbf16>
      %add3A_613 = arith.addf %mul3A_605, %mul3A_612 : vector<136x128xbf16>
      %get3A_614 = arith.constant 6 : index
      %get3A_615 = arith.constant 2 : index
      %get3A_616 = vector.load %arg2[%get3A_614, %get3A_615] : memref<64x9xf32, #tpu.memory_space<vmem>>, vector<1x1xf32>
      %get3A_617 = vector.extract %get3A_616[0, 0] : f32 from vector<1x1xf32>
      %convert_element_type3A_618 = arith.truncf %get3A_617 : f32 to bf16
      %mul3A_619 = vector.broadcast %convert_element_type3A_618 : bf16 to vector<136x128xbf16>
      %mul3A_620 = arith.mulf %convert_element_type3A_118, %mul3A_619 : vector<136x128xbf16>
      %add3A_621 = arith.addf %add3A_613, %mul3A_620 : vector<136x128xbf16>
      %get3A_622 = arith.constant 6 : index
      %get3A_623 = arith.constant 3 : index
      %get3A_624 = vector.load %arg2[%get3A_622, %get3A_623] : memref<64x9xf32, #tpu.memory_space<vmem>>, vector<1x1xf32>
      %get3A_625 = vector.extract %get3A_624[0, 0] : f32 from vector<1x1xf32>
      %convert_element_type3A_626 = arith.truncf %get3A_625 : f32 to bf16
      %mul3A_627 = vector.broadcast %convert_element_type3A_626 : bf16 to vector<136x128xbf16>
      %mul3A_628 = arith.mulf %convert_element_type3A_124, %mul3A_627 : vector<136x128xbf16>
      %add3A_629 = arith.addf %add3A_621, %mul3A_628 : vector<136x128xbf16>
      %get3A_630 = arith.constant 6 : index
      %get3A_631 = arith.constant 4 : index
      %get3A_632 = vector.load %arg2[%get3A_630, %get3A_631] : memref<64x9xf32, #tpu.memory_space<vmem>>, vector<1x1xf32>
      %get3A_633 = vector.extract %get3A_632[0, 0] : f32 from vector<1x1xf32>
      %convert_element_type3A_634 = arith.truncf %get3A_633 : f32 to bf16
      %mul3A_635 = vector.broadcast %convert_element_type3A_634 : bf16 to vector<136x128xbf16>
      %mul3A_636 = arith.mulf %convert_element_type3A_130, %mul3A_635 : vector<136x128xbf16>
      %add3A_637 = arith.addf %add3A_629, %mul3A_636 : vector<136x128xbf16>
      %get3A_638 = arith.constant 6 : index
      %get3A_639 = arith.constant 5 : index
      %get3A_640 = vector.load %arg2[%get3A_638, %get3A_639] : memref<64x9xf32, #tpu.memory_space<vmem>>, vector<1x1xf32>
      %get3A_641 = vector.extract %get3A_640[0, 0] : f32 from vector<1x1xf32>
      %convert_element_type3A_642 = arith.truncf %get3A_641 : f32 to bf16
      %mul3A_643 = vector.broadcast %convert_element_type3A_642 : bf16 to vector<136x128xbf16>
      %mul3A_644 = arith.mulf %convert_element_type3A_136, %mul3A_643 : vector<136x128xbf16>
      %add3A_645 = arith.addf %add3A_637, %mul3A_644 : vector<136x128xbf16>
      %get3A_646 = arith.constant 6 : index
      %get3A_647 = arith.constant 6 : index
      %get3A_648 = vector.load %arg2[%get3A_646, %get3A_647] : memref<64x9xf32, #tpu.memory_space<vmem>>, vector<1x1xf32>
      %get3A_649 = vector.extract %get3A_648[0, 0] : f32 from vector<1x1xf32>
      %convert_element_type3A_650 = arith.truncf %get3A_649 : f32 to bf16
      %mul3A_651 = vector.broadcast %convert_element_type3A_650 : bf16 to vector<136x128xbf16>
      %mul3A_652 = arith.mulf %convert_element_type3A_142, %mul3A_651 : vector<136x128xbf16>
      %add3A_653 = arith.addf %add3A_645, %mul3A_652 : vector<136x128xbf16>
      %get3A_654 = arith.constant 6 : index
      %get3A_655 = arith.constant 7 : index
      %get3A_656 = vector.load %arg2[%get3A_654, %get3A_655] : memref<64x9xf32, #tpu.memory_space<vmem>>, vector<1x1xf32>
      %get3A_657 = vector.extract %get3A_656[0, 0] : f32 from vector<1x1xf32>
      %convert_element_type3A_658 = arith.truncf %get3A_657 : f32 to bf16
      %mul3A_659 = vector.broadcast %convert_element_type3A_658 : bf16 to vector<136x128xbf16>
      %mul3A_660 = arith.mulf %convert_element_type3A_148, %mul3A_659 : vector<136x128xbf16>
      %add3A_661 = arith.addf %add3A_653, %mul3A_660 : vector<136x128xbf16>
      %get3A_662 = arith.constant 6 : index
      %get3A_663 = arith.constant 8 : index
      %get3A_664 = vector.load %arg2[%get3A_662, %get3A_663] : memref<64x9xf32, #tpu.memory_space<vmem>>, vector<1x1xf32>
      %get3A_665 = vector.extract %get3A_664[0, 0] : f32 from vector<1x1xf32>
      %convert_element_type3A_666 = arith.truncf %get3A_665 : f32 to bf16
      %mul3A_667 = vector.broadcast %convert_element_type3A_666 : bf16 to vector<136x128xbf16>
      %mul3A_668 = arith.mulf %convert_element_type3A_154, %mul3A_667 : vector<136x128xbf16>
      %add3A_669 = arith.addf %add3A_661, %mul3A_668 : vector<136x128xbf16>
      %swap3A_670 = arith.constant 0 : index
      %swap3A_671 = arith.constant 768 : index
      %swap3A_672 = vector.load %arg7[%swap3A_670, %swap3A_671] : memref<137x8192xbf16, #tpu.memory_space<vmem>>, vector<136x128xbf16>
      tpu.vector_store %arg7[%swap3A_670, %swap3A_671], %add3A_669 {strides = array<i32>} : memref<137x8192xbf16, #tpu.memory_space<vmem>>, vector<136x128xbf16>,
      %get3A_673 = arith.constant 7 : index
      %get3A_674 = arith.constant 0 : index
      %get3A_675 = vector.load %arg2[%get3A_673, %get3A_674] : memref<64x9xf32, #tpu.memory_space<vmem>>, vector<1x1xf32>
      %get3A_676 = vector.extract %get3A_675[0, 0] : f32 from vector<1x1xf32>
      %convert_element_type3A_677 = arith.truncf %get3A_676 : f32 to bf16
      %mul3A_678 = vector.broadcast %convert_element_type3A_677 : bf16 to vector<136x128xbf16>
      %mul3A_679 = arith.mulf %convert_element_type3A_106, %mul3A_678 : vector<136x128xbf16>
      %get3A_680 = arith.constant 7 : index
      %get3A_681 = arith.constant 1 : index
      %get3A_682 = vector.load %arg2[%get3A_680, %get3A_681] : memref<64x9xf32, #tpu.memory_space<vmem>>, vector<1x1xf32>
      %get3A_683 = vector.extract %get3A_682[0, 0] : f32 from vector<1x1xf32>
      %convert_element_type3A_684 = arith.truncf %get3A_683 : f32 to bf16
      %mul3A_685 = vector.broadcast %convert_element_type3A_684 : bf16 to vector<136x128xbf16>
      %mul3A_686 = arith.mulf %convert_element_type3A_112, %mul3A_685 : vector<136x128xbf16>
      %add3A_687 = arith.addf %mul3A_679, %mul3A_686 : vector<136x128xbf16>
      %get3A_688 = arith.constant 7 : index
      %get3A_689 = arith.constant 2 : index
      %get3A_690 = vector.load %arg2[%get3A_688, %get3A_689] : memref<64x9xf32, #tpu.memory_space<vmem>>, vector<1x1xf32>
      %get3A_691 = vector.extract %get3A_690[0, 0] : f32 from vector<1x1xf32>
      %convert_element_type3A_692 = arith.truncf %get3A_691 : f32 to bf16
      %mul3A_693 = vector.broadcast %convert_element_type3A_692 : bf16 to vector<136x128xbf16>
      %mul3A_694 = arith.mulf %convert_element_type3A_118, %mul3A_693 : vector<136x128xbf16>
      %add3A_695 = arith.addf %add3A_687, %mul3A_694 : vector<136x128xbf16>
      %get3A_696 = arith.constant 7 : index
      %get3A_697 = arith.constant 3 : index
      %get3A_698 = vector.load %arg2[%get3A_696, %get3A_697] : memref<64x9xf32, #tpu.memory_space<vmem>>, vector<1x1xf32>
      %get3A_699 = vector.extract %get3A_698[0, 0] : f32 from vector<1x1xf32>
      %convert_element_type3A_700 = arith.truncf %get3A_699 : f32 to bf16
      %mul3A_701 = vector.broadcast %convert_element_type3A_700 : bf16 to vector<136x128xbf16>
      %mul3A_702 = arith.mulf %convert_element_type3A_124, %mul3A_701 : vector<136x128xbf16>
      %add3A_703 = arith.addf %add3A_695, %mul3A_702 : vector<136x128xbf16>
      %get3A_704 = arith.constant 7 : index
      %get3A_705 = arith.constant 4 : index
      %get3A_706 = vector.load %arg2[%get3A_704, %get3A_705] : memref<64x9xf32, #tpu.memory_space<vmem>>, vector<1x1xf32>
      %get3A_707 = vector.extract %get3A_706[0, 0] : f32 from vector<1x1xf32>
      %convert_element_type3A_708 = arith.truncf %get3A_707 : f32 to bf16
      %mul3A_709 = vector.broadcast %convert_element_type3A_708 : bf16 to vector<136x128xbf16>
      %mul3A_710 = arith.mulf %convert_element_type3A_130, %mul3A_709 : vector<136x128xbf16>
      %add3A_711 = arith.addf %add3A_703, %mul3A_710 : vector<136x128xbf16>
      %get3A_712 = arith.constant 7 : index
      %get3A_713 = arith.constant 5 : index
      %get3A_714 = vector.load %arg2[%get3A_712, %get3A_713] : memref<64x9xf32, #tpu.memory_space<vmem>>, vector<1x1xf32>
      %get3A_715 = vector.extract %get3A_714[0, 0] : f32 from vector<1x1xf32>
      %convert_element_type3A_716 = arith.truncf %get3A_715 : f32 to bf16
      %mul3A_717 = vector.broadcast %convert_element_type3A_716 : bf16 to vector<136x128xbf16>
      %mul3A_718 = arith.mulf %convert_element_type3A_136, %mul3A_717 : vector<136x128xbf16>
      %add3A_719 = arith.addf %add3A_711, %mul3A_718 : vector<136x128xbf16>
      %get3A_720 = arith.constant 7 : index
      %get3A_721 = arith.constant 6 : index
      %get3A_722 = vector.load %arg2[%get3A_720, %get3A_721] : memref<64x9xf32, #tpu.memory_space<vmem>>, vector<1x1xf32>
      %get3A_723 = vector.extract %get3A_722[0, 0] : f32 from vector<1x1xf32>
      %convert_element_type3A_724 = arith.truncf %get3A_723 : f32 to bf16
      %mul3A_725 = vector.broadcast %convert_element_type3A_724 : bf16 to vector<136x128xbf16>
      %mul3A_726 = arith.mulf %convert_element_type3A_142, %mul3A_725 : vector<136x128xbf16>
      %add3A_727 = arith.addf %add3A_719, %mul3A_726 : vector<136x128xbf16>
      %get3A_728 = arith.constant 7 : index
      %get3A_729 = arith.constant 7 : index
      %get3A_730 = vector.load %arg2[%get3A_728, %get3A_729] : memref<64x9xf32, #tpu.memory_space<vmem>>, vector<1x1xf32>
      %get3A_731 = vector.extract %get3A_730[0, 0] : f32 from vector<1x1xf32>
      %convert_element_type3A_732 = arith.truncf %get3A_731 : f32 to bf16
      %mul3A_733 = vector.broadcast %convert_element_type3A_732 : bf16 to vector<136x128xbf16>
      %mul3A_734 = arith.mulf %convert_element_type3A_148, %mul3A_733 : vector<136x128xbf16>
      %add3A_735 = arith.addf %add3A_727, %mul3A_734 : vector<136x128xbf16>
      %get3A_736 = arith.constant 7 : index
      %get3A_737 = arith.constant 8 : index
      %get3A_738 = vector.load %arg2[%get3A_736, %get3A_737] : memref<64x9xf32, #tpu.memory_space<vmem>>, vector<1x1xf32>
      %get3A_739 = vector.extract %get3A_738[0, 0] : f32 from vector<1x1xf32>
      %convert_element_type3A_740 = arith.truncf %get3A_739 : f32 to bf16
      %mul3A_741 = vector.broadcast %convert_element_type3A_740 : bf16 to vector<136x128xbf16>
      %mul3A_742 = arith.mulf %convert_element_type3A_154, %mul3A_741 : vector<136x128xbf16>
      %add3A_743 = arith.addf %add3A_735, %mul3A_742 : vector<136x128xbf16>
      %swap3A_744 = arith.constant 0 : index
      %swap3A_745 = arith.constant 896 : index
      %swap3A_746 = vector.load %arg7[%swap3A_744, %swap3A_745] : memref<137x8192xbf16, #tpu.memory_space<vmem>>, vector<136x128xbf16>
      tpu.vector_store %arg7[%swap3A_744, %swap3A_745], %add3A_743 {strides = array<i32>} : memref<137x8192xbf16, #tpu.memory_space<vmem>>, vector<136x128xbf16>,
      %get3A_747 = arith.constant 8 : index
      %get3A_748 = arith.constant 0 : index
      %get3A_749 = vector.load %arg2[%get3A_747, %get3A_748] : memref<64x9xf32, #tpu.memory_space<vmem>>, vector<1x1xf32>
      %get3A_750 = vector.extract %get3A_749[0, 0] : f32 from vector<1x1xf32>
      %convert_element_type3A_751 = arith.truncf %get3A_750 : f32 to bf16
      %mul3A_752 = vector.broadcast %convert_element_type3A_751 : bf16 to vector<136x128xbf16>
      %mul3A_753 = arith.mulf %convert_element_type3A_106, %mul3A_752 : vector<136x128xbf16>
      %get3A_754 = arith.constant 8 : index
      %get3A_755 = arith.constant 1 : index
      %get3A_756 = vector.load %arg2[%get3A_754, %get3A_755] : memref<64x9xf32, #tpu.memory_space<vmem>>, vector<1x1xf32>
      %get3A_757 = vector.extract %get3A_756[0, 0] : f32 from vector<1x1xf32>
      %convert_element_type3A_758 = arith.truncf %get3A_757 : f32 to bf16
      %mul3A_759 = vector.broadcast %convert_element_type3A_758 : bf16 to vector<136x128xbf16>
      %mul3A_760 = arith.mulf %convert_element_type3A_112, %mul3A_759 : vector<136x128xbf16>
      %add3A_761 = arith.addf %mul3A_753, %mul3A_760 : vector<136x128xbf16>
      %get3A_762 = arith.constant 8 : index
      %get3A_763 = arith.constant 2 : index
      %get3A_764 = vector.load %arg2[%get3A_762, %get3A_763] : memref<64x9xf32, #tpu.memory_space<vmem>>, vector<1x1xf32>
      %get3A_765 = vector.extract %get3A_764[0, 0] : f32 from vector<1x1xf32>
      %convert_element_type3A_766 = arith.truncf %get3A_765 : f32 to bf16
      %mul3A_767 = vector.broadcast %convert_element_type3A_766 : bf16 to vector<136x128xbf16>
      %mul3A_768 = arith.mulf %convert_element_type3A_118, %mul3A_767 : vector<136x128xbf16>
      %add3A_769 = arith.addf %add3A_761, %mul3A_768 : vector<136x128xbf16>
      %get3A_770 = arith.constant 8 : index
      %get3A_771 = arith.constant 3 : index
      %get3A_772 = vector.load %arg2[%get3A_770, %get3A_771] : memref<64x9xf32, #tpu.memory_space<vmem>>, vector<1x1xf32>
      %get3A_773 = vector.extract %get3A_772[0, 0] : f32 from vector<1x1xf32>
      %convert_element_type3A_774 = arith.truncf %get3A_773 : f32 to bf16
      %mul3A_775 = vector.broadcast %convert_element_type3A_774 : bf16 to vector<136x128xbf16>
      %mul3A_776 = arith.mulf %convert_element_type3A_124, %mul3A_775 : vector<136x128xbf16>
      %add3A_777 = arith.addf %add3A_769, %mul3A_776 : vector<136x128xbf16>
      %get3A_778 = arith.constant 8 : index
      %get3A_779 = arith.constant 4 : index
      %get3A_780 = vector.load %arg2[%get3A_778, %get3A_779] : memref<64x9xf32, #tpu.memory_space<vmem>>, vector<1x1xf32>
      %get3A_781 = vector.extract %get3A_780[0, 0] : f32 from vector<1x1xf32>
      %convert_element_type3A_782 = arith.truncf %get3A_781 : f32 to bf16
      %mul3A_783 = vector.broadcast %convert_element_type3A_782 : bf16 to vector<136x128xbf16>
      %mul3A_784 = arith.mulf %convert_element_type3A_130, %mul3A_783 : vector<136x128xbf16>
      %add3A_785 = arith.addf %add3A_777, %mul3A_784 : vector<136x128xbf16>
      %get3A_786 = arith.constant 8 : index
      %get3A_787 = arith.constant 5 : index
      %get3A_788 = vector.load %arg2[%get3A_786, %get3A_787] : memref<64x9xf32, #tpu.memory_space<vmem>>, vector<1x1xf32>
      %get3A_789 = vector.extract %get3A_788[0, 0] : f32 from vector<1x1xf32>
      %convert_element_type3A_790 = arith.truncf %get3A_789 : f32 to bf16
      %mul3A_791 = vector.broadcast %convert_element_type3A_790 : bf16 to vector<136x128xbf16>
      %mul3A_792 = arith.mulf %convert_element_type3A_136, %mul3A_791 : vector<136x128xbf16>
      %add3A_793 = arith.addf %add3A_785, %mul3A_792 : vector<136x128xbf16>
      %get3A_794 = arith.constant 8 : index
      %get3A_795 = arith.constant 6 : index
      %get3A_796 = vector.load %arg2[%get3A_794, %get3A_795] : memref<64x9xf32, #tpu.memory_space<vmem>>, vector<1x1xf32>
      %get3A_797 = vector.extract %get3A_796[0, 0] : f32 from vector<1x1xf32>
      %convert_element_type3A_798 = arith.truncf %get3A_797 : f32 to bf16
      %mul3A_799 = vector.broadcast %convert_element_type3A_798 : bf16 to vector<136x128xbf16>
      %mul3A_800 = arith.mulf %convert_element_type3A_142, %mul3A_799 : vector<136x128xbf16>
      %add3A_801 = arith.addf %add3A_793, %mul3A_800 : vector<136x128xbf16>
      %get3A_802 = arith.constant 8 : index
      %get3A_803 = arith.constant 7 : index
      %get3A_804 = vector.load %arg2[%get3A_802, %get3A_803] : memref<64x9xf32, #tpu.memory_space<vmem>>, vector<1x1xf32>
      %get3A_805 = vector.extract %get3A_804[0, 0] : f32 from vector<1x1xf32>
      %convert_element_type3A_806 = arith.truncf %get3A_805 : f32 to bf16
      %mul3A_807 = vector.broadcast %convert_element_type3A_806 : bf16 to vector<136x128xbf16>
      %mul3A_808 = arith.mulf %convert_element_type3A_148, %mul3A_807 : vector<136x128xbf16>
      %add3A_809 = arith.addf %add3A_801, %mul3A_808 : vector<136x128xbf16>
      %get3A_810 = arith.constant 8 : index
      %get3A_811 = arith.constant 8 : index
      %get3A_812 = vector.load %arg2[%get3A_810, %get3A_811] : memref<64x9xf32, #tpu.memory_space<vmem>>, vector<1x1xf32>
      %get3A_813 = vector.extract %get3A_812[0, 0] : f32 from vector<1x1xf32>
      %convert_element_type3A_814 = arith.truncf %get3A_813 : f32 to bf16
      %mul3A_815 = vector.broadcast %convert_element_type3A_814 : bf16 to vector<136x128xbf16>
      %mul3A_816 = arith.mulf %convert_element_type3A_154, %mul3A_815 : vector<136x128xbf16>
      %add3A_817 = arith.addf %add3A_809, %mul3A_816 : vector<136x128xbf16>
      %swap3A_818 = arith.constant 0 : index
      %swap3A_819 = arith.constant 1024 : index
      %swap3A_820 = vector.load %arg7[%swap3A_818, %swap3A_819] : memref<137x8192xbf16, #tpu.memory_space<vmem>>, vector<136x128xbf16>
      tpu.vector_store %arg7[%swap3A_818, %swap3A_819], %add3A_817 {strides = array<i32>} : memref<137x8192xbf16, #tpu.memory_space<vmem>>, vector<136x128xbf16>,
      %get3A_821 = arith.constant 9 : index
      %get3A_822 = arith.constant 0 : index
      %get3A_823 = vector.load %arg2[%get3A_821, %get3A_822] : memref<64x9xf32, #tpu.memory_space<vmem>>, vector<1x1xf32>
      %get3A_824 = vector.extract %get3A_823[0, 0] : f32 from vector<1x1xf32>
      %convert_element_type3A_825 = arith.truncf %get3A_824 : f32 to bf16
      %mul3A_826 = vector.broadcast %convert_element_type3A_825 : bf16 to vector<136x128xbf16>
      %mul3A_827 = arith.mulf %convert_element_type3A_106, %mul3A_826 : vector<136x128xbf16>
      %get3A_828 = arith.constant 9 : index
      %get3A_829 = arith.constant 1 : index
      %get3A_830 = vector.load %arg2[%get3A_828, %get3A_829] : memref<64x9xf32, #tpu.memory_space<vmem>>, vector<1x1xf32>
      %get3A_831 = vector.extract %get3A_830[0, 0] : f32 from vector<1x1xf32>
      %convert_element_type3A_832 = arith.truncf %get3A_831 : f32 to bf16
      %mul3A_833 = vector.broadcast %convert_element_type3A_832 : bf16 to vector<136x128xbf16>
      %mul3A_834 = arith.mulf %convert_element_type3A_112, %mul3A_833 : vector<136x128xbf16>
      %add3A_835 = arith.addf %mul3A_827, %mul3A_834 : vector<136x128xbf16>
      %get3A_836 = arith.constant 9 : index
      %get3A_837 = arith.constant 2 : index
      %get3A_838 = vector.load %arg2[%get3A_836, %get3A_837] : memref<64x9xf32, #tpu.memory_space<vmem>>, vector<1x1xf32>
      %get3A_839 = vector.extract %get3A_838[0, 0] : f32 from vector<1x1xf32>
      %convert_element_type3A_840 = arith.truncf %get3A_839 : f32 to bf16
      %mul3A_841 = vector.broadcast %convert_element_type3A_840 : bf16 to vector<136x128xbf16>
      %mul3A_842 = arith.mulf %convert_element_type3A_118, %mul3A_841 : vector<136x128xbf16>
      %add3A_843 = arith.addf %add3A_835, %mul3A_842 : vector<136x128xbf16>
      %get3A_844 = arith.constant 9 : index
      %get3A_845 = arith.constant 3 : index
      %get3A_846 = vector.load %arg2[%get3A_844, %get3A_845] : memref<64x9xf32, #tpu.memory_space<vmem>>, vector<1x1xf32>
      %get3A_847 = vector.extract %get3A_846[0, 0] : f32 from vector<1x1xf32>
      %convert_element_type3A_848 = arith.truncf %get3A_847 : f32 to bf16
      %mul3A_849 = vector.broadcast %convert_element_type3A_848 : bf16 to vector<136x128xbf16>
      %mul3A_850 = arith.mulf %convert_element_type3A_124, %mul3A_849 : vector<136x128xbf16>
      %add3A_851 = arith.addf %add3A_843, %mul3A_850 : vector<136x128xbf16>
      %get3A_852 = arith.constant 9 : index
      %get3A_853 = arith.constant 4 : index
      %get3A_854 = vector.load %arg2[%get3A_852, %get3A_853] : memref<64x9xf32, #tpu.memory_space<vmem>>, vector<1x1xf32>
      %get3A_855 = vector.extract %get3A_854[0, 0] : f32 from vector<1x1xf32>
      %convert_element_type3A_856 = arith.truncf %get3A_855 : f32 to bf16
      %mul3A_857 = vector.broadcast %convert_element_type3A_856 : bf16 to vector<136x128xbf16>
      %mul3A_858 = arith.mulf %convert_element_type3A_130, %mul3A_857 : vector<136x128xbf16>
      %add3A_859 = arith.addf %add3A_851, %mul3A_858 : vector<136x128xbf16>
      %get3A_860 = arith.constant 9 : index
      %get3A_861 = arith.constant 5 : index
      %get3A_862 = vector.load %arg2[%get3A_860, %get3A_861] : memref<64x9xf32, #tpu.memory_space<vmem>>, vector<1x1xf32>
      %get3A_863 = vector.extract %get3A_862[0, 0] : f32 from vector<1x1xf32>
      %convert_element_type3A_864 = arith.truncf %get3A_863 : f32 to bf16
      %mul3A_865 = vector.broadcast %convert_element_type3A_864 : bf16 to vector<136x128xbf16>
      %mul3A_866 = arith.mulf %convert_element_type3A_136, %mul3A_865 : vector<136x128xbf16>
      %add3A_867 = arith.addf %add3A_859, %mul3A_866 : vector<136x128xbf16>
      %get3A_868 = arith.constant 9 : index
      %get3A_869 = arith.constant 6 : index
      %get3A_870 = vector.load %arg2[%get3A_868, %get3A_869] : memref<64x9xf32, #tpu.memory_space<vmem>>, vector<1x1xf32>
      %get3A_871 = vector.extract %get3A_870[0, 0] : f32 from vector<1x1xf32>
      %convert_element_type3A_872 = arith.truncf %get3A_871 : f32 to bf16
      %mul3A_873 = vector.broadcast %convert_element_type3A_872 : bf16 to vector<136x128xbf16>
      %mul3A_874 = arith.mulf %convert_element_type3A_142, %mul3A_873 : vector<136x128xbf16>
      %add3A_875 = arith.addf %add3A_867, %mul3A_874 : vector<136x128xbf16>
      %get3A_876 = arith.constant 9 : index
      %get3A_877 = arith.constant 7 : index
      %get3A_878 = vector.load %arg2[%get3A_876, %get3A_877] : memref<64x9xf32, #tpu.memory_space<vmem>>, vector<1x1xf32>
      %get3A_879 = vector.extract %get3A_878[0, 0] : f32 from vector<1x1xf32>
      %convert_element_type3A_880 = arith.truncf %get3A_879 : f32 to bf16
      %mul3A_881 = vector.broadcast %convert_element_type3A_880 : bf16 to vector<136x128xbf16>
      %mul3A_882 = arith.mulf %convert_element_type3A_148, %mul3A_881 : vector<136x128xbf16>
      %add3A_883 = arith.addf %add3A_875, %mul3A_882 : vector<136x128xbf16>
      %get3A_884 = arith.constant 9 : index
      %get3A_885 = arith.constant 8 : index
      %get3A_886 = vector.load %arg2[%get3A_884, %get3A_885] : memref<64x9xf32, #tpu.memory_space<vmem>>, vector<1x1xf32>
      %get3A_887 = vector.extract %get3A_886[0, 0] : f32 from vector<1x1xf32>
      %convert_element_type3A_888 = arith.truncf %get3A_887 : f32 to bf16
      %mul3A_889 = vector.broadcast %convert_element_type3A_888 : bf16 to vector<136x128xbf16>
      %mul3A_890 = arith.mulf %convert_element_type3A_154, %mul3A_889 : vector<136x128xbf16>
      %add3A_891 = arith.addf %add3A_883, %mul3A_890 : vector<136x128xbf16>
      %swap3A_892 = arith.constant 0 : index
      %swap3A_893 = arith.constant 1152 : index
      %swap3A_894 = vector.load %arg7[%swap3A_892, %swap3A_893] : memref<137x8192xbf16, #tpu.memory_space<vmem>>, vector<136x128xbf16>
      tpu.vector_store %arg7[%swap3A_892, %swap3A_893], %add3A_891 {strides = array<i32>} : memref<137x8192xbf16, #tpu.memory_space<vmem>>, vector<136x128xbf16>,
      %get3A_895 = arith.constant 10 : index
      %get3A_896 = arith.constant 0 : index
      %get3A_897 = vector.load %arg2[%get3A_895, %get3A_896] : memref<64x9xf32, #tpu.memory_space<vmem>>, vector<1x1xf32>
      %get3A_898 = vector.extract %get3A_897[0, 0] : f32 from vector<1x1xf32>
      %convert_element_type3A_899 = arith.truncf %get3A_898 : f32 to bf16
      %mul3A_900 = vector.broadcast %convert_element_type3A_899 : bf16 to vector<136x128xbf16>
      %mul3A_901 = arith.mulf %convert_element_type3A_106, %mul3A_900 : vector<136x128xbf16>
      %get3A_902 = arith.constant 10 : index
      %get3A_903 = arith.constant 1 : index
      %get3A_904 = vector.load %arg2[%get3A_902, %get3A_903] : memref<64x9xf32, #tpu.memory_space<vmem>>, vector<1x1xf32>
      %get3A_905 = vector.extract %get3A_904[0, 0] : f32 from vector<1x1xf32>
      %convert_element_type3A_906 = arith.truncf %get3A_905 : f32 to bf16
      %mul3A_907 = vector.broadcast %convert_element_type3A_906 : bf16 to vector<136x128xbf16>
      %mul3A_908 = arith.mulf %convert_element_type3A_112, %mul3A_907 : vector<136x128xbf16>
      %add3A_909 = arith.addf %mul3A_901, %mul3A_908 : vector<136x128xbf16>
      %get3A_910 = arith.constant 10 : index
      %get3A_911 = arith.constant 2 : index
      %get3A_912 = vector.load %arg2[%get3A_910, %get3A_911] : memref<64x9xf32, #tpu.memory_space<vmem>>, vector<1x1xf32>
      %get3A_913 = vector.extract %get3A_912[0, 0] : f32 from vector<1x1xf32>
      %convert_element_type3A_914 = arith.truncf %get3A_913 : f32 to bf16
      %mul3A_915 = vector.broadcast %convert_element_type3A_914 : bf16 to vector<136x128xbf16>
      %mul3A_916 = arith.mulf %convert_element_type3A_118, %mul3A_915 : vector<136x128xbf16>
      %add3A_917 = arith.addf %add3A_909, %mul3A_916 : vector<136x128xbf16>
      %get3A_918 = arith.constant 10 : index
      %get3A_919 = arith.constant 3 : index
      %get3A_920 = vector.load %arg2[%get3A_918, %get3A_919] : memref<64x9xf32, #tpu.memory_space<vmem>>, vector<1x1xf32>
      %get3A_921 = vector.extract %get3A_920[0, 0] : f32 from vector<1x1xf32>
      %convert_element_type3A_922 = arith.truncf %get3A_921 : f32 to bf16
      %mul3A_923 = vector.broadcast %convert_element_type3A_922 : bf16 to vector<136x128xbf16>
      %mul3A_924 = arith.mulf %convert_element_type3A_124, %mul3A_923 : vector<136x128xbf16>
      %add3A_925 = arith.addf %add3A_917, %mul3A_924 : vector<136x128xbf16>
      %get3A_926 = arith.constant 10 : index
      %get3A_927 = arith.constant 4 : index
      %get3A_928 = vector.load %arg2[%get3A_926, %get3A_927] : memref<64x9xf32, #tpu.memory_space<vmem>>, vector<1x1xf32>
      %get3A_929 = vector.extract %get3A_928[0, 0] : f32 from vector<1x1xf32>
      %convert_element_type3A_930 = arith.truncf %get3A_929 : f32 to bf16
      %mul3A_931 = vector.broadcast %convert_element_type3A_930 : bf16 to vector<136x128xbf16>
      %mul3A_932 = arith.mulf %convert_element_type3A_130, %mul3A_931 : vector<136x128xbf16>
      %add3A_933 = arith.addf %add3A_925, %mul3A_932 : vector<136x128xbf16>
      %get3A_934 = arith.constant 10 : index
      %get3A_935 = arith.constant 5 : index
      %get3A_936 = vector.load %arg2[%get3A_934, %get3A_935] : memref<64x9xf32, #tpu.memory_space<vmem>>, vector<1x1xf32>
      %get3A_937 = vector.extract %get3A_936[0, 0] : f32 from vector<1x1xf32>
      %convert_element_type3A_938 = arith.truncf %get3A_937 : f32 to bf16
      %mul3A_939 = vector.broadcast %convert_element_type3A_938 : bf16 to vector<136x128xbf16>
      %mul3A_940 = arith.mulf %convert_element_type3A_136, %mul3A_939 : vector<136x128xbf16>
      %add3A_941 = arith.addf %add3A_933, %mul3A_940 : vector<136x128xbf16>
      %get3A_942 = arith.constant 10 : index
      %get3A_943 = arith.constant 6 : index
      %get3A_944 = vector.load %arg2[%get3A_942, %get3A_943] : memref<64x9xf32, #tpu.memory_space<vmem>>, vector<1x1xf32>
      %get3A_945 = vector.extract %get3A_944[0, 0] : f32 from vector<1x1xf32>
      %convert_element_type3A_946 = arith.truncf %get3A_945 : f32 to bf16
      %mul3A_947 = vector.broadcast %convert_element_type3A_946 : bf16 to vector<136x128xbf16>
      %mul3A_948 = arith.mulf %convert_element_type3A_142, %mul3A_947 : vector<136x128xbf16>
      %add3A_949 = arith.addf %add3A_941, %mul3A_948 : vector<136x128xbf16>
      %get3A_950 = arith.constant 10 : index
      %get3A_951 = arith.constant 7 : index
      %get3A_952 = vector.load %arg2[%get3A_950, %get3A_951] : memref<64x9xf32, #tpu.memory_space<vmem>>, vector<1x1xf32>
      %get3A_953 = vector.extract %get3A_952[0, 0] : f32 from vector<1x1xf32>
      %convert_element_type3A_954 = arith.truncf %get3A_953 : f32 to bf16
      %mul3A_955 = vector.broadcast %convert_element_type3A_954 : bf16 to vector<136x128xbf16>
      %mul3A_956 = arith.mulf %convert_element_type3A_148, %mul3A_955 : vector<136x128xbf16>
      %add3A_957 = arith.addf %add3A_949, %mul3A_956 : vector<136x128xbf16>
      %get3A_958 = arith.constant 10 : index
      %get3A_959 = arith.constant 8 : index
      %get3A_960 = vector.load %arg2[%get3A_958, %get3A_959] : memref<64x9xf32, #tpu.memory_space<vmem>>, vector<1x1xf32>
      %get3A_961 = vector.extract %get3A_960[0, 0] : f32 from vector<1x1xf32>
      %convert_element_type3A_962 = arith.truncf %get3A_961 : f32 to bf16
      %mul3A_963 = vector.broadcast %convert_element_type3A_962 : bf16 to vector<136x128xbf16>
      %mul3A_964 = arith.mulf %convert_element_type3A_154, %mul3A_963 : vector<136x128xbf16>
      %add3A_965 = arith.addf %add3A_957, %mul3A_964 : vector<136x128xbf16>
      %swap3A_966 = arith.constant 0 : index
      %swap3A_967 = arith.constant 1280 : index
      %swap3A_968 = vector.load %arg7[%swap3A_966, %swap3A_967] : memref<137x8192xbf16, #tpu.memory_space<vmem>>, vector<136x128xbf16>
      tpu.vector_store %arg7[%swap3A_966, %swap3A_967], %add3A_965 {strides = array<i32>} : memref<137x8192xbf16, #tpu.memory_space<vmem>>, vector<136x128xbf16>,
      %get3A_969 = arith.constant 11 : index
      %get3A_970 = arith.constant 0 : index
      %get3A_971 = vector.load %arg2[%get3A_969, %get3A_970] : memref<64x9xf32, #tpu.memory_space<vmem>>, vector<1x1xf32>
      %get3A_972 = vector.extract %get3A_971[0, 0] : f32 from vector<1x1xf32>
      %convert_element_type3A_973 = arith.truncf %get3A_972 : f32 to bf16
      %mul3A_974 = vector.broadcast %convert_element_type3A_973 : bf16 to vector<136x128xbf16>
      %mul3A_975 = arith.mulf %convert_element_type3A_106, %mul3A_974 : vector<136x128xbf16>
      %get3A_976 = arith.constant 11 : index
      %get3A_977 = arith.constant 1 : index
      %get3A_978 = vector.load %arg2[%get3A_976, %get3A_977] : memref<64x9xf32, #tpu.memory_space<vmem>>, vector<1x1xf32>
      %get3A_979 = vector.extract %get3A_978[0, 0] : f32 from vector<1x1xf32>
      %convert_element_type3A_980 = arith.truncf %get3A_979 : f32 to bf16
      %mul3A_981 = vector.broadcast %convert_element_type3A_980 : bf16 to vector<136x128xbf16>
      %mul3A_982 = arith.mulf %convert_element_type3A_112, %mul3A_981 : vector<136x128xbf16>
      %add3A_983 = arith.addf %mul3A_975, %mul3A_982 : vector<136x128xbf16>
      %get3A_984 = arith.constant 11 : index
      %get3A_985 = arith.constant 2 : index
      %get3A_986 = vector.load %arg2[%get3A_984, %get3A_985] : memref<64x9xf32, #tpu.memory_space<vmem>>, vector<1x1xf32>
      %get3A_987 = vector.extract %get3A_986[0, 0] : f32 from vector<1x1xf32>
      %convert_element_type3A_988 = arith.truncf %get3A_987 : f32 to bf16
      %mul3A_989 = vector.broadcast %convert_element_type3A_988 : bf16 to vector<136x128xbf16>
      %mul3A_990 = arith.mulf %convert_element_type3A_118, %mul3A_989 : vector<136x128xbf16>
      %add3A_991 = arith.addf %add3A_983, %mul3A_990 : vector<136x128xbf16>
      %get3A_992 = arith.constant 11 : index
      %get3A_993 = arith.constant 3 : index
      %get3A_994 = vector.load %arg2[%get3A_992, %get3A_993] : memref<64x9xf32, #tpu.memory_space<vmem>>, vector<1x1xf32>
      %get3A_995 = vector.extract %get3A_994[0, 0] : f32 from vector<1x1xf32>
      %convert_element_type3A_996 = arith.truncf %get3A_995 : f32 to bf16
      %mul3A_997 = vector.broadcast %convert_element_type3A_996 : bf16 to vector<136x128xbf16>
      %mul3A_998 = arith.mulf %convert_element_type3A_124, %mul3A_997 : vector<136x128xbf16>
      %add3A_999 = arith.addf %add3A_991, %mul3A_998 : vector<136x128xbf16>
      %get3A_1000 = arith.constant 11 : index
      %get3A_1001 = arith.constant 4 : index
      %get3A_1002 = vector.load %arg2[%get3A_1000, %get3A_1001] : memref<64x9xf32, #tpu.memory_space<vmem>>, vector<1x1xf32>
      %get3A_1003 = vector.extract %get3A_1002[0, 0] : f32 from vector<1x1xf32>
      %convert_element_type3A_1004 = arith.truncf %get3A_1003 : f32 to bf16
      %mul3A_1005 = vector.broadcast %convert_element_type3A_1004 : bf16 to vector<136x128xbf16>
      %mul3A_1006 = arith.mulf %convert_element_type3A_130, %mul3A_1005 : vector<136x128xbf16>
      %add3A_1007 = arith.addf %add3A_999, %mul3A_1006 : vector<136x128xbf16>
      %get3A_1008 = arith.constant 11 : index
      %get3A_1009 = arith.constant 5 : index
      %get3A_1010 = vector.load %arg2[%get3A_1008, %get3A_1009] : memref<64x9xf32, #tpu.memory_space<vmem>>, vector<1x1xf32>
      %get3A_1011 = vector.extract %get3A_1010[0, 0] : f32 from vector<1x1xf32>
      %convert_element_type3A_1012 = arith.truncf %get3A_1011 : f32 to bf16
      %mul3A_1013 = vector.broadcast %convert_element_type3A_1012 : bf16 to vector<136x128xbf16>
      %mul3A_1014 = arith.mulf %convert_element_type3A_136, %mul3A_1013 : vector<136x128xbf16>
      %add3A_1015 = arith.addf %add3A_1007, %mul3A_1014 : vector<136x128xbf16>
      %get3A_1016 = arith.constant 11 : index
      %get3A_1017 = arith.constant 6 : index
      %get3A_1018 = vector.load %arg2[%get3A_1016, %get3A_1017] : memref<64x9xf32, #tpu.memory_space<vmem>>, vector<1x1xf32>
      %get3A_1019 = vector.extract %get3A_1018[0, 0] : f32 from vector<1x1xf32>
      %convert_element_type3A_1020 = arith.truncf %get3A_1019 : f32 to bf16
      %mul3A_1021 = vector.broadcast %convert_element_type3A_1020 : bf16 to vector<136x128xbf16>
      %mul3A_1022 = arith.mulf %convert_element_type3A_142, %mul3A_1021 : vector<136x128xbf16>
      %add3A_1023 = arith.addf %add3A_1015, %mul3A_1022 : vector<136x128xbf16>
      %get3A_1024 = arith.constant 11 : index
      %get3A_1025 = arith.constant 7 : index
      %get3A_1026 = vector.load %arg2[%get3A_1024, %get3A_1025] : memref<64x9xf32, #tpu.memory_space<vmem>>, vector<1x1xf32>
      %get3A_1027 = vector.extract %get3A_1026[0, 0] : f32 from vector<1x1xf32>
      %convert_element_type3A_1028 = arith.truncf %get3A_1027 : f32 to bf16
      %mul3A_1029 = vector.broadcast %convert_element_type3A_1028 : bf16 to vector<136x128xbf16>
      %mul3A_1030 = arith.mulf %convert_element_type3A_148, %mul3A_1029 : vector<136x128xbf16>
      %add3A_1031 = arith.addf %add3A_1023, %mul3A_1030 : vector<136x128xbf16>
      %get3A_1032 = arith.constant 11 : index
      %get3A_1033 = arith.constant 8 : index
      %get3A_1034 = vector.load %arg2[%get3A_1032, %get3A_1033] : memref<64x9xf32, #tpu.memory_space<vmem>>, vector<1x1xf32>
      %get3A_1035 = vector.extract %get3A_1034[0, 0] : f32 from vector<1x1xf32>
      %convert_element_type3A_1036 = arith.truncf %get3A_1035 : f32 to bf16
      %mul3A_1037 = vector.broadcast %convert_element_type3A_1036 : bf16 to vector<136x128xbf16>
      %mul3A_1038 = arith.mulf %convert_element_type3A_154, %mul3A_1037 : vector<136x128xbf16>
      %add3A_1039 = arith.addf %add3A_1031, %mul3A_1038 : vector<136x128xbf16>
      %swap3A_1040 = arith.constant 0 : index
      %swap3A_1041 = arith.constant 1408 : index
      %swap3A_1042 = vector.load %arg7[%swap3A_1040, %swap3A_1041] : memref<137x8192xbf16, #tpu.memory_space<vmem>>, vector<136x128xbf16>
      tpu.vector_store %arg7[%swap3A_1040, %swap3A_1041], %add3A_1039 {strides = array<i32>} : memref<137x8192xbf16, #tpu.memory_space<vmem>>, vector<136x128xbf16>,
      %get3A_1043 = arith.constant 12 : index
      %get3A_1044 = arith.constant 0 : index
      %get3A_1045 = vector.load %arg2[%get3A_1043, %get3A_1044] : memref<64x9xf32, #tpu.memory_space<vmem>>, vector<1x1xf32>
      %get3A_1046 = vector.extract %get3A_1045[0, 0] : f32 from vector<1x1xf32>
      %convert_element_type3A_1047 = arith.truncf %get3A_1046 : f32 to bf16
      %mul3A_1048 = vector.broadcast %convert_element_type3A_1047 : bf16 to vector<136x128xbf16>
      %mul3A_1049 = arith.mulf %convert_element_type3A_106, %mul3A_1048 : vector<136x128xbf16>
      %get3A_1050 = arith.constant 12 : index
      %get3A_1051 = arith.constant 1 : index
      %get3A_1052 = vector.load %arg2[%get3A_1050, %get3A_1051] : memref<64x9xf32, #tpu.memory_space<vmem>>, vector<1x1xf32>
      %get3A_1053 = vector.extract %get3A_1052[0, 0] : f32 from vector<1x1xf32>
      %convert_element_type3A_1054 = arith.truncf %get3A_1053 : f32 to bf16
      %mul3A_1055 = vector.broadcast %convert_element_type3A_1054 : bf16 to vector<136x128xbf16>
      %mul3A_1056 = arith.mulf %convert_element_type3A_112, %mul3A_1055 : vector<136x128xbf16>
      %add3A_1057 = arith.addf %mul3A_1049, %mul3A_1056 : vector<136x128xbf16>
      %get3A_1058 = arith.constant 12 : index
      %get3A_1059 = arith.constant 2 : index
      %get3A_1060 = vector.load %arg2[%get3A_1058, %get3A_1059] : memref<64x9xf32, #tpu.memory_space<vmem>>, vector<1x1xf32>
      %get3A_1061 = vector.extract %get3A_1060[0, 0] : f32 from vector<1x1xf32>
      %convert_element_type3A_1062 = arith.truncf %get3A_1061 : f32 to bf16
      %mul3A_1063 = vector.broadcast %convert_element_type3A_1062 : bf16 to vector<136x128xbf16>
      %mul3A_1064 = arith.mulf %convert_element_type3A_118, %mul3A_1063 : vector<136x128xbf16>
      %add3A_1065 = arith.addf %add3A_1057, %mul3A_1064 : vector<136x128xbf16>
      %get3A_1066 = arith.constant 12 : index
      %get3A_1067 = arith.constant 3 : index
      %get3A_1068 = vector.load %arg2[%get3A_1066, %get3A_1067] : memref<64x9xf32, #tpu.memory_space<vmem>>, vector<1x1xf32>
      %get3A_1069 = vector.extract %get3A_1068[0, 0] : f32 from vector<1x1xf32>
      %convert_element_type3A_1070 = arith.truncf %get3A_1069 : f32 to bf16
      %mul3A_1071 = vector.broadcast %convert_element_type3A_1070 : bf16 to vector<136x128xbf16>
      %mul3A_1072 = arith.mulf %convert_element_type3A_124, %mul3A_1071 : vector<136x128xbf16>
      %add3A_1073 = arith.addf %add3A_1065, %mul3A_1072 : vector<136x128xbf16>
      %get3A_1074 = arith.constant 12 : index
      %get3A_1075 = arith.constant 4 : index
      %get3A_1076 = vector.load %arg2[%get3A_1074, %get3A_1075] : memref<64x9xf32, #tpu.memory_space<vmem>>, vector<1x1xf32>
      %get3A_1077 = vector.extract %get3A_1076[0, 0] : f32 from vector<1x1xf32>
      %convert_element_type3A_1078 = arith.truncf %get3A_1077 : f32 to bf16
      %mul3A_1079 = vector.broadcast %convert_element_type3A_1078 : bf16 to vector<136x128xbf16>
      %mul3A_1080 = arith.mulf %convert_element_type3A_130, %mul3A_1079 : vector<136x128xbf16>
      %add3A_1081 = arith.addf %add3A_1073, %mul3A_1080 : vector<136x128xbf16>
      %get3A_1082 = arith.constant 12 : index
      %get3A_1083 = arith.constant 5 : index
      %get3A_1084 = vector.load %arg2[%get3A_1082, %get3A_1083] : memref<64x9xf32, #tpu.memory_space<vmem>>, vector<1x1xf32>
      %get3A_1085 = vector.extract %get3A_1084[0, 0] : f32 from vector<1x1xf32>
      %convert_element_type3A_1086 = arith.truncf %get3A_1085 : f32 to bf16
      %mul3A_1087 = vector.broadcast %convert_element_type3A_1086 : bf16 to vector<136x128xbf16>
      %mul3A_1088 = arith.mulf %convert_element_type3A_136, %mul3A_1087 : vector<136x128xbf16>
      %add3A_1089 = arith.addf %add3A_1081, %mul3A_1088 : vector<136x128xbf16>
      %get3A_1090 = arith.constant 12 : index
      %get3A_1091 = arith.constant 6 : index
      %get3A_1092 = vector.load %arg2[%get3A_1090, %get3A_1091] : memref<64x9xf32, #tpu.memory_space<vmem>>, vector<1x1xf32>
      %get3A_1093 = vector.extract %get3A_1092[0, 0] : f32 from vector<1x1xf32>
      %convert_element_type3A_1094 = arith.truncf %get3A_1093 : f32 to bf16
      %mul3A_1095 = vector.broadcast %convert_element_type3A_1094 : bf16 to vector<136x128xbf16>
      %mul3A_1096 = arith.mulf %convert_element_type3A_142, %mul3A_1095 : vector<136x128xbf16>
      %add3A_1097 = arith.addf %add3A_1089, %mul3A_1096 : vector<136x128xbf16>
      %get3A_1098 = arith.constant 12 : index
      %get3A_1099 = arith.constant 7 : index
      %get3A_1100 = vector.load %arg2[%get3A_1098, %get3A_1099] : memref<64x9xf32, #tpu.memory_space<vmem>>, vector<1x1xf32>
      %get3A_1101 = vector.extract %get3A_1100[0, 0] : f32 from vector<1x1xf32>
      %convert_element_type3A_1102 = arith.truncf %get3A_1101 : f32 to bf16
      %mul3A_1103 = vector.broadcast %convert_element_type3A_1102 : bf16 to vector<136x128xbf16>
      %mul3A_1104 = arith.mulf %convert_element_type3A_148, %mul3A_1103 : vector<136x128xbf16>
      %add3A_1105 = arith.addf %add3A_1097, %mul3A_1104 : vector<136x128xbf16>
      %get3A_1106 = arith.constant 12 : index
      %get3A_1107 = arith.constant 8 : index
      %get3A_1108 = vector.load %arg2[%get3A_1106, %get3A_1107] : memref<64x9xf32, #tpu.memory_space<vmem>>, vector<1x1xf32>
      %get3A_1109 = vector.extract %get3A_1108[0, 0] : f32 from vector<1x1xf32>
      %convert_element_type3A_1110 = arith.truncf %get3A_1109 : f32 to bf16
      %mul3A_1111 = vector.broadcast %convert_element_type3A_1110 : bf16 to vector<136x128xbf16>
      %mul3A_1112 = arith.mulf %convert_element_type3A_154, %mul3A_1111 : vector<136x128xbf16>
      %add3A_1113 = arith.addf %add3A_1105, %mul3A_1112 : vector<136x128xbf16>
      %swap3A_1114 = arith.constant 0 : index
      %swap3A_1115 = arith.constant 1536 : index
      %swap3A_1116 = vector.load %arg7[%swap3A_1114, %swap3A_1115] : memref<137x8192xbf16, #tpu.memory_space<vmem>>, vector<136x128xbf16>
      tpu.vector_store %arg7[%swap3A_1114, %swap3A_1115], %add3A_1113 {strides = array<i32>} : memref<137x8192xbf16, #tpu.memory_space<vmem>>, vector<136x128xbf16>,
      %get3A_1117 = arith.constant 13 : index
      %get3A_1118 = arith.constant 0 : index
      %get3A_1119 = vector.load %arg2[%get3A_1117, %get3A_1118] : memref<64x9xf32, #tpu.memory_space<vmem>>, vector<1x1xf32>
      %get3A_1120 = vector.extract %get3A_1119[0, 0] : f32 from vector<1x1xf32>
      %convert_element_type3A_1121 = arith.truncf %get3A_1120 : f32 to bf16
      %mul3A_1122 = vector.broadcast %convert_element_type3A_1121 : bf16 to vector<136x128xbf16>
      %mul3A_1123 = arith.mulf %convert_element_type3A_106, %mul3A_1122 : vector<136x128xbf16>
      %get3A_1124 = arith.constant 13 : index
      %get3A_1125 = arith.constant 1 : index
      %get3A_1126 = vector.load %arg2[%get3A_1124, %get3A_1125] : memref<64x9xf32, #tpu.memory_space<vmem>>, vector<1x1xf32>
      %get3A_1127 = vector.extract %get3A_1126[0, 0] : f32 from vector<1x1xf32>
      %convert_element_type3A_1128 = arith.truncf %get3A_1127 : f32 to bf16
      %mul3A_1129 = vector.broadcast %convert_element_type3A_1128 : bf16 to vector<136x128xbf16>
      %mul3A_1130 = arith.mulf %convert_element_type3A_112, %mul3A_1129 : vector<136x128xbf16>
      %add3A_1131 = arith.addf %mul3A_1123, %mul3A_1130 : vector<136x128xbf16>
      %get3A_1132 = arith.constant 13 : index
      %get3A_1133 = arith.constant 2 : index
      %get3A_1134 = vector.load %arg2[%get3A_1132, %get3A_1133] : memref<64x9xf32, #tpu.memory_space<vmem>>, vector<1x1xf32>
      %get3A_1135 = vector.extract %get3A_1134[0, 0] : f32 from vector<1x1xf32>
      %convert_element_type3A_1136 = arith.truncf %get3A_1135 : f32 to bf16
      %mul3A_1137 = vector.broadcast %convert_element_type3A_1136 : bf16 to vector<136x128xbf16>
      %mul3A_1138 = arith.mulf %convert_element_type3A_118, %mul3A_1137 : vector<136x128xbf16>
      %add3A_1139 = arith.addf %add3A_1131, %mul3A_1138 : vector<136x128xbf16>
      %get3A_1140 = arith.constant 13 : index
      %get3A_1141 = arith.constant 3 : index
      %get3A_1142 = vector.load %arg2[%get3A_1140, %get3A_1141] : memref<64x9xf32, #tpu.memory_space<vmem>>, vector<1x1xf32>
      %get3A_1143 = vector.extract %get3A_1142[0, 0] : f32 from vector<1x1xf32>
      %convert_element_type3A_1144 = arith.truncf %get3A_1143 : f32 to bf16
      %mul3A_1145 = vector.broadcast %convert_element_type3A_1144 : bf16 to vector<136x128xbf16>
      %mul3A_1146 = arith.mulf %convert_element_type3A_124, %mul3A_1145 : vector<136x128xbf16>
      %add3A_1147 = arith.addf %add3A_1139, %mul3A_1146 : vector<136x128xbf16>
      %get3A_1148 = arith.constant 13 : index
      %get3A_1149 = arith.constant 4 : index
      %get3A_1150 = vector.load %arg2[%get3A_1148, %get3A_1149] : memref<64x9xf32, #tpu.memory_space<vmem>>, vector<1x1xf32>
      %get3A_1151 = vector.extract %get3A_1150[0, 0] : f32 from vector<1x1xf32>
      %convert_element_type3A_1152 = arith.truncf %get3A_1151 : f32 to bf16
      %mul3A_1153 = vector.broadcast %convert_element_type3A_1152 : bf16 to vector<136x128xbf16>
      %mul3A_1154 = arith.mulf %convert_element_type3A_130, %mul3A_1153 : vector<136x128xbf16>
      %add3A_1155 = arith.addf %add3A_1147, %mul3A_1154 : vector<136x128xbf16>
      %get3A_1156 = arith.constant 13 : index
      %get3A_1157 = arith.constant 5 : index
      %get3A_1158 = vector.load %arg2[%get3A_1156, %get3A_1157] : memref<64x9xf32, #tpu.memory_space<vmem>>, vector<1x1xf32>
      %get3A_1159 = vector.extract %get3A_1158[0, 0] : f32 from vector<1x1xf32>
      %convert_element_type3A_1160 = arith.truncf %get3A_1159 : f32 to bf16
      %mul3A_1161 = vector.broadcast %convert_element_type3A_1160 : bf16 to vector<136x128xbf16>
      %mul3A_1162 = arith.mulf %convert_element_type3A_136, %mul3A_1161 : vector<136x128xbf16>
      %add3A_1163 = arith.addf %add3A_1155, %mul3A_1162 : vector<136x128xbf16>
      %get3A_1164 = arith.constant 13 : index
      %get3A_1165 = arith.constant 6 : index
      %get3A_1166 = vector.load %arg2[%get3A_1164, %get3A_1165] : memref<64x9xf32, #tpu.memory_space<vmem>>, vector<1x1xf32>
      %get3A_1167 = vector.extract %get3A_1166[0, 0] : f32 from vector<1x1xf32>
      %convert_element_type3A_1168 = arith.truncf %get3A_1167 : f32 to bf16
      %mul3A_1169 = vector.broadcast %convert_element_type3A_1168 : bf16 to vector<136x128xbf16>
      %mul3A_1170 = arith.mulf %convert_element_type3A_142, %mul3A_1169 : vector<136x128xbf16>
      %add3A_1171 = arith.addf %add3A_1163, %mul3A_1170 : vector<136x128xbf16>
      %get3A_1172 = arith.constant 13 : index
      %get3A_1173 = arith.constant 7 : index
      %get3A_1174 = vector.load %arg2[%get3A_1172, %get3A_1173] : memref<64x9xf32, #tpu.memory_space<vmem>>, vector<1x1xf32>
      %get3A_1175 = vector.extract %get3A_1174[0, 0] : f32 from vector<1x1xf32>
      %convert_element_type3A_1176 = arith.truncf %get3A_1175 : f32 to bf16
      %mul3A_1177 = vector.broadcast %convert_element_type3A_1176 : bf16 to vector<136x128xbf16>
      %mul3A_1178 = arith.mulf %convert_element_type3A_148, %mul3A_1177 : vector<136x128xbf16>
      %add3A_1179 = arith.addf %add3A_1171, %mul3A_1178 : vector<136x128xbf16>
      %get3A_1180 = arith.constant 13 : index
      %get3A_1181 = arith.constant 8 : index
      %get3A_1182 = vector.load %arg2[%get3A_1180, %get3A_1181] : memref<64x9xf32, #tpu.memory_space<vmem>>, vector<1x1xf32>
      %get3A_1183 = vector.extract %get3A_1182[0, 0] : f32 from vector<1x1xf32>
      %convert_element_type3A_1184 = arith.truncf %get3A_1183 : f32 to bf16
      %mul3A_1185 = vector.broadcast %convert_element_type3A_1184 : bf16 to vector<136x128xbf16>
      %mul3A_1186 = arith.mulf %convert_element_type3A_154, %mul3A_1185 : vector<136x128xbf16>
      %add3A_1187 = arith.addf %add3A_1179, %mul3A_1186 : vector<136x128xbf16>
      %swap3A_1188 = arith.constant 0 : index
      %swap3A_1189 = arith.constant 1664 : index
      %swap3A_1190 = vector.load %arg7[%swap3A_1188, %swap3A_1189] : memref<137x8192xbf16, #tpu.memory_space<vmem>>, vector<136x128xbf16>
      tpu.vector_store %arg7[%swap3A_1188, %swap3A_1189], %add3A_1187 {strides = array<i32>} : memref<137x8192xbf16, #tpu.memory_space<vmem>>, vector<136x128xbf16>,
      %get3A_1191 = arith.constant 14 : index
      %get3A_1192 = arith.constant 0 : index
      %get3A_1193 = vector.load %arg2[%get3A_1191, %get3A_1192] : memref<64x9xf32, #tpu.memory_space<vmem>>, vector<1x1xf32>
      %get3A_1194 = vector.extract %get3A_1193[0, 0] : f32 from vector<1x1xf32>
      %convert_element_type3A_1195 = arith.truncf %get3A_1194 : f32 to bf16
      %mul3A_1196 = vector.broadcast %convert_element_type3A_1195 : bf16 to vector<136x128xbf16>
      %mul3A_1197 = arith.mulf %convert_element_type3A_106, %mul3A_1196 : vector<136x128xbf16>
      %get3A_1198 = arith.constant 14 : index
      %get3A_1199 = arith.constant 1 : index
      %get3A_1200 = vector.load %arg2[%get3A_1198, %get3A_1199] : memref<64x9xf32, #tpu.memory_space<vmem>>, vector<1x1xf32>
      %get3A_1201 = vector.extract %get3A_1200[0, 0] : f32 from vector<1x1xf32>
      %convert_element_type3A_1202 = arith.truncf %get3A_1201 : f32 to bf16
      %mul3A_1203 = vector.broadcast %convert_element_type3A_1202 : bf16 to vector<136x128xbf16>
      %mul3A_1204 = arith.mulf %convert_element_type3A_112, %mul3A_1203 : vector<136x128xbf16>
      %add3A_1205 = arith.addf %mul3A_1197, %mul3A_1204 : vector<136x128xbf16>
      %get3A_1206 = arith.constant 14 : index
      %get3A_1207 = arith.constant 2 : index
      %get3A_1208 = vector.load %arg2[%get3A_1206, %get3A_1207] : memref<64x9xf32, #tpu.memory_space<vmem>>, vector<1x1xf32>
      %get3A_1209 = vector.extract %get3A_1208[0, 0] : f32 from vector<1x1xf32>
      %convert_element_type3A_1210 = arith.truncf %get3A_1209 : f32 to bf16
      %mul3A_1211 = vector.broadcast %convert_element_type3A_1210 : bf16 to vector<136x128xbf16>
      %mul3A_1212 = arith.mulf %convert_element_type3A_118, %mul3A_1211 : vector<136x128xbf16>
      %add3A_1213 = arith.addf %add3A_1205, %mul3A_1212 : vector<136x128xbf16>
      %get3A_1214 = arith.constant 14 : index
      %get3A_1215 = arith.constant 3 : index
      %get3A_1216 = vector.load %arg2[%get3A_1214, %get3A_1215] : memref<64x9xf32, #tpu.memory_space<vmem>>, vector<1x1xf32>
      %get3A_1217 = vector.extract %get3A_1216[0, 0] : f32 from vector<1x1xf32>
      %convert_element_type3A_1218 = arith.truncf %get3A_1217 : f32 to bf16
      %mul3A_1219 = vector.broadcast %convert_element_type3A_1218 : bf16 to vector<136x128xbf16>
      %mul3A_1220 = arith.mulf %convert_element_type3A_124, %mul3A_1219 : vector<136x128xbf16>
      %add3A_1221 = arith.addf %add3A_1213, %mul3A_1220 : vector<136x128xbf16>
      %get3A_1222 = arith.constant 14 : index
      %get3A_1223 = arith.constant 4 : index
      %get3A_1224 = vector.load %arg2[%get3A_1222, %get3A_1223] : memref<64x9xf32, #tpu.memory_space<vmem>>, vector<1x1xf32>
      %get3A_1225 = vector.extract %get3A_1224[0, 0] : f32 from vector<1x1xf32>
      %convert_element_type3A_1226 = arith.truncf %get3A_1225 : f32 to bf16
      %mul3A_1227 = vector.broadcast %convert_element_type3A_1226 : bf16 to vector<136x128xbf16>
      %mul3A_1228 = arith.mulf %convert_element_type3A_130, %mul3A_1227 : vector<136x128xbf16>
      %add3A_1229 = arith.addf %add3A_1221, %mul3A_1228 : vector<136x128xbf16>
      %get3A_1230 = arith.constant 14 : index
      %get3A_1231 = arith.constant 5 : index
      %get3A_1232 = vector.load %arg2[%get3A_1230, %get3A_1231] : memref<64x9xf32, #tpu.memory_space<vmem>>, vector<1x1xf32>
      %get3A_1233 = vector.extract %get3A_1232[0, 0] : f32 from vector<1x1xf32>
      %convert_element_type3A_1234 = arith.truncf %get3A_1233 : f32 to bf16
      %mul3A_1235 = vector.broadcast %convert_element_type3A_1234 : bf16 to vector<136x128xbf16>
      %mul3A_1236 = arith.mulf %convert_element_type3A_136, %mul3A_1235 : vector<136x128xbf16>
      %add3A_1237 = arith.addf %add3A_1229, %mul3A_1236 : vector<136x128xbf16>
      %get3A_1238 = arith.constant 14 : index
      %get3A_1239 = arith.constant 6 : index
      %get3A_1240 = vector.load %arg2[%get3A_1238, %get3A_1239] : memref<64x9xf32, #tpu.memory_space<vmem>>, vector<1x1xf32>
      %get3A_1241 = vector.extract %get3A_1240[0, 0] : f32 from vector<1x1xf32>
      %convert_element_type3A_1242 = arith.truncf %get3A_1241 : f32 to bf16
      %mul3A_1243 = vector.broadcast %convert_element_type3A_1242 : bf16 to vector<136x128xbf16>
      %mul3A_1244 = arith.mulf %convert_element_type3A_142, %mul3A_1243 : vector<136x128xbf16>
      %add3A_1245 = arith.addf %add3A_1237, %mul3A_1244 : vector<136x128xbf16>
      %get3A_1246 = arith.constant 14 : index
      %get3A_1247 = arith.constant 7 : index
      %get3A_1248 = vector.load %arg2[%get3A_1246, %get3A_1247] : memref<64x9xf32, #tpu.memory_space<vmem>>, vector<1x1xf32>
      %get3A_1249 = vector.extract %get3A_1248[0, 0] : f32 from vector<1x1xf32>
      %convert_element_type3A_1250 = arith.truncf %get3A_1249 : f32 to bf16
      %mul3A_1251 = vector.broadcast %convert_element_type3A_1250 : bf16 to vector<136x128xbf16>
      %mul3A_1252 = arith.mulf %convert_element_type3A_148, %mul3A_1251 : vector<136x128xbf16>
      %add3A_1253 = arith.addf %add3A_1245, %mul3A_1252 : vector<136x128xbf16>
      %get3A_1254 = arith.constant 14 : index
      %get3A_1255 = arith.constant 8 : index
      %get3A_1256 = vector.load %arg2[%get3A_1254, %get3A_1255] : memref<64x9xf32, #tpu.memory_space<vmem>>, vector<1x1xf32>
      %get3A_1257 = vector.extract %get3A_1256[0, 0] : f32 from vector<1x1xf32>
      %convert_element_type3A_1258 = arith.truncf %get3A_1257 : f32 to bf16
      %mul3A_1259 = vector.broadcast %convert_element_type3A_1258 : bf16 to vector<136x128xbf16>
      %mul3A_1260 = arith.mulf %convert_element_type3A_154, %mul3A_1259 : vector<136x128xbf16>
      %add3A_1261 = arith.addf %add3A_1253, %mul3A_1260 : vector<136x128xbf16>
      %swap3A_1262 = arith.constant 0 : index
      %swap3A_1263 = arith.constant 1792 : index
      %swap3A_1264 = vector.load %arg7[%swap3A_1262, %swap3A_1263] : memref<137x8192xbf16, #tpu.memory_space<vmem>>, vector<136x128xbf16>
      tpu.vector_store %arg7[%swap3A_1262, %swap3A_1263], %add3A_1261 {strides = array<i32>} : memref<137x8192xbf16, #tpu.memory_space<vmem>>, vector<136x128xbf16>,
      %get3A_1265 = arith.constant 15 : index
      %get3A_1266 = arith.constant 0 : index
      %get3A_1267 = vector.load %arg2[%get3A_1265, %get3A_1266] : memref<64x9xf32, #tpu.memory_space<vmem>>, vector<1x1xf32>
      %get3A_1268 = vector.extract %get3A_1267[0, 0] : f32 from vector<1x1xf32>
      %convert_element_type3A_1269 = arith.truncf %get3A_1268 : f32 to bf16
      %mul3A_1270 = vector.broadcast %convert_element_type3A_1269 : bf16 to vector<136x128xbf16>
      %mul3A_1271 = arith.mulf %convert_element_type3A_106, %mul3A_1270 : vector<136x128xbf16>
      %get3A_1272 = arith.constant 15 : index
      %get3A_1273 = arith.constant 1 : index
      %get3A_1274 = vector.load %arg2[%get3A_1272, %get3A_1273] : memref<64x9xf32, #tpu.memory_space<vmem>>, vector<1x1xf32>
      %get3A_1275 = vector.extract %get3A_1274[0, 0] : f32 from vector<1x1xf32>
      %convert_element_type3A_1276 = arith.truncf %get3A_1275 : f32 to bf16
      %mul3A_1277 = vector.broadcast %convert_element_type3A_1276 : bf16 to vector<136x128xbf16>
      %mul3A_1278 = arith.mulf %convert_element_type3A_112, %mul3A_1277 : vector<136x128xbf16>
      %add3A_1279 = arith.addf %mul3A_1271, %mul3A_1278 : vector<136x128xbf16>
      %get3A_1280 = arith.constant 15 : index
      %get3A_1281 = arith.constant 2 : index
      %get3A_1282 = vector.load %arg2[%get3A_1280, %get3A_1281] : memref<64x9xf32, #tpu.memory_space<vmem>>, vector<1x1xf32>
      %get3A_1283 = vector.extract %get3A_1282[0, 0] : f32 from vector<1x1xf32>
      %convert_element_type3A_1284 = arith.truncf %get3A_1283 : f32 to bf16
      %mul3A_1285 = vector.broadcast %convert_element_type3A_1284 : bf16 to vector<136x128xbf16>
      %mul3A_1286 = arith.mulf %convert_element_type3A_118, %mul3A_1285 : vector<136x128xbf16>
      %add3A_1287 = arith.addf %add3A_1279, %mul3A_1286 : vector<136x128xbf16>
      %get3A_1288 = arith.constant 15 : index
      %get3A_1289 = arith.constant 3 : index
      %get3A_1290 = vector.load %arg2[%get3A_1288, %get3A_1289] : memref<64x9xf32, #tpu.memory_space<vmem>>, vector<1x1xf32>
      %get3A_1291 = vector.extract %get3A_1290[0, 0] : f32 from vector<1x1xf32>
      %convert_element_type3A_1292 = arith.truncf %get3A_1291 : f32 to bf16
      %mul3A_1293 = vector.broadcast %convert_element_type3A_1292 : bf16 to vector<136x128xbf16>
      %mul3A_1294 = arith.mulf %convert_element_type3A_124, %mul3A_1293 : vector<136x128xbf16>
      %add3A_1295 = arith.addf %add3A_1287, %mul3A_1294 : vector<136x128xbf16>
      %get3A_1296 = arith.constant 15 : index
      %get3A_1297 = arith.constant 4 : index
      %get3A_1298 = vector.load %arg2[%get3A_1296, %get3A_1297] : memref<64x9xf32, #tpu.memory_space<vmem>>, vector<1x1xf32>
      %get3A_1299 = vector.extract %get3A_1298[0, 0] : f32 from vector<1x1xf32>
      %convert_element_type3A_1300 = arith.truncf %get3A_1299 : f32 to bf16
      %mul3A_1301 = vector.broadcast %convert_element_type3A_1300 : bf16 to vector<136x128xbf16>
      %mul3A_1302 = arith.mulf %convert_element_type3A_130, %mul3A_1301 : vector<136x128xbf16>
      %add3A_1303 = arith.addf %add3A_1295, %mul3A_1302 : vector<136x128xbf16>
      %get3A_1304 = arith.constant 15 : index
      %get3A_1305 = arith.constant 5 : index
      %get3A_1306 = vector.load %arg2[%get3A_1304, %get3A_1305] : memref<64x9xf32, #tpu.memory_space<vmem>>, vector<1x1xf32>
      %get3A_1307 = vector.extract %get3A_1306[0, 0] : f32 from vector<1x1xf32>
      %convert_element_type3A_1308 = arith.truncf %get3A_1307 : f32 to bf16
      %mul3A_1309 = vector.broadcast %convert_element_type3A_1308 : bf16 to vector<136x128xbf16>
      %mul3A_1310 = arith.mulf %convert_element_type3A_136, %mul3A_1309 : vector<136x128xbf16>
      %add3A_1311 = arith.addf %add3A_1303, %mul3A_1310 : vector<136x128xbf16>
      %get3A_1312 = arith.constant 15 : index
      %get3A_1313 = arith.constant 6 : index
      %get3A_1314 = vector.load %arg2[%get3A_1312, %get3A_1313] : memref<64x9xf32, #tpu.memory_space<vmem>>, vector<1x1xf32>
      %get3A_1315 = vector.extract %get3A_1314[0, 0] : f32 from vector<1x1xf32>
      %convert_element_type3A_1316 = arith.truncf %get3A_1315 : f32 to bf16
      %mul3A_1317 = vector.broadcast %convert_element_type3A_1316 : bf16 to vector<136x128xbf16>
      %mul3A_1318 = arith.mulf %convert_element_type3A_142, %mul3A_1317 : vector<136x128xbf16>
      %add3A_1319 = arith.addf %add3A_1311, %mul3A_1318 : vector<136x128xbf16>
      %get3A_1320 = arith.constant 15 : index
      %get3A_1321 = arith.constant 7 : index
      %get3A_1322 = vector.load %arg2[%get3A_1320, %get3A_1321] : memref<64x9xf32, #tpu.memory_space<vmem>>, vector<1x1xf32>
      %get3A_1323 = vector.extract %get3A_1322[0, 0] : f32 from vector<1x1xf32>
      %convert_element_type3A_1324 = arith.truncf %get3A_1323 : f32 to bf16
      %mul3A_1325 = vector.broadcast %convert_element_type3A_1324 : bf16 to vector<136x128xbf16>
      %mul3A_1326 = arith.mulf %convert_element_type3A_148, %mul3A_1325 : vector<136x128xbf16>
      %add3A_1327 = arith.addf %add3A_1319, %mul3A_1326 : vector<136x128xbf16>
      %get3A_1328 = arith.constant 15 : index
      %get3A_1329 = arith.constant 8 : index
      %get3A_1330 = vector.load %arg2[%get3A_1328, %get3A_1329] : memref<64x9xf32, #tpu.memory_space<vmem>>, vector<1x1xf32>
      %get3A_1331 = vector.extract %get3A_1330[0, 0] : f32 from vector<1x1xf32>
      %convert_element_type3A_1332 = arith.truncf %get3A_1331 : f32 to bf16
      %mul3A_1333 = vector.broadcast %convert_element_type3A_1332 : bf16 to vector<136x128xbf16>
      %mul3A_1334 = arith.mulf %convert_element_type3A_154, %mul3A_1333 : vector<136x128xbf16>
      %add3A_1335 = arith.addf %add3A_1327, %mul3A_1334 : vector<136x128xbf16>
      %swap3A_1336 = arith.constant 0 : index
      %swap3A_1337 = arith.constant 1920 : index
      %swap3A_1338 = vector.load %arg7[%swap3A_1336, %swap3A_1337] : memref<137x8192xbf16, #tpu.memory_space<vmem>>, vector<136x128xbf16>
      tpu.vector_store %arg7[%swap3A_1336, %swap3A_1337], %add3A_1335 {strides = array<i32>} : memref<137x8192xbf16, #tpu.memory_space<vmem>>, vector<136x128xbf16>,
      %get3A_1339 = arith.constant 16 : index
      %get3A_1340 = arith.constant 0 : index
      %get3A_1341 = vector.load %arg2[%get3A_1339, %get3A_1340] : memref<64x9xf32, #tpu.memory_space<vmem>>, vector<1x1xf32>
      %get3A_1342 = vector.extract %get3A_1341[0, 0] : f32 from vector<1x1xf32>
      %convert_element_type3A_1343 = arith.truncf %get3A_1342 : f32 to bf16
      %mul3A_1344 = vector.broadcast %convert_element_type3A_1343 : bf16 to vector<136x128xbf16>
      %mul3A_1345 = arith.mulf %convert_element_type3A_106, %mul3A_1344 : vector<136x128xbf16>
      %get3A_1346 = arith.constant 16 : index
      %get3A_1347 = arith.constant 1 : index
      %get3A_1348 = vector.load %arg2[%get3A_1346, %get3A_1347] : memref<64x9xf32, #tpu.memory_space<vmem>>, vector<1x1xf32>
      %get3A_1349 = vector.extract %get3A_1348[0, 0] : f32 from vector<1x1xf32>
      %convert_element_type3A_1350 = arith.truncf %get3A_1349 : f32 to bf16
      %mul3A_1351 = vector.broadcast %convert_element_type3A_1350 : bf16 to vector<136x128xbf16>
      %mul3A_1352 = arith.mulf %convert_element_type3A_112, %mul3A_1351 : vector<136x128xbf16>
      %add3A_1353 = arith.addf %mul3A_1345, %mul3A_1352 : vector<136x128xbf16>
      %get3A_1354 = arith.constant 16 : index
      %get3A_1355 = arith.constant 2 : index
      %get3A_1356 = vector.load %arg2[%get3A_1354, %get3A_1355] : memref<64x9xf32, #tpu.memory_space<vmem>>, vector<1x1xf32>
      %get3A_1357 = vector.extract %get3A_1356[0, 0] : f32 from vector<1x1xf32>
      %convert_element_type3A_1358 = arith.truncf %get3A_1357 : f32 to bf16
      %mul3A_1359 = vector.broadcast %convert_element_type3A_1358 : bf16 to vector<136x128xbf16>
      %mul3A_1360 = arith.mulf %convert_element_type3A_118, %mul3A_1359 : vector<136x128xbf16>
      %add3A_1361 = arith.addf %add3A_1353, %mul3A_1360 : vector<136x128xbf16>
      %get3A_1362 = arith.constant 16 : index
      %get3A_1363 = arith.constant 3 : index
      %get3A_1364 = vector.load %arg2[%get3A_1362, %get3A_1363] : memref<64x9xf32, #tpu.memory_space<vmem>>, vector<1x1xf32>
      %get3A_1365 = vector.extract %get3A_1364[0, 0] : f32 from vector<1x1xf32>
      %convert_element_type3A_1366 = arith.truncf %get3A_1365 : f32 to bf16
      %mul3A_1367 = vector.broadcast %convert_element_type3A_1366 : bf16 to vector<136x128xbf16>
      %mul3A_1368 = arith.mulf %convert_element_type3A_124, %mul3A_1367 : vector<136x128xbf16>
      %add3A_1369 = arith.addf %add3A_1361, %mul3A_1368 : vector<136x128xbf16>
      %get3A_1370 = arith.constant 16 : index
      %get3A_1371 = arith.constant 4 : index
      %get3A_1372 = vector.load %arg2[%get3A_1370, %get3A_1371] : memref<64x9xf32, #tpu.memory_space<vmem>>, vector<1x1xf32>
      %get3A_1373 = vector.extract %get3A_1372[0, 0] : f32 from vector<1x1xf32>
      %convert_element_type3A_1374 = arith.truncf %get3A_1373 : f32 to bf16
      %mul3A_1375 = vector.broadcast %convert_element_type3A_1374 : bf16 to vector<136x128xbf16>
      %mul3A_1376 = arith.mulf %convert_element_type3A_130, %mul3A_1375 : vector<136x128xbf16>
      %add3A_1377 = arith.addf %add3A_1369, %mul3A_1376 : vector<136x128xbf16>
      %get3A_1378 = arith.constant 16 : index
      %get3A_1379 = arith.constant 5 : index
      %get3A_1380 = vector.load %arg2[%get3A_1378, %get3A_1379] : memref<64x9xf32, #tpu.memory_space<vmem>>, vector<1x1xf32>
      %get3A_1381 = vector.extract %get3A_1380[0, 0] : f32 from vector<1x1xf32>
      %convert_element_type3A_1382 = arith.truncf %get3A_1381 : f32 to bf16
      %mul3A_1383 = vector.broadcast %convert_element_type3A_1382 : bf16 to vector<136x128xbf16>
      %mul3A_1384 = arith.mulf %convert_element_type3A_136, %mul3A_1383 : vector<136x128xbf16>
      %add3A_1385 = arith.addf %add3A_1377, %mul3A_1384 : vector<136x128xbf16>
      %get3A_1386 = arith.constant 16 : index
      %get3A_1387 = arith.constant 6 : index
      %get3A_1388 = vector.load %arg2[%get3A_1386, %get3A_1387] : memref<64x9xf32, #tpu.memory_space<vmem>>, vector<1x1xf32>
      %get3A_1389 = vector.extract %get3A_1388[0, 0] : f32 from vector<1x1xf32>
      %convert_element_type3A_1390 = arith.truncf %get3A_1389 : f32 to bf16
      %mul3A_1391 = vector.broadcast %convert_element_type3A_1390 : bf16 to vector<136x128xbf16>
      %mul3A_1392 = arith.mulf %convert_element_type3A_142, %mul3A_1391 : vector<136x128xbf16>
      %add3A_1393 = arith.addf %add3A_1385, %mul3A_1392 : vector<136x128xbf16>
      %get3A_1394 = arith.constant 16 : index
      %get3A_1395 = arith.constant 7 : index
      %get3A_1396 = vector.load %arg2[%get3A_1394, %get3A_1395] : memref<64x9xf32, #tpu.memory_space<vmem>>, vector<1x1xf32>
      %get3A_1397 = vector.extract %get3A_1396[0, 0] : f32 from vector<1x1xf32>
      %convert_element_type3A_1398 = arith.truncf %get3A_1397 : f32 to bf16
      %mul3A_1399 = vector.broadcast %convert_element_type3A_1398 : bf16 to vector<136x128xbf16>
      %mul3A_1400 = arith.mulf %convert_element_type3A_148, %mul3A_1399 : vector<136x128xbf16>
      %add3A_1401 = arith.addf %add3A_1393, %mul3A_1400 : vector<136x128xbf16>
      %get3A_1402 = arith.constant 16 : index
      %get3A_1403 = arith.constant 8 : index
      %get3A_1404 = vector.load %arg2[%get3A_1402, %get3A_1403] : memref<64x9xf32, #tpu.memory_space<vmem>>, vector<1x1xf32>
      %get3A_1405 = vector.extract %get3A_1404[0, 0] : f32 from vector<1x1xf32>
      %convert_element_type3A_1406 = arith.truncf %get3A_1405 : f32 to bf16
      %mul3A_1407 = vector.broadcast %convert_element_type3A_1406 : bf16 to vector<136x128xbf16>
      %mul3A_1408 = arith.mulf %convert_element_type3A_154, %mul3A_1407 : vector<136x128xbf16>
      %add3A_1409 = arith.addf %add3A_1401, %mul3A_1408 : vector<136x128xbf16>
      %swap3A_1410 = arith.constant 0 : index
      %swap3A_1411 = arith.constant 2048 : index
      %swap3A_1412 = vector.load %arg7[%swap3A_1410, %swap3A_1411] : memref<137x8192xbf16, #tpu.memory_space<vmem>>, vector<136x128xbf16>
      tpu.vector_store %arg7[%swap3A_1410, %swap3A_1411], %add3A_1409 {strides = array<i32>} : memref<137x8192xbf16, #tpu.memory_space<vmem>>, vector<136x128xbf16>,
      %get3A_1413 = arith.constant 17 : index
      %get3A_1414 = arith.constant 0 : index
      %get3A_1415 = vector.load %arg2[%get3A_1413, %get3A_1414] : memref<64x9xf32, #tpu.memory_space<vmem>>, vector<1x1xf32>
      %get3A_1416 = vector.extract %get3A_1415[0, 0] : f32 from vector<1x1xf32>
      %convert_element_type3A_1417 = arith.truncf %get3A_1416 : f32 to bf16
      %mul3A_1418 = vector.broadcast %convert_element_type3A_1417 : bf16 to vector<136x128xbf16>
      %mul3A_1419 = arith.mulf %convert_element_type3A_106, %mul3A_1418 : vector<136x128xbf16>
      %get3A_1420 = arith.constant 17 : index
      %get3A_1421 = arith.constant 1 : index
      %get3A_1422 = vector.load %arg2[%get3A_1420, %get3A_1421] : memref<64x9xf32, #tpu.memory_space<vmem>>, vector<1x1xf32>
      %get3A_1423 = vector.extract %get3A_1422[0, 0] : f32 from vector<1x1xf32>
      %convert_element_type3A_1424 = arith.truncf %get3A_1423 : f32 to bf16
      %mul3A_1425 = vector.broadcast %convert_element_type3A_1424 : bf16 to vector<136x128xbf16>
      %mul3A_1426 = arith.mulf %convert_element_type3A_112, %mul3A_1425 : vector<136x128xbf16>
      %add3A_1427 = arith.addf %mul3A_1419, %mul3A_1426 : vector<136x128xbf16>
      %get3A_1428 = arith.constant 17 : index
      %get3A_1429 = arith.constant 2 : index
      %get3A_1430 = vector.load %arg2[%get3A_1428, %get3A_1429] : memref<64x9xf32, #tpu.memory_space<vmem>>, vector<1x1xf32>
      %get3A_1431 = vector.extract %get3A_1430[0, 0] : f32 from vector<1x1xf32>
      %convert_element_type3A_1432 = arith.truncf %get3A_1431 : f32 to bf16
      %mul3A_1433 = vector.broadcast %convert_element_type3A_1432 : bf16 to vector<136x128xbf16>
      %mul3A_1434 = arith.mulf %convert_element_type3A_118, %mul3A_1433 : vector<136x128xbf16>
      %add3A_1435 = arith.addf %add3A_1427, %mul3A_1434 : vector<136x128xbf16>
      %get3A_1436 = arith.constant 17 : index
      %get3A_1437 = arith.constant 3 : index
      %get3A_1438 = vector.load %arg2[%get3A_1436, %get3A_1437] : memref<64x9xf32, #tpu.memory_space<vmem>>, vector<1x1xf32>
      %get3A_1439 = vector.extract %get3A_1438[0, 0] : f32 from vector<1x1xf32>
      %convert_element_type3A_1440 = arith.truncf %get3A_1439 : f32 to bf16
      %mul3A_1441 = vector.broadcast %convert_element_type3A_1440 : bf16 to vector<136x128xbf16>
      %mul3A_1442 = arith.mulf %convert_element_type3A_124, %mul3A_1441 : vector<136x128xbf16>
      %add3A_1443 = arith.addf %add3A_1435, %mul3A_1442 : vector<136x128xbf16>
      %get3A_1444 = arith.constant 17 : index
      %get3A_1445 = arith.constant 4 : index
      %get3A_1446 = vector.load %arg2[%get3A_1444, %get3A_1445] : memref<64x9xf32, #tpu.memory_space<vmem>>, vector<1x1xf32>
      %get3A_1447 = vector.extract %get3A_1446[0, 0] : f32 from vector<1x1xf32>
      %convert_element_type3A_1448 = arith.truncf %get3A_1447 : f32 to bf16
      %mul3A_1449 = vector.broadcast %convert_element_type3A_1448 : bf16 to vector<136x128xbf16>
      %mul3A_1450 = arith.mulf %convert_element_type3A_130, %mul3A_1449 : vector<136x128xbf16>
      %add3A_1451 = arith.addf %add3A_1443, %mul3A_1450 : vector<136x128xbf16>
      %get3A_1452 = arith.constant 17 : index
      %get3A_1453 = arith.constant 5 : index
      %get3A_1454 = vector.load %arg2[%get3A_1452, %get3A_1453] : memref<64x9xf32, #tpu.memory_space<vmem>>, vector<1x1xf32>
      %get3A_1455 = vector.extract %get3A_1454[0, 0] : f32 from vector<1x1xf32>
      %convert_element_type3A_1456 = arith.truncf %get3A_1455 : f32 to bf16
      %mul3A_1457 = vector.broadcast %convert_element_type3A_1456 : bf16 to vector<136x128xbf16>
      %mul3A_1458 = arith.mulf %convert_element_type3A_136, %mul3A_1457 : vector<136x128xbf16>
      %add3A_1459 = arith.addf %add3A_1451, %mul3A_1458 : vector<136x128xbf16>
      %get3A_1460 = arith.constant 17 : index
      %get3A_1461 = arith.constant 6 : index
      %get3A_1462 = vector.load %arg2[%get3A_1460, %get3A_1461] : memref<64x9xf32, #tpu.memory_space<vmem>>, vector<1x1xf32>
      %get3A_1463 = vector.extract %get3A_1462[0, 0] : f32 from vector<1x1xf32>
      %convert_element_type3A_1464 = arith.truncf %get3A_1463 : f32 to bf16
      %mul3A_1465 = vector.broadcast %convert_element_type3A_1464 : bf16 to vector<136x128xbf16>
      %mul3A_1466 = arith.mulf %convert_element_type3A_142, %mul3A_1465 : vector<136x128xbf16>
      %add3A_1467 = arith.addf %add3A_1459, %mul3A_1466 : vector<136x128xbf16>
      %get3A_1468 = arith.constant 17 : index
      %get3A_1469 = arith.constant 7 : index
      %get3A_1470 = vector.load %arg2[%get3A_1468, %get3A_1469] : memref<64x9xf32, #tpu.memory_space<vmem>>, vector<1x1xf32>
      %get3A_1471 = vector.extract %get3A_1470[0, 0] : f32 from vector<1x1xf32>
      %convert_element_type3A_1472 = arith.truncf %get3A_1471 : f32 to bf16
      %mul3A_1473 = vector.broadcast %convert_element_type3A_1472 : bf16 to vector<136x128xbf16>
      %mul3A_1474 = arith.mulf %convert_element_type3A_148, %mul3A_1473 : vector<136x128xbf16>
      %add3A_1475 = arith.addf %add3A_1467, %mul3A_1474 : vector<136x128xbf16>
      %get3A_1476 = arith.constant 17 : index
      %get3A_1477 = arith.constant 8 : index
      %get3A_1478 = vector.load %arg2[%get3A_1476, %get3A_1477] : memref<64x9xf32, #tpu.memory_space<vmem>>, vector<1x1xf32>
      %get3A_1479 = vector.extract %get3A_1478[0, 0] : f32 from vector<1x1xf32>
      %convert_element_type3A_1480 = arith.truncf %get3A_1479 : f32 to bf16
      %mul3A_1481 = vector.broadcast %convert_element_type3A_1480 : bf16 to vector<136x128xbf16>
      %mul3A_1482 = arith.mulf %convert_element_type3A_154, %mul3A_1481 : vector<136x128xbf16>
      %add3A_1483 = arith.addf %add3A_1475, %mul3A_1482 : vector<136x128xbf16>
      %swap3A_1484 = arith.constant 0 : index
      %swap3A_1485 = arith.constant 2176 : index
      %swap3A_1486 = vector.load %arg7[%swap3A_1484, %swap3A_1485] : memref<137x8192xbf16, #tpu.memory_space<vmem>>, vector<136x128xbf16>
      tpu.vector_store %arg7[%swap3A_1484, %swap3A_1485], %add3A_1483 {strides = array<i32>} : memref<137x8192xbf16, #tpu.memory_space<vmem>>, vector<136x128xbf16>,
      %get3A_1487 = arith.constant 18 : index
      %get3A_1488 = arith.constant 0 : index
      %get3A_1489 = vector.load %arg2[%get3A_1487, %get3A_1488] : memref<64x9xf32, #tpu.memory_space<vmem>>, vector<1x1xf32>
      %get3A_1490 = vector.extract %get3A_1489[0, 0] : f32 from vector<1x1xf32>
      %convert_element_type3A_1491 = arith.truncf %get3A_1490 : f32 to bf16
      %mul3A_1492 = vector.broadcast %convert_element_type3A_1491 : bf16 to vector<136x128xbf16>
      %mul3A_1493 = arith.mulf %convert_element_type3A_106, %mul3A_1492 : vector<136x128xbf16>
      %get3A_1494 = arith.constant 18 : index
      %get3A_1495 = arith.constant 1 : index
      %get3A_1496 = vector.load %arg2[%get3A_1494, %get3A_1495] : memref<64x9xf32, #tpu.memory_space<vmem>>, vector<1x1xf32>
      %get3A_1497 = vector.extract %get3A_1496[0, 0] : f32 from vector<1x1xf32>
      %convert_element_type3A_1498 = arith.truncf %get3A_1497 : f32 to bf16
      %mul3A_1499 = vector.broadcast %convert_element_type3A_1498 : bf16 to vector<136x128xbf16>
      %mul3A_1500 = arith.mulf %convert_element_type3A_112, %mul3A_1499 : vector<136x128xbf16>
      %add3A_1501 = arith.addf %mul3A_1493, %mul3A_1500 : vector<136x128xbf16>
      %get3A_1502 = arith.constant 18 : index
      %get3A_1503 = arith.constant 2 : index
      %get3A_1504 = vector.load %arg2[%get3A_1502, %get3A_1503] : memref<64x9xf32, #tpu.memory_space<vmem>>, vector<1x1xf32>
      %get3A_1505 = vector.extract %get3A_1504[0, 0] : f32 from vector<1x1xf32>
      %convert_element_type3A_1506 = arith.truncf %get3A_1505 : f32 to bf16
      %mul3A_1507 = vector.broadcast %convert_element_type3A_1506 : bf16 to vector<136x128xbf16>
      %mul3A_1508 = arith.mulf %convert_element_type3A_118, %mul3A_1507 : vector<136x128xbf16>
      %add3A_1509 = arith.addf %add3A_1501, %mul3A_1508 : vector<136x128xbf16>
      %get3A_1510 = arith.constant 18 : index
      %get3A_1511 = arith.constant 3 : index
      %get3A_1512 = vector.load %arg2[%get3A_1510, %get3A_1511] : memref<64x9xf32, #tpu.memory_space<vmem>>, vector<1x1xf32>
      %get3A_1513 = vector.extract %get3A_1512[0, 0] : f32 from vector<1x1xf32>
      %convert_element_type3A_1514 = arith.truncf %get3A_1513 : f32 to bf16
      %mul3A_1515 = vector.broadcast %convert_element_type3A_1514 : bf16 to vector<136x128xbf16>
      %mul3A_1516 = arith.mulf %convert_element_type3A_124, %mul3A_1515 : vector<136x128xbf16>
      %add3A_1517 = arith.addf %add3A_1509, %mul3A_1516 : vector<136x128xbf16>
      %get3A_1518 = arith.constant 18 : index
      %get3A_1519 = arith.constant 4 : index
      %get3A_1520 = vector.load %arg2[%get3A_1518, %get3A_1519] : memref<64x9xf32, #tpu.memory_space<vmem>>, vector<1x1xf32>
      %get3A_1521 = vector.extract %get3A_1520[0, 0] : f32 from vector<1x1xf32>
      %convert_element_type3A_1522 = arith.truncf %get3A_1521 : f32 to bf16
      %mul3A_1523 = vector.broadcast %convert_element_type3A_1522 : bf16 to vector<136x128xbf16>
      %mul3A_1524 = arith.mulf %convert_element_type3A_130, %mul3A_1523 : vector<136x128xbf16>
      %add3A_1525 = arith.addf %add3A_1517, %mul3A_1524 : vector<136x128xbf16>
      %get3A_1526 = arith.constant 18 : index
      %get3A_1527 = arith.constant 5 : index
      %get3A_1528 = vector.load %arg2[%get3A_1526, %get3A_1527] : memref<64x9xf32, #tpu.memory_space<vmem>>, vector<1x1xf32>
      %get3A_1529 = vector.extract %get3A_1528[0, 0] : f32 from vector<1x1xf32>
      %convert_element_type3A_1530 = arith.truncf %get3A_1529 : f32 to bf16
      %mul3A_1531 = vector.broadcast %convert_element_type3A_1530 : bf16 to vector<136x128xbf16>
      %mul3A_1532 = arith.mulf %convert_element_type3A_136, %mul3A_1531 : vector<136x128xbf16>
      %add3A_1533 = arith.addf %add3A_1525, %mul3A_1532 : vector<136x128xbf16>
      %get3A_1534 = arith.constant 18 : index
      %get3A_1535 = arith.constant 6 : index
      %get3A_1536 = vector.load %arg2[%get3A_1534, %get3A_1535] : memref<64x9xf32, #tpu.memory_space<vmem>>, vector<1x1xf32>
      %get3A_1537 = vector.extract %get3A_1536[0, 0] : f32 from vector<1x1xf32>
      %convert_element_type3A_1538 = arith.truncf %get3A_1537 : f32 to bf16
      %mul3A_1539 = vector.broadcast %convert_element_type3A_1538 : bf16 to vector<136x128xbf16>
      %mul3A_1540 = arith.mulf %convert_element_type3A_142, %mul3A_1539 : vector<136x128xbf16>
      %add3A_1541 = arith.addf %add3A_1533, %mul3A_1540 : vector<136x128xbf16>
      %get3A_1542 = arith.constant 18 : index
      %get3A_1543 = arith.constant 7 : index
      %get3A_1544 = vector.load %arg2[%get3A_1542, %get3A_1543] : memref<64x9xf32, #tpu.memory_space<vmem>>, vector<1x1xf32>
      %get3A_1545 = vector.extract %get3A_1544[0, 0] : f32 from vector<1x1xf32>
      %convert_element_type3A_1546 = arith.truncf %get3A_1545 : f32 to bf16
      %mul3A_1547 = vector.broadcast %convert_element_type3A_1546 : bf16 to vector<136x128xbf16>
      %mul3A_1548 = arith.mulf %convert_element_type3A_148, %mul3A_1547 : vector<136x128xbf16>
      %add3A_1549 = arith.addf %add3A_1541, %mul3A_1548 : vector<136x128xbf16>
      %get3A_1550 = arith.constant 18 : index
      %get3A_1551 = arith.constant 8 : index
      %get3A_1552 = vector.load %arg2[%get3A_1550, %get3A_1551] : memref<64x9xf32, #tpu.memory_space<vmem>>, vector<1x1xf32>
      %get3A_1553 = vector.extract %get3A_1552[0, 0] : f32 from vector<1x1xf32>
      %convert_element_type3A_1554 = arith.truncf %get3A_1553 : f32 to bf16
      %mul3A_1555 = vector.broadcast %convert_element_type3A_1554 : bf16 to vector<136x128xbf16>
      %mul3A_1556 = arith.mulf %convert_element_type3A_154, %mul3A_1555 : vector<136x128xbf16>
      %add3A_1557 = arith.addf %add3A_1549, %mul3A_1556 : vector<136x128xbf16>
      %swap3A_1558 = arith.constant 0 : index
      %swap3A_1559 = arith.constant 2304 : index
      %swap3A_1560 = vector.load %arg7[%swap3A_1558, %swap3A_1559] : memref<137x8192xbf16, #tpu.memory_space<vmem>>, vector<136x128xbf16>
      tpu.vector_store %arg7[%swap3A_1558, %swap3A_1559], %add3A_1557 {strides = array<i32>} : memref<137x8192xbf16, #tpu.memory_space<vmem>>, vector<136x128xbf16>,
      %get3A_1561 = arith.constant 19 : index
      %get3A_1562 = arith.constant 0 : index
      %get3A_1563 = vector.load %arg2[%get3A_1561, %get3A_1562] : memref<64x9xf32, #tpu.memory_space<vmem>>, vector<1x1xf32>
      %get3A_1564 = vector.extract %get3A_1563[0, 0] : f32 from vector<1x1xf32>
      %convert_element_type3A_1565 = arith.truncf %get3A_1564 : f32 to bf16
      %mul3A_1566 = vector.broadcast %convert_element_type3A_1565 : bf16 to vector<136x128xbf16>
      %mul3A_1567 = arith.mulf %convert_element_type3A_106, %mul3A_1566 : vector<136x128xbf16>
      %get3A_1568 = arith.constant 19 : index
      %get3A_1569 = arith.constant 1 : index
      %get3A_1570 = vector.load %arg2[%get3A_1568, %get3A_1569] : memref<64x9xf32, #tpu.memory_space<vmem>>, vector<1x1xf32>
      %get3A_1571 = vector.extract %get3A_1570[0, 0] : f32 from vector<1x1xf32>
      %convert_element_type3A_1572 = arith.truncf %get3A_1571 : f32 to bf16
      %mul3A_1573 = vector.broadcast %convert_element_type3A_1572 : bf16 to vector<136x128xbf16>
      %mul3A_1574 = arith.mulf %convert_element_type3A_112, %mul3A_1573 : vector<136x128xbf16>
      %add3A_1575 = arith.addf %mul3A_1567, %mul3A_1574 : vector<136x128xbf16>
      %get3A_1576 = arith.constant 19 : index
      %get3A_1577 = arith.constant 2 : index
      %get3A_1578 = vector.load %arg2[%get3A_1576, %get3A_1577] : memref<64x9xf32, #tpu.memory_space<vmem>>, vector<1x1xf32>
      %get3A_1579 = vector.extract %get3A_1578[0, 0] : f32 from vector<1x1xf32>
      %convert_element_type3A_1580 = arith.truncf %get3A_1579 : f32 to bf16
      %mul3A_1581 = vector.broadcast %convert_element_type3A_1580 : bf16 to vector<136x128xbf16>
      %mul3A_1582 = arith.mulf %convert_element_type3A_118, %mul3A_1581 : vector<136x128xbf16>
      %add3A_1583 = arith.addf %add3A_1575, %mul3A_1582 : vector<136x128xbf16>
      %get3A_1584 = arith.constant 19 : index
      %get3A_1585 = arith.constant 3 : index
      %get3A_1586 = vector.load %arg2[%get3A_1584, %get3A_1585] : memref<64x9xf32, #tpu.memory_space<vmem>>, vector<1x1xf32>
      %get3A_1587 = vector.extract %get3A_1586[0, 0] : f32 from vector<1x1xf32>
      %convert_element_type3A_1588 = arith.truncf %get3A_1587 : f32 to bf16
      %mul3A_1589 = vector.broadcast %convert_element_type3A_1588 : bf16 to vector<136x128xbf16>
      %mul3A_1590 = arith.mulf %convert_element_type3A_124, %mul3A_1589 : vector<136x128xbf16>
      %add3A_1591 = arith.addf %add3A_1583, %mul3A_1590 : vector<136x128xbf16>
      %get3A_1592 = arith.constant 19 : index
      %get3A_1593 = arith.constant 4 : index
      %get3A_1594 = vector.load %arg2[%get3A_1592, %get3A_1593] : memref<64x9xf32, #tpu.memory_space<vmem>>, vector<1x1xf32>
      %get3A_1595 = vector.extract %get3A_1594[0, 0] : f32 from vector<1x1xf32>
      %convert_element_type3A_1596 = arith.truncf %get3A_1595 : f32 to bf16
      %mul3A_1597 = vector.broadcast %convert_element_type3A_1596 : bf16 to vector<136x128xbf16>
      %mul3A_1598 = arith.mulf %convert_element_type3A_130, %mul3A_1597 : vector<136x128xbf16>
      %add3A_1599 = arith.addf %add3A_1591, %mul3A_1598 : vector<136x128xbf16>
      %get3A_1600 = arith.constant 19 : index
      %get3A_1601 = arith.constant 5 : index
      %get3A_1602 = vector.load %arg2[%get3A_1600, %get3A_1601] : memref<64x9xf32, #tpu.memory_space<vmem>>, vector<1x1xf32>
      %get3A_1603 = vector.extract %get3A_1602[0, 0] : f32 from vector<1x1xf32>
      %convert_element_type3A_1604 = arith.truncf %get3A_1603 : f32 to bf16
      %mul3A_1605 = vector.broadcast %convert_element_type3A_1604 : bf16 to vector<136x128xbf16>
      %mul3A_1606 = arith.mulf %convert_element_type3A_136, %mul3A_1605 : vector<136x128xbf16>
      %add3A_1607 = arith.addf %add3A_1599, %mul3A_1606 : vector<136x128xbf16>
      %get3A_1608 = arith.constant 19 : index
      %get3A_1609 = arith.constant 6 : index
      %get3A_1610 = vector.load %arg2[%get3A_1608, %get3A_1609] : memref<64x9xf32, #tpu.memory_space<vmem>>, vector<1x1xf32>
      %get3A_1611 = vector.extract %get3A_1610[0, 0] : f32 from vector<1x1xf32>
      %convert_element_type3A_1612 = arith.truncf %get3A_1611 : f32 to bf16
      %mul3A_1613 = vector.broadcast %convert_element_type3A_1612 : bf16 to vector<136x128xbf16>
      %mul3A_1614 = arith.mulf %convert_element_type3A_142, %mul3A_1613 : vector<136x128xbf16>
      %add3A_1615 = arith.addf %add3A_1607, %mul3A_1614 : vector<136x128xbf16>
      %get3A_1616 = arith.constant 19 : index
      %get3A_1617 = arith.constant 7 : index
      %get3A_1618 = vector.load %arg2[%get3A_1616, %get3A_1617] : memref<64x9xf32, #tpu.memory_space<vmem>>, vector<1x1xf32>
      %get3A_1619 = vector.extract %get3A_1618[0, 0] : f32 from vector<1x1xf32>
      %convert_element_type3A_1620 = arith.truncf %get3A_1619 : f32 to bf16
      %mul3A_1621 = vector.broadcast %convert_element_type3A_1620 : bf16 to vector<136x128xbf16>
      %mul3A_1622 = arith.mulf %convert_element_type3A_148, %mul3A_1621 : vector<136x128xbf16>
      %add3A_1623 = arith.addf %add3A_1615, %mul3A_1622 : vector<136x128xbf16>
      %get3A_1624 = arith.constant 19 : index
      %get3A_1625 = arith.constant 8 : index
      %get3A_1626 = vector.load %arg2[%get3A_1624, %get3A_1625] : memref<64x9xf32, #tpu.memory_space<vmem>>, vector<1x1xf32>
      %get3A_1627 = vector.extract %get3A_1626[0, 0] : f32 from vector<1x1xf32>
      %convert_element_type3A_1628 = arith.truncf %get3A_1627 : f32 to bf16
      %mul3A_1629 = vector.broadcast %convert_element_type3A_1628 : bf16 to vector<136x128xbf16>
      %mul3A_1630 = arith.mulf %convert_element_type3A_154, %mul3A_1629 : vector<136x128xbf16>
      %add3A_1631 = arith.addf %add3A_1623, %mul3A_1630 : vector<136x128xbf16>
      %swap3A_1632 = arith.constant 0 : index
      %swap3A_1633 = arith.constant 2432 : index
      %swap3A_1634 = vector.load %arg7[%swap3A_1632, %swap3A_1633] : memref<137x8192xbf16, #tpu.memory_space<vmem>>, vector<136x128xbf16>
      tpu.vector_store %arg7[%swap3A_1632, %swap3A_1633], %add3A_1631 {strides = array<i32>} : memref<137x8192xbf16, #tpu.memory_space<vmem>>, vector<136x128xbf16>,
      %get3A_1635 = arith.constant 20 : index
      %get3A_1636 = arith.constant 0 : index
      %get3A_1637 = vector.load %arg2[%get3A_1635, %get3A_1636] : memref<64x9xf32, #tpu.memory_space<vmem>>, vector<1x1xf32>
      %get3A_1638 = vector.extract %get3A_1637[0, 0] : f32 from vector<1x1xf32>
      %convert_element_type3A_1639 = arith.truncf %get3A_1638 : f32 to bf16
      %mul3A_1640 = vector.broadcast %convert_element_type3A_1639 : bf16 to vector<136x128xbf16>
      %mul3A_1641 = arith.mulf %convert_element_type3A_106, %mul3A_1640 : vector<136x128xbf16>
      %get3A_1642 = arith.constant 20 : index
      %get3A_1643 = arith.constant 1 : index
      %get3A_1644 = vector.load %arg2[%get3A_1642, %get3A_1643] : memref<64x9xf32, #tpu.memory_space<vmem>>, vector<1x1xf32>
      %get3A_1645 = vector.extract %get3A_1644[0, 0] : f32 from vector<1x1xf32>
      %convert_element_type3A_1646 = arith.truncf %get3A_1645 : f32 to bf16
      %mul3A_1647 = vector.broadcast %convert_element_type3A_1646 : bf16 to vector<136x128xbf16>
      %mul3A_1648 = arith.mulf %convert_element_type3A_112, %mul3A_1647 : vector<136x128xbf16>
      %add3A_1649 = arith.addf %mul3A_1641, %mul3A_1648 : vector<136x128xbf16>
      %get3A_1650 = arith.constant 20 : index
      %get3A_1651 = arith.constant 2 : index
      %get3A_1652 = vector.load %arg2[%get3A_1650, %get3A_1651] : memref<64x9xf32, #tpu.memory_space<vmem>>, vector<1x1xf32>
      %get3A_1653 = vector.extract %get3A_1652[0, 0] : f32 from vector<1x1xf32>
      %convert_element_type3A_1654 = arith.truncf %get3A_1653 : f32 to bf16
      %mul3A_1655 = vector.broadcast %convert_element_type3A_1654 : bf16 to vector<136x128xbf16>
      %mul3A_1656 = arith.mulf %convert_element_type3A_118, %mul3A_1655 : vector<136x128xbf16>
      %add3A_1657 = arith.addf %add3A_1649, %mul3A_1656 : vector<136x128xbf16>
      %get3A_1658 = arith.constant 20 : index
      %get3A_1659 = arith.constant 3 : index
      %get3A_1660 = vector.load %arg2[%get3A_1658, %get3A_1659] : memref<64x9xf32, #tpu.memory_space<vmem>>, vector<1x1xf32>
      %get3A_1661 = vector.extract %get3A_1660[0, 0] : f32 from vector<1x1xf32>
      %convert_element_type3A_1662 = arith.truncf %get3A_1661 : f32 to bf16
      %mul3A_1663 = vector.broadcast %convert_element_type3A_1662 : bf16 to vector<136x128xbf16>
      %mul3A_1664 = arith.mulf %convert_element_type3A_124, %mul3A_1663 : vector<136x128xbf16>
      %add3A_1665 = arith.addf %add3A_1657, %mul3A_1664 : vector<136x128xbf16>
      %get3A_1666 = arith.constant 20 : index
      %get3A_1667 = arith.constant 4 : index
      %get3A_1668 = vector.load %arg2[%get3A_1666, %get3A_1667] : memref<64x9xf32, #tpu.memory_space<vmem>>, vector<1x1xf32>
      %get3A_1669 = vector.extract %get3A_1668[0, 0] : f32 from vector<1x1xf32>
      %convert_element_type3A_1670 = arith.truncf %get3A_1669 : f32 to bf16
      %mul3A_1671 = vector.broadcast %convert_element_type3A_1670 : bf16 to vector<136x128xbf16>
      %mul3A_1672 = arith.mulf %convert_element_type3A_130, %mul3A_1671 : vector<136x128xbf16>
      %add3A_1673 = arith.addf %add3A_1665, %mul3A_1672 : vector<136x128xbf16>
      %get3A_1674 = arith.constant 20 : index
      %get3A_1675 = arith.constant 5 : index
      %get3A_1676 = vector.load %arg2[%get3A_1674, %get3A_1675] : memref<64x9xf32, #tpu.memory_space<vmem>>, vector<1x1xf32>
      %get3A_1677 = vector.extract %get3A_1676[0, 0] : f32 from vector<1x1xf32>
      %convert_element_type3A_1678 = arith.truncf %get3A_1677 : f32 to bf16
      %mul3A_1679 = vector.broadcast %convert_element_type3A_1678 : bf16 to vector<136x128xbf16>
      %mul3A_1680 = arith.mulf %convert_element_type3A_136, %mul3A_1679 : vector<136x128xbf16>
      %add3A_1681 = arith.addf %add3A_1673, %mul3A_1680 : vector<136x128xbf16>
      %get3A_1682 = arith.constant 20 : index
      %get3A_1683 = arith.constant 6 : index
      %get3A_1684 = vector.load %arg2[%get3A_1682, %get3A_1683] : memref<64x9xf32, #tpu.memory_space<vmem>>, vector<1x1xf32>
      %get3A_1685 = vector.extract %get3A_1684[0, 0] : f32 from vector<1x1xf32>
      %convert_element_type3A_1686 = arith.truncf %get3A_1685 : f32 to bf16
      %mul3A_1687 = vector.broadcast %convert_element_type3A_1686 : bf16 to vector<136x128xbf16>
      %mul3A_1688 = arith.mulf %convert_element_type3A_142, %mul3A_1687 : vector<136x128xbf16>
      %add3A_1689 = arith.addf %add3A_1681, %mul3A_1688 : vector<136x128xbf16>
      %get3A_1690 = arith.constant 20 : index
      %get3A_1691 = arith.constant 7 : index
      %get3A_1692 = vector.load %arg2[%get3A_1690, %get3A_1691] : memref<64x9xf32, #tpu.memory_space<vmem>>, vector<1x1xf32>
      %get3A_1693 = vector.extract %get3A_1692[0, 0] : f32 from vector<1x1xf32>
      %convert_element_type3A_1694 = arith.truncf %get3A_1693 : f32 to bf16
      %mul3A_1695 = vector.broadcast %convert_element_type3A_1694 : bf16 to vector<136x128xbf16>
      %mul3A_1696 = arith.mulf %convert_element_type3A_148, %mul3A_1695 : vector<136x128xbf16>
      %add3A_1697 = arith.addf %add3A_1689, %mul3A_1696 : vector<136x128xbf16>
      %get3A_1698 = arith.constant 20 : index
      %get3A_1699 = arith.constant 8 : index
      %get3A_1700 = vector.load %arg2[%get3A_1698, %get3A_1699] : memref<64x9xf32, #tpu.memory_space<vmem>>, vector<1x1xf32>
      %get3A_1701 = vector.extract %get3A_1700[0, 0] : f32 from vector<1x1xf32>
      %convert_element_type3A_1702 = arith.truncf %get3A_1701 : f32 to bf16
      %mul3A_1703 = vector.broadcast %convert_element_type3A_1702 : bf16 to vector<136x128xbf16>
      %mul3A_1704 = arith.mulf %convert_element_type3A_154, %mul3A_1703 : vector<136x128xbf16>
      %add3A_1705 = arith.addf %add3A_1697, %mul3A_1704 : vector<136x128xbf16>
      %swap3A_1706 = arith.constant 0 : index
      %swap3A_1707 = arith.constant 2560 : index
      %swap3A_1708 = vector.load %arg7[%swap3A_1706, %swap3A_1707] : memref<137x8192xbf16, #tpu.memory_space<vmem>>, vector<136x128xbf16>
      tpu.vector_store %arg7[%swap3A_1706, %swap3A_1707], %add3A_1705 {strides = array<i32>} : memref<137x8192xbf16, #tpu.memory_space<vmem>>, vector<136x128xbf16>,
      %get3A_1709 = arith.constant 21 : index
      %get3A_1710 = arith.constant 0 : index
      %get3A_1711 = vector.load %arg2[%get3A_1709, %get3A_1710] : memref<64x9xf32, #tpu.memory_space<vmem>>, vector<1x1xf32>
      %get3A_1712 = vector.extract %get3A_1711[0, 0] : f32 from vector<1x1xf32>
      %convert_element_type3A_1713 = arith.truncf %get3A_1712 : f32 to bf16
      %mul3A_1714 = vector.broadcast %convert_element_type3A_1713 : bf16 to vector<136x128xbf16>
      %mul3A_1715 = arith.mulf %convert_element_type3A_106, %mul3A_1714 : vector<136x128xbf16>
      %get3A_1716 = arith.constant 21 : index
      %get3A_1717 = arith.constant 1 : index
      %get3A_1718 = vector.load %arg2[%get3A_1716, %get3A_1717] : memref<64x9xf32, #tpu.memory_space<vmem>>, vector<1x1xf32>
      %get3A_1719 = vector.extract %get3A_1718[0, 0] : f32 from vector<1x1xf32>
      %convert_element_type3A_1720 = arith.truncf %get3A_1719 : f32 to bf16
      %mul3A_1721 = vector.broadcast %convert_element_type3A_1720 : bf16 to vector<136x128xbf16>
      %mul3A_1722 = arith.mulf %convert_element_type3A_112, %mul3A_1721 : vector<136x128xbf16>
      %add3A_1723 = arith.addf %mul3A_1715, %mul3A_1722 : vector<136x128xbf16>
      %get3A_1724 = arith.constant 21 : index
      %get3A_1725 = arith.constant 2 : index
      %get3A_1726 = vector.load %arg2[%get3A_1724, %get3A_1725] : memref<64x9xf32, #tpu.memory_space<vmem>>, vector<1x1xf32>
      %get3A_1727 = vector.extract %get3A_1726[0, 0] : f32 from vector<1x1xf32>
      %convert_element_type3A_1728 = arith.truncf %get3A_1727 : f32 to bf16
      %mul3A_1729 = vector.broadcast %convert_element_type3A_1728 : bf16 to vector<136x128xbf16>
      %mul3A_1730 = arith.mulf %convert_element_type3A_118, %mul3A_1729 : vector<136x128xbf16>
      %add3A_1731 = arith.addf %add3A_1723, %mul3A_1730 : vector<136x128xbf16>
      %get3A_1732 = arith.constant 21 : index
      %get3A_1733 = arith.constant 3 : index
      %get3A_1734 = vector.load %arg2[%get3A_1732, %get3A_1733] : memref<64x9xf32, #tpu.memory_space<vmem>>, vector<1x1xf32>
      %get3A_1735 = vector.extract %get3A_1734[0, 0] : f32 from vector<1x1xf32>
      %convert_element_type3A_1736 = arith.truncf %get3A_1735 : f32 to bf16
      %mul3A_1737 = vector.broadcast %convert_element_type3A_1736 : bf16 to vector<136x128xbf16>
      %mul3A_1738 = arith.mulf %convert_element_type3A_124, %mul3A_1737 : vector<136x128xbf16>
      %add3A_1739 = arith.addf %add3A_1731, %mul3A_1738 : vector<136x128xbf16>
      %get3A_1740 = arith.constant 21 : index
      %get3A_1741 = arith.constant 4 : index
      %get3A_1742 = vector.load %arg2[%get3A_1740, %get3A_1741] : memref<64x9xf32, #tpu.memory_space<vmem>>, vector<1x1xf32>
      %get3A_1743 = vector.extract %get3A_1742[0, 0] : f32 from vector<1x1xf32>
      %convert_element_type3A_1744 = arith.truncf %get3A_1743 : f32 to bf16
      %mul3A_1745 = vector.broadcast %convert_element_type3A_1744 : bf16 to vector<136x128xbf16>
      %mul3A_1746 = arith.mulf %convert_element_type3A_130, %mul3A_1745 : vector<136x128xbf16>
      %add3A_1747 = arith.addf %add3A_1739, %mul3A_1746 : vector<136x128xbf16>
      %get3A_1748 = arith.constant 21 : index
      %get3A_1749 = arith.constant 5 : index
      %get3A_1750 = vector.load %arg2[%get3A_1748, %get3A_1749] : memref<64x9xf32, #tpu.memory_space<vmem>>, vector<1x1xf32>
      %get3A_1751 = vector.extract %get3A_1750[0, 0] : f32 from vector<1x1xf32>
      %convert_element_type3A_1752 = arith.truncf %get3A_1751 : f32 to bf16
      %mul3A_1753 = vector.broadcast %convert_element_type3A_1752 : bf16 to vector<136x128xbf16>
      %mul3A_1754 = arith.mulf %convert_element_type3A_136, %mul3A_1753 : vector<136x128xbf16>
      %add3A_1755 = arith.addf %add3A_1747, %mul3A_1754 : vector<136x128xbf16>
      %get3A_1756 = arith.constant 21 : index
      %get3A_1757 = arith.constant 6 : index
      %get3A_1758 = vector.load %arg2[%get3A_1756, %get3A_1757] : memref<64x9xf32, #tpu.memory_space<vmem>>, vector<1x1xf32>
      %get3A_1759 = vector.extract %get3A_1758[0, 0] : f32 from vector<1x1xf32>
      %convert_element_type3A_1760 = arith.truncf %get3A_1759 : f32 to bf16
      %mul3A_1761 = vector.broadcast %convert_element_type3A_1760 : bf16 to vector<136x128xbf16>
      %mul3A_1762 = arith.mulf %convert_element_type3A_142, %mul3A_1761 : vector<136x128xbf16>
      %add3A_1763 = arith.addf %add3A_1755, %mul3A_1762 : vector<136x128xbf16>
      %get3A_1764 = arith.constant 21 : index
      %get3A_1765 = arith.constant 7 : index
      %get3A_1766 = vector.load %arg2[%get3A_1764, %get3A_1765] : memref<64x9xf32, #tpu.memory_space<vmem>>, vector<1x1xf32>
      %get3A_1767 = vector.extract %get3A_1766[0, 0] : f32 from vector<1x1xf32>
      %convert_element_type3A_1768 = arith.truncf %get3A_1767 : f32 to bf16
      %mul3A_1769 = vector.broadcast %convert_element_type3A_1768 : bf16 to vector<136x128xbf16>
      %mul3A_1770 = arith.mulf %convert_element_type3A_148, %mul3A_1769 : vector<136x128xbf16>
      %add3A_1771 = arith.addf %add3A_1763, %mul3A_1770 : vector<136x128xbf16>
      %get3A_1772 = arith.constant 21 : index
      %get3A_1773 = arith.constant 8 : index
      %get3A_1774 = vector.load %arg2[%get3A_1772, %get3A_1773] : memref<64x9xf32, #tpu.memory_space<vmem>>, vector<1x1xf32>
      %get3A_1775 = vector.extract %get3A_1774[0, 0] : f32 from vector<1x1xf32>
      %convert_element_type3A_1776 = arith.truncf %get3A_1775 : f32 to bf16
      %mul3A_1777 = vector.broadcast %convert_element_type3A_1776 : bf16 to vector<136x128xbf16>
      %mul3A_1778 = arith.mulf %convert_element_type3A_154, %mul3A_1777 : vector<136x128xbf16>
      %add3A_1779 = arith.addf %add3A_1771, %mul3A_1778 : vector<136x128xbf16>
      %swap3A_1780 = arith.constant 0 : index
      %swap3A_1781 = arith.constant 2688 : index
      %swap3A_1782 = vector.load %arg7[%swap3A_1780, %swap3A_1781] : memref<137x8192xbf16, #tpu.memory_space<vmem>>, vector<136x128xbf16>
      tpu.vector_store %arg7[%swap3A_1780, %swap3A_1781], %add3A_1779 {strides = array<i32>} : memref<137x8192xbf16, #tpu.memory_space<vmem>>, vector<136x128xbf16>,
      %get3A_1783 = arith.constant 22 : index
      %get3A_1784 = arith.constant 0 : index
      %get3A_1785 = vector.load %arg2[%get3A_1783, %get3A_1784] : memref<64x9xf32, #tpu.memory_space<vmem>>, vector<1x1xf32>
      %get3A_1786 = vector.extract %get3A_1785[0, 0] : f32 from vector<1x1xf32>
      %convert_element_type3A_1787 = arith.truncf %get3A_1786 : f32 to bf16
      %mul3A_1788 = vector.broadcast %convert_element_type3A_1787 : bf16 to vector<136x128xbf16>
      %mul3A_1789 = arith.mulf %convert_element_type3A_106, %mul3A_1788 : vector<136x128xbf16>
      %get3A_1790 = arith.constant 22 : index
      %get3A_1791 = arith.constant 1 : index
      %get3A_1792 = vector.load %arg2[%get3A_1790, %get3A_1791] : memref<64x9xf32, #tpu.memory_space<vmem>>, vector<1x1xf32>
      %get3A_1793 = vector.extract %get3A_1792[0, 0] : f32 from vector<1x1xf32>
      %convert_element_type3A_1794 = arith.truncf %get3A_1793 : f32 to bf16
      %mul3A_1795 = vector.broadcast %convert_element_type3A_1794 : bf16 to vector<136x128xbf16>
      %mul3A_1796 = arith.mulf %convert_element_type3A_112, %mul3A_1795 : vector<136x128xbf16>
      %add3A_1797 = arith.addf %mul3A_1789, %mul3A_1796 : vector<136x128xbf16>
      %get3A_1798 = arith.constant 22 : index
      %get3A_1799 = arith.constant 2 : index
      %get3A_1800 = vector.load %arg2[%get3A_1798, %get3A_1799] : memref<64x9xf32, #tpu.memory_space<vmem>>, vector<1x1xf32>
      %get3A_1801 = vector.extract %get3A_1800[0, 0] : f32 from vector<1x1xf32>
      %convert_element_type3A_1802 = arith.truncf %get3A_1801 : f32 to bf16
      %mul3A_1803 = vector.broadcast %convert_element_type3A_1802 : bf16 to vector<136x128xbf16>
      %mul3A_1804 = arith.mulf %convert_element_type3A_118, %mul3A_1803 : vector<136x128xbf16>
      %add3A_1805 = arith.addf %add3A_1797, %mul3A_1804 : vector<136x128xbf16>
      %get3A_1806 = arith.constant 22 : index
      %get3A_1807 = arith.constant 3 : index
      %get3A_1808 = vector.load %arg2[%get3A_1806, %get3A_1807] : memref<64x9xf32, #tpu.memory_space<vmem>>, vector<1x1xf32>
      %get3A_1809 = vector.extract %get3A_1808[0, 0] : f32 from vector<1x1xf32>
      %convert_element_type3A_1810 = arith.truncf %get3A_1809 : f32 to bf16
      %mul3A_1811 = vector.broadcast %convert_element_type3A_1810 : bf16 to vector<136x128xbf16>
      %mul3A_1812 = arith.mulf %convert_element_type3A_124, %mul3A_1811 : vector<136x128xbf16>
      %add3A_1813 = arith.addf %add3A_1805, %mul3A_1812 : vector<136x128xbf16>
      %get3A_1814 = arith.constant 22 : index
      %get3A_1815 = arith.constant 4 : index
      %get3A_1816 = vector.load %arg2[%get3A_1814, %get3A_1815] : memref<64x9xf32, #tpu.memory_space<vmem>>, vector<1x1xf32>
      %get3A_1817 = vector.extract %get3A_1816[0, 0] : f32 from vector<1x1xf32>
      %convert_element_type3A_1818 = arith.truncf %get3A_1817 : f32 to bf16
      %mul3A_1819 = vector.broadcast %convert_element_type3A_1818 : bf16 to vector<136x128xbf16>
      %mul3A_1820 = arith.mulf %convert_element_type3A_130, %mul3A_1819 : vector<136x128xbf16>
      %add3A_1821 = arith.addf %add3A_1813, %mul3A_1820 : vector<136x128xbf16>
      %get3A_1822 = arith.constant 22 : index
      %get3A_1823 = arith.constant 5 : index
      %get3A_1824 = vector.load %arg2[%get3A_1822, %get3A_1823] : memref<64x9xf32, #tpu.memory_space<vmem>>, vector<1x1xf32>
      %get3A_1825 = vector.extract %get3A_1824[0, 0] : f32 from vector<1x1xf32>
      %convert_element_type3A_1826 = arith.truncf %get3A_1825 : f32 to bf16
      %mul3A_1827 = vector.broadcast %convert_element_type3A_1826 : bf16 to vector<136x128xbf16>
      %mul3A_1828 = arith.mulf %convert_element_type3A_136, %mul3A_1827 : vector<136x128xbf16>
      %add3A_1829 = arith.addf %add3A_1821, %mul3A_1828 : vector<136x128xbf16>
      %get3A_1830 = arith.constant 22 : index
      %get3A_1831 = arith.constant 6 : index
      %get3A_1832 = vector.load %arg2[%get3A_1830, %get3A_1831] : memref<64x9xf32, #tpu.memory_space<vmem>>, vector<1x1xf32>
      %get3A_1833 = vector.extract %get3A_1832[0, 0] : f32 from vector<1x1xf32>
      %convert_element_type3A_1834 = arith.truncf %get3A_1833 : f32 to bf16
      %mul3A_1835 = vector.broadcast %convert_element_type3A_1834 : bf16 to vector<136x128xbf16>
      %mul3A_1836 = arith.mulf %convert_element_type3A_142, %mul3A_1835 : vector<136x128xbf16>
      %add3A_1837 = arith.addf %add3A_1829, %mul3A_1836 : vector<136x128xbf16>
      %get3A_1838 = arith.constant 22 : index
      %get3A_1839 = arith.constant 7 : index
      %get3A_1840 = vector.load %arg2[%get3A_1838, %get3A_1839] : memref<64x9xf32, #tpu.memory_space<vmem>>, vector<1x1xf32>
      %get3A_1841 = vector.extract %get3A_1840[0, 0] : f32 from vector<1x1xf32>
      %convert_element_type3A_1842 = arith.truncf %get3A_1841 : f32 to bf16
      %mul3A_1843 = vector.broadcast %convert_element_type3A_1842 : bf16 to vector<136x128xbf16>
      %mul3A_1844 = arith.mulf %convert_element_type3A_148, %mul3A_1843 : vector<136x128xbf16>
      %add3A_1845 = arith.addf %add3A_1837, %mul3A_1844 : vector<136x128xbf16>
      %get3A_1846 = arith.constant 22 : index
      %get3A_1847 = arith.constant 8 : index
      %get3A_1848 = vector.load %arg2[%get3A_1846, %get3A_1847] : memref<64x9xf32, #tpu.memory_space<vmem>>, vector<1x1xf32>
      %get3A_1849 = vector.extract %get3A_1848[0, 0] : f32 from vector<1x1xf32>
      %convert_element_type3A_1850 = arith.truncf %get3A_1849 : f32 to bf16
      %mul3A_1851 = vector.broadcast %convert_element_type3A_1850 : bf16 to vector<136x128xbf16>
      %mul3A_1852 = arith.mulf %convert_element_type3A_154, %mul3A_1851 : vector<136x128xbf16>
      %add3A_1853 = arith.addf %add3A_1845, %mul3A_1852 : vector<136x128xbf16>
      %swap3A_1854 = arith.constant 0 : index
      %swap3A_1855 = arith.constant 2816 : index
      %swap3A_1856 = vector.load %arg7[%swap3A_1854, %swap3A_1855] : memref<137x8192xbf16, #tpu.memory_space<vmem>>, vector<136x128xbf16>
      tpu.vector_store %arg7[%swap3A_1854, %swap3A_1855], %add3A_1853 {strides = array<i32>} : memref<137x8192xbf16, #tpu.memory_space<vmem>>, vector<136x128xbf16>,
      %get3A_1857 = arith.constant 23 : index
      %get3A_1858 = arith.constant 0 : index
      %get3A_1859 = vector.load %arg2[%get3A_1857, %get3A_1858] : memref<64x9xf32, #tpu.memory_space<vmem>>, vector<1x1xf32>
      %get3A_1860 = vector.extract %get3A_1859[0, 0] : f32 from vector<1x1xf32>
      %convert_element_type3A_1861 = arith.truncf %get3A_1860 : f32 to bf16
      %mul3A_1862 = vector.broadcast %convert_element_type3A_1861 : bf16 to vector<136x128xbf16>
      %mul3A_1863 = arith.mulf %convert_element_type3A_106, %mul3A_1862 : vector<136x128xbf16>
      %get3A_1864 = arith.constant 23 : index
      %get3A_1865 = arith.constant 1 : index
      %get3A_1866 = vector.load %arg2[%get3A_1864, %get3A_1865] : memref<64x9xf32, #tpu.memory_space<vmem>>, vector<1x1xf32>
      %get3A_1867 = vector.extract %get3A_1866[0, 0] : f32 from vector<1x1xf32>
      %convert_element_type3A_1868 = arith.truncf %get3A_1867 : f32 to bf16
      %mul3A_1869 = vector.broadcast %convert_element_type3A_1868 : bf16 to vector<136x128xbf16>
      %mul3A_1870 = arith.mulf %convert_element_type3A_112, %mul3A_1869 : vector<136x128xbf16>
      %add3A_1871 = arith.addf %mul3A_1863, %mul3A_1870 : vector<136x128xbf16>
      %get3A_1872 = arith.constant 23 : index
      %get3A_1873 = arith.constant 2 : index
      %get3A_1874 = vector.load %arg2[%get3A_1872, %get3A_1873] : memref<64x9xf32, #tpu.memory_space<vmem>>, vector<1x1xf32>
      %get3A_1875 = vector.extract %get3A_1874[0, 0] : f32 from vector<1x1xf32>
      %convert_element_type3A_1876 = arith.truncf %get3A_1875 : f32 to bf16
      %mul3A_1877 = vector.broadcast %convert_element_type3A_1876 : bf16 to vector<136x128xbf16>
      %mul3A_1878 = arith.mulf %convert_element_type3A_118, %mul3A_1877 : vector<136x128xbf16>
      %add3A_1879 = arith.addf %add3A_1871, %mul3A_1878 : vector<136x128xbf16>
      %get3A_1880 = arith.constant 23 : index
      %get3A_1881 = arith.constant 3 : index
      %get3A_1882 = vector.load %arg2[%get3A_1880, %get3A_1881] : memref<64x9xf32, #tpu.memory_space<vmem>>, vector<1x1xf32>
      %get3A_1883 = vector.extract %get3A_1882[0, 0] : f32 from vector<1x1xf32>
      %convert_element_type3A_1884 = arith.truncf %get3A_1883 : f32 to bf16
      %mul3A_1885 = vector.broadcast %convert_element_type3A_1884 : bf16 to vector<136x128xbf16>
      %mul3A_1886 = arith.mulf %convert_element_type3A_124, %mul3A_1885 : vector<136x128xbf16>
      %add3A_1887 = arith.addf %add3A_1879, %mul3A_1886 : vector<136x128xbf16>
      %get3A_1888 = arith.constant 23 : index
      %get3A_1889 = arith.constant 4 : index
      %get3A_1890 = vector.load %arg2[%get3A_1888, %get3A_1889] : memref<64x9xf32, #tpu.memory_space<vmem>>, vector<1x1xf32>
      %get3A_1891 = vector.extract %get3A_1890[0, 0] : f32 from vector<1x1xf32>
      %convert_element_type3A_1892 = arith.truncf %get3A_1891 : f32 to bf16
      %mul3A_1893 = vector.broadcast %convert_element_type3A_1892 : bf16 to vector<136x128xbf16>
      %mul3A_1894 = arith.mulf %convert_element_type3A_130, %mul3A_1893 : vector<136x128xbf16>
      %add3A_1895 = arith.addf %add3A_1887, %mul3A_1894 : vector<136x128xbf16>
      %get3A_1896 = arith.constant 23 : index
      %get3A_1897 = arith.constant 5 : index
      %get3A_1898 = vector.load %arg2[%get3A_1896, %get3A_1897] : memref<64x9xf32, #tpu.memory_space<vmem>>, vector<1x1xf32>
      %get3A_1899 = vector.extract %get3A_1898[0, 0] : f32 from vector<1x1xf32>
      %convert_element_type3A_1900 = arith.truncf %get3A_1899 : f32 to bf16
      %mul3A_1901 = vector.broadcast %convert_element_type3A_1900 : bf16 to vector<136x128xbf16>
      %mul3A_1902 = arith.mulf %convert_element_type3A_136, %mul3A_1901 : vector<136x128xbf16>
      %add3A_1903 = arith.addf %add3A_1895, %mul3A_1902 : vector<136x128xbf16>
      %get3A_1904 = arith.constant 23 : index
      %get3A_1905 = arith.constant 6 : index
      %get3A_1906 = vector.load %arg2[%get3A_1904, %get3A_1905] : memref<64x9xf32, #tpu.memory_space<vmem>>, vector<1x1xf32>
      %get3A_1907 = vector.extract %get3A_1906[0, 0] : f32 from vector<1x1xf32>
      %convert_element_type3A_1908 = arith.truncf %get3A_1907 : f32 to bf16
      %mul3A_1909 = vector.broadcast %convert_element_type3A_1908 : bf16 to vector<136x128xbf16>
      %mul3A_1910 = arith.mulf %convert_element_type3A_142, %mul3A_1909 : vector<136x128xbf16>
      %add3A_1911 = arith.addf %add3A_1903, %mul3A_1910 : vector<136x128xbf16>
      %get3A_1912 = arith.constant 23 : index
      %get3A_1913 = arith.constant 7 : index
      %get3A_1914 = vector.load %arg2[%get3A_1912, %get3A_1913] : memref<64x9xf32, #tpu.memory_space<vmem>>, vector<1x1xf32>
      %get3A_1915 = vector.extract %get3A_1914[0, 0] : f32 from vector<1x1xf32>
      %convert_element_type3A_1916 = arith.truncf %get3A_1915 : f32 to bf16
      %mul3A_1917 = vector.broadcast %convert_element_type3A_1916 : bf16 to vector<136x128xbf16>
      %mul3A_1918 = arith.mulf %convert_element_type3A_148, %mul3A_1917 : vector<136x128xbf16>
      %add3A_1919 = arith.addf %add3A_1911, %mul3A_1918 : vector<136x128xbf16>
      %get3A_1920 = arith.constant 23 : index
      %get3A_1921 = arith.constant 8 : index
      %get3A_1922 = vector.load %arg2[%get3A_1920, %get3A_1921] : memref<64x9xf32, #tpu.memory_space<vmem>>, vector<1x1xf32>
      %get3A_1923 = vector.extract %get3A_1922[0, 0] : f32 from vector<1x1xf32>
      %convert_element_type3A_1924 = arith.truncf %get3A_1923 : f32 to bf16
      %mul3A_1925 = vector.broadcast %convert_element_type3A_1924 : bf16 to vector<136x128xbf16>
      %mul3A_1926 = arith.mulf %convert_element_type3A_154, %mul3A_1925 : vector<136x128xbf16>
      %add3A_1927 = arith.addf %add3A_1919, %mul3A_1926 : vector<136x128xbf16>
      %swap3A_1928 = arith.constant 0 : index
      %swap3A_1929 = arith.constant 2944 : index
      %swap3A_1930 = vector.load %arg7[%swap3A_1928, %swap3A_1929] : memref<137x8192xbf16, #tpu.memory_space<vmem>>, vector<136x128xbf16>
      tpu.vector_store %arg7[%swap3A_1928, %swap3A_1929], %add3A_1927 {strides = array<i32>} : memref<137x8192xbf16, #tpu.memory_space<vmem>>, vector<136x128xbf16>,
      %get3A_1931 = arith.constant 24 : index
      %get3A_1932 = arith.constant 0 : index
      %get3A_1933 = vector.load %arg2[%get3A_1931, %get3A_1932] : memref<64x9xf32, #tpu.memory_space<vmem>>, vector<1x1xf32>
      %get3A_1934 = vector.extract %get3A_1933[0, 0] : f32 from vector<1x1xf32>
      %convert_element_type3A_1935 = arith.truncf %get3A_1934 : f32 to bf16
      %mul3A_1936 = vector.broadcast %convert_element_type3A_1935 : bf16 to vector<136x128xbf16>
      %mul3A_1937 = arith.mulf %convert_element_type3A_106, %mul3A_1936 : vector<136x128xbf16>
      %get3A_1938 = arith.constant 24 : index
      %get3A_1939 = arith.constant 1 : index
      %get3A_1940 = vector.load %arg2[%get3A_1938, %get3A_1939] : memref<64x9xf32, #tpu.memory_space<vmem>>, vector<1x1xf32>
      %get3A_1941 = vector.extract %get3A_1940[0, 0] : f32 from vector<1x1xf32>
      %convert_element_type3A_1942 = arith.truncf %get3A_1941 : f32 to bf16
      %mul3A_1943 = vector.broadcast %convert_element_type3A_1942 : bf16 to vector<136x128xbf16>
      %mul3A_1944 = arith.mulf %convert_element_type3A_112, %mul3A_1943 : vector<136x128xbf16>
      %add3A_1945 = arith.addf %mul3A_1937, %mul3A_1944 : vector<136x128xbf16>
      %get3A_1946 = arith.constant 24 : index
      %get3A_1947 = arith.constant 2 : index
      %get3A_1948 = vector.load %arg2[%get3A_1946, %get3A_1947] : memref<64x9xf32, #tpu.memory_space<vmem>>, vector<1x1xf32>
      %get3A_1949 = vector.extract %get3A_1948[0, 0] : f32 from vector<1x1xf32>
      %convert_element_type3A_1950 = arith.truncf %get3A_1949 : f32 to bf16
      %mul3A_1951 = vector.broadcast %convert_element_type3A_1950 : bf16 to vector<136x128xbf16>
      %mul3A_1952 = arith.mulf %convert_element_type3A_118, %mul3A_1951 : vector<136x128xbf16>
      %add3A_1953 = arith.addf %add3A_1945, %mul3A_1952 : vector<136x128xbf16>
      %get3A_1954 = arith.constant 24 : index
      %get3A_1955 = arith.constant 3 : index
      %get3A_1956 = vector.load %arg2[%get3A_1954, %get3A_1955] : memref<64x9xf32, #tpu.memory_space<vmem>>, vector<1x1xf32>
      %get3A_1957 = vector.extract %get3A_1956[0, 0] : f32 from vector<1x1xf32>
      %convert_element_type3A_1958 = arith.truncf %get3A_1957 : f32 to bf16
      %mul3A_1959 = vector.broadcast %convert_element_type3A_1958 : bf16 to vector<136x128xbf16>
      %mul3A_1960 = arith.mulf %convert_element_type3A_124, %mul3A_1959 : vector<136x128xbf16>
      %add3A_1961 = arith.addf %add3A_1953, %mul3A_1960 : vector<136x128xbf16>
      %get3A_1962 = arith.constant 24 : index
      %get3A_1963 = arith.constant 4 : index
      %get3A_1964 = vector.load %arg2[%get3A_1962, %get3A_1963] : memref<64x9xf32, #tpu.memory_space<vmem>>, vector<1x1xf32>
      %get3A_1965 = vector.extract %get3A_1964[0, 0] : f32 from vector<1x1xf32>
      %convert_element_type3A_1966 = arith.truncf %get3A_1965 : f32 to bf16
      %mul3A_1967 = vector.broadcast %convert_element_type3A_1966 : bf16 to vector<136x128xbf16>
      %mul3A_1968 = arith.mulf %convert_element_type3A_130, %mul3A_1967 : vector<136x128xbf16>
      %add3A_1969 = arith.addf %add3A_1961, %mul3A_1968 : vector<136x128xbf16>
      %get3A_1970 = arith.constant 24 : index
      %get3A_1971 = arith.constant 5 : index
      %get3A_1972 = vector.load %arg2[%get3A_1970, %get3A_1971] : memref<64x9xf32, #tpu.memory_space<vmem>>, vector<1x1xf32>
      %get3A_1973 = vector.extract %get3A_1972[0, 0] : f32 from vector<1x1xf32>
      %convert_element_type3A_1974 = arith.truncf %get3A_1973 : f32 to bf16
      %mul3A_1975 = vector.broadcast %convert_element_type3A_1974 : bf16 to vector<136x128xbf16>
      %mul3A_1976 = arith.mulf %convert_element_type3A_136, %mul3A_1975 : vector<136x128xbf16>
      %add3A_1977 = arith.addf %add3A_1969, %mul3A_1976 : vector<136x128xbf16>
      %get3A_1978 = arith.constant 24 : index
      %get3A_1979 = arith.constant 6 : index
      %get3A_1980 = vector.load %arg2[%get3A_1978, %get3A_1979] : memref<64x9xf32, #tpu.memory_space<vmem>>, vector<1x1xf32>
      %get3A_1981 = vector.extract %get3A_1980[0, 0] : f32 from vector<1x1xf32>
      %convert_element_type3A_1982 = arith.truncf %get3A_1981 : f32 to bf16
      %mul3A_1983 = vector.broadcast %convert_element_type3A_1982 : bf16 to vector<136x128xbf16>
      %mul3A_1984 = arith.mulf %convert_element_type3A_142, %mul3A_1983 : vector<136x128xbf16>
      %add3A_1985 = arith.addf %add3A_1977, %mul3A_1984 : vector<136x128xbf16>
      %get3A_1986 = arith.constant 24 : index
      %get3A_1987 = arith.constant 7 : index
      %get3A_1988 = vector.load %arg2[%get3A_1986, %get3A_1987] : memref<64x9xf32, #tpu.memory_space<vmem>>, vector<1x1xf32>
      %get3A_1989 = vector.extract %get3A_1988[0, 0] : f32 from vector<1x1xf32>
      %convert_element_type3A_1990 = arith.truncf %get3A_1989 : f32 to bf16
      %mul3A_1991 = vector.broadcast %convert_element_type3A_1990 : bf16 to vector<136x128xbf16>
      %mul3A_1992 = arith.mulf %convert_element_type3A_148, %mul3A_1991 : vector<136x128xbf16>
      %add3A_1993 = arith.addf %add3A_1985, %mul3A_1992 : vector<136x128xbf16>
      %get3A_1994 = arith.constant 24 : index
      %get3A_1995 = arith.constant 8 : index
      %get3A_1996 = vector.load %arg2[%get3A_1994, %get3A_1995] : memref<64x9xf32, #tpu.memory_space<vmem>>, vector<1x1xf32>
      %get3A_1997 = vector.extract %get3A_1996[0, 0] : f32 from vector<1x1xf32>
      %convert_element_type3A_1998 = arith.truncf %get3A_1997 : f32 to bf16
      %mul3A_1999 = vector.broadcast %convert_element_type3A_1998 : bf16 to vector<136x128xbf16>
      %mul3A_2000 = arith.mulf %convert_element_type3A_154, %mul3A_1999 : vector<136x128xbf16>
      %add3A_2001 = arith.addf %add3A_1993, %mul3A_2000 : vector<136x128xbf16>
      %swap3A_2002 = arith.constant 0 : index
      %swap3A_2003 = arith.constant 3072 : index
      %swap3A_2004 = vector.load %arg7[%swap3A_2002, %swap3A_2003] : memref<137x8192xbf16, #tpu.memory_space<vmem>>, vector<136x128xbf16>
      tpu.vector_store %arg7[%swap3A_2002, %swap3A_2003], %add3A_2001 {strides = array<i32>} : memref<137x8192xbf16, #tpu.memory_space<vmem>>, vector<136x128xbf16>,
      %get3A_2005 = arith.constant 25 : index
      %get3A_2006 = arith.constant 0 : index
      %get3A_2007 = vector.load %arg2[%get3A_2005, %get3A_2006] : memref<64x9xf32, #tpu.memory_space<vmem>>, vector<1x1xf32>
      %get3A_2008 = vector.extract %get3A_2007[0, 0] : f32 from vector<1x1xf32>
      %convert_element_type3A_2009 = arith.truncf %get3A_2008 : f32 to bf16
      %mul3A_2010 = vector.broadcast %convert_element_type3A_2009 : bf16 to vector<136x128xbf16>
      %mul3A_2011 = arith.mulf %convert_element_type3A_106, %mul3A_2010 : vector<136x128xbf16>
      %get3A_2012 = arith.constant 25 : index
      %get3A_2013 = arith.constant 1 : index
      %get3A_2014 = vector.load %arg2[%get3A_2012, %get3A_2013] : memref<64x9xf32, #tpu.memory_space<vmem>>, vector<1x1xf32>
      %get3A_2015 = vector.extract %get3A_2014[0, 0] : f32 from vector<1x1xf32>
      %convert_element_type3A_2016 = arith.truncf %get3A_2015 : f32 to bf16
      %mul3A_2017 = vector.broadcast %convert_element_type3A_2016 : bf16 to vector<136x128xbf16>
      %mul3A_2018 = arith.mulf %convert_element_type3A_112, %mul3A_2017 : vector<136x128xbf16>
      %add3A_2019 = arith.addf %mul3A_2011, %mul3A_2018 : vector<136x128xbf16>
      %get3A_2020 = arith.constant 25 : index
      %get3A_2021 = arith.constant 2 : index
      %get3A_2022 = vector.load %arg2[%get3A_2020, %get3A_2021] : memref<64x9xf32, #tpu.memory_space<vmem>>, vector<1x1xf32>
      %get3A_2023 = vector.extract %get3A_2022[0, 0] : f32 from vector<1x1xf32>
      %convert_element_type3A_2024 = arith.truncf %get3A_2023 : f32 to bf16
      %mul3A_2025 = vector.broadcast %convert_element_type3A_2024 : bf16 to vector<136x128xbf16>
      %mul3A_2026 = arith.mulf %convert_element_type3A_118, %mul3A_2025 : vector<136x128xbf16>
      %add3A_2027 = arith.addf %add3A_2019, %mul3A_2026 : vector<136x128xbf16>
      %get3A_2028 = arith.constant 25 : index
      %get3A_2029 = arith.constant 3 : index
      %get3A_2030 = vector.load %arg2[%get3A_2028, %get3A_2029] : memref<64x9xf32, #tpu.memory_space<vmem>>, vector<1x1xf32>
      %get3A_2031 = vector.extract %get3A_2030[0, 0] : f32 from vector<1x1xf32>
      %convert_element_type3A_2032 = arith.truncf %get3A_2031 : f32 to bf16
      %mul3A_2033 = vector.broadcast %convert_element_type3A_2032 : bf16 to vector<136x128xbf16>
      %mul3A_2034 = arith.mulf %convert_element_type3A_124, %mul3A_2033 : vector<136x128xbf16>
      %add3A_2035 = arith.addf %add3A_2027, %mul3A_2034 : vector<136x128xbf16>
      %get3A_2036 = arith.constant 25 : index
      %get3A_2037 = arith.constant 4 : index
      %get3A_2038 = vector.load %arg2[%get3A_2036, %get3A_2037] : memref<64x9xf32, #tpu.memory_space<vmem>>, vector<1x1xf32>
      %get3A_2039 = vector.extract %get3A_2038[0, 0] : f32 from vector<1x1xf32>
      %convert_element_type3A_2040 = arith.truncf %get3A_2039 : f32 to bf16
      %mul3A_2041 = vector.broadcast %convert_element_type3A_2040 : bf16 to vector<136x128xbf16>
      %mul3A_2042 = arith.mulf %convert_element_type3A_130, %mul3A_2041 : vector<136x128xbf16>
      %add3A_2043 = arith.addf %add3A_2035, %mul3A_2042 : vector<136x128xbf16>
      %get3A_2044 = arith.constant 25 : index
      %get3A_2045 = arith.constant 5 : index
      %get3A_2046 = vector.load %arg2[%get3A_2044, %get3A_2045] : memref<64x9xf32, #tpu.memory_space<vmem>>, vector<1x1xf32>
      %get3A_2047 = vector.extract %get3A_2046[0, 0] : f32 from vector<1x1xf32>
      %convert_element_type3A_2048 = arith.truncf %get3A_2047 : f32 to bf16
      %mul3A_2049 = vector.broadcast %convert_element_type3A_2048 : bf16 to vector<136x128xbf16>
      %mul3A_2050 = arith.mulf %convert_element_type3A_136, %mul3A_2049 : vector<136x128xbf16>
      %add3A_2051 = arith.addf %add3A_2043, %mul3A_2050 : vector<136x128xbf16>
      %get3A_2052 = arith.constant 25 : index
      %get3A_2053 = arith.constant 6 : index
      %get3A_2054 = vector.load %arg2[%get3A_2052, %get3A_2053] : memref<64x9xf32, #tpu.memory_space<vmem>>, vector<1x1xf32>
      %get3A_2055 = vector.extract %get3A_2054[0, 0] : f32 from vector<1x1xf32>
      %convert_element_type3A_2056 = arith.truncf %get3A_2055 : f32 to bf16
      %mul3A_2057 = vector.broadcast %convert_element_type3A_2056 : bf16 to vector<136x128xbf16>
      %mul3A_2058 = arith.mulf %convert_element_type3A_142, %mul3A_2057 : vector<136x128xbf16>
      %add3A_2059 = arith.addf %add3A_2051, %mul3A_2058 : vector<136x128xbf16>
      %get3A_2060 = arith.constant 25 : index
      %get3A_2061 = arith.constant 7 : index
      %get3A_2062 = vector.load %arg2[%get3A_2060, %get3A_2061] : memref<64x9xf32, #tpu.memory_space<vmem>>, vector<1x1xf32>
      %get3A_2063 = vector.extract %get3A_2062[0, 0] : f32 from vector<1x1xf32>
      %convert_element_type3A_2064 = arith.truncf %get3A_2063 : f32 to bf16
      %mul3A_2065 = vector.broadcast %convert_element_type3A_2064 : bf16 to vector<136x128xbf16>
      %mul3A_2066 = arith.mulf %convert_element_type3A_148, %mul3A_2065 : vector<136x128xbf16>
      %add3A_2067 = arith.addf %add3A_2059, %mul3A_2066 : vector<136x128xbf16>
      %get3A_2068 = arith.constant 25 : index
      %get3A_2069 = arith.constant 8 : index
      %get3A_2070 = vector.load %arg2[%get3A_2068, %get3A_2069] : memref<64x9xf32, #tpu.memory_space<vmem>>, vector<1x1xf32>
      %get3A_2071 = vector.extract %get3A_2070[0, 0] : f32 from vector<1x1xf32>
      %convert_element_type3A_2072 = arith.truncf %get3A_2071 : f32 to bf16
      %mul3A_2073 = vector.broadcast %convert_element_type3A_2072 : bf16 to vector<136x128xbf16>
      %mul3A_2074 = arith.mulf %convert_element_type3A_154, %mul3A_2073 : vector<136x128xbf16>
      %add3A_2075 = arith.addf %add3A_2067, %mul3A_2074 : vector<136x128xbf16>
      %swap3A_2076 = arith.constant 0 : index
      %swap3A_2077 = arith.constant 3200 : index
      %swap3A_2078 = vector.load %arg7[%swap3A_2076, %swap3A_2077] : memref<137x8192xbf16, #tpu.memory_space<vmem>>, vector<136x128xbf16>
      tpu.vector_store %arg7[%swap3A_2076, %swap3A_2077], %add3A_2075 {strides = array<i32>} : memref<137x8192xbf16, #tpu.memory_space<vmem>>, vector<136x128xbf16>,
      %get3A_2079 = arith.constant 26 : index
      %get3A_2080 = arith.constant 0 : index
      %get3A_2081 = vector.load %arg2[%get3A_2079, %get3A_2080] : memref<64x9xf32, #tpu.memory_space<vmem>>, vector<1x1xf32>
      %get3A_2082 = vector.extract %get3A_2081[0, 0] : f32 from vector<1x1xf32>
      %convert_element_type3A_2083 = arith.truncf %get3A_2082 : f32 to bf16
      %mul3A_2084 = vector.broadcast %convert_element_type3A_2083 : bf16 to vector<136x128xbf16>
      %mul3A_2085 = arith.mulf %convert_element_type3A_106, %mul3A_2084 : vector<136x128xbf16>
      %get3A_2086 = arith.constant 26 : index
      %get3A_2087 = arith.constant 1 : index
      %get3A_2088 = vector.load %arg2[%get3A_2086, %get3A_2087] : memref<64x9xf32, #tpu.memory_space<vmem>>, vector<1x1xf32>
      %get3A_2089 = vector.extract %get3A_2088[0, 0] : f32 from vector<1x1xf32>
      %convert_element_type3A_2090 = arith.truncf %get3A_2089 : f32 to bf16
      %mul3A_2091 = vector.broadcast %convert_element_type3A_2090 : bf16 to vector<136x128xbf16>
      %mul3A_2092 = arith.mulf %convert_element_type3A_112, %mul3A_2091 : vector<136x128xbf16>
      %add3A_2093 = arith.addf %mul3A_2085, %mul3A_2092 : vector<136x128xbf16>
      %get3A_2094 = arith.constant 26 : index
      %get3A_2095 = arith.constant 2 : index
      %get3A_2096 = vector.load %arg2[%get3A_2094, %get3A_2095] : memref<64x9xf32, #tpu.memory_space<vmem>>, vector<1x1xf32>
      %get3A_2097 = vector.extract %get3A_2096[0, 0] : f32 from vector<1x1xf32>
      %convert_element_type3A_2098 = arith.truncf %get3A_2097 : f32 to bf16
      %mul3A_2099 = vector.broadcast %convert_element_type3A_2098 : bf16 to vector<136x128xbf16>
      %mul3A_2100 = arith.mulf %convert_element_type3A_118, %mul3A_2099 : vector<136x128xbf16>
      %add3A_2101 = arith.addf %add3A_2093, %mul3A_2100 : vector<136x128xbf16>
      %get3A_2102 = arith.constant 26 : index
      %get3A_2103 = arith.constant 3 : index
      %get3A_2104 = vector.load %arg2[%get3A_2102, %get3A_2103] : memref<64x9xf32, #tpu.memory_space<vmem>>, vector<1x1xf32>
      %get3A_2105 = vector.extract %get3A_2104[0, 0] : f32 from vector<1x1xf32>
      %convert_element_type3A_2106 = arith.truncf %get3A_2105 : f32 to bf16
      %mul3A_2107 = vector.broadcast %convert_element_type3A_2106 : bf16 to vector<136x128xbf16>
      %mul3A_2108 = arith.mulf %convert_element_type3A_124, %mul3A_2107 : vector<136x128xbf16>
      %add3A_2109 = arith.addf %add3A_2101, %mul3A_2108 : vector<136x128xbf16>
      %get3A_2110 = arith.constant 26 : index
      %get3A_2111 = arith.constant 4 : index
      %get3A_2112 = vector.load %arg2[%get3A_2110, %get3A_2111] : memref<64x9xf32, #tpu.memory_space<vmem>>, vector<1x1xf32>
      %get3A_2113 = vector.extract %get3A_2112[0, 0] : f32 from vector<1x1xf32>
      %convert_element_type3A_2114 = arith.truncf %get3A_2113 : f32 to bf16
      %mul3A_2115 = vector.broadcast %convert_element_type3A_2114 : bf16 to vector<136x128xbf16>
      %mul3A_2116 = arith.mulf %convert_element_type3A_130, %mul3A_2115 : vector<136x128xbf16>
      %add3A_2117 = arith.addf %add3A_2109, %mul3A_2116 : vector<136x128xbf16>
      %get3A_2118 = arith.constant 26 : index
      %get3A_2119 = arith.constant 5 : index
      %get3A_2120 = vector.load %arg2[%get3A_2118, %get3A_2119] : memref<64x9xf32, #tpu.memory_space<vmem>>, vector<1x1xf32>
      %get3A_2121 = vector.extract %get3A_2120[0, 0] : f32 from vector<1x1xf32>
      %convert_element_type3A_2122 = arith.truncf %get3A_2121 : f32 to bf16
      %mul3A_2123 = vector.broadcast %convert_element_type3A_2122 : bf16 to vector<136x128xbf16>
      %mul3A_2124 = arith.mulf %convert_element_type3A_136, %mul3A_2123 : vector<136x128xbf16>
      %add3A_2125 = arith.addf %add3A_2117, %mul3A_2124 : vector<136x128xbf16>
      %get3A_2126 = arith.constant 26 : index
      %get3A_2127 = arith.constant 6 : index
      %get3A_2128 = vector.load %arg2[%get3A_2126, %get3A_2127] : memref<64x9xf32, #tpu.memory_space<vmem>>, vector<1x1xf32>
      %get3A_2129 = vector.extract %get3A_2128[0, 0] : f32 from vector<1x1xf32>
      %convert_element_type3A_2130 = arith.truncf %get3A_2129 : f32 to bf16
      %mul3A_2131 = vector.broadcast %convert_element_type3A_2130 : bf16 to vector<136x128xbf16>
      %mul3A_2132 = arith.mulf %convert_element_type3A_142, %mul3A_2131 : vector<136x128xbf16>
      %add3A_2133 = arith.addf %add3A_2125, %mul3A_2132 : vector<136x128xbf16>
      %get3A_2134 = arith.constant 26 : index
      %get3A_2135 = arith.constant 7 : index
      %get3A_2136 = vector.load %arg2[%get3A_2134, %get3A_2135] : memref<64x9xf32, #tpu.memory_space<vmem>>, vector<1x1xf32>
      %get3A_2137 = vector.extract %get3A_2136[0, 0] : f32 from vector<1x1xf32>
      %convert_element_type3A_2138 = arith.truncf %get3A_2137 : f32 to bf16
      %mul3A_2139 = vector.broadcast %convert_element_type3A_2138 : bf16 to vector<136x128xbf16>
      %mul3A_2140 = arith.mulf %convert_element_type3A_148, %mul3A_2139 : vector<136x128xbf16>
      %add3A_2141 = arith.addf %add3A_2133, %mul3A_2140 : vector<136x128xbf16>
      %get3A_2142 = arith.constant 26 : index
      %get3A_2143 = arith.constant 8 : index
      %get3A_2144 = vector.load %arg2[%get3A_2142, %get3A_2143] : memref<64x9xf32, #tpu.memory_space<vmem>>, vector<1x1xf32>
      %get3A_2145 = vector.extract %get3A_2144[0, 0] : f32 from vector<1x1xf32>
      %convert_element_type3A_2146 = arith.truncf %get3A_2145 : f32 to bf16
      %mul3A_2147 = vector.broadcast %convert_element_type3A_2146 : bf16 to vector<136x128xbf16>
      %mul3A_2148 = arith.mulf %convert_element_type3A_154, %mul3A_2147 : vector<136x128xbf16>
      %add3A_2149 = arith.addf %add3A_2141, %mul3A_2148 : vector<136x128xbf16>
      %swap3A_2150 = arith.constant 0 : index
      %swap3A_2151 = arith.constant 3328 : index
      %swap3A_2152 = vector.load %arg7[%swap3A_2150, %swap3A_2151] : memref<137x8192xbf16, #tpu.memory_space<vmem>>, vector<136x128xbf16>
      tpu.vector_store %arg7[%swap3A_2150, %swap3A_2151], %add3A_2149 {strides = array<i32>} : memref<137x8192xbf16, #tpu.memory_space<vmem>>, vector<136x128xbf16>,
      %get3A_2153 = arith.constant 27 : index
      %get3A_2154 = arith.constant 0 : index
      %get3A_2155 = vector.load %arg2[%get3A_2153, %get3A_2154] : memref<64x9xf32, #tpu.memory_space<vmem>>, vector<1x1xf32>
      %get3A_2156 = vector.extract %get3A_2155[0, 0] : f32 from vector<1x1xf32>
      %convert_element_type3A_2157 = arith.truncf %get3A_2156 : f32 to bf16
      %mul3A_2158 = vector.broadcast %convert_element_type3A_2157 : bf16 to vector<136x128xbf16>
      %mul3A_2159 = arith.mulf %convert_element_type3A_106, %mul3A_2158 : vector<136x128xbf16>
      %get3A_2160 = arith.constant 27 : index
      %get3A_2161 = arith.constant 1 : index
      %get3A_2162 = vector.load %arg2[%get3A_2160, %get3A_2161] : memref<64x9xf32, #tpu.memory_space<vmem>>, vector<1x1xf32>
      %get3A_2163 = vector.extract %get3A_2162[0, 0] : f32 from vector<1x1xf32>
      %convert_element_type3A_2164 = arith.truncf %get3A_2163 : f32 to bf16
      %mul3A_2165 = vector.broadcast %convert_element_type3A_2164 : bf16 to vector<136x128xbf16>
      %mul3A_2166 = arith.mulf %convert_element_type3A_112, %mul3A_2165 : vector<136x128xbf16>
      %add3A_2167 = arith.addf %mul3A_2159, %mul3A_2166 : vector<136x128xbf16>
      %get3A_2168 = arith.constant 27 : index
      %get3A_2169 = arith.constant 2 : index
      %get3A_2170 = vector.load %arg2[%get3A_2168, %get3A_2169] : memref<64x9xf32, #tpu.memory_space<vmem>>, vector<1x1xf32>
      %get3A_2171 = vector.extract %get3A_2170[0, 0] : f32 from vector<1x1xf32>
      %convert_element_type3A_2172 = arith.truncf %get3A_2171 : f32 to bf16
      %mul3A_2173 = vector.broadcast %convert_element_type3A_2172 : bf16 to vector<136x128xbf16>
      %mul3A_2174 = arith.mulf %convert_element_type3A_118, %mul3A_2173 : vector<136x128xbf16>
      %add3A_2175 = arith.addf %add3A_2167, %mul3A_2174 : vector<136x128xbf16>
      %get3A_2176 = arith.constant 27 : index
      %get3A_2177 = arith.constant 3 : index
      %get3A_2178 = vector.load %arg2[%get3A_2176, %get3A_2177] : memref<64x9xf32, #tpu.memory_space<vmem>>, vector<1x1xf32>
      %get3A_2179 = vector.extract %get3A_2178[0, 0] : f32 from vector<1x1xf32>
      %convert_element_type3A_2180 = arith.truncf %get3A_2179 : f32 to bf16
      %mul3A_2181 = vector.broadcast %convert_element_type3A_2180 : bf16 to vector<136x128xbf16>
      %mul3A_2182 = arith.mulf %convert_element_type3A_124, %mul3A_2181 : vector<136x128xbf16>
      %add3A_2183 = arith.addf %add3A_2175, %mul3A_2182 : vector<136x128xbf16>
      %get3A_2184 = arith.constant 27 : index
      %get3A_2185 = arith.constant 4 : index
      %get3A_2186 = vector.load %arg2[%get3A_2184, %get3A_2185] : memref<64x9xf32, #tpu.memory_space<vmem>>, vector<1x1xf32>
      %get3A_2187 = vector.extract %get3A_2186[0, 0] : f32 from vector<1x1xf32>
      %convert_element_type3A_2188 = arith.truncf %get3A_2187 : f32 to bf16
      %mul3A_2189 = vector.broadcast %convert_element_type3A_2188 : bf16 to vector<136x128xbf16>
      %mul3A_2190 = arith.mulf %convert_element_type3A_130, %mul3A_2189 : vector<136x128xbf16>
      %add3A_2191 = arith.addf %add3A_2183, %mul3A_2190 : vector<136x128xbf16>
      %get3A_2192 = arith.constant 27 : index
      %get3A_2193 = arith.constant 5 : index
      %get3A_2194 = vector.load %arg2[%get3A_2192, %get3A_2193] : memref<64x9xf32, #tpu.memory_space<vmem>>, vector<1x1xf32>
      %get3A_2195 = vector.extract %get3A_2194[0, 0] : f32 from vector<1x1xf32>
      %convert_element_type3A_2196 = arith.truncf %get3A_2195 : f32 to bf16
      %mul3A_2197 = vector.broadcast %convert_element_type3A_2196 : bf16 to vector<136x128xbf16>
      %mul3A_2198 = arith.mulf %convert_element_type3A_136, %mul3A_2197 : vector<136x128xbf16>
      %add3A_2199 = arith.addf %add3A_2191, %mul3A_2198 : vector<136x128xbf16>
      %get3A_2200 = arith.constant 27 : index
      %get3A_2201 = arith.constant 6 : index
      %get3A_2202 = vector.load %arg2[%get3A_2200, %get3A_2201] : memref<64x9xf32, #tpu.memory_space<vmem>>, vector<1x1xf32>
      %get3A_2203 = vector.extract %get3A_2202[0, 0] : f32 from vector<1x1xf32>
      %convert_element_type3A_2204 = arith.truncf %get3A_2203 : f32 to bf16
      %mul3A_2205 = vector.broadcast %convert_element_type3A_2204 : bf16 to vector<136x128xbf16>
      %mul3A_2206 = arith.mulf %convert_element_type3A_142, %mul3A_2205 : vector<136x128xbf16>
      %add3A_2207 = arith.addf %add3A_2199, %mul3A_2206 : vector<136x128xbf16>
      %get3A_2208 = arith.constant 27 : index
      %get3A_2209 = arith.constant 7 : index
      %get3A_2210 = vector.load %arg2[%get3A_2208, %get3A_2209] : memref<64x9xf32, #tpu.memory_space<vmem>>, vector<1x1xf32>
      %get3A_2211 = vector.extract %get3A_2210[0, 0] : f32 from vector<1x1xf32>
      %convert_element_type3A_2212 = arith.truncf %get3A_2211 : f32 to bf16
      %mul3A_2213 = vector.broadcast %convert_element_type3A_2212 : bf16 to vector<136x128xbf16>
      %mul3A_2214 = arith.mulf %convert_element_type3A_148, %mul3A_2213 : vector<136x128xbf16>
      %add3A_2215 = arith.addf %add3A_2207, %mul3A_2214 : vector<136x128xbf16>
      %get3A_2216 = arith.constant 27 : index
      %get3A_2217 = arith.constant 8 : index
      %get3A_2218 = vector.load %arg2[%get3A_2216, %get3A_2217] : memref<64x9xf32, #tpu.memory_space<vmem>>, vector<1x1xf32>
      %get3A_2219 = vector.extract %get3A_2218[0, 0] : f32 from vector<1x1xf32>
      %convert_element_type3A_2220 = arith.truncf %get3A_2219 : f32 to bf16
      %mul3A_2221 = vector.broadcast %convert_element_type3A_2220 : bf16 to vector<136x128xbf16>
      %mul3A_2222 = arith.mulf %convert_element_type3A_154, %mul3A_2221 : vector<136x128xbf16>
      %add3A_2223 = arith.addf %add3A_2215, %mul3A_2222 : vector<136x128xbf16>
      %swap3A_2224 = arith.constant 0 : index
      %swap3A_2225 = arith.constant 3456 : index
      %swap3A_2226 = vector.load %arg7[%swap3A_2224, %swap3A_2225] : memref<137x8192xbf16, #tpu.memory_space<vmem>>, vector<136x128xbf16>
      tpu.vector_store %arg7[%swap3A_2224, %swap3A_2225], %add3A_2223 {strides = array<i32>} : memref<137x8192xbf16, #tpu.memory_space<vmem>>, vector<136x128xbf16>,
      %get3A_2227 = arith.constant 28 : index
      %get3A_2228 = arith.constant 0 : index
      %get3A_2229 = vector.load %arg2[%get3A_2227, %get3A_2228] : memref<64x9xf32, #tpu.memory_space<vmem>>, vector<1x1xf32>
      %get3A_2230 = vector.extract %get3A_2229[0, 0] : f32 from vector<1x1xf32>
      %convert_element_type3A_2231 = arith.truncf %get3A_2230 : f32 to bf16
      %mul3A_2232 = vector.broadcast %convert_element_type3A_2231 : bf16 to vector<136x128xbf16>
      %mul3A_2233 = arith.mulf %convert_element_type3A_106, %mul3A_2232 : vector<136x128xbf16>
      %get3A_2234 = arith.constant 28 : index
      %get3A_2235 = arith.constant 1 : index
      %get3A_2236 = vector.load %arg2[%get3A_2234, %get3A_2235] : memref<64x9xf32, #tpu.memory_space<vmem>>, vector<1x1xf32>
      %get3A_2237 = vector.extract %get3A_2236[0, 0] : f32 from vector<1x1xf32>
      %convert_element_type3A_2238 = arith.truncf %get3A_2237 : f32 to bf16
      %mul3A_2239 = vector.broadcast %convert_element_type3A_2238 : bf16 to vector<136x128xbf16>
      %mul3A_2240 = arith.mulf %convert_element_type3A_112, %mul3A_2239 : vector<136x128xbf16>
      %add3A_2241 = arith.addf %mul3A_2233, %mul3A_2240 : vector<136x128xbf16>
      %get3A_2242 = arith.constant 28 : index
      %get3A_2243 = arith.constant 2 : index
      %get3A_2244 = vector.load %arg2[%get3A_2242, %get3A_2243] : memref<64x9xf32, #tpu.memory_space<vmem>>, vector<1x1xf32>
      %get3A_2245 = vector.extract %get3A_2244[0, 0] : f32 from vector<1x1xf32>
      %convert_element_type3A_2246 = arith.truncf %get3A_2245 : f32 to bf16
      %mul3A_2247 = vector.broadcast %convert_element_type3A_2246 : bf16 to vector<136x128xbf16>
      %mul3A_2248 = arith.mulf %convert_element_type3A_118, %mul3A_2247 : vector<136x128xbf16>
      %add3A_2249 = arith.addf %add3A_2241, %mul3A_2248 : vector<136x128xbf16>
      %get3A_2250 = arith.constant 28 : index
      %get3A_2251 = arith.constant 3 : index
      %get3A_2252 = vector.load %arg2[%get3A_2250, %get3A_2251] : memref<64x9xf32, #tpu.memory_space<vmem>>, vector<1x1xf32>
      %get3A_2253 = vector.extract %get3A_2252[0, 0] : f32 from vector<1x1xf32>
      %convert_element_type3A_2254 = arith.truncf %get3A_2253 : f32 to bf16
      %mul3A_2255 = vector.broadcast %convert_element_type3A_2254 : bf16 to vector<136x128xbf16>
      %mul3A_2256 = arith.mulf %convert_element_type3A_124, %mul3A_2255 : vector<136x128xbf16>
      %add3A_2257 = arith.addf %add3A_2249, %mul3A_2256 : vector<136x128xbf16>
      %get3A_2258 = arith.constant 28 : index
      %get3A_2259 = arith.constant 4 : index
      %get3A_2260 = vector.load %arg2[%get3A_2258, %get3A_2259] : memref<64x9xf32, #tpu.memory_space<vmem>>, vector<1x1xf32>
      %get3A_2261 = vector.extract %get3A_2260[0, 0] : f32 from vector<1x1xf32>
      %convert_element_type3A_2262 = arith.truncf %get3A_2261 : f32 to bf16
      %mul3A_2263 = vector.broadcast %convert_element_type3A_2262 : bf16 to vector<136x128xbf16>
      %mul3A_2264 = arith.mulf %convert_element_type3A_130, %mul3A_2263 : vector<136x128xbf16>
      %add3A_2265 = arith.addf %add3A_2257, %mul3A_2264 : vector<136x128xbf16>
      %get3A_2266 = arith.constant 28 : index
      %get3A_2267 = arith.constant 5 : index
      %get3A_2268 = vector.load %arg2[%get3A_2266, %get3A_2267] : memref<64x9xf32, #tpu.memory_space<vmem>>, vector<1x1xf32>
      %get3A_2269 = vector.extract %get3A_2268[0, 0] : f32 from vector<1x1xf32>
      %convert_element_type3A_2270 = arith.truncf %get3A_2269 : f32 to bf16
      %mul3A_2271 = vector.broadcast %convert_element_type3A_2270 : bf16 to vector<136x128xbf16>
      %mul3A_2272 = arith.mulf %convert_element_type3A_136, %mul3A_2271 : vector<136x128xbf16>
      %add3A_2273 = arith.addf %add3A_2265, %mul3A_2272 : vector<136x128xbf16>
      %get3A_2274 = arith.constant 28 : index
      %get3A_2275 = arith.constant 6 : index
      %get3A_2276 = vector.load %arg2[%get3A_2274, %get3A_2275] : memref<64x9xf32, #tpu.memory_space<vmem>>, vector<1x1xf32>
      %get3A_2277 = vector.extract %get3A_2276[0, 0] : f32 from vector<1x1xf32>
      %convert_element_type3A_2278 = arith.truncf %get3A_2277 : f32 to bf16
      %mul3A_2279 = vector.broadcast %convert_element_type3A_2278 : bf16 to vector<136x128xbf16>
      %mul3A_2280 = arith.mulf %convert_element_type3A_142, %mul3A_2279 : vector<136x128xbf16>
      %add3A_2281 = arith.addf %add3A_2273, %mul3A_2280 : vector<136x128xbf16>
      %get3A_2282 = arith.constant 28 : index
      %get3A_2283 = arith.constant 7 : index
      %get3A_2284 = vector.load %arg2[%get3A_2282, %get3A_2283] : memref<64x9xf32, #tpu.memory_space<vmem>>, vector<1x1xf32>
      %get3A_2285 = vector.extract %get3A_2284[0, 0] : f32 from vector<1x1xf32>
      %convert_element_type3A_2286 = arith.truncf %get3A_2285 : f32 to bf16
      %mul3A_2287 = vector.broadcast %convert_element_type3A_2286 : bf16 to vector<136x128xbf16>
      %mul3A_2288 = arith.mulf %convert_element_type3A_148, %mul3A_2287 : vector<136x128xbf16>
      %add3A_2289 = arith.addf %add3A_2281, %mul3A_2288 : vector<136x128xbf16>
      %get3A_2290 = arith.constant 28 : index
      %get3A_2291 = arith.constant 8 : index
      %get3A_2292 = vector.load %arg2[%get3A_2290, %get3A_2291] : memref<64x9xf32, #tpu.memory_space<vmem>>, vector<1x1xf32>
      %get3A_2293 = vector.extract %get3A_2292[0, 0] : f32 from vector<1x1xf32>
      %convert_element_type3A_2294 = arith.truncf %get3A_2293 : f32 to bf16
      %mul3A_2295 = vector.broadcast %convert_element_type3A_2294 : bf16 to vector<136x128xbf16>
      %mul3A_2296 = arith.mulf %convert_element_type3A_154, %mul3A_2295 : vector<136x128xbf16>
      %add3A_2297 = arith.addf %add3A_2289, %mul3A_2296 : vector<136x128xbf16>
      %swap3A_2298 = arith.constant 0 : index
      %swap3A_2299 = arith.constant 3584 : index
      %swap3A_2300 = vector.load %arg7[%swap3A_2298, %swap3A_2299] : memref<137x8192xbf16, #tpu.memory_space<vmem>>, vector<136x128xbf16>
      tpu.vector_store %arg7[%swap3A_2298, %swap3A_2299], %add3A_2297 {strides = array<i32>} : memref<137x8192xbf16, #tpu.memory_space<vmem>>, vector<136x128xbf16>,
      %get3A_2301 = arith.constant 29 : index
      %get3A_2302 = arith.constant 0 : index
      %get3A_2303 = vector.load %arg2[%get3A_2301, %get3A_2302] : memref<64x9xf32, #tpu.memory_space<vmem>>, vector<1x1xf32>
      %get3A_2304 = vector.extract %get3A_2303[0, 0] : f32 from vector<1x1xf32>
      %convert_element_type3A_2305 = arith.truncf %get3A_2304 : f32 to bf16
      %mul3A_2306 = vector.broadcast %convert_element_type3A_2305 : bf16 to vector<136x128xbf16>
      %mul3A_2307 = arith.mulf %convert_element_type3A_106, %mul3A_2306 : vector<136x128xbf16>
      %get3A_2308 = arith.constant 29 : index
      %get3A_2309 = arith.constant 1 : index
      %get3A_2310 = vector.load %arg2[%get3A_2308, %get3A_2309] : memref<64x9xf32, #tpu.memory_space<vmem>>, vector<1x1xf32>
      %get3A_2311 = vector.extract %get3A_2310[0, 0] : f32 from vector<1x1xf32>
      %convert_element_type3A_2312 = arith.truncf %get3A_2311 : f32 to bf16
      %mul3A_2313 = vector.broadcast %convert_element_type3A_2312 : bf16 to vector<136x128xbf16>
      %mul3A_2314 = arith.mulf %convert_element_type3A_112, %mul3A_2313 : vector<136x128xbf16>
      %add3A_2315 = arith.addf %mul3A_2307, %mul3A_2314 : vector<136x128xbf16>
      %get3A_2316 = arith.constant 29 : index
      %get3A_2317 = arith.constant 2 : index
      %get3A_2318 = vector.load %arg2[%get3A_2316, %get3A_2317] : memref<64x9xf32, #tpu.memory_space<vmem>>, vector<1x1xf32>
      %get3A_2319 = vector.extract %get3A_2318[0, 0] : f32 from vector<1x1xf32>
      %convert_element_type3A_2320 = arith.truncf %get3A_2319 : f32 to bf16
      %mul3A_2321 = vector.broadcast %convert_element_type3A_2320 : bf16 to vector<136x128xbf16>
      %mul3A_2322 = arith.mulf %convert_element_type3A_118, %mul3A_2321 : vector<136x128xbf16>
      %add3A_2323 = arith.addf %add3A_2315, %mul3A_2322 : vector<136x128xbf16>
      %get3A_2324 = arith.constant 29 : index
      %get3A_2325 = arith.constant 3 : index
      %get3A_2326 = vector.load %arg2[%get3A_2324, %get3A_2325] : memref<64x9xf32, #tpu.memory_space<vmem>>, vector<1x1xf32>
      %get3A_2327 = vector.extract %get3A_2326[0, 0] : f32 from vector<1x1xf32>
      %convert_element_type3A_2328 = arith.truncf %get3A_2327 : f32 to bf16
      %mul3A_2329 = vector.broadcast %convert_element_type3A_2328 : bf16 to vector<136x128xbf16>
      %mul3A_2330 = arith.mulf %convert_element_type3A_124, %mul3A_2329 : vector<136x128xbf16>
      %add3A_2331 = arith.addf %add3A_2323, %mul3A_2330 : vector<136x128xbf16>
      %get3A_2332 = arith.constant 29 : index
      %get3A_2333 = arith.constant 4 : index
      %get3A_2334 = vector.load %arg2[%get3A_2332, %get3A_2333] : memref<64x9xf32, #tpu.memory_space<vmem>>, vector<1x1xf32>
      %get3A_2335 = vector.extract %get3A_2334[0, 0] : f32 from vector<1x1xf32>
      %convert_element_type3A_2336 = arith.truncf %get3A_2335 : f32 to bf16
      %mul3A_2337 = vector.broadcast %convert_element_type3A_2336 : bf16 to vector<136x128xbf16>
      %mul3A_2338 = arith.mulf %convert_element_type3A_130, %mul3A_2337 : vector<136x128xbf16>
      %add3A_2339 = arith.addf %add3A_2331, %mul3A_2338 : vector<136x128xbf16>
      %get3A_2340 = arith.constant 29 : index
      %get3A_2341 = arith.constant 5 : index
      %get3A_2342 = vector.load %arg2[%get3A_2340, %get3A_2341] : memref<64x9xf32, #tpu.memory_space<vmem>>, vector<1x1xf32>
      %get3A_2343 = vector.extract %get3A_2342[0, 0] : f32 from vector<1x1xf32>
      %convert_element_type3A_2344 = arith.truncf %get3A_2343 : f32 to bf16
      %mul3A_2345 = vector.broadcast %convert_element_type3A_2344 : bf16 to vector<136x128xbf16>
      %mul3A_2346 = arith.mulf %convert_element_type3A_136, %mul3A_2345 : vector<136x128xbf16>
      %add3A_2347 = arith.addf %add3A_2339, %mul3A_2346 : vector<136x128xbf16>
      %get3A_2348 = arith.constant 29 : index
      %get3A_2349 = arith.constant 6 : index
      %get3A_2350 = vector.load %arg2[%get3A_2348, %get3A_2349] : memref<64x9xf32, #tpu.memory_space<vmem>>, vector<1x1xf32>
      %get3A_2351 = vector.extract %get3A_2350[0, 0] : f32 from vector<1x1xf32>
      %convert_element_type3A_2352 = arith.truncf %get3A_2351 : f32 to bf16
      %mul3A_2353 = vector.broadcast %convert_element_type3A_2352 : bf16 to vector<136x128xbf16>
      %mul3A_2354 = arith.mulf %convert_element_type3A_142, %mul3A_2353 : vector<136x128xbf16>
      %add3A_2355 = arith.addf %add3A_2347, %mul3A_2354 : vector<136x128xbf16>
      %get3A_2356 = arith.constant 29 : index
      %get3A_2357 = arith.constant 7 : index
      %get3A_2358 = vector.load %arg2[%get3A_2356, %get3A_2357] : memref<64x9xf32, #tpu.memory_space<vmem>>, vector<1x1xf32>
      %get3A_2359 = vector.extract %get3A_2358[0, 0] : f32 from vector<1x1xf32>
      %convert_element_type3A_2360 = arith.truncf %get3A_2359 : f32 to bf16
      %mul3A_2361 = vector.broadcast %convert_element_type3A_2360 : bf16 to vector<136x128xbf16>
      %mul3A_2362 = arith.mulf %convert_element_type3A_148, %mul3A_2361 : vector<136x128xbf16>
      %add3A_2363 = arith.addf %add3A_2355, %mul3A_2362 : vector<136x128xbf16>
      %get3A_2364 = arith.constant 29 : index
      %get3A_2365 = arith.constant 8 : index
      %get3A_2366 = vector.load %arg2[%get3A_2364, %get3A_2365] : memref<64x9xf32, #tpu.memory_space<vmem>>, vector<1x1xf32>
      %get3A_2367 = vector.extract %get3A_2366[0, 0] : f32 from vector<1x1xf32>
      %convert_element_type3A_2368 = arith.truncf %get3A_2367 : f32 to bf16
      %mul3A_2369 = vector.broadcast %convert_element_type3A_2368 : bf16 to vector<136x128xbf16>
      %mul3A_2370 = arith.mulf %convert_element_type3A_154, %mul3A_2369 : vector<136x128xbf16>
      %add3A_2371 = arith.addf %add3A_2363, %mul3A_2370 : vector<136x128xbf16>
      %swap3A_2372 = arith.constant 0 : index
      %swap3A_2373 = arith.constant 3712 : index
      %swap3A_2374 = vector.load %arg7[%swap3A_2372, %swap3A_2373] : memref<137x8192xbf16, #tpu.memory_space<vmem>>, vector<136x128xbf16>
      tpu.vector_store %arg7[%swap3A_2372, %swap3A_2373], %add3A_2371 {strides = array<i32>} : memref<137x8192xbf16, #tpu.memory_space<vmem>>, vector<136x128xbf16>,
      %get3A_2375 = arith.constant 30 : index
      %get3A_2376 = arith.constant 0 : index
      %get3A_2377 = vector.load %arg2[%get3A_2375, %get3A_2376] : memref<64x9xf32, #tpu.memory_space<vmem>>, vector<1x1xf32>
      %get3A_2378 = vector.extract %get3A_2377[0, 0] : f32 from vector<1x1xf32>
      %convert_element_type3A_2379 = arith.truncf %get3A_2378 : f32 to bf16
      %mul3A_2380 = vector.broadcast %convert_element_type3A_2379 : bf16 to vector<136x128xbf16>
      %mul3A_2381 = arith.mulf %convert_element_type3A_106, %mul3A_2380 : vector<136x128xbf16>
      %get3A_2382 = arith.constant 30 : index
      %get3A_2383 = arith.constant 1 : index
      %get3A_2384 = vector.load %arg2[%get3A_2382, %get3A_2383] : memref<64x9xf32, #tpu.memory_space<vmem>>, vector<1x1xf32>
      %get3A_2385 = vector.extract %get3A_2384[0, 0] : f32 from vector<1x1xf32>
      %convert_element_type3A_2386 = arith.truncf %get3A_2385 : f32 to bf16
      %mul3A_2387 = vector.broadcast %convert_element_type3A_2386 : bf16 to vector<136x128xbf16>
      %mul3A_2388 = arith.mulf %convert_element_type3A_112, %mul3A_2387 : vector<136x128xbf16>
      %add3A_2389 = arith.addf %mul3A_2381, %mul3A_2388 : vector<136x128xbf16>
      %get3A_2390 = arith.constant 30 : index
      %get3A_2391 = arith.constant 2 : index
      %get3A_2392 = vector.load %arg2[%get3A_2390, %get3A_2391] : memref<64x9xf32, #tpu.memory_space<vmem>>, vector<1x1xf32>
      %get3A_2393 = vector.extract %get3A_2392[0, 0] : f32 from vector<1x1xf32>
      %convert_element_type3A_2394 = arith.truncf %get3A_2393 : f32 to bf16
      %mul3A_2395 = vector.broadcast %convert_element_type3A_2394 : bf16 to vector<136x128xbf16>
      %mul3A_2396 = arith.mulf %convert_element_type3A_118, %mul3A_2395 : vector<136x128xbf16>
      %add3A_2397 = arith.addf %add3A_2389, %mul3A_2396 : vector<136x128xbf16>
      %get3A_2398 = arith.constant 30 : index
      %get3A_2399 = arith.constant 3 : index
      %get3A_2400 = vector.load %arg2[%get3A_2398, %get3A_2399] : memref<64x9xf32, #tpu.memory_space<vmem>>, vector<1x1xf32>
      %get3A_2401 = vector.extract %get3A_2400[0, 0] : f32 from vector<1x1xf32>
      %convert_element_type3A_2402 = arith.truncf %get3A_2401 : f32 to bf16
      %mul3A_2403 = vector.broadcast %convert_element_type3A_2402 : bf16 to vector<136x128xbf16>
      %mul3A_2404 = arith.mulf %convert_element_type3A_124, %mul3A_2403 : vector<136x128xbf16>
      %add3A_2405 = arith.addf %add3A_2397, %mul3A_2404 : vector<136x128xbf16>
      %get3A_2406 = arith.constant 30 : index
      %get3A_2407 = arith.constant 4 : index
      %get3A_2408 = vector.load %arg2[%get3A_2406, %get3A_2407] : memref<64x9xf32, #tpu.memory_space<vmem>>, vector<1x1xf32>
      %get3A_2409 = vector.extract %get3A_2408[0, 0] : f32 from vector<1x1xf32>
      %convert_element_type3A_2410 = arith.truncf %get3A_2409 : f32 to bf16
      %mul3A_2411 = vector.broadcast %convert_element_type3A_2410 : bf16 to vector<136x128xbf16>
      %mul3A_2412 = arith.mulf %convert_element_type3A_130, %mul3A_2411 : vector<136x128xbf16>
      %add3A_2413 = arith.addf %add3A_2405, %mul3A_2412 : vector<136x128xbf16>
      %get3A_2414 = arith.constant 30 : index
      %get3A_2415 = arith.constant 5 : index
      %get3A_2416 = vector.load %arg2[%get3A_2414, %get3A_2415] : memref<64x9xf32, #tpu.memory_space<vmem>>, vector<1x1xf32>
      %get3A_2417 = vector.extract %get3A_2416[0, 0] : f32 from vector<1x1xf32>
      %convert_element_type3A_2418 = arith.truncf %get3A_2417 : f32 to bf16
      %mul3A_2419 = vector.broadcast %convert_element_type3A_2418 : bf16 to vector<136x128xbf16>
      %mul3A_2420 = arith.mulf %convert_element_type3A_136, %mul3A_2419 : vector<136x128xbf16>
      %add3A_2421 = arith.addf %add3A_2413, %mul3A_2420 : vector<136x128xbf16>
      %get3A_2422 = arith.constant 30 : index
      %get3A_2423 = arith.constant 6 : index
      %get3A_2424 = vector.load %arg2[%get3A_2422, %get3A_2423] : memref<64x9xf32, #tpu.memory_space<vmem>>, vector<1x1xf32>
      %get3A_2425 = vector.extract %get3A_2424[0, 0] : f32 from vector<1x1xf32>
      %convert_element_type3A_2426 = arith.truncf %get3A_2425 : f32 to bf16
      %mul3A_2427 = vector.broadcast %convert_element_type3A_2426 : bf16 to vector<136x128xbf16>
      %mul3A_2428 = arith.mulf %convert_element_type3A_142, %mul3A_2427 : vector<136x128xbf16>
      %add3A_2429 = arith.addf %add3A_2421, %mul3A_2428 : vector<136x128xbf16>
      %get3A_2430 = arith.constant 30 : index
      %get3A_2431 = arith.constant 7 : index
      %get3A_2432 = vector.load %arg2[%get3A_2430, %get3A_2431] : memref<64x9xf32, #tpu.memory_space<vmem>>, vector<1x1xf32>
      %get3A_2433 = vector.extract %get3A_2432[0, 0] : f32 from vector<1x1xf32>
      %convert_element_type3A_2434 = arith.truncf %get3A_2433 : f32 to bf16
      %mul3A_2435 = vector.broadcast %convert_element_type3A_2434 : bf16 to vector<136x128xbf16>
      %mul3A_2436 = arith.mulf %convert_element_type3A_148, %mul3A_2435 : vector<136x128xbf16>
      %add3A_2437 = arith.addf %add3A_2429, %mul3A_2436 : vector<136x128xbf16>
      %get3A_2438 = arith.constant 30 : index
      %get3A_2439 = arith.constant 8 : index
      %get3A_2440 = vector.load %arg2[%get3A_2438, %get3A_2439] : memref<64x9xf32, #tpu.memory_space<vmem>>, vector<1x1xf32>
      %get3A_2441 = vector.extract %get3A_2440[0, 0] : f32 from vector<1x1xf32>
      %convert_element_type3A_2442 = arith.truncf %get3A_2441 : f32 to bf16
      %mul3A_2443 = vector.broadcast %convert_element_type3A_2442 : bf16 to vector<136x128xbf16>
      %mul3A_2444 = arith.mulf %convert_element_type3A_154, %mul3A_2443 : vector<136x128xbf16>
      %add3A_2445 = arith.addf %add3A_2437, %mul3A_2444 : vector<136x128xbf16>
      %swap3A_2446 = arith.constant 0 : index
      %swap3A_2447 = arith.constant 3840 : index
      %swap3A_2448 = vector.load %arg7[%swap3A_2446, %swap3A_2447] : memref<137x8192xbf16, #tpu.memory_space<vmem>>, vector<136x128xbf16>
      tpu.vector_store %arg7[%swap3A_2446, %swap3A_2447], %add3A_2445 {strides = array<i32>} : memref<137x8192xbf16, #tpu.memory_space<vmem>>, vector<136x128xbf16>,
      %get3A_2449 = arith.constant 31 : index
      %get3A_2450 = arith.constant 0 : index
      %get3A_2451 = vector.load %arg2[%get3A_2449, %get3A_2450] : memref<64x9xf32, #tpu.memory_space<vmem>>, vector<1x1xf32>
      %get3A_2452 = vector.extract %get3A_2451[0, 0] : f32 from vector<1x1xf32>
      %convert_element_type3A_2453 = arith.truncf %get3A_2452 : f32 to bf16
      %mul3A_2454 = vector.broadcast %convert_element_type3A_2453 : bf16 to vector<136x128xbf16>
      %mul3A_2455 = arith.mulf %convert_element_type3A_106, %mul3A_2454 : vector<136x128xbf16>
      %get3A_2456 = arith.constant 31 : index
      %get3A_2457 = arith.constant 1 : index
      %get3A_2458 = vector.load %arg2[%get3A_2456, %get3A_2457] : memref<64x9xf32, #tpu.memory_space<vmem>>, vector<1x1xf32>
      %get3A_2459 = vector.extract %get3A_2458[0, 0] : f32 from vector<1x1xf32>
      %convert_element_type3A_2460 = arith.truncf %get3A_2459 : f32 to bf16
      %mul3A_2461 = vector.broadcast %convert_element_type3A_2460 : bf16 to vector<136x128xbf16>
      %mul3A_2462 = arith.mulf %convert_element_type3A_112, %mul3A_2461 : vector<136x128xbf16>
      %add3A_2463 = arith.addf %mul3A_2455, %mul3A_2462 : vector<136x128xbf16>
      %get3A_2464 = arith.constant 31 : index
      %get3A_2465 = arith.constant 2 : index
      %get3A_2466 = vector.load %arg2[%get3A_2464, %get3A_2465] : memref<64x9xf32, #tpu.memory_space<vmem>>, vector<1x1xf32>
      %get3A_2467 = vector.extract %get3A_2466[0, 0] : f32 from vector<1x1xf32>
      %convert_element_type3A_2468 = arith.truncf %get3A_2467 : f32 to bf16
      %mul3A_2469 = vector.broadcast %convert_element_type3A_2468 : bf16 to vector<136x128xbf16>
      %mul3A_2470 = arith.mulf %convert_element_type3A_118, %mul3A_2469 : vector<136x128xbf16>
      %add3A_2471 = arith.addf %add3A_2463, %mul3A_2470 : vector<136x128xbf16>
      %get3A_2472 = arith.constant 31 : index
      %get3A_2473 = arith.constant 3 : index
      %get3A_2474 = vector.load %arg2[%get3A_2472, %get3A_2473] : memref<64x9xf32, #tpu.memory_space<vmem>>, vector<1x1xf32>
      %get3A_2475 = vector.extract %get3A_2474[0, 0] : f32 from vector<1x1xf32>
      %convert_element_type3A_2476 = arith.truncf %get3A_2475 : f32 to bf16
      %mul3A_2477 = vector.broadcast %convert_element_type3A_2476 : bf16 to vector<136x128xbf16>
      %mul3A_2478 = arith.mulf %convert_element_type3A_124, %mul3A_2477 : vector<136x128xbf16>
      %add3A_2479 = arith.addf %add3A_2471, %mul3A_2478 : vector<136x128xbf16>
      %get3A_2480 = arith.constant 31 : index
      %get3A_2481 = arith.constant 4 : index
      %get3A_2482 = vector.load %arg2[%get3A_2480, %get3A_2481] : memref<64x9xf32, #tpu.memory_space<vmem>>, vector<1x1xf32>
      %get3A_2483 = vector.extract %get3A_2482[0, 0] : f32 from vector<1x1xf32>
      %convert_element_type3A_2484 = arith.truncf %get3A_2483 : f32 to bf16
      %mul3A_2485 = vector.broadcast %convert_element_type3A_2484 : bf16 to vector<136x128xbf16>
      %mul3A_2486 = arith.mulf %convert_element_type3A_130, %mul3A_2485 : vector<136x128xbf16>
      %add3A_2487 = arith.addf %add3A_2479, %mul3A_2486 : vector<136x128xbf16>
      %get3A_2488 = arith.constant 31 : index
      %get3A_2489 = arith.constant 5 : index
      %get3A_2490 = vector.load %arg2[%get3A_2488, %get3A_2489] : memref<64x9xf32, #tpu.memory_space<vmem>>, vector<1x1xf32>
      %get3A_2491 = vector.extract %get3A_2490[0, 0] : f32 from vector<1x1xf32>
      %convert_element_type3A_2492 = arith.truncf %get3A_2491 : f32 to bf16
      %mul3A_2493 = vector.broadcast %convert_element_type3A_2492 : bf16 to vector<136x128xbf16>
      %mul3A_2494 = arith.mulf %convert_element_type3A_136, %mul3A_2493 : vector<136x128xbf16>
      %add3A_2495 = arith.addf %add3A_2487, %mul3A_2494 : vector<136x128xbf16>
      %get3A_2496 = arith.constant 31 : index
      %get3A_2497 = arith.constant 6 : index
      %get3A_2498 = vector.load %arg2[%get3A_2496, %get3A_2497] : memref<64x9xf32, #tpu.memory_space<vmem>>, vector<1x1xf32>
      %get3A_2499 = vector.extract %get3A_2498[0, 0] : f32 from vector<1x1xf32>
      %convert_element_type3A_2500 = arith.truncf %get3A_2499 : f32 to bf16
      %mul3A_2501 = vector.broadcast %convert_element_type3A_2500 : bf16 to vector<136x128xbf16>
      %mul3A_2502 = arith.mulf %convert_element_type3A_142, %mul3A_2501 : vector<136x128xbf16>
      %add3A_2503 = arith.addf %add3A_2495, %mul3A_2502 : vector<136x128xbf16>
      %get3A_2504 = arith.constant 31 : index
      %get3A_2505 = arith.constant 7 : index
      %get3A_2506 = vector.load %arg2[%get3A_2504, %get3A_2505] : memref<64x9xf32, #tpu.memory_space<vmem>>, vector<1x1xf32>
      %get3A_2507 = vector.extract %get3A_2506[0, 0] : f32 from vector<1x1xf32>
      %convert_element_type3A_2508 = arith.truncf %get3A_2507 : f32 to bf16
      %mul3A_2509 = vector.broadcast %convert_element_type3A_2508 : bf16 to vector<136x128xbf16>
      %mul3A_2510 = arith.mulf %convert_element_type3A_148, %mul3A_2509 : vector<136x128xbf16>
      %add3A_2511 = arith.addf %add3A_2503, %mul3A_2510 : vector<136x128xbf16>
      %get3A_2512 = arith.constant 31 : index
      %get3A_2513 = arith.constant 8 : index
      %get3A_2514 = vector.load %arg2[%get3A_2512, %get3A_2513] : memref<64x9xf32, #tpu.memory_space<vmem>>, vector<1x1xf32>
      %get3A_2515 = vector.extract %get3A_2514[0, 0] : f32 from vector<1x1xf32>
      %convert_element_type3A_2516 = arith.truncf %get3A_2515 : f32 to bf16
      %mul3A_2517 = vector.broadcast %convert_element_type3A_2516 : bf16 to vector<136x128xbf16>
      %mul3A_2518 = arith.mulf %convert_element_type3A_154, %mul3A_2517 : vector<136x128xbf16>
      %add3A_2519 = arith.addf %add3A_2511, %mul3A_2518 : vector<136x128xbf16>
      %swap3A_2520 = arith.constant 0 : index
      %swap3A_2521 = arith.constant 3968 : index
      %swap3A_2522 = vector.load %arg7[%swap3A_2520, %swap3A_2521] : memref<137x8192xbf16, #tpu.memory_space<vmem>>, vector<136x128xbf16>
      tpu.vector_store %arg7[%swap3A_2520, %swap3A_2521], %add3A_2519 {strides = array<i32>} : memref<137x8192xbf16, #tpu.memory_space<vmem>>, vector<136x128xbf16>,
      %get3A_2523 = arith.constant 32 : index
      %get3A_2524 = arith.constant 0 : index
      %get3A_2525 = vector.load %arg2[%get3A_2523, %get3A_2524] : memref<64x9xf32, #tpu.memory_space<vmem>>, vector<1x1xf32>
      %get3A_2526 = vector.extract %get3A_2525[0, 0] : f32 from vector<1x1xf32>
      %convert_element_type3A_2527 = arith.truncf %get3A_2526 : f32 to bf16
      %mul3A_2528 = vector.broadcast %convert_element_type3A_2527 : bf16 to vector<136x128xbf16>
      %mul3A_2529 = arith.mulf %convert_element_type3A_106, %mul3A_2528 : vector<136x128xbf16>
      %get3A_2530 = arith.constant 32 : index
      %get3A_2531 = arith.constant 1 : index
      %get3A_2532 = vector.load %arg2[%get3A_2530, %get3A_2531] : memref<64x9xf32, #tpu.memory_space<vmem>>, vector<1x1xf32>
      %get3A_2533 = vector.extract %get3A_2532[0, 0] : f32 from vector<1x1xf32>
      %convert_element_type3A_2534 = arith.truncf %get3A_2533 : f32 to bf16
      %mul3A_2535 = vector.broadcast %convert_element_type3A_2534 : bf16 to vector<136x128xbf16>
      %mul3A_2536 = arith.mulf %convert_element_type3A_112, %mul3A_2535 : vector<136x128xbf16>
      %add3A_2537 = arith.addf %mul3A_2529, %mul3A_2536 : vector<136x128xbf16>
      %get3A_2538 = arith.constant 32 : index
      %get3A_2539 = arith.constant 2 : index
      %get3A_2540 = vector.load %arg2[%get3A_2538, %get3A_2539] : memref<64x9xf32, #tpu.memory_space<vmem>>, vector<1x1xf32>
      %get3A_2541 = vector.extract %get3A_2540[0, 0] : f32 from vector<1x1xf32>
      %convert_element_type3A_2542 = arith.truncf %get3A_2541 : f32 to bf16
      %mul3A_2543 = vector.broadcast %convert_element_type3A_2542 : bf16 to vector<136x128xbf16>
      %mul3A_2544 = arith.mulf %convert_element_type3A_118, %mul3A_2543 : vector<136x128xbf16>
      %add3A_2545 = arith.addf %add3A_2537, %mul3A_2544 : vector<136x128xbf16>
      %get3A_2546 = arith.constant 32 : index
      %get3A_2547 = arith.constant 3 : index
      %get3A_2548 = vector.load %arg2[%get3A_2546, %get3A_2547] : memref<64x9xf32, #tpu.memory_space<vmem>>, vector<1x1xf32>
      %get3A_2549 = vector.extract %get3A_2548[0, 0] : f32 from vector<1x1xf32>
      %convert_element_type3A_2550 = arith.truncf %get3A_2549 : f32 to bf16
      %mul3A_2551 = vector.broadcast %convert_element_type3A_2550 : bf16 to vector<136x128xbf16>
      %mul3A_2552 = arith.mulf %convert_element_type3A_124, %mul3A_2551 : vector<136x128xbf16>
      %add3A_2553 = arith.addf %add3A_2545, %mul3A_2552 : vector<136x128xbf16>
      %get3A_2554 = arith.constant 32 : index
      %get3A_2555 = arith.constant 4 : index
      %get3A_2556 = vector.load %arg2[%get3A_2554, %get3A_2555] : memref<64x9xf32, #tpu.memory_space<vmem>>, vector<1x1xf32>
      %get3A_2557 = vector.extract %get3A_2556[0, 0] : f32 from vector<1x1xf32>
      %convert_element_type3A_2558 = arith.truncf %get3A_2557 : f32 to bf16
      %mul3A_2559 = vector.broadcast %convert_element_type3A_2558 : bf16 to vector<136x128xbf16>
      %mul3A_2560 = arith.mulf %convert_element_type3A_130, %mul3A_2559 : vector<136x128xbf16>
      %add3A_2561 = arith.addf %add3A_2553, %mul3A_2560 : vector<136x128xbf16>
      %get3A_2562 = arith.constant 32 : index
      %get3A_2563 = arith.constant 5 : index
      %get3A_2564 = vector.load %arg2[%get3A_2562, %get3A_2563] : memref<64x9xf32, #tpu.memory_space<vmem>>, vector<1x1xf32>
      %get3A_2565 = vector.extract %get3A_2564[0, 0] : f32 from vector<1x1xf32>
      %convert_element_type3A_2566 = arith.truncf %get3A_2565 : f32 to bf16
      %mul3A_2567 = vector.broadcast %convert_element_type3A_2566 : bf16 to vector<136x128xbf16>
      %mul3A_2568 = arith.mulf %convert_element_type3A_136, %mul3A_2567 : vector<136x128xbf16>
      %add3A_2569 = arith.addf %add3A_2561, %mul3A_2568 : vector<136x128xbf16>
      %get3A_2570 = arith.constant 32 : index
      %get3A_2571 = arith.constant 6 : index
      %get3A_2572 = vector.load %arg2[%get3A_2570, %get3A_2571] : memref<64x9xf32, #tpu.memory_space<vmem>>, vector<1x1xf32>
      %get3A_2573 = vector.extract %get3A_2572[0, 0] : f32 from vector<1x1xf32>
      %convert_element_type3A_2574 = arith.truncf %get3A_2573 : f32 to bf16
      %mul3A_2575 = vector.broadcast %convert_element_type3A_2574 : bf16 to vector<136x128xbf16>
      %mul3A_2576 = arith.mulf %convert_element_type3A_142, %mul3A_2575 : vector<136x128xbf16>
      %add3A_2577 = arith.addf %add3A_2569, %mul3A_2576 : vector<136x128xbf16>
      %get3A_2578 = arith.constant 32 : index
      %get3A_2579 = arith.constant 7 : index
      %get3A_2580 = vector.load %arg2[%get3A_2578, %get3A_2579] : memref<64x9xf32, #tpu.memory_space<vmem>>, vector<1x1xf32>
      %get3A_2581 = vector.extract %get3A_2580[0, 0] : f32 from vector<1x1xf32>
      %convert_element_type3A_2582 = arith.truncf %get3A_2581 : f32 to bf16
      %mul3A_2583 = vector.broadcast %convert_element_type3A_2582 : bf16 to vector<136x128xbf16>
      %mul3A_2584 = arith.mulf %convert_element_type3A_148, %mul3A_2583 : vector<136x128xbf16>
      %add3A_2585 = arith.addf %add3A_2577, %mul3A_2584 : vector<136x128xbf16>
      %get3A_2586 = arith.constant 32 : index
      %get3A_2587 = arith.constant 8 : index
      %get3A_2588 = vector.load %arg2[%get3A_2586, %get3A_2587] : memref<64x9xf32, #tpu.memory_space<vmem>>, vector<1x1xf32>
      %get3A_2589 = vector.extract %get3A_2588[0, 0] : f32 from vector<1x1xf32>
      %convert_element_type3A_2590 = arith.truncf %get3A_2589 : f32 to bf16
      %mul3A_2591 = vector.broadcast %convert_element_type3A_2590 : bf16 to vector<136x128xbf16>
      %mul3A_2592 = arith.mulf %convert_element_type3A_154, %mul3A_2591 : vector<136x128xbf16>
      %add3A_2593 = arith.addf %add3A_2585, %mul3A_2592 : vector<136x128xbf16>
      %swap3A_2594 = arith.constant 0 : index
      %swap3A_2595 = arith.constant 4096 : index
      %swap3A_2596 = vector.load %arg7[%swap3A_2594, %swap3A_2595] : memref<137x8192xbf16, #tpu.memory_space<vmem>>, vector<136x128xbf16>
      tpu.vector_store %arg7[%swap3A_2594, %swap3A_2595], %add3A_2593 {strides = array<i32>} : memref<137x8192xbf16, #tpu.memory_space<vmem>>, vector<136x128xbf16>,
      %get3A_2597 = arith.constant 33 : index
      %get3A_2598 = arith.constant 0 : index
      %get3A_2599 = vector.load %arg2[%get3A_2597, %get3A_2598] : memref<64x9xf32, #tpu.memory_space<vmem>>, vector<1x1xf32>
      %get3A_2600 = vector.extract %get3A_2599[0, 0] : f32 from vector<1x1xf32>
      %convert_element_type3A_2601 = arith.truncf %get3A_2600 : f32 to bf16
      %mul3A_2602 = vector.broadcast %convert_element_type3A_2601 : bf16 to vector<136x128xbf16>
      %mul3A_2603 = arith.mulf %convert_element_type3A_106, %mul3A_2602 : vector<136x128xbf16>
      %get3A_2604 = arith.constant 33 : index
      %get3A_2605 = arith.constant 1 : index
      %get3A_2606 = vector.load %arg2[%get3A_2604, %get3A_2605] : memref<64x9xf32, #tpu.memory_space<vmem>>, vector<1x1xf32>
      %get3A_2607 = vector.extract %get3A_2606[0, 0] : f32 from vector<1x1xf32>
      %convert_element_type3A_2608 = arith.truncf %get3A_2607 : f32 to bf16
      %mul3A_2609 = vector.broadcast %convert_element_type3A_2608 : bf16 to vector<136x128xbf16>
      %mul3A_2610 = arith.mulf %convert_element_type3A_112, %mul3A_2609 : vector<136x128xbf16>
      %add3A_2611 = arith.addf %mul3A_2603, %mul3A_2610 : vector<136x128xbf16>
      %get3A_2612 = arith.constant 33 : index
      %get3A_2613 = arith.constant 2 : index
      %get3A_2614 = vector.load %arg2[%get3A_2612, %get3A_2613] : memref<64x9xf32, #tpu.memory_space<vmem>>, vector<1x1xf32>
      %get3A_2615 = vector.extract %get3A_2614[0, 0] : f32 from vector<1x1xf32>
      %convert_element_type3A_2616 = arith.truncf %get3A_2615 : f32 to bf16
      %mul3A_2617 = vector.broadcast %convert_element_type3A_2616 : bf16 to vector<136x128xbf16>
      %mul3A_2618 = arith.mulf %convert_element_type3A_118, %mul3A_2617 : vector<136x128xbf16>
      %add3A_2619 = arith.addf %add3A_2611, %mul3A_2618 : vector<136x128xbf16>
      %get3A_2620 = arith.constant 33 : index
      %get3A_2621 = arith.constant 3 : index
      %get3A_2622 = vector.load %arg2[%get3A_2620, %get3A_2621] : memref<64x9xf32, #tpu.memory_space<vmem>>, vector<1x1xf32>
      %get3A_2623 = vector.extract %get3A_2622[0, 0] : f32 from vector<1x1xf32>
      %convert_element_type3A_2624 = arith.truncf %get3A_2623 : f32 to bf16
      %mul3A_2625 = vector.broadcast %convert_element_type3A_2624 : bf16 to vector<136x128xbf16>
      %mul3A_2626 = arith.mulf %convert_element_type3A_124, %mul3A_2625 : vector<136x128xbf16>
      %add3A_2627 = arith.addf %add3A_2619, %mul3A_2626 : vector<136x128xbf16>
      %get3A_2628 = arith.constant 33 : index
      %get3A_2629 = arith.constant 4 : index
      %get3A_2630 = vector.load %arg2[%get3A_2628, %get3A_2629] : memref<64x9xf32, #tpu.memory_space<vmem>>, vector<1x1xf32>
      %get3A_2631 = vector.extract %get3A_2630[0, 0] : f32 from vector<1x1xf32>
      %convert_element_type3A_2632 = arith.truncf %get3A_2631 : f32 to bf16
      %mul3A_2633 = vector.broadcast %convert_element_type3A_2632 : bf16 to vector<136x128xbf16>
      %mul3A_2634 = arith.mulf %convert_element_type3A_130, %mul3A_2633 : vector<136x128xbf16>
      %add3A_2635 = arith.addf %add3A_2627, %mul3A_2634 : vector<136x128xbf16>
      %get3A_2636 = arith.constant 33 : index
      %get3A_2637 = arith.constant 5 : index
      %get3A_2638 = vector.load %arg2[%get3A_2636, %get3A_2637] : memref<64x9xf32, #tpu.memory_space<vmem>>, vector<1x1xf32>
      %get3A_2639 = vector.extract %get3A_2638[0, 0] : f32 from vector<1x1xf32>
      %convert_element_type3A_2640 = arith.truncf %get3A_2639 : f32 to bf16
      %mul3A_2641 = vector.broadcast %convert_element_type3A_2640 : bf16 to vector<136x128xbf16>
      %mul3A_2642 = arith.mulf %convert_element_type3A_136, %mul3A_2641 : vector<136x128xbf16>
      %add3A_2643 = arith.addf %add3A_2635, %mul3A_2642 : vector<136x128xbf16>
      %get3A_2644 = arith.constant 33 : index
      %get3A_2645 = arith.constant 6 : index
      %get3A_2646 = vector.load %arg2[%get3A_2644, %get3A_2645] : memref<64x9xf32, #tpu.memory_space<vmem>>, vector<1x1xf32>
      %get3A_2647 = vector.extract %get3A_2646[0, 0] : f32 from vector<1x1xf32>
      %convert_element_type3A_2648 = arith.truncf %get3A_2647 : f32 to bf16
      %mul3A_2649 = vector.broadcast %convert_element_type3A_2648 : bf16 to vector<136x128xbf16>
      %mul3A_2650 = arith.mulf %convert_element_type3A_142, %mul3A_2649 : vector<136x128xbf16>
      %add3A_2651 = arith.addf %add3A_2643, %mul3A_2650 : vector<136x128xbf16>
      %get3A_2652 = arith.constant 33 : index
      %get3A_2653 = arith.constant 7 : index
      %get3A_2654 = vector.load %arg2[%get3A_2652, %get3A_2653] : memref<64x9xf32, #tpu.memory_space<vmem>>, vector<1x1xf32>
      %get3A_2655 = vector.extract %get3A_2654[0, 0] : f32 from vector<1x1xf32>
      %convert_element_type3A_2656 = arith.truncf %get3A_2655 : f32 to bf16
      %mul3A_2657 = vector.broadcast %convert_element_type3A_2656 : bf16 to vector<136x128xbf16>
      %mul3A_2658 = arith.mulf %convert_element_type3A_148, %mul3A_2657 : vector<136x128xbf16>
      %add3A_2659 = arith.addf %add3A_2651, %mul3A_2658 : vector<136x128xbf16>
      %get3A_2660 = arith.constant 33 : index
      %get3A_2661 = arith.constant 8 : index
      %get3A_2662 = vector.load %arg2[%get3A_2660, %get3A_2661] : memref<64x9xf32, #tpu.memory_space<vmem>>, vector<1x1xf32>
      %get3A_2663 = vector.extract %get3A_2662[0, 0] : f32 from vector<1x1xf32>
      %convert_element_type3A_2664 = arith.truncf %get3A_2663 : f32 to bf16
      %mul3A_2665 = vector.broadcast %convert_element_type3A_2664 : bf16 to vector<136x128xbf16>
      %mul3A_2666 = arith.mulf %convert_element_type3A_154, %mul3A_2665 : vector<136x128xbf16>
      %add3A_2667 = arith.addf %add3A_2659, %mul3A_2666 : vector<136x128xbf16>
      %swap3A_2668 = arith.constant 0 : index
      %swap3A_2669 = arith.constant 4224 : index
      %swap3A_2670 = vector.load %arg7[%swap3A_2668, %swap3A_2669] : memref<137x8192xbf16, #tpu.memory_space<vmem>>, vector<136x128xbf16>
      tpu.vector_store %arg7[%swap3A_2668, %swap3A_2669], %add3A_2667 {strides = array<i32>} : memref<137x8192xbf16, #tpu.memory_space<vmem>>, vector<136x128xbf16>,
      %get3A_2671 = arith.constant 34 : index
      %get3A_2672 = arith.constant 0 : index
      %get3A_2673 = vector.load %arg2[%get3A_2671, %get3A_2672] : memref<64x9xf32, #tpu.memory_space<vmem>>, vector<1x1xf32>
      %get3A_2674 = vector.extract %get3A_2673[0, 0] : f32 from vector<1x1xf32>
      %convert_element_type3A_2675 = arith.truncf %get3A_2674 : f32 to bf16
      %mul3A_2676 = vector.broadcast %convert_element_type3A_2675 : bf16 to vector<136x128xbf16>
      %mul3A_2677 = arith.mulf %convert_element_type3A_106, %mul3A_2676 : vector<136x128xbf16>
      %get3A_2678 = arith.constant 34 : index
      %get3A_2679 = arith.constant 1 : index
      %get3A_2680 = vector.load %arg2[%get3A_2678, %get3A_2679] : memref<64x9xf32, #tpu.memory_space<vmem>>, vector<1x1xf32>
      %get3A_2681 = vector.extract %get3A_2680[0, 0] : f32 from vector<1x1xf32>
      %convert_element_type3A_2682 = arith.truncf %get3A_2681 : f32 to bf16
      %mul3A_2683 = vector.broadcast %convert_element_type3A_2682 : bf16 to vector<136x128xbf16>
      %mul3A_2684 = arith.mulf %convert_element_type3A_112, %mul3A_2683 : vector<136x128xbf16>
      %add3A_2685 = arith.addf %mul3A_2677, %mul3A_2684 : vector<136x128xbf16>
      %get3A_2686 = arith.constant 34 : index
      %get3A_2687 = arith.constant 2 : index
      %get3A_2688 = vector.load %arg2[%get3A_2686, %get3A_2687] : memref<64x9xf32, #tpu.memory_space<vmem>>, vector<1x1xf32>
      %get3A_2689 = vector.extract %get3A_2688[0, 0] : f32 from vector<1x1xf32>
      %convert_element_type3A_2690 = arith.truncf %get3A_2689 : f32 to bf16
      %mul3A_2691 = vector.broadcast %convert_element_type3A_2690 : bf16 to vector<136x128xbf16>
      %mul3A_2692 = arith.mulf %convert_element_type3A_118, %mul3A_2691 : vector<136x128xbf16>
      %add3A_2693 = arith.addf %add3A_2685, %mul3A_2692 : vector<136x128xbf16>
      %get3A_2694 = arith.constant 34 : index
      %get3A_2695 = arith.constant 3 : index
      %get3A_2696 = vector.load %arg2[%get3A_2694, %get3A_2695] : memref<64x9xf32, #tpu.memory_space<vmem>>, vector<1x1xf32>
      %get3A_2697 = vector.extract %get3A_2696[0, 0] : f32 from vector<1x1xf32>
      %convert_element_type3A_2698 = arith.truncf %get3A_2697 : f32 to bf16
      %mul3A_2699 = vector.broadcast %convert_element_type3A_2698 : bf16 to vector<136x128xbf16>
      %mul3A_2700 = arith.mulf %convert_element_type3A_124, %mul3A_2699 : vector<136x128xbf16>
      %add3A_2701 = arith.addf %add3A_2693, %mul3A_2700 : vector<136x128xbf16>
      %get3A_2702 = arith.constant 34 : index
      %get3A_2703 = arith.constant 4 : index
      %get3A_2704 = vector.load %arg2[%get3A_2702, %get3A_2703] : memref<64x9xf32, #tpu.memory_space<vmem>>, vector<1x1xf32>
      %get3A_2705 = vector.extract %get3A_2704[0, 0] : f32 from vector<1x1xf32>
      %convert_element_type3A_2706 = arith.truncf %get3A_2705 : f32 to bf16
      %mul3A_2707 = vector.broadcast %convert_element_type3A_2706 : bf16 to vector<136x128xbf16>
      %mul3A_2708 = arith.mulf %convert_element_type3A_130, %mul3A_2707 : vector<136x128xbf16>
      %add3A_2709 = arith.addf %add3A_2701, %mul3A_2708 : vector<136x128xbf16>
      %get3A_2710 = arith.constant 34 : index
      %get3A_2711 = arith.constant 5 : index
      %get3A_2712 = vector.load %arg2[%get3A_2710, %get3A_2711] : memref<64x9xf32, #tpu.memory_space<vmem>>, vector<1x1xf32>
      %get3A_2713 = vector.extract %get3A_2712[0, 0] : f32 from vector<1x1xf32>
      %convert_element_type3A_2714 = arith.truncf %get3A_2713 : f32 to bf16
      %mul3A_2715 = vector.broadcast %convert_element_type3A_2714 : bf16 to vector<136x128xbf16>
      %mul3A_2716 = arith.mulf %convert_element_type3A_136, %mul3A_2715 : vector<136x128xbf16>
      %add3A_2717 = arith.addf %add3A_2709, %mul3A_2716 : vector<136x128xbf16>
      %get3A_2718 = arith.constant 34 : index
      %get3A_2719 = arith.constant 6 : index
      %get3A_2720 = vector.load %arg2[%get3A_2718, %get3A_2719] : memref<64x9xf32, #tpu.memory_space<vmem>>, vector<1x1xf32>
      %get3A_2721 = vector.extract %get3A_2720[0, 0] : f32 from vector<1x1xf32>
      %convert_element_type3A_2722 = arith.truncf %get3A_2721 : f32 to bf16
      %mul3A_2723 = vector.broadcast %convert_element_type3A_2722 : bf16 to vector<136x128xbf16>
      %mul3A_2724 = arith.mulf %convert_element_type3A_142, %mul3A_2723 : vector<136x128xbf16>
      %add3A_2725 = arith.addf %add3A_2717, %mul3A_2724 : vector<136x128xbf16>
      %get3A_2726 = arith.constant 34 : index
      %get3A_2727 = arith.constant 7 : index
      %get3A_2728 = vector.load %arg2[%get3A_2726, %get3A_2727] : memref<64x9xf32, #tpu.memory_space<vmem>>, vector<1x1xf32>
      %get3A_2729 = vector.extract %get3A_2728[0, 0] : f32 from vector<1x1xf32>
      %convert_element_type3A_2730 = arith.truncf %get3A_2729 : f32 to bf16
      %mul3A_2731 = vector.broadcast %convert_element_type3A_2730 : bf16 to vector<136x128xbf16>
      %mul3A_2732 = arith.mulf %convert_element_type3A_148, %mul3A_2731 : vector<136x128xbf16>
      %add3A_2733 = arith.addf %add3A_2725, %mul3A_2732 : vector<136x128xbf16>
      %get3A_2734 = arith.constant 34 : index
      %get3A_2735 = arith.constant 8 : index
      %get3A_2736 = vector.load %arg2[%get3A_2734, %get3A_2735] : memref<64x9xf32, #tpu.memory_space<vmem>>, vector<1x1xf32>
      %get3A_2737 = vector.extract %get3A_2736[0, 0] : f32 from vector<1x1xf32>
      %convert_element_type3A_2738 = arith.truncf %get3A_2737 : f32 to bf16
      %mul3A_2739 = vector.broadcast %convert_element_type3A_2738 : bf16 to vector<136x128xbf16>
      %mul3A_2740 = arith.mulf %convert_element_type3A_154, %mul3A_2739 : vector<136x128xbf16>
      %add3A_2741 = arith.addf %add3A_2733, %mul3A_2740 : vector<136x128xbf16>
      %swap3A_2742 = arith.constant 0 : index
      %swap3A_2743 = arith.constant 4352 : index
      %swap3A_2744 = vector.load %arg7[%swap3A_2742, %swap3A_2743] : memref<137x8192xbf16, #tpu.memory_space<vmem>>, vector<136x128xbf16>
      tpu.vector_store %arg7[%swap3A_2742, %swap3A_2743], %add3A_2741 {strides = array<i32>} : memref<137x8192xbf16, #tpu.memory_space<vmem>>, vector<136x128xbf16>,
      %get3A_2745 = arith.constant 35 : index
      %get3A_2746 = arith.constant 0 : index
      %get3A_2747 = vector.load %arg2[%get3A_2745, %get3A_2746] : memref<64x9xf32, #tpu.memory_space<vmem>>, vector<1x1xf32>
      %get3A_2748 = vector.extract %get3A_2747[0, 0] : f32 from vector<1x1xf32>
      %convert_element_type3A_2749 = arith.truncf %get3A_2748 : f32 to bf16
      %mul3A_2750 = vector.broadcast %convert_element_type3A_2749 : bf16 to vector<136x128xbf16>
      %mul3A_2751 = arith.mulf %convert_element_type3A_106, %mul3A_2750 : vector<136x128xbf16>
      %get3A_2752 = arith.constant 35 : index
      %get3A_2753 = arith.constant 1 : index
      %get3A_2754 = vector.load %arg2[%get3A_2752, %get3A_2753] : memref<64x9xf32, #tpu.memory_space<vmem>>, vector<1x1xf32>
      %get3A_2755 = vector.extract %get3A_2754[0, 0] : f32 from vector<1x1xf32>
      %convert_element_type3A_2756 = arith.truncf %get3A_2755 : f32 to bf16
      %mul3A_2757 = vector.broadcast %convert_element_type3A_2756 : bf16 to vector<136x128xbf16>
      %mul3A_2758 = arith.mulf %convert_element_type3A_112, %mul3A_2757 : vector<136x128xbf16>
      %add3A_2759 = arith.addf %mul3A_2751, %mul3A_2758 : vector<136x128xbf16>
      %get3A_2760 = arith.constant 35 : index
      %get3A_2761 = arith.constant 2 : index
      %get3A_2762 = vector.load %arg2[%get3A_2760, %get3A_2761] : memref<64x9xf32, #tpu.memory_space<vmem>>, vector<1x1xf32>
      %get3A_2763 = vector.extract %get3A_2762[0, 0] : f32 from vector<1x1xf32>
      %convert_element_type3A_2764 = arith.truncf %get3A_2763 : f32 to bf16
      %mul3A_2765 = vector.broadcast %convert_element_type3A_2764 : bf16 to vector<136x128xbf16>
      %mul3A_2766 = arith.mulf %convert_element_type3A_118, %mul3A_2765 : vector<136x128xbf16>
      %add3A_2767 = arith.addf %add3A_2759, %mul3A_2766 : vector<136x128xbf16>
      %get3A_2768 = arith.constant 35 : index
      %get3A_2769 = arith.constant 3 : index
      %get3A_2770 = vector.load %arg2[%get3A_2768, %get3A_2769] : memref<64x9xf32, #tpu.memory_space<vmem>>, vector<1x1xf32>
      %get3A_2771 = vector.extract %get3A_2770[0, 0] : f32 from vector<1x1xf32>
      %convert_element_type3A_2772 = arith.truncf %get3A_2771 : f32 to bf16
      %mul3A_2773 = vector.broadcast %convert_element_type3A_2772 : bf16 to vector<136x128xbf16>
      %mul3A_2774 = arith.mulf %convert_element_type3A_124, %mul3A_2773 : vector<136x128xbf16>
      %add3A_2775 = arith.addf %add3A_2767, %mul3A_2774 : vector<136x128xbf16>
      %get3A_2776 = arith.constant 35 : index
      %get3A_2777 = arith.constant 4 : index
      %get3A_2778 = vector.load %arg2[%get3A_2776, %get3A_2777] : memref<64x9xf32, #tpu.memory_space<vmem>>, vector<1x1xf32>
      %get3A_2779 = vector.extract %get3A_2778[0, 0] : f32 from vector<1x1xf32>
      %convert_element_type3A_2780 = arith.truncf %get3A_2779 : f32 to bf16
      %mul3A_2781 = vector.broadcast %convert_element_type3A_2780 : bf16 to vector<136x128xbf16>
      %mul3A_2782 = arith.mulf %convert_element_type3A_130, %mul3A_2781 : vector<136x128xbf16>
      %add3A_2783 = arith.addf %add3A_2775, %mul3A_2782 : vector<136x128xbf16>
      %get3A_2784 = arith.constant 35 : index
      %get3A_2785 = arith.constant 5 : index
      %get3A_2786 = vector.load %arg2[%get3A_2784, %get3A_2785] : memref<64x9xf32, #tpu.memory_space<vmem>>, vector<1x1xf32>
      %get3A_2787 = vector.extract %get3A_2786[0, 0] : f32 from vector<1x1xf32>
      %convert_element_type3A_2788 = arith.truncf %get3A_2787 : f32 to bf16
      %mul3A_2789 = vector.broadcast %convert_element_type3A_2788 : bf16 to vector<136x128xbf16>
      %mul3A_2790 = arith.mulf %convert_element_type3A_136, %mul3A_2789 : vector<136x128xbf16>
      %add3A_2791 = arith.addf %add3A_2783, %mul3A_2790 : vector<136x128xbf16>
      %get3A_2792 = arith.constant 35 : index
      %get3A_2793 = arith.constant 6 : index
      %get3A_2794 = vector.load %arg2[%get3A_2792, %get3A_2793] : memref<64x9xf32, #tpu.memory_space<vmem>>, vector<1x1xf32>
      %get3A_2795 = vector.extract %get3A_2794[0, 0] : f32 from vector<1x1xf32>
      %convert_element_type3A_2796 = arith.truncf %get3A_2795 : f32 to bf16
      %mul3A_2797 = vector.broadcast %convert_element_type3A_2796 : bf16 to vector<136x128xbf16>
      %mul3A_2798 = arith.mulf %convert_element_type3A_142, %mul3A_2797 : vector<136x128xbf16>
      %add3A_2799 = arith.addf %add3A_2791, %mul3A_2798 : vector<136x128xbf16>
      %get3A_2800 = arith.constant 35 : index
      %get3A_2801 = arith.constant 7 : index
      %get3A_2802 = vector.load %arg2[%get3A_2800, %get3A_2801] : memref<64x9xf32, #tpu.memory_space<vmem>>, vector<1x1xf32>
      %get3A_2803 = vector.extract %get3A_2802[0, 0] : f32 from vector<1x1xf32>
      %convert_element_type3A_2804 = arith.truncf %get3A_2803 : f32 to bf16
      %mul3A_2805 = vector.broadcast %convert_element_type3A_2804 : bf16 to vector<136x128xbf16>
      %mul3A_2806 = arith.mulf %convert_element_type3A_148, %mul3A_2805 : vector<136x128xbf16>
      %add3A_2807 = arith.addf %add3A_2799, %mul3A_2806 : vector<136x128xbf16>
      %get3A_2808 = arith.constant 35 : index
      %get3A_2809 = arith.constant 8 : index
      %get3A_2810 = vector.load %arg2[%get3A_2808, %get3A_2809] : memref<64x9xf32, #tpu.memory_space<vmem>>, vector<1x1xf32>
      %get3A_2811 = vector.extract %get3A_2810[0, 0] : f32 from vector<1x1xf32>
      %convert_element_type3A_2812 = arith.truncf %get3A_2811 : f32 to bf16
      %mul3A_2813 = vector.broadcast %convert_element_type3A_2812 : bf16 to vector<136x128xbf16>
      %mul3A_2814 = arith.mulf %convert_element_type3A_154, %mul3A_2813 : vector<136x128xbf16>
      %add3A_2815 = arith.addf %add3A_2807, %mul3A_2814 : vector<136x128xbf16>
      %swap3A_2816 = arith.constant 0 : index
      %swap3A_2817 = arith.constant 4480 : index
      %swap3A_2818 = vector.load %arg7[%swap3A_2816, %swap3A_2817] : memref<137x8192xbf16, #tpu.memory_space<vmem>>, vector<136x128xbf16>
      tpu.vector_store %arg7[%swap3A_2816, %swap3A_2817], %add3A_2815 {strides = array<i32>} : memref<137x8192xbf16, #tpu.memory_space<vmem>>, vector<136x128xbf16>,
      %get3A_2819 = arith.constant 36 : index
      %get3A_2820 = arith.constant 0 : index
      %get3A_2821 = vector.load %arg2[%get3A_2819, %get3A_2820] : memref<64x9xf32, #tpu.memory_space<vmem>>, vector<1x1xf32>
      %get3A_2822 = vector.extract %get3A_2821[0, 0] : f32 from vector<1x1xf32>
      %convert_element_type3A_2823 = arith.truncf %get3A_2822 : f32 to bf16
      %mul3A_2824 = vector.broadcast %convert_element_type3A_2823 : bf16 to vector<136x128xbf16>
      %mul3A_2825 = arith.mulf %convert_element_type3A_106, %mul3A_2824 : vector<136x128xbf16>
      %get3A_2826 = arith.constant 36 : index
      %get3A_2827 = arith.constant 1 : index
      %get3A_2828 = vector.load %arg2[%get3A_2826, %get3A_2827] : memref<64x9xf32, #tpu.memory_space<vmem>>, vector<1x1xf32>
      %get3A_2829 = vector.extract %get3A_2828[0, 0] : f32 from vector<1x1xf32>
      %convert_element_type3A_2830 = arith.truncf %get3A_2829 : f32 to bf16
      %mul3A_2831 = vector.broadcast %convert_element_type3A_2830 : bf16 to vector<136x128xbf16>
      %mul3A_2832 = arith.mulf %convert_element_type3A_112, %mul3A_2831 : vector<136x128xbf16>
      %add3A_2833 = arith.addf %mul3A_2825, %mul3A_2832 : vector<136x128xbf16>
      %get3A_2834 = arith.constant 36 : index
      %get3A_2835 = arith.constant 2 : index
      %get3A_2836 = vector.load %arg2[%get3A_2834, %get3A_2835] : memref<64x9xf32, #tpu.memory_space<vmem>>, vector<1x1xf32>
      %get3A_2837 = vector.extract %get3A_2836[0, 0] : f32 from vector<1x1xf32>
      %convert_element_type3A_2838 = arith.truncf %get3A_2837 : f32 to bf16
      %mul3A_2839 = vector.broadcast %convert_element_type3A_2838 : bf16 to vector<136x128xbf16>
      %mul3A_2840 = arith.mulf %convert_element_type3A_118, %mul3A_2839 : vector<136x128xbf16>
      %add3A_2841 = arith.addf %add3A_2833, %mul3A_2840 : vector<136x128xbf16>
      %get3A_2842 = arith.constant 36 : index
      %get3A_2843 = arith.constant 3 : index
      %get3A_2844 = vector.load %arg2[%get3A_2842, %get3A_2843] : memref<64x9xf32, #tpu.memory_space<vmem>>, vector<1x1xf32>
      %get3A_2845 = vector.extract %get3A_2844[0, 0] : f32 from vector<1x1xf32>
      %convert_element_type3A_2846 = arith.truncf %get3A_2845 : f32 to bf16
      %mul3A_2847 = vector.broadcast %convert_element_type3A_2846 : bf16 to vector<136x128xbf16>
      %mul3A_2848 = arith.mulf %convert_element_type3A_124, %mul3A_2847 : vector<136x128xbf16>
      %add3A_2849 = arith.addf %add3A_2841, %mul3A_2848 : vector<136x128xbf16>
      %get3A_2850 = arith.constant 36 : index
      %get3A_2851 = arith.constant 4 : index
      %get3A_2852 = vector.load %arg2[%get3A_2850, %get3A_2851] : memref<64x9xf32, #tpu.memory_space<vmem>>, vector<1x1xf32>
      %get3A_2853 = vector.extract %get3A_2852[0, 0] : f32 from vector<1x1xf32>
      %convert_element_type3A_2854 = arith.truncf %get3A_2853 : f32 to bf16
      %mul3A_2855 = vector.broadcast %convert_element_type3A_2854 : bf16 to vector<136x128xbf16>
      %mul3A_2856 = arith.mulf %convert_element_type3A_130, %mul3A_2855 : vector<136x128xbf16>
      %add3A_2857 = arith.addf %add3A_2849, %mul3A_2856 : vector<136x128xbf16>
      %get3A_2858 = arith.constant 36 : index
      %get3A_2859 = arith.constant 5 : index
      %get3A_2860 = vector.load %arg2[%get3A_2858, %get3A_2859] : memref<64x9xf32, #tpu.memory_space<vmem>>, vector<1x1xf32>
      %get3A_2861 = vector.extract %get3A_2860[0, 0] : f32 from vector<1x1xf32>
      %convert_element_type3A_2862 = arith.truncf %get3A_2861 : f32 to bf16
      %mul3A_2863 = vector.broadcast %convert_element_type3A_2862 : bf16 to vector<136x128xbf16>
      %mul3A_2864 = arith.mulf %convert_element_type3A_136, %mul3A_2863 : vector<136x128xbf16>
      %add3A_2865 = arith.addf %add3A_2857, %mul3A_2864 : vector<136x128xbf16>
      %get3A_2866 = arith.constant 36 : index
      %get3A_2867 = arith.constant 6 : index
      %get3A_2868 = vector.load %arg2[%get3A_2866, %get3A_2867] : memref<64x9xf32, #tpu.memory_space<vmem>>, vector<1x1xf32>
      %get3A_2869 = vector.extract %get3A_2868[0, 0] : f32 from vector<1x1xf32>
      %convert_element_type3A_2870 = arith.truncf %get3A_2869 : f32 to bf16
      %mul3A_2871 = vector.broadcast %convert_element_type3A_2870 : bf16 to vector<136x128xbf16>
      %mul3A_2872 = arith.mulf %convert_element_type3A_142, %mul3A_2871 : vector<136x128xbf16>
      %add3A_2873 = arith.addf %add3A_2865, %mul3A_2872 : vector<136x128xbf16>
      %get3A_2874 = arith.constant 36 : index
      %get3A_2875 = arith.constant 7 : index
      %get3A_2876 = vector.load %arg2[%get3A_2874, %get3A_2875] : memref<64x9xf32, #tpu.memory_space<vmem>>, vector<1x1xf32>
      %get3A_2877 = vector.extract %get3A_2876[0, 0] : f32 from vector<1x1xf32>
      %convert_element_type3A_2878 = arith.truncf %get3A_2877 : f32 to bf16
      %mul3A_2879 = vector.broadcast %convert_element_type3A_2878 : bf16 to vector<136x128xbf16>
      %mul3A_2880 = arith.mulf %convert_element_type3A_148, %mul3A_2879 : vector<136x128xbf16>
      %add3A_2881 = arith.addf %add3A_2873, %mul3A_2880 : vector<136x128xbf16>
      %get3A_2882 = arith.constant 36 : index
      %get3A_2883 = arith.constant 8 : index
      %get3A_2884 = vector.load %arg2[%get3A_2882, %get3A_2883] : memref<64x9xf32, #tpu.memory_space<vmem>>, vector<1x1xf32>
      %get3A_2885 = vector.extract %get3A_2884[0, 0] : f32 from vector<1x1xf32>
      %convert_element_type3A_2886 = arith.truncf %get3A_2885 : f32 to bf16
      %mul3A_2887 = vector.broadcast %convert_element_type3A_2886 : bf16 to vector<136x128xbf16>
      %mul3A_2888 = arith.mulf %convert_element_type3A_154, %mul3A_2887 : vector<136x128xbf16>
      %add3A_2889 = arith.addf %add3A_2881, %mul3A_2888 : vector<136x128xbf16>
      %swap3A_2890 = arith.constant 0 : index
      %swap3A_2891 = arith.constant 4608 : index
      %swap3A_2892 = vector.load %arg7[%swap3A_2890, %swap3A_2891] : memref<137x8192xbf16, #tpu.memory_space<vmem>>, vector<136x128xbf16>
      tpu.vector_store %arg7[%swap3A_2890, %swap3A_2891], %add3A_2889 {strides = array<i32>} : memref<137x8192xbf16, #tpu.memory_space<vmem>>, vector<136x128xbf16>,
      %get3A_2893 = arith.constant 37 : index
      %get3A_2894 = arith.constant 0 : index
      %get3A_2895 = vector.load %arg2[%get3A_2893, %get3A_2894] : memref<64x9xf32, #tpu.memory_space<vmem>>, vector<1x1xf32>
      %get3A_2896 = vector.extract %get3A_2895[0, 0] : f32 from vector<1x1xf32>
      %convert_element_type3A_2897 = arith.truncf %get3A_2896 : f32 to bf16
      %mul3A_2898 = vector.broadcast %convert_element_type3A_2897 : bf16 to vector<136x128xbf16>
      %mul3A_2899 = arith.mulf %convert_element_type3A_106, %mul3A_2898 : vector<136x128xbf16>
      %get3A_2900 = arith.constant 37 : index
      %get3A_2901 = arith.constant 1 : index
      %get3A_2902 = vector.load %arg2[%get3A_2900, %get3A_2901] : memref<64x9xf32, #tpu.memory_space<vmem>>, vector<1x1xf32>
      %get3A_2903 = vector.extract %get3A_2902[0, 0] : f32 from vector<1x1xf32>
      %convert_element_type3A_2904 = arith.truncf %get3A_2903 : f32 to bf16
      %mul3A_2905 = vector.broadcast %convert_element_type3A_2904 : bf16 to vector<136x128xbf16>
      %mul3A_2906 = arith.mulf %convert_element_type3A_112, %mul3A_2905 : vector<136x128xbf16>
      %add3A_2907 = arith.addf %mul3A_2899, %mul3A_2906 : vector<136x128xbf16>
      %get3A_2908 = arith.constant 37 : index
      %get3A_2909 = arith.constant 2 : index
      %get3A_2910 = vector.load %arg2[%get3A_2908, %get3A_2909] : memref<64x9xf32, #tpu.memory_space<vmem>>, vector<1x1xf32>
      %get3A_2911 = vector.extract %get3A_2910[0, 0] : f32 from vector<1x1xf32>
      %convert_element_type3A_2912 = arith.truncf %get3A_2911 : f32 to bf16
      %mul3A_2913 = vector.broadcast %convert_element_type3A_2912 : bf16 to vector<136x128xbf16>
      %mul3A_2914 = arith.mulf %convert_element_type3A_118, %mul3A_2913 : vector<136x128xbf16>
      %add3A_2915 = arith.addf %add3A_2907, %mul3A_2914 : vector<136x128xbf16>
      %get3A_2916 = arith.constant 37 : index
      %get3A_2917 = arith.constant 3 : index
      %get3A_2918 = vector.load %arg2[%get3A_2916, %get3A_2917] : memref<64x9xf32, #tpu.memory_space<vmem>>, vector<1x1xf32>
      %get3A_2919 = vector.extract %get3A_2918[0, 0] : f32 from vector<1x1xf32>
      %convert_element_type3A_2920 = arith.truncf %get3A_2919 : f32 to bf16
      %mul3A_2921 = vector.broadcast %convert_element_type3A_2920 : bf16 to vector<136x128xbf16>
      %mul3A_2922 = arith.mulf %convert_element_type3A_124, %mul3A_2921 : vector<136x128xbf16>
      %add3A_2923 = arith.addf %add3A_2915, %mul3A_2922 : vector<136x128xbf16>
      %get3A_2924 = arith.constant 37 : index
      %get3A_2925 = arith.constant 4 : index
      %get3A_2926 = vector.load %arg2[%get3A_2924, %get3A_2925] : memref<64x9xf32, #tpu.memory_space<vmem>>, vector<1x1xf32>
      %get3A_2927 = vector.extract %get3A_2926[0, 0] : f32 from vector<1x1xf32>
      %convert_element_type3A_2928 = arith.truncf %get3A_2927 : f32 to bf16
      %mul3A_2929 = vector.broadcast %convert_element_type3A_2928 : bf16 to vector<136x128xbf16>
      %mul3A_2930 = arith.mulf %convert_element_type3A_130, %mul3A_2929 : vector<136x128xbf16>
      %add3A_2931 = arith.addf %add3A_2923, %mul3A_2930 : vector<136x128xbf16>
      %get3A_2932 = arith.constant 37 : index
      %get3A_2933 = arith.constant 5 : index
      %get3A_2934 = vector.load %arg2[%get3A_2932, %get3A_2933] : memref<64x9xf32, #tpu.memory_space<vmem>>, vector<1x1xf32>
      %get3A_2935 = vector.extract %get3A_2934[0, 0] : f32 from vector<1x1xf32>
      %convert_element_type3A_2936 = arith.truncf %get3A_2935 : f32 to bf16
      %mul3A_2937 = vector.broadcast %convert_element_type3A_2936 : bf16 to vector<136x128xbf16>
      %mul3A_2938 = arith.mulf %convert_element_type3A_136, %mul3A_2937 : vector<136x128xbf16>
      %add3A_2939 = arith.addf %add3A_2931, %mul3A_2938 : vector<136x128xbf16>
      %get3A_2940 = arith.constant 37 : index
      %get3A_2941 = arith.constant 6 : index
      %get3A_2942 = vector.load %arg2[%get3A_2940, %get3A_2941] : memref<64x9xf32, #tpu.memory_space<vmem>>, vector<1x1xf32>
      %get3A_2943 = vector.extract %get3A_2942[0, 0] : f32 from vector<1x1xf32>
      %convert_element_type3A_2944 = arith.truncf %get3A_2943 : f32 to bf16
      %mul3A_2945 = vector.broadcast %convert_element_type3A_2944 : bf16 to vector<136x128xbf16>
      %mul3A_2946 = arith.mulf %convert_element_type3A_142, %mul3A_2945 : vector<136x128xbf16>
      %add3A_2947 = arith.addf %add3A_2939, %mul3A_2946 : vector<136x128xbf16>
      %get3A_2948 = arith.constant 37 : index
      %get3A_2949 = arith.constant 7 : index
      %get3A_2950 = vector.load %arg2[%get3A_2948, %get3A_2949] : memref<64x9xf32, #tpu.memory_space<vmem>>, vector<1x1xf32>
      %get3A_2951 = vector.extract %get3A_2950[0, 0] : f32 from vector<1x1xf32>
      %convert_element_type3A_2952 = arith.truncf %get3A_2951 : f32 to bf16
      %mul3A_2953 = vector.broadcast %convert_element_type3A_2952 : bf16 to vector<136x128xbf16>
      %mul3A_2954 = arith.mulf %convert_element_type3A_148, %mul3A_2953 : vector<136x128xbf16>
      %add3A_2955 = arith.addf %add3A_2947, %mul3A_2954 : vector<136x128xbf16>
      %get3A_2956 = arith.constant 37 : index
      %get3A_2957 = arith.constant 8 : index
      %get3A_2958 = vector.load %arg2[%get3A_2956, %get3A_2957] : memref<64x9xf32, #tpu.memory_space<vmem>>, vector<1x1xf32>
      %get3A_2959 = vector.extract %get3A_2958[0, 0] : f32 from vector<1x1xf32>
      %convert_element_type3A_2960 = arith.truncf %get3A_2959 : f32 to bf16
      %mul3A_2961 = vector.broadcast %convert_element_type3A_2960 : bf16 to vector<136x128xbf16>
      %mul3A_2962 = arith.mulf %convert_element_type3A_154, %mul3A_2961 : vector<136x128xbf16>
      %add3A_2963 = arith.addf %add3A_2955, %mul3A_2962 : vector<136x128xbf16>
      %swap3A_2964 = arith.constant 0 : index
      %swap3A_2965 = arith.constant 4736 : index
      %swap3A_2966 = vector.load %arg7[%swap3A_2964, %swap3A_2965] : memref<137x8192xbf16, #tpu.memory_space<vmem>>, vector<136x128xbf16>
      tpu.vector_store %arg7[%swap3A_2964, %swap3A_2965], %add3A_2963 {strides = array<i32>} : memref<137x8192xbf16, #tpu.memory_space<vmem>>, vector<136x128xbf16>,
      %get3A_2967 = arith.constant 38 : index
      %get3A_2968 = arith.constant 0 : index
      %get3A_2969 = vector.load %arg2[%get3A_2967, %get3A_2968] : memref<64x9xf32, #tpu.memory_space<vmem>>, vector<1x1xf32>
      %get3A_2970 = vector.extract %get3A_2969[0, 0] : f32 from vector<1x1xf32>
      %convert_element_type3A_2971 = arith.truncf %get3A_2970 : f32 to bf16
      %mul3A_2972 = vector.broadcast %convert_element_type3A_2971 : bf16 to vector<136x128xbf16>
      %mul3A_2973 = arith.mulf %convert_element_type3A_106, %mul3A_2972 : vector<136x128xbf16>
      %get3A_2974 = arith.constant 38 : index
      %get3A_2975 = arith.constant 1 : index
      %get3A_2976 = vector.load %arg2[%get3A_2974, %get3A_2975] : memref<64x9xf32, #tpu.memory_space<vmem>>, vector<1x1xf32>
      %get3A_2977 = vector.extract %get3A_2976[0, 0] : f32 from vector<1x1xf32>
      %convert_element_type3A_2978 = arith.truncf %get3A_2977 : f32 to bf16
      %mul3A_2979 = vector.broadcast %convert_element_type3A_2978 : bf16 to vector<136x128xbf16>
      %mul3A_2980 = arith.mulf %convert_element_type3A_112, %mul3A_2979 : vector<136x128xbf16>
      %add3A_2981 = arith.addf %mul3A_2973, %mul3A_2980 : vector<136x128xbf16>
      %get3A_2982 = arith.constant 38 : index
      %get3A_2983 = arith.constant 2 : index
      %get3A_2984 = vector.load %arg2[%get3A_2982, %get3A_2983] : memref<64x9xf32, #tpu.memory_space<vmem>>, vector<1x1xf32>
      %get3A_2985 = vector.extract %get3A_2984[0, 0] : f32 from vector<1x1xf32>
      %convert_element_type3A_2986 = arith.truncf %get3A_2985 : f32 to bf16
      %mul3A_2987 = vector.broadcast %convert_element_type3A_2986 : bf16 to vector<136x128xbf16>
      %mul3A_2988 = arith.mulf %convert_element_type3A_118, %mul3A_2987 : vector<136x128xbf16>
      %add3A_2989 = arith.addf %add3A_2981, %mul3A_2988 : vector<136x128xbf16>
      %get3A_2990 = arith.constant 38 : index
      %get3A_2991 = arith.constant 3 : index
      %get3A_2992 = vector.load %arg2[%get3A_2990, %get3A_2991] : memref<64x9xf32, #tpu.memory_space<vmem>>, vector<1x1xf32>
      %get3A_2993 = vector.extract %get3A_2992[0, 0] : f32 from vector<1x1xf32>
      %convert_element_type3A_2994 = arith.truncf %get3A_2993 : f32 to bf16
      %mul3A_2995 = vector.broadcast %convert_element_type3A_2994 : bf16 to vector<136x128xbf16>
      %mul3A_2996 = arith.mulf %convert_element_type3A_124, %mul3A_2995 : vector<136x128xbf16>
      %add3A_2997 = arith.addf %add3A_2989, %mul3A_2996 : vector<136x128xbf16>
      %get3A_2998 = arith.constant 38 : index
      %get3A_2999 = arith.constant 4 : index
      %get3A_3000 = vector.load %arg2[%get3A_2998, %get3A_2999] : memref<64x9xf32, #tpu.memory_space<vmem>>, vector<1x1xf32>
      %get3A_3001 = vector.extract %get3A_3000[0, 0] : f32 from vector<1x1xf32>
      %convert_element_type3A_3002 = arith.truncf %get3A_3001 : f32 to bf16
      %mul3A_3003 = vector.broadcast %convert_element_type3A_3002 : bf16 to vector<136x128xbf16>
      %mul3A_3004 = arith.mulf %convert_element_type3A_130, %mul3A_3003 : vector<136x128xbf16>
      %add3A_3005 = arith.addf %add3A_2997, %mul3A_3004 : vector<136x128xbf16>
      %get3A_3006 = arith.constant 38 : index
      %get3A_3007 = arith.constant 5 : index
      %get3A_3008 = vector.load %arg2[%get3A_3006, %get3A_3007] : memref<64x9xf32, #tpu.memory_space<vmem>>, vector<1x1xf32>
      %get3A_3009 = vector.extract %get3A_3008[0, 0] : f32 from vector<1x1xf32>
      %convert_element_type3A_3010 = arith.truncf %get3A_3009 : f32 to bf16
      %mul3A_3011 = vector.broadcast %convert_element_type3A_3010 : bf16 to vector<136x128xbf16>
      %mul3A_3012 = arith.mulf %convert_element_type3A_136, %mul3A_3011 : vector<136x128xbf16>
      %add3A_3013 = arith.addf %add3A_3005, %mul3A_3012 : vector<136x128xbf16>
      %get3A_3014 = arith.constant 38 : index
      %get3A_3015 = arith.constant 6 : index
      %get3A_3016 = vector.load %arg2[%get3A_3014, %get3A_3015] : memref<64x9xf32, #tpu.memory_space<vmem>>, vector<1x1xf32>
      %get3A_3017 = vector.extract %get3A_3016[0, 0] : f32 from vector<1x1xf32>
      %convert_element_type3A_3018 = arith.truncf %get3A_3017 : f32 to bf16
      %mul3A_3019 = vector.broadcast %convert_element_type3A_3018 : bf16 to vector<136x128xbf16>
      %mul3A_3020 = arith.mulf %convert_element_type3A_142, %mul3A_3019 : vector<136x128xbf16>
      %add3A_3021 = arith.addf %add3A_3013, %mul3A_3020 : vector<136x128xbf16>
      %get3A_3022 = arith.constant 38 : index
      %get3A_3023 = arith.constant 7 : index
      %get3A_3024 = vector.load %arg2[%get3A_3022, %get3A_3023] : memref<64x9xf32, #tpu.memory_space<vmem>>, vector<1x1xf32>
      %get3A_3025 = vector.extract %get3A_3024[0, 0] : f32 from vector<1x1xf32>
      %convert_element_type3A_3026 = arith.truncf %get3A_3025 : f32 to bf16
      %mul3A_3027 = vector.broadcast %convert_element_type3A_3026 : bf16 to vector<136x128xbf16>
      %mul3A_3028 = arith.mulf %convert_element_type3A_148, %mul3A_3027 : vector<136x128xbf16>
      %add3A_3029 = arith.addf %add3A_3021, %mul3A_3028 : vector<136x128xbf16>
      %get3A_3030 = arith.constant 38 : index
      %get3A_3031 = arith.constant 8 : index
      %get3A_3032 = vector.load %arg2[%get3A_3030, %get3A_3031] : memref<64x9xf32, #tpu.memory_space<vmem>>, vector<1x1xf32>
      %get3A_3033 = vector.extract %get3A_3032[0, 0] : f32 from vector<1x1xf32>
      %convert_element_type3A_3034 = arith.truncf %get3A_3033 : f32 to bf16
      %mul3A_3035 = vector.broadcast %convert_element_type3A_3034 : bf16 to vector<136x128xbf16>
      %mul3A_3036 = arith.mulf %convert_element_type3A_154, %mul3A_3035 : vector<136x128xbf16>
      %add3A_3037 = arith.addf %add3A_3029, %mul3A_3036 : vector<136x128xbf16>
      %swap3A_3038 = arith.constant 0 : index
      %swap3A_3039 = arith.constant 4864 : index
      %swap3A_3040 = vector.load %arg7[%swap3A_3038, %swap3A_3039] : memref<137x8192xbf16, #tpu.memory_space<vmem>>, vector<136x128xbf16>
      tpu.vector_store %arg7[%swap3A_3038, %swap3A_3039], %add3A_3037 {strides = array<i32>} : memref<137x8192xbf16, #tpu.memory_space<vmem>>, vector<136x128xbf16>,
      %get3A_3041 = arith.constant 39 : index
      %get3A_3042 = arith.constant 0 : index
      %get3A_3043 = vector.load %arg2[%get3A_3041, %get3A_3042] : memref<64x9xf32, #tpu.memory_space<vmem>>, vector<1x1xf32>
      %get3A_3044 = vector.extract %get3A_3043[0, 0] : f32 from vector<1x1xf32>
      %convert_element_type3A_3045 = arith.truncf %get3A_3044 : f32 to bf16
      %mul3A_3046 = vector.broadcast %convert_element_type3A_3045 : bf16 to vector<136x128xbf16>
      %mul3A_3047 = arith.mulf %convert_element_type3A_106, %mul3A_3046 : vector<136x128xbf16>
      %get3A_3048 = arith.constant 39 : index
      %get3A_3049 = arith.constant 1 : index
      %get3A_3050 = vector.load %arg2[%get3A_3048, %get3A_3049] : memref<64x9xf32, #tpu.memory_space<vmem>>, vector<1x1xf32>
      %get3A_3051 = vector.extract %get3A_3050[0, 0] : f32 from vector<1x1xf32>
      %convert_element_type3A_3052 = arith.truncf %get3A_3051 : f32 to bf16
      %mul3A_3053 = vector.broadcast %convert_element_type3A_3052 : bf16 to vector<136x128xbf16>
      %mul3A_3054 = arith.mulf %convert_element_type3A_112, %mul3A_3053 : vector<136x128xbf16>
      %add3A_3055 = arith.addf %mul3A_3047, %mul3A_3054 : vector<136x128xbf16>
      %get3A_3056 = arith.constant 39 : index
      %get3A_3057 = arith.constant 2 : index
      %get3A_3058 = vector.load %arg2[%get3A_3056, %get3A_3057] : memref<64x9xf32, #tpu.memory_space<vmem>>, vector<1x1xf32>
      %get3A_3059 = vector.extract %get3A_3058[0, 0] : f32 from vector<1x1xf32>
      %convert_element_type3A_3060 = arith.truncf %get3A_3059 : f32 to bf16
      %mul3A_3061 = vector.broadcast %convert_element_type3A_3060 : bf16 to vector<136x128xbf16>
      %mul3A_3062 = arith.mulf %convert_element_type3A_118, %mul3A_3061 : vector<136x128xbf16>
      %add3A_3063 = arith.addf %add3A_3055, %mul3A_3062 : vector<136x128xbf16>
      %get3A_3064 = arith.constant 39 : index
      %get3A_3065 = arith.constant 3 : index
      %get3A_3066 = vector.load %arg2[%get3A_3064, %get3A_3065] : memref<64x9xf32, #tpu.memory_space<vmem>>, vector<1x1xf32>
      %get3A_3067 = vector.extract %get3A_3066[0, 0] : f32 from vector<1x1xf32>
      %convert_element_type3A_3068 = arith.truncf %get3A_3067 : f32 to bf16
      %mul3A_3069 = vector.broadcast %convert_element_type3A_3068 : bf16 to vector<136x128xbf16>
      %mul3A_3070 = arith.mulf %convert_element_type3A_124, %mul3A_3069 : vector<136x128xbf16>
      %add3A_3071 = arith.addf %add3A_3063, %mul3A_3070 : vector<136x128xbf16>
      %get3A_3072 = arith.constant 39 : index
      %get3A_3073 = arith.constant 4 : index
      %get3A_3074 = vector.load %arg2[%get3A_3072, %get3A_3073] : memref<64x9xf32, #tpu.memory_space<vmem>>, vector<1x1xf32>
      %get3A_3075 = vector.extract %get3A_3074[0, 0] : f32 from vector<1x1xf32>
      %convert_element_type3A_3076 = arith.truncf %get3A_3075 : f32 to bf16
      %mul3A_3077 = vector.broadcast %convert_element_type3A_3076 : bf16 to vector<136x128xbf16>
      %mul3A_3078 = arith.mulf %convert_element_type3A_130, %mul3A_3077 : vector<136x128xbf16>
      %add3A_3079 = arith.addf %add3A_3071, %mul3A_3078 : vector<136x128xbf16>
      %get3A_3080 = arith.constant 39 : index
      %get3A_3081 = arith.constant 5 : index
      %get3A_3082 = vector.load %arg2[%get3A_3080, %get3A_3081] : memref<64x9xf32, #tpu.memory_space<vmem>>, vector<1x1xf32>
      %get3A_3083 = vector.extract %get3A_3082[0, 0] : f32 from vector<1x1xf32>
      %convert_element_type3A_3084 = arith.truncf %get3A_3083 : f32 to bf16
      %mul3A_3085 = vector.broadcast %convert_element_type3A_3084 : bf16 to vector<136x128xbf16>
      %mul3A_3086 = arith.mulf %convert_element_type3A_136, %mul3A_3085 : vector<136x128xbf16>
      %add3A_3087 = arith.addf %add3A_3079, %mul3A_3086 : vector<136x128xbf16>
      %get3A_3088 = arith.constant 39 : index
      %get3A_3089 = arith.constant 6 : index
      %get3A_3090 = vector.load %arg2[%get3A_3088, %get3A_3089] : memref<64x9xf32, #tpu.memory_space<vmem>>, vector<1x1xf32>
      %get3A_3091 = vector.extract %get3A_3090[0, 0] : f32 from vector<1x1xf32>
      %convert_element_type3A_3092 = arith.truncf %get3A_3091 : f32 to bf16
      %mul3A_3093 = vector.broadcast %convert_element_type3A_3092 : bf16 to vector<136x128xbf16>
      %mul3A_3094 = arith.mulf %convert_element_type3A_142, %mul3A_3093 : vector<136x128xbf16>
      %add3A_3095 = arith.addf %add3A_3087, %mul3A_3094 : vector<136x128xbf16>
      %get3A_3096 = arith.constant 39 : index
      %get3A_3097 = arith.constant 7 : index
      %get3A_3098 = vector.load %arg2[%get3A_3096, %get3A_3097] : memref<64x9xf32, #tpu.memory_space<vmem>>, vector<1x1xf32>
      %get3A_3099 = vector.extract %get3A_3098[0, 0] : f32 from vector<1x1xf32>
      %convert_element_type3A_3100 = arith.truncf %get3A_3099 : f32 to bf16
      %mul3A_3101 = vector.broadcast %convert_element_type3A_3100 : bf16 to vector<136x128xbf16>
      %mul3A_3102 = arith.mulf %convert_element_type3A_148, %mul3A_3101 : vector<136x128xbf16>
      %add3A_3103 = arith.addf %add3A_3095, %mul3A_3102 : vector<136x128xbf16>
      %get3A_3104 = arith.constant 39 : index
      %get3A_3105 = arith.constant 8 : index
      %get3A_3106 = vector.load %arg2[%get3A_3104, %get3A_3105] : memref<64x9xf32, #tpu.memory_space<vmem>>, vector<1x1xf32>
      %get3A_3107 = vector.extract %get3A_3106[0, 0] : f32 from vector<1x1xf32>
      %convert_element_type3A_3108 = arith.truncf %get3A_3107 : f32 to bf16
      %mul3A_3109 = vector.broadcast %convert_element_type3A_3108 : bf16 to vector<136x128xbf16>
      %mul3A_3110 = arith.mulf %convert_element_type3A_154, %mul3A_3109 : vector<136x128xbf16>
      %add3A_3111 = arith.addf %add3A_3103, %mul3A_3110 : vector<136x128xbf16>
      %swap3A_3112 = arith.constant 0 : index
      %swap3A_3113 = arith.constant 4992 : index
      %swap3A_3114 = vector.load %arg7[%swap3A_3112, %swap3A_3113] : memref<137x8192xbf16, #tpu.memory_space<vmem>>, vector<136x128xbf16>
      tpu.vector_store %arg7[%swap3A_3112, %swap3A_3113], %add3A_3111 {strides = array<i32>} : memref<137x8192xbf16, #tpu.memory_space<vmem>>, vector<136x128xbf16>,
      %get3A_3115 = arith.constant 40 : index
      %get3A_3116 = arith.constant 0 : index
      %get3A_3117 = vector.load %arg2[%get3A_3115, %get3A_3116] : memref<64x9xf32, #tpu.memory_space<vmem>>, vector<1x1xf32>
      %get3A_3118 = vector.extract %get3A_3117[0, 0] : f32 from vector<1x1xf32>
      %convert_element_type3A_3119 = arith.truncf %get3A_3118 : f32 to bf16
      %mul3A_3120 = vector.broadcast %convert_element_type3A_3119 : bf16 to vector<136x128xbf16>
      %mul3A_3121 = arith.mulf %convert_element_type3A_106, %mul3A_3120 : vector<136x128xbf16>
      %get3A_3122 = arith.constant 40 : index
      %get3A_3123 = arith.constant 1 : index
      %get3A_3124 = vector.load %arg2[%get3A_3122, %get3A_3123] : memref<64x9xf32, #tpu.memory_space<vmem>>, vector<1x1xf32>
      %get3A_3125 = vector.extract %get3A_3124[0, 0] : f32 from vector<1x1xf32>
      %convert_element_type3A_3126 = arith.truncf %get3A_3125 : f32 to bf16
      %mul3A_3127 = vector.broadcast %convert_element_type3A_3126 : bf16 to vector<136x128xbf16>
      %mul3A_3128 = arith.mulf %convert_element_type3A_112, %mul3A_3127 : vector<136x128xbf16>
      %add3A_3129 = arith.addf %mul3A_3121, %mul3A_3128 : vector<136x128xbf16>
      %get3A_3130 = arith.constant 40 : index
      %get3A_3131 = arith.constant 2 : index
      %get3A_3132 = vector.load %arg2[%get3A_3130, %get3A_3131] : memref<64x9xf32, #tpu.memory_space<vmem>>, vector<1x1xf32>
      %get3A_3133 = vector.extract %get3A_3132[0, 0] : f32 from vector<1x1xf32>
      %convert_element_type3A_3134 = arith.truncf %get3A_3133 : f32 to bf16
      %mul3A_3135 = vector.broadcast %convert_element_type3A_3134 : bf16 to vector<136x128xbf16>
      %mul3A_3136 = arith.mulf %convert_element_type3A_118, %mul3A_3135 : vector<136x128xbf16>
      %add3A_3137 = arith.addf %add3A_3129, %mul3A_3136 : vector<136x128xbf16>
      %get3A_3138 = arith.constant 40 : index
      %get3A_3139 = arith.constant 3 : index
      %get3A_3140 = vector.load %arg2[%get3A_3138, %get3A_3139] : memref<64x9xf32, #tpu.memory_space<vmem>>, vector<1x1xf32>
      %get3A_3141 = vector.extract %get3A_3140[0, 0] : f32 from vector<1x1xf32>
      %convert_element_type3A_3142 = arith.truncf %get3A_3141 : f32 to bf16
      %mul3A_3143 = vector.broadcast %convert_element_type3A_3142 : bf16 to vector<136x128xbf16>
      %mul3A_3144 = arith.mulf %convert_element_type3A_124, %mul3A_3143 : vector<136x128xbf16>
      %add3A_3145 = arith.addf %add3A_3137, %mul3A_3144 : vector<136x128xbf16>
      %get3A_3146 = arith.constant 40 : index
      %get3A_3147 = arith.constant 4 : index
      %get3A_3148 = vector.load %arg2[%get3A_3146, %get3A_3147] : memref<64x9xf32, #tpu.memory_space<vmem>>, vector<1x1xf32>
      %get3A_3149 = vector.extract %get3A_3148[0, 0] : f32 from vector<1x1xf32>
      %convert_element_type3A_3150 = arith.truncf %get3A_3149 : f32 to bf16
      %mul3A_3151 = vector.broadcast %convert_element_type3A_3150 : bf16 to vector<136x128xbf16>
      %mul3A_3152 = arith.mulf %convert_element_type3A_130, %mul3A_3151 : vector<136x128xbf16>
      %add3A_3153 = arith.addf %add3A_3145, %mul3A_3152 : vector<136x128xbf16>
      %get3A_3154 = arith.constant 40 : index
      %get3A_3155 = arith.constant 5 : index
      %get3A_3156 = vector.load %arg2[%get3A_3154, %get3A_3155] : memref<64x9xf32, #tpu.memory_space<vmem>>, vector<1x1xf32>
      %get3A_3157 = vector.extract %get3A_3156[0, 0] : f32 from vector<1x1xf32>
      %convert_element_type3A_3158 = arith.truncf %get3A_3157 : f32 to bf16
      %mul3A_3159 = vector.broadcast %convert_element_type3A_3158 : bf16 to vector<136x128xbf16>
      %mul3A_3160 = arith.mulf %convert_element_type3A_136, %mul3A_3159 : vector<136x128xbf16>
      %add3A_3161 = arith.addf %add3A_3153, %mul3A_3160 : vector<136x128xbf16>
      %get3A_3162 = arith.constant 40 : index
      %get3A_3163 = arith.constant 6 : index
      %get3A_3164 = vector.load %arg2[%get3A_3162, %get3A_3163] : memref<64x9xf32, #tpu.memory_space<vmem>>, vector<1x1xf32>
      %get3A_3165 = vector.extract %get3A_3164[0, 0] : f32 from vector<1x1xf32>
      %convert_element_type3A_3166 = arith.truncf %get3A_3165 : f32 to bf16
      %mul3A_3167 = vector.broadcast %convert_element_type3A_3166 : bf16 to vector<136x128xbf16>
      %mul3A_3168 = arith.mulf %convert_element_type3A_142, %mul3A_3167 : vector<136x128xbf16>
      %add3A_3169 = arith.addf %add3A_3161, %mul3A_3168 : vector<136x128xbf16>
      %get3A_3170 = arith.constant 40 : index
      %get3A_3171 = arith.constant 7 : index
      %get3A_3172 = vector.load %arg2[%get3A_3170, %get3A_3171] : memref<64x9xf32, #tpu.memory_space<vmem>>, vector<1x1xf32>
      %get3A_3173 = vector.extract %get3A_3172[0, 0] : f32 from vector<1x1xf32>
      %convert_element_type3A_3174 = arith.truncf %get3A_3173 : f32 to bf16
      %mul3A_3175 = vector.broadcast %convert_element_type3A_3174 : bf16 to vector<136x128xbf16>
      %mul3A_3176 = arith.mulf %convert_element_type3A_148, %mul3A_3175 : vector<136x128xbf16>
      %add3A_3177 = arith.addf %add3A_3169, %mul3A_3176 : vector<136x128xbf16>
      %get3A_3178 = arith.constant 40 : index
      %get3A_3179 = arith.constant 8 : index
      %get3A_3180 = vector.load %arg2[%get3A_3178, %get3A_3179] : memref<64x9xf32, #tpu.memory_space<vmem>>, vector<1x1xf32>
      %get3A_3181 = vector.extract %get3A_3180[0, 0] : f32 from vector<1x1xf32>
      %convert_element_type3A_3182 = arith.truncf %get3A_3181 : f32 to bf16
      %mul3A_3183 = vector.broadcast %convert_element_type3A_3182 : bf16 to vector<136x128xbf16>
      %mul3A_3184 = arith.mulf %convert_element_type3A_154, %mul3A_3183 : vector<136x128xbf16>
      %add3A_3185 = arith.addf %add3A_3177, %mul3A_3184 : vector<136x128xbf16>
      %swap3A_3186 = arith.constant 0 : index
      %swap3A_3187 = arith.constant 5120 : index
      %swap3A_3188 = vector.load %arg7[%swap3A_3186, %swap3A_3187] : memref<137x8192xbf16, #tpu.memory_space<vmem>>, vector<136x128xbf16>
      tpu.vector_store %arg7[%swap3A_3186, %swap3A_3187], %add3A_3185 {strides = array<i32>} : memref<137x8192xbf16, #tpu.memory_space<vmem>>, vector<136x128xbf16>,
      %get3A_3189 = arith.constant 41 : index
      %get3A_3190 = arith.constant 0 : index
      %get3A_3191 = vector.load %arg2[%get3A_3189, %get3A_3190] : memref<64x9xf32, #tpu.memory_space<vmem>>, vector<1x1xf32>
      %get3A_3192 = vector.extract %get3A_3191[0, 0] : f32 from vector<1x1xf32>
      %convert_element_type3A_3193 = arith.truncf %get3A_3192 : f32 to bf16
      %mul3A_3194 = vector.broadcast %convert_element_type3A_3193 : bf16 to vector<136x128xbf16>
      %mul3A_3195 = arith.mulf %convert_element_type3A_106, %mul3A_3194 : vector<136x128xbf16>
      %get3A_3196 = arith.constant 41 : index
      %get3A_3197 = arith.constant 1 : index
      %get3A_3198 = vector.load %arg2[%get3A_3196, %get3A_3197] : memref<64x9xf32, #tpu.memory_space<vmem>>, vector<1x1xf32>
      %get3A_3199 = vector.extract %get3A_3198[0, 0] : f32 from vector<1x1xf32>
      %convert_element_type3A_3200 = arith.truncf %get3A_3199 : f32 to bf16
      %mul3A_3201 = vector.broadcast %convert_element_type3A_3200 : bf16 to vector<136x128xbf16>
      %mul3A_3202 = arith.mulf %convert_element_type3A_112, %mul3A_3201 : vector<136x128xbf16>
      %add3A_3203 = arith.addf %mul3A_3195, %mul3A_3202 : vector<136x128xbf16>
      %get3A_3204 = arith.constant 41 : index
      %get3A_3205 = arith.constant 2 : index
      %get3A_3206 = vector.load %arg2[%get3A_3204, %get3A_3205] : memref<64x9xf32, #tpu.memory_space<vmem>>, vector<1x1xf32>
      %get3A_3207 = vector.extract %get3A_3206[0, 0] : f32 from vector<1x1xf32>
      %convert_element_type3A_3208 = arith.truncf %get3A_3207 : f32 to bf16
      %mul3A_3209 = vector.broadcast %convert_element_type3A_3208 : bf16 to vector<136x128xbf16>
      %mul3A_3210 = arith.mulf %convert_element_type3A_118, %mul3A_3209 : vector<136x128xbf16>
      %add3A_3211 = arith.addf %add3A_3203, %mul3A_3210 : vector<136x128xbf16>
      %get3A_3212 = arith.constant 41 : index
      %get3A_3213 = arith.constant 3 : index
      %get3A_3214 = vector.load %arg2[%get3A_3212, %get3A_3213] : memref<64x9xf32, #tpu.memory_space<vmem>>, vector<1x1xf32>
      %get3A_3215 = vector.extract %get3A_3214[0, 0] : f32 from vector<1x1xf32>
      %convert_element_type3A_3216 = arith.truncf %get3A_3215 : f32 to bf16
      %mul3A_3217 = vector.broadcast %convert_element_type3A_3216 : bf16 to vector<136x128xbf16>
      %mul3A_3218 = arith.mulf %convert_element_type3A_124, %mul3A_3217 : vector<136x128xbf16>
      %add3A_3219 = arith.addf %add3A_3211, %mul3A_3218 : vector<136x128xbf16>
      %get3A_3220 = arith.constant 41 : index
      %get3A_3221 = arith.constant 4 : index
      %get3A_3222 = vector.load %arg2[%get3A_3220, %get3A_3221] : memref<64x9xf32, #tpu.memory_space<vmem>>, vector<1x1xf32>
      %get3A_3223 = vector.extract %get3A_3222[0, 0] : f32 from vector<1x1xf32>
      %convert_element_type3A_3224 = arith.truncf %get3A_3223 : f32 to bf16
      %mul3A_3225 = vector.broadcast %convert_element_type3A_3224 : bf16 to vector<136x128xbf16>
      %mul3A_3226 = arith.mulf %convert_element_type3A_130, %mul3A_3225 : vector<136x128xbf16>
      %add3A_3227 = arith.addf %add3A_3219, %mul3A_3226 : vector<136x128xbf16>
      %get3A_3228 = arith.constant 41 : index
      %get3A_3229 = arith.constant 5 : index
      %get3A_3230 = vector.load %arg2[%get3A_3228, %get3A_3229] : memref<64x9xf32, #tpu.memory_space<vmem>>, vector<1x1xf32>
      %get3A_3231 = vector.extract %get3A_3230[0, 0] : f32 from vector<1x1xf32>
      %convert_element_type3A_3232 = arith.truncf %get3A_3231 : f32 to bf16
      %mul3A_3233 = vector.broadcast %convert_element_type3A_3232 : bf16 to vector<136x128xbf16>
      %mul3A_3234 = arith.mulf %convert_element_type3A_136, %mul3A_3233 : vector<136x128xbf16>
      %add3A_3235 = arith.addf %add3A_3227, %mul3A_3234 : vector<136x128xbf16>
      %get3A_3236 = arith.constant 41 : index
      %get3A_3237 = arith.constant 6 : index
      %get3A_3238 = vector.load %arg2[%get3A_3236, %get3A_3237] : memref<64x9xf32, #tpu.memory_space<vmem>>, vector<1x1xf32>
      %get3A_3239 = vector.extract %get3A_3238[0, 0] : f32 from vector<1x1xf32>
      %convert_element_type3A_3240 = arith.truncf %get3A_3239 : f32 to bf16
      %mul3A_3241 = vector.broadcast %convert_element_type3A_3240 : bf16 to vector<136x128xbf16>
      %mul3A_3242 = arith.mulf %convert_element_type3A_142, %mul3A_3241 : vector<136x128xbf16>
      %add3A_3243 = arith.addf %add3A_3235, %mul3A_3242 : vector<136x128xbf16>
      %get3A_3244 = arith.constant 41 : index
      %get3A_3245 = arith.constant 7 : index
      %get3A_3246 = vector.load %arg2[%get3A_3244, %get3A_3245] : memref<64x9xf32, #tpu.memory_space<vmem>>, vector<1x1xf32>
      %get3A_3247 = vector.extract %get3A_3246[0, 0] : f32 from vector<1x1xf32>
      %convert_element_type3A_3248 = arith.truncf %get3A_3247 : f32 to bf16
      %mul3A_3249 = vector.broadcast %convert_element_type3A_3248 : bf16 to vector<136x128xbf16>
      %mul3A_3250 = arith.mulf %convert_element_type3A_148, %mul3A_3249 : vector<136x128xbf16>
      %add3A_3251 = arith.addf %add3A_3243, %mul3A_3250 : vector<136x128xbf16>
      %get3A_3252 = arith.constant 41 : index
      %get3A_3253 = arith.constant 8 : index
      %get3A_3254 = vector.load %arg2[%get3A_3252, %get3A_3253] : memref<64x9xf32, #tpu.memory_space<vmem>>, vector<1x1xf32>
      %get3A_3255 = vector.extract %get3A_3254[0, 0] : f32 from vector<1x1xf32>
      %convert_element_type3A_3256 = arith.truncf %get3A_3255 : f32 to bf16
      %mul3A_3257 = vector.broadcast %convert_element_type3A_3256 : bf16 to vector<136x128xbf16>
      %mul3A_3258 = arith.mulf %convert_element_type3A_154, %mul3A_3257 : vector<136x128xbf16>
      %add3A_3259 = arith.addf %add3A_3251, %mul3A_3258 : vector<136x128xbf16>
      %swap3A_3260 = arith.constant 0 : index
      %swap3A_3261 = arith.constant 5248 : index
      %swap3A_3262 = vector.load %arg7[%swap3A_3260, %swap3A_3261] : memref<137x8192xbf16, #tpu.memory_space<vmem>>, vector<136x128xbf16>
      tpu.vector_store %arg7[%swap3A_3260, %swap3A_3261], %add3A_3259 {strides = array<i32>} : memref<137x8192xbf16, #tpu.memory_space<vmem>>, vector<136x128xbf16>,
      %get3A_3263 = arith.constant 42 : index
      %get3A_3264 = arith.constant 0 : index
      %get3A_3265 = vector.load %arg2[%get3A_3263, %get3A_3264] : memref<64x9xf32, #tpu.memory_space<vmem>>, vector<1x1xf32>
      %get3A_3266 = vector.extract %get3A_3265[0, 0] : f32 from vector<1x1xf32>
      %convert_element_type3A_3267 = arith.truncf %get3A_3266 : f32 to bf16
      %mul3A_3268 = vector.broadcast %convert_element_type3A_3267 : bf16 to vector<136x128xbf16>
      %mul3A_3269 = arith.mulf %convert_element_type3A_106, %mul3A_3268 : vector<136x128xbf16>
      %get3A_3270 = arith.constant 42 : index
      %get3A_3271 = arith.constant 1 : index
      %get3A_3272 = vector.load %arg2[%get3A_3270, %get3A_3271] : memref<64x9xf32, #tpu.memory_space<vmem>>, vector<1x1xf32>
      %get3A_3273 = vector.extract %get3A_3272[0, 0] : f32 from vector<1x1xf32>
      %convert_element_type3A_3274 = arith.truncf %get3A_3273 : f32 to bf16
      %mul3A_3275 = vector.broadcast %convert_element_type3A_3274 : bf16 to vector<136x128xbf16>
      %mul3A_3276 = arith.mulf %convert_element_type3A_112, %mul3A_3275 : vector<136x128xbf16>
      %add3A_3277 = arith.addf %mul3A_3269, %mul3A_3276 : vector<136x128xbf16>
      %get3A_3278 = arith.constant 42 : index
      %get3A_3279 = arith.constant 2 : index
      %get3A_3280 = vector.load %arg2[%get3A_3278, %get3A_3279] : memref<64x9xf32, #tpu.memory_space<vmem>>, vector<1x1xf32>
      %get3A_3281 = vector.extract %get3A_3280[0, 0] : f32 from vector<1x1xf32>
      %convert_element_type3A_3282 = arith.truncf %get3A_3281 : f32 to bf16
      %mul3A_3283 = vector.broadcast %convert_element_type3A_3282 : bf16 to vector<136x128xbf16>
      %mul3A_3284 = arith.mulf %convert_element_type3A_118, %mul3A_3283 : vector<136x128xbf16>
      %add3A_3285 = arith.addf %add3A_3277, %mul3A_3284 : vector<136x128xbf16>
      %get3A_3286 = arith.constant 42 : index
      %get3A_3287 = arith.constant 3 : index
      %get3A_3288 = vector.load %arg2[%get3A_3286, %get3A_3287] : memref<64x9xf32, #tpu.memory_space<vmem>>, vector<1x1xf32>
      %get3A_3289 = vector.extract %get3A_3288[0, 0] : f32 from vector<1x1xf32>
      %convert_element_type3A_3290 = arith.truncf %get3A_3289 : f32 to bf16
      %mul3A_3291 = vector.broadcast %convert_element_type3A_3290 : bf16 to vector<136x128xbf16>
      %mul3A_3292 = arith.mulf %convert_element_type3A_124, %mul3A_3291 : vector<136x128xbf16>
      %add3A_3293 = arith.addf %add3A_3285, %mul3A_3292 : vector<136x128xbf16>
      %get3A_3294 = arith.constant 42 : index
      %get3A_3295 = arith.constant 4 : index
      %get3A_3296 = vector.load %arg2[%get3A_3294, %get3A_3295] : memref<64x9xf32, #tpu.memory_space<vmem>>, vector<1x1xf32>
      %get3A_3297 = vector.extract %get3A_3296[0, 0] : f32 from vector<1x1xf32>
      %convert_element_type3A_3298 = arith.truncf %get3A_3297 : f32 to bf16
      %mul3A_3299 = vector.broadcast %convert_element_type3A_3298 : bf16 to vector<136x128xbf16>
      %mul3A_3300 = arith.mulf %convert_element_type3A_130, %mul3A_3299 : vector<136x128xbf16>
      %add3A_3301 = arith.addf %add3A_3293, %mul3A_3300 : vector<136x128xbf16>
      %get3A_3302 = arith.constant 42 : index
      %get3A_3303 = arith.constant 5 : index
      %get3A_3304 = vector.load %arg2[%get3A_3302, %get3A_3303] : memref<64x9xf32, #tpu.memory_space<vmem>>, vector<1x1xf32>
      %get3A_3305 = vector.extract %get3A_3304[0, 0] : f32 from vector<1x1xf32>
      %convert_element_type3A_3306 = arith.truncf %get3A_3305 : f32 to bf16
      %mul3A_3307 = vector.broadcast %convert_element_type3A_3306 : bf16 to vector<136x128xbf16>
      %mul3A_3308 = arith.mulf %convert_element_type3A_136, %mul3A_3307 : vector<136x128xbf16>
      %add3A_3309 = arith.addf %add3A_3301, %mul3A_3308 : vector<136x128xbf16>
      %get3A_3310 = arith.constant 42 : index
      %get3A_3311 = arith.constant 6 : index
      %get3A_3312 = vector.load %arg2[%get3A_3310, %get3A_3311] : memref<64x9xf32, #tpu.memory_space<vmem>>, vector<1x1xf32>
      %get3A_3313 = vector.extract %get3A_3312[0, 0] : f32 from vector<1x1xf32>
      %convert_element_type3A_3314 = arith.truncf %get3A_3313 : f32 to bf16
      %mul3A_3315 = vector.broadcast %convert_element_type3A_3314 : bf16 to vector<136x128xbf16>
      %mul3A_3316 = arith.mulf %convert_element_type3A_142, %mul3A_3315 : vector<136x128xbf16>
      %add3A_3317 = arith.addf %add3A_3309, %mul3A_3316 : vector<136x128xbf16>
      %get3A_3318 = arith.constant 42 : index
      %get3A_3319 = arith.constant 7 : index
      %get3A_3320 = vector.load %arg2[%get3A_3318, %get3A_3319] : memref<64x9xf32, #tpu.memory_space<vmem>>, vector<1x1xf32>
      %get3A_3321 = vector.extract %get3A_3320[0, 0] : f32 from vector<1x1xf32>
      %convert_element_type3A_3322 = arith.truncf %get3A_3321 : f32 to bf16
      %mul3A_3323 = vector.broadcast %convert_element_type3A_3322 : bf16 to vector<136x128xbf16>
      %mul3A_3324 = arith.mulf %convert_element_type3A_148, %mul3A_3323 : vector<136x128xbf16>
      %add3A_3325 = arith.addf %add3A_3317, %mul3A_3324 : vector<136x128xbf16>
      %get3A_3326 = arith.constant 42 : index
      %get3A_3327 = arith.constant 8 : index
      %get3A_3328 = vector.load %arg2[%get3A_3326, %get3A_3327] : memref<64x9xf32, #tpu.memory_space<vmem>>, vector<1x1xf32>
      %get3A_3329 = vector.extract %get3A_3328[0, 0] : f32 from vector<1x1xf32>
      %convert_element_type3A_3330 = arith.truncf %get3A_3329 : f32 to bf16
      %mul3A_3331 = vector.broadcast %convert_element_type3A_3330 : bf16 to vector<136x128xbf16>
      %mul3A_3332 = arith.mulf %convert_element_type3A_154, %mul3A_3331 : vector<136x128xbf16>
      %add3A_3333 = arith.addf %add3A_3325, %mul3A_3332 : vector<136x128xbf16>
      %swap3A_3334 = arith.constant 0 : index
      %swap3A_3335 = arith.constant 5376 : index
      %swap3A_3336 = vector.load %arg7[%swap3A_3334, %swap3A_3335] : memref<137x8192xbf16, #tpu.memory_space<vmem>>, vector<136x128xbf16>
      tpu.vector_store %arg7[%swap3A_3334, %swap3A_3335], %add3A_3333 {strides = array<i32>} : memref<137x8192xbf16, #tpu.memory_space<vmem>>, vector<136x128xbf16>,
      %get3A_3337 = arith.constant 43 : index
      %get3A_3338 = arith.constant 0 : index
      %get3A_3339 = vector.load %arg2[%get3A_3337, %get3A_3338] : memref<64x9xf32, #tpu.memory_space<vmem>>, vector<1x1xf32>
      %get3A_3340 = vector.extract %get3A_3339[0, 0] : f32 from vector<1x1xf32>
      %convert_element_type3A_3341 = arith.truncf %get3A_3340 : f32 to bf16
      %mul3A_3342 = vector.broadcast %convert_element_type3A_3341 : bf16 to vector<136x128xbf16>
      %mul3A_3343 = arith.mulf %convert_element_type3A_106, %mul3A_3342 : vector<136x128xbf16>
      %get3A_3344 = arith.constant 43 : index
      %get3A_3345 = arith.constant 1 : index
      %get3A_3346 = vector.load %arg2[%get3A_3344, %get3A_3345] : memref<64x9xf32, #tpu.memory_space<vmem>>, vector<1x1xf32>
      %get3A_3347 = vector.extract %get3A_3346[0, 0] : f32 from vector<1x1xf32>
      %convert_element_type3A_3348 = arith.truncf %get3A_3347 : f32 to bf16
      %mul3A_3349 = vector.broadcast %convert_element_type3A_3348 : bf16 to vector<136x128xbf16>
      %mul3A_3350 = arith.mulf %convert_element_type3A_112, %mul3A_3349 : vector<136x128xbf16>
      %add3A_3351 = arith.addf %mul3A_3343, %mul3A_3350 : vector<136x128xbf16>
      %get3A_3352 = arith.constant 43 : index
      %get3A_3353 = arith.constant 2 : index
      %get3A_3354 = vector.load %arg2[%get3A_3352, %get3A_3353] : memref<64x9xf32, #tpu.memory_space<vmem>>, vector<1x1xf32>
      %get3A_3355 = vector.extract %get3A_3354[0, 0] : f32 from vector<1x1xf32>
      %convert_element_type3A_3356 = arith.truncf %get3A_3355 : f32 to bf16
      %mul3A_3357 = vector.broadcast %convert_element_type3A_3356 : bf16 to vector<136x128xbf16>
      %mul3A_3358 = arith.mulf %convert_element_type3A_118, %mul3A_3357 : vector<136x128xbf16>
      %add3A_3359 = arith.addf %add3A_3351, %mul3A_3358 : vector<136x128xbf16>
      %get3A_3360 = arith.constant 43 : index
      %get3A_3361 = arith.constant 3 : index
      %get3A_3362 = vector.load %arg2[%get3A_3360, %get3A_3361] : memref<64x9xf32, #tpu.memory_space<vmem>>, vector<1x1xf32>
      %get3A_3363 = vector.extract %get3A_3362[0, 0] : f32 from vector<1x1xf32>
      %convert_element_type3A_3364 = arith.truncf %get3A_3363 : f32 to bf16
      %mul3A_3365 = vector.broadcast %convert_element_type3A_3364 : bf16 to vector<136x128xbf16>
      %mul3A_3366 = arith.mulf %convert_element_type3A_124, %mul3A_3365 : vector<136x128xbf16>
      %add3A_3367 = arith.addf %add3A_3359, %mul3A_3366 : vector<136x128xbf16>
      %get3A_3368 = arith.constant 43 : index
      %get3A_3369 = arith.constant 4 : index
      %get3A_3370 = vector.load %arg2[%get3A_3368, %get3A_3369] : memref<64x9xf32, #tpu.memory_space<vmem>>, vector<1x1xf32>
      %get3A_3371 = vector.extract %get3A_3370[0, 0] : f32 from vector<1x1xf32>
      %convert_element_type3A_3372 = arith.truncf %get3A_3371 : f32 to bf16
      %mul3A_3373 = vector.broadcast %convert_element_type3A_3372 : bf16 to vector<136x128xbf16>
      %mul3A_3374 = arith.mulf %convert_element_type3A_130, %mul3A_3373 : vector<136x128xbf16>
      %add3A_3375 = arith.addf %add3A_3367, %mul3A_3374 : vector<136x128xbf16>
      %get3A_3376 = arith.constant 43 : index
      %get3A_3377 = arith.constant 5 : index
      %get3A_3378 = vector.load %arg2[%get3A_3376, %get3A_3377] : memref<64x9xf32, #tpu.memory_space<vmem>>, vector<1x1xf32>
      %get3A_3379 = vector.extract %get3A_3378[0, 0] : f32 from vector<1x1xf32>
      %convert_element_type3A_3380 = arith.truncf %get3A_3379 : f32 to bf16
      %mul3A_3381 = vector.broadcast %convert_element_type3A_3380 : bf16 to vector<136x128xbf16>
      %mul3A_3382 = arith.mulf %convert_element_type3A_136, %mul3A_3381 : vector<136x128xbf16>
      %add3A_3383 = arith.addf %add3A_3375, %mul3A_3382 : vector<136x128xbf16>
      %get3A_3384 = arith.constant 43 : index
      %get3A_3385 = arith.constant 6 : index
      %get3A_3386 = vector.load %arg2[%get3A_3384, %get3A_3385] : memref<64x9xf32, #tpu.memory_space<vmem>>, vector<1x1xf32>
      %get3A_3387 = vector.extract %get3A_3386[0, 0] : f32 from vector<1x1xf32>
      %convert_element_type3A_3388 = arith.truncf %get3A_3387 : f32 to bf16
      %mul3A_3389 = vector.broadcast %convert_element_type3A_3388 : bf16 to vector<136x128xbf16>
      %mul3A_3390 = arith.mulf %convert_element_type3A_142, %mul3A_3389 : vector<136x128xbf16>
      %add3A_3391 = arith.addf %add3A_3383, %mul3A_3390 : vector<136x128xbf16>
      %get3A_3392 = arith.constant 43 : index
      %get3A_3393 = arith.constant 7 : index
      %get3A_3394 = vector.load %arg2[%get3A_3392, %get3A_3393] : memref<64x9xf32, #tpu.memory_space<vmem>>, vector<1x1xf32>
      %get3A_3395 = vector.extract %get3A_3394[0, 0] : f32 from vector<1x1xf32>
      %convert_element_type3A_3396 = arith.truncf %get3A_3395 : f32 to bf16
      %mul3A_3397 = vector.broadcast %convert_element_type3A_3396 : bf16 to vector<136x128xbf16>
      %mul3A_3398 = arith.mulf %convert_element_type3A_148, %mul3A_3397 : vector<136x128xbf16>
      %add3A_3399 = arith.addf %add3A_3391, %mul3A_3398 : vector<136x128xbf16>
      %get3A_3400 = arith.constant 43 : index
      %get3A_3401 = arith.constant 8 : index
      %get3A_3402 = vector.load %arg2[%get3A_3400, %get3A_3401] : memref<64x9xf32, #tpu.memory_space<vmem>>, vector<1x1xf32>
      %get3A_3403 = vector.extract %get3A_3402[0, 0] : f32 from vector<1x1xf32>
      %convert_element_type3A_3404 = arith.truncf %get3A_3403 : f32 to bf16
      %mul3A_3405 = vector.broadcast %convert_element_type3A_3404 : bf16 to vector<136x128xbf16>
      %mul3A_3406 = arith.mulf %convert_element_type3A_154, %mul3A_3405 : vector<136x128xbf16>
      %add3A_3407 = arith.addf %add3A_3399, %mul3A_3406 : vector<136x128xbf16>
      %swap3A_3408 = arith.constant 0 : index
      %swap3A_3409 = arith.constant 5504 : index
      %swap3A_3410 = vector.load %arg7[%swap3A_3408, %swap3A_3409] : memref<137x8192xbf16, #tpu.memory_space<vmem>>, vector<136x128xbf16>
      tpu.vector_store %arg7[%swap3A_3408, %swap3A_3409], %add3A_3407 {strides = array<i32>} : memref<137x8192xbf16, #tpu.memory_space<vmem>>, vector<136x128xbf16>,
      %get3A_3411 = arith.constant 44 : index
      %get3A_3412 = arith.constant 0 : index
      %get3A_3413 = vector.load %arg2[%get3A_3411, %get3A_3412] : memref<64x9xf32, #tpu.memory_space<vmem>>, vector<1x1xf32>
      %get3A_3414 = vector.extract %get3A_3413[0, 0] : f32 from vector<1x1xf32>
      %convert_element_type3A_3415 = arith.truncf %get3A_3414 : f32 to bf16
      %mul3A_3416 = vector.broadcast %convert_element_type3A_3415 : bf16 to vector<136x128xbf16>
      %mul3A_3417 = arith.mulf %convert_element_type3A_106, %mul3A_3416 : vector<136x128xbf16>
      %get3A_3418 = arith.constant 44 : index
      %get3A_3419 = arith.constant 1 : index
      %get3A_3420 = vector.load %arg2[%get3A_3418, %get3A_3419] : memref<64x9xf32, #tpu.memory_space<vmem>>, vector<1x1xf32>
      %get3A_3421 = vector.extract %get3A_3420[0, 0] : f32 from vector<1x1xf32>
      %convert_element_type3A_3422 = arith.truncf %get3A_3421 : f32 to bf16
      %mul3A_3423 = vector.broadcast %convert_element_type3A_3422 : bf16 to vector<136x128xbf16>
      %mul3A_3424 = arith.mulf %convert_element_type3A_112, %mul3A_3423 : vector<136x128xbf16>
      %add3A_3425 = arith.addf %mul3A_3417, %mul3A_3424 : vector<136x128xbf16>
      %get3A_3426 = arith.constant 44 : index
      %get3A_3427 = arith.constant 2 : index
      %get3A_3428 = vector.load %arg2[%get3A_3426, %get3A_3427] : memref<64x9xf32, #tpu.memory_space<vmem>>, vector<1x1xf32>
      %get3A_3429 = vector.extract %get3A_3428[0, 0] : f32 from vector<1x1xf32>
      %convert_element_type3A_3430 = arith.truncf %get3A_3429 : f32 to bf16
      %mul3A_3431 = vector.broadcast %convert_element_type3A_3430 : bf16 to vector<136x128xbf16>
      %mul3A_3432 = arith.mulf %convert_element_type3A_118, %mul3A_3431 : vector<136x128xbf16>
      %add3A_3433 = arith.addf %add3A_3425, %mul3A_3432 : vector<136x128xbf16>
      %get3A_3434 = arith.constant 44 : index
      %get3A_3435 = arith.constant 3 : index
      %get3A_3436 = vector.load %arg2[%get3A_3434, %get3A_3435] : memref<64x9xf32, #tpu.memory_space<vmem>>, vector<1x1xf32>
      %get3A_3437 = vector.extract %get3A_3436[0, 0] : f32 from vector<1x1xf32>
      %convert_element_type3A_3438 = arith.truncf %get3A_3437 : f32 to bf16
      %mul3A_3439 = vector.broadcast %convert_element_type3A_3438 : bf16 to vector<136x128xbf16>
      %mul3A_3440 = arith.mulf %convert_element_type3A_124, %mul3A_3439 : vector<136x128xbf16>
      %add3A_3441 = arith.addf %add3A_3433, %mul3A_3440 : vector<136x128xbf16>
      %get3A_3442 = arith.constant 44 : index
      %get3A_3443 = arith.constant 4 : index
      %get3A_3444 = vector.load %arg2[%get3A_3442, %get3A_3443] : memref<64x9xf32, #tpu.memory_space<vmem>>, vector<1x1xf32>
      %get3A_3445 = vector.extract %get3A_3444[0, 0] : f32 from vector<1x1xf32>
      %convert_element_type3A_3446 = arith.truncf %get3A_3445 : f32 to bf16
      %mul3A_3447 = vector.broadcast %convert_element_type3A_3446 : bf16 to vector<136x128xbf16>
      %mul3A_3448 = arith.mulf %convert_element_type3A_130, %mul3A_3447 : vector<136x128xbf16>
      %add3A_3449 = arith.addf %add3A_3441, %mul3A_3448 : vector<136x128xbf16>
      %get3A_3450 = arith.constant 44 : index
      %get3A_3451 = arith.constant 5 : index
      %get3A_3452 = vector.load %arg2[%get3A_3450, %get3A_3451] : memref<64x9xf32, #tpu.memory_space<vmem>>, vector<1x1xf32>
      %get3A_3453 = vector.extract %get3A_3452[0, 0] : f32 from vector<1x1xf32>
      %convert_element_type3A_3454 = arith.truncf %get3A_3453 : f32 to bf16
      %mul3A_3455 = vector.broadcast %convert_element_type3A_3454 : bf16 to vector<136x128xbf16>
      %mul3A_3456 = arith.mulf %convert_element_type3A_136, %mul3A_3455 : vector<136x128xbf16>
      %add3A_3457 = arith.addf %add3A_3449, %mul3A_3456 : vector<136x128xbf16>
      %get3A_3458 = arith.constant 44 : index
      %get3A_3459 = arith.constant 6 : index
      %get3A_3460 = vector.load %arg2[%get3A_3458, %get3A_3459] : memref<64x9xf32, #tpu.memory_space<vmem>>, vector<1x1xf32>
      %get3A_3461 = vector.extract %get3A_3460[0, 0] : f32 from vector<1x1xf32>
      %convert_element_type3A_3462 = arith.truncf %get3A_3461 : f32 to bf16
      %mul3A_3463 = vector.broadcast %convert_element_type3A_3462 : bf16 to vector<136x128xbf16>
      %mul3A_3464 = arith.mulf %convert_element_type3A_142, %mul3A_3463 : vector<136x128xbf16>
      %add3A_3465 = arith.addf %add3A_3457, %mul3A_3464 : vector<136x128xbf16>
      %get3A_3466 = arith.constant 44 : index
      %get3A_3467 = arith.constant 7 : index
      %get3A_3468 = vector.load %arg2[%get3A_3466, %get3A_3467] : memref<64x9xf32, #tpu.memory_space<vmem>>, vector<1x1xf32>
      %get3A_3469 = vector.extract %get3A_3468[0, 0] : f32 from vector<1x1xf32>
      %convert_element_type3A_3470 = arith.truncf %get3A_3469 : f32 to bf16
      %mul3A_3471 = vector.broadcast %convert_element_type3A_3470 : bf16 to vector<136x128xbf16>
      %mul3A_3472 = arith.mulf %convert_element_type3A_148, %mul3A_3471 : vector<136x128xbf16>
      %add3A_3473 = arith.addf %add3A_3465, %mul3A_3472 : vector<136x128xbf16>
      %get3A_3474 = arith.constant 44 : index
      %get3A_3475 = arith.constant 8 : index
      %get3A_3476 = vector.load %arg2[%get3A_3474, %get3A_3475] : memref<64x9xf32, #tpu.memory_space<vmem>>, vector<1x1xf32>
      %get3A_3477 = vector.extract %get3A_3476[0, 0] : f32 from vector<1x1xf32>
      %convert_element_type3A_3478 = arith.truncf %get3A_3477 : f32 to bf16
      %mul3A_3479 = vector.broadcast %convert_element_type3A_3478 : bf16 to vector<136x128xbf16>
      %mul3A_3480 = arith.mulf %convert_element_type3A_154, %mul3A_3479 : vector<136x128xbf16>
      %add3A_3481 = arith.addf %add3A_3473, %mul3A_3480 : vector<136x128xbf16>
      %swap3A_3482 = arith.constant 0 : index
      %swap3A_3483 = arith.constant 5632 : index
      %swap3A_3484 = vector.load %arg7[%swap3A_3482, %swap3A_3483] : memref<137x8192xbf16, #tpu.memory_space<vmem>>, vector<136x128xbf16>
      tpu.vector_store %arg7[%swap3A_3482, %swap3A_3483], %add3A_3481 {strides = array<i32>} : memref<137x8192xbf16, #tpu.memory_space<vmem>>, vector<136x128xbf16>,
      %get3A_3485 = arith.constant 45 : index
      %get3A_3486 = arith.constant 0 : index
      %get3A_3487 = vector.load %arg2[%get3A_3485, %get3A_3486] : memref<64x9xf32, #tpu.memory_space<vmem>>, vector<1x1xf32>
      %get3A_3488 = vector.extract %get3A_3487[0, 0] : f32 from vector<1x1xf32>
      %convert_element_type3A_3489 = arith.truncf %get3A_3488 : f32 to bf16
      %mul3A_3490 = vector.broadcast %convert_element_type3A_3489 : bf16 to vector<136x128xbf16>
      %mul3A_3491 = arith.mulf %convert_element_type3A_106, %mul3A_3490 : vector<136x128xbf16>
      %get3A_3492 = arith.constant 45 : index
      %get3A_3493 = arith.constant 1 : index
      %get3A_3494 = vector.load %arg2[%get3A_3492, %get3A_3493] : memref<64x9xf32, #tpu.memory_space<vmem>>, vector<1x1xf32>
      %get3A_3495 = vector.extract %get3A_3494[0, 0] : f32 from vector<1x1xf32>
      %convert_element_type3A_3496 = arith.truncf %get3A_3495 : f32 to bf16
      %mul3A_3497 = vector.broadcast %convert_element_type3A_3496 : bf16 to vector<136x128xbf16>
      %mul3A_3498 = arith.mulf %convert_element_type3A_112, %mul3A_3497 : vector<136x128xbf16>
      %add3A_3499 = arith.addf %mul3A_3491, %mul3A_3498 : vector<136x128xbf16>
      %get3A_3500 = arith.constant 45 : index
      %get3A_3501 = arith.constant 2 : index
      %get3A_3502 = vector.load %arg2[%get3A_3500, %get3A_3501] : memref<64x9xf32, #tpu.memory_space<vmem>>, vector<1x1xf32>
      %get3A_3503 = vector.extract %get3A_3502[0, 0] : f32 from vector<1x1xf32>
      %convert_element_type3A_3504 = arith.truncf %get3A_3503 : f32 to bf16
      %mul3A_3505 = vector.broadcast %convert_element_type3A_3504 : bf16 to vector<136x128xbf16>
      %mul3A_3506 = arith.mulf %convert_element_type3A_118, %mul3A_3505 : vector<136x128xbf16>
      %add3A_3507 = arith.addf %add3A_3499, %mul3A_3506 : vector<136x128xbf16>
      %get3A_3508 = arith.constant 45 : index
      %get3A_3509 = arith.constant 3 : index
      %get3A_3510 = vector.load %arg2[%get3A_3508, %get3A_3509] : memref<64x9xf32, #tpu.memory_space<vmem>>, vector<1x1xf32>
      %get3A_3511 = vector.extract %get3A_3510[0, 0] : f32 from vector<1x1xf32>
      %convert_element_type3A_3512 = arith.truncf %get3A_3511 : f32 to bf16
      %mul3A_3513 = vector.broadcast %convert_element_type3A_3512 : bf16 to vector<136x128xbf16>
      %mul3A_3514 = arith.mulf %convert_element_type3A_124, %mul3A_3513 : vector<136x128xbf16>
      %add3A_3515 = arith.addf %add3A_3507, %mul3A_3514 : vector<136x128xbf16>
      %get3A_3516 = arith.constant 45 : index
      %get3A_3517 = arith.constant 4 : index
      %get3A_3518 = vector.load %arg2[%get3A_3516, %get3A_3517] : memref<64x9xf32, #tpu.memory_space<vmem>>, vector<1x1xf32>
      %get3A_3519 = vector.extract %get3A_3518[0, 0] : f32 from vector<1x1xf32>
      %convert_element_type3A_3520 = arith.truncf %get3A_3519 : f32 to bf16
      %mul3A_3521 = vector.broadcast %convert_element_type3A_3520 : bf16 to vector<136x128xbf16>
      %mul3A_3522 = arith.mulf %convert_element_type3A_130, %mul3A_3521 : vector<136x128xbf16>
      %add3A_3523 = arith.addf %add3A_3515, %mul3A_3522 : vector<136x128xbf16>
      %get3A_3524 = arith.constant 45 : index
      %get3A_3525 = arith.constant 5 : index
      %get3A_3526 = vector.load %arg2[%get3A_3524, %get3A_3525] : memref<64x9xf32, #tpu.memory_space<vmem>>, vector<1x1xf32>
      %get3A_3527 = vector.extract %get3A_3526[0, 0] : f32 from vector<1x1xf32>
      %convert_element_type3A_3528 = arith.truncf %get3A_3527 : f32 to bf16
      %mul3A_3529 = vector.broadcast %convert_element_type3A_3528 : bf16 to vector<136x128xbf16>
      %mul3A_3530 = arith.mulf %convert_element_type3A_136, %mul3A_3529 : vector<136x128xbf16>
      %add3A_3531 = arith.addf %add3A_3523, %mul3A_3530 : vector<136x128xbf16>
      %get3A_3532 = arith.constant 45 : index
      %get3A_3533 = arith.constant 6 : index
      %get3A_3534 = vector.load %arg2[%get3A_3532, %get3A_3533] : memref<64x9xf32, #tpu.memory_space<vmem>>, vector<1x1xf32>
      %get3A_3535 = vector.extract %get3A_3534[0, 0] : f32 from vector<1x1xf32>
      %convert_element_type3A_3536 = arith.truncf %get3A_3535 : f32 to bf16
      %mul3A_3537 = vector.broadcast %convert_element_type3A_3536 : bf16 to vector<136x128xbf16>
      %mul3A_3538 = arith.mulf %convert_element_type3A_142, %mul3A_3537 : vector<136x128xbf16>
      %add3A_3539 = arith.addf %add3A_3531, %mul3A_3538 : vector<136x128xbf16>
      %get3A_3540 = arith.constant 45 : index
      %get3A_3541 = arith.constant 7 : index
      %get3A_3542 = vector.load %arg2[%get3A_3540, %get3A_3541] : memref<64x9xf32, #tpu.memory_space<vmem>>, vector<1x1xf32>
      %get3A_3543 = vector.extract %get3A_3542[0, 0] : f32 from vector<1x1xf32>
      %convert_element_type3A_3544 = arith.truncf %get3A_3543 : f32 to bf16
      %mul3A_3545 = vector.broadcast %convert_element_type3A_3544 : bf16 to vector<136x128xbf16>
      %mul3A_3546 = arith.mulf %convert_element_type3A_148, %mul3A_3545 : vector<136x128xbf16>
      %add3A_3547 = arith.addf %add3A_3539, %mul3A_3546 : vector<136x128xbf16>
      %get3A_3548 = arith.constant 45 : index
      %get3A_3549 = arith.constant 8 : index
      %get3A_3550 = vector.load %arg2[%get3A_3548, %get3A_3549] : memref<64x9xf32, #tpu.memory_space<vmem>>, vector<1x1xf32>
      %get3A_3551 = vector.extract %get3A_3550[0, 0] : f32 from vector<1x1xf32>
      %convert_element_type3A_3552 = arith.truncf %get3A_3551 : f32 to bf16
      %mul3A_3553 = vector.broadcast %convert_element_type3A_3552 : bf16 to vector<136x128xbf16>
      %mul3A_3554 = arith.mulf %convert_element_type3A_154, %mul3A_3553 : vector<136x128xbf16>
      %add3A_3555 = arith.addf %add3A_3547, %mul3A_3554 : vector<136x128xbf16>
      %swap3A_3556 = arith.constant 0 : index
      %swap3A_3557 = arith.constant 5760 : index
      %swap3A_3558 = vector.load %arg7[%swap3A_3556, %swap3A_3557] : memref<137x8192xbf16, #tpu.memory_space<vmem>>, vector<136x128xbf16>
      tpu.vector_store %arg7[%swap3A_3556, %swap3A_3557], %add3A_3555 {strides = array<i32>} : memref<137x8192xbf16, #tpu.memory_space<vmem>>, vector<136x128xbf16>,
      %get3A_3559 = arith.constant 46 : index
      %get3A_3560 = arith.constant 0 : index
      %get3A_3561 = vector.load %arg2[%get3A_3559, %get3A_3560] : memref<64x9xf32, #tpu.memory_space<vmem>>, vector<1x1xf32>
      %get3A_3562 = vector.extract %get3A_3561[0, 0] : f32 from vector<1x1xf32>
      %convert_element_type3A_3563 = arith.truncf %get3A_3562 : f32 to bf16
      %mul3A_3564 = vector.broadcast %convert_element_type3A_3563 : bf16 to vector<136x128xbf16>
      %mul3A_3565 = arith.mulf %convert_element_type3A_106, %mul3A_3564 : vector<136x128xbf16>
      %get3A_3566 = arith.constant 46 : index
      %get3A_3567 = arith.constant 1 : index
      %get3A_3568 = vector.load %arg2[%get3A_3566, %get3A_3567] : memref<64x9xf32, #tpu.memory_space<vmem>>, vector<1x1xf32>
      %get3A_3569 = vector.extract %get3A_3568[0, 0] : f32 from vector<1x1xf32>
      %convert_element_type3A_3570 = arith.truncf %get3A_3569 : f32 to bf16
      %mul3A_3571 = vector.broadcast %convert_element_type3A_3570 : bf16 to vector<136x128xbf16>
      %mul3A_3572 = arith.mulf %convert_element_type3A_112, %mul3A_3571 : vector<136x128xbf16>
      %add3A_3573 = arith.addf %mul3A_3565, %mul3A_3572 : vector<136x128xbf16>
      %get3A_3574 = arith.constant 46 : index
      %get3A_3575 = arith.constant 2 : index
      %get3A_3576 = vector.load %arg2[%get3A_3574, %get3A_3575] : memref<64x9xf32, #tpu.memory_space<vmem>>, vector<1x1xf32>
      %get3A_3577 = vector.extract %get3A_3576[0, 0] : f32 from vector<1x1xf32>
      %convert_element_type3A_3578 = arith.truncf %get3A_3577 : f32 to bf16
      %mul3A_3579 = vector.broadcast %convert_element_type3A_3578 : bf16 to vector<136x128xbf16>
      %mul3A_3580 = arith.mulf %convert_element_type3A_118, %mul3A_3579 : vector<136x128xbf16>
      %add3A_3581 = arith.addf %add3A_3573, %mul3A_3580 : vector<136x128xbf16>
      %get3A_3582 = arith.constant 46 : index
      %get3A_3583 = arith.constant 3 : index
      %get3A_3584 = vector.load %arg2[%get3A_3582, %get3A_3583] : memref<64x9xf32, #tpu.memory_space<vmem>>, vector<1x1xf32>
      %get3A_3585 = vector.extract %get3A_3584[0, 0] : f32 from vector<1x1xf32>
      %convert_element_type3A_3586 = arith.truncf %get3A_3585 : f32 to bf16
      %mul3A_3587 = vector.broadcast %convert_element_type3A_3586 : bf16 to vector<136x128xbf16>
      %mul3A_3588 = arith.mulf %convert_element_type3A_124, %mul3A_3587 : vector<136x128xbf16>
      %add3A_3589 = arith.addf %add3A_3581, %mul3A_3588 : vector<136x128xbf16>
      %get3A_3590 = arith.constant 46 : index
      %get3A_3591 = arith.constant 4 : index
      %get3A_3592 = vector.load %arg2[%get3A_3590, %get3A_3591] : memref<64x9xf32, #tpu.memory_space<vmem>>, vector<1x1xf32>
      %get3A_3593 = vector.extract %get3A_3592[0, 0] : f32 from vector<1x1xf32>
      %convert_element_type3A_3594 = arith.truncf %get3A_3593 : f32 to bf16
      %mul3A_3595 = vector.broadcast %convert_element_type3A_3594 : bf16 to vector<136x128xbf16>
      %mul3A_3596 = arith.mulf %convert_element_type3A_130, %mul3A_3595 : vector<136x128xbf16>
      %add3A_3597 = arith.addf %add3A_3589, %mul3A_3596 : vector<136x128xbf16>
      %get3A_3598 = arith.constant 46 : index
      %get3A_3599 = arith.constant 5 : index
      %get3A_3600 = vector.load %arg2[%get3A_3598, %get3A_3599] : memref<64x9xf32, #tpu.memory_space<vmem>>, vector<1x1xf32>
      %get3A_3601 = vector.extract %get3A_3600[0, 0] : f32 from vector<1x1xf32>
      %convert_element_type3A_3602 = arith.truncf %get3A_3601 : f32 to bf16
      %mul3A_3603 = vector.broadcast %convert_element_type3A_3602 : bf16 to vector<136x128xbf16>
      %mul3A_3604 = arith.mulf %convert_element_type3A_136, %mul3A_3603 : vector<136x128xbf16>
      %add3A_3605 = arith.addf %add3A_3597, %mul3A_3604 : vector<136x128xbf16>
      %get3A_3606 = arith.constant 46 : index
      %get3A_3607 = arith.constant 6 : index
      %get3A_3608 = vector.load %arg2[%get3A_3606, %get3A_3607] : memref<64x9xf32, #tpu.memory_space<vmem>>, vector<1x1xf32>
      %get3A_3609 = vector.extract %get3A_3608[0, 0] : f32 from vector<1x1xf32>
      %convert_element_type3A_3610 = arith.truncf %get3A_3609 : f32 to bf16
      %mul3A_3611 = vector.broadcast %convert_element_type3A_3610 : bf16 to vector<136x128xbf16>
      %mul3A_3612 = arith.mulf %convert_element_type3A_142, %mul3A_3611 : vector<136x128xbf16>
      %add3A_3613 = arith.addf %add3A_3605, %mul3A_3612 : vector<136x128xbf16>
      %get3A_3614 = arith.constant 46 : index
      %get3A_3615 = arith.constant 7 : index
      %get3A_3616 = vector.load %arg2[%get3A_3614, %get3A_3615] : memref<64x9xf32, #tpu.memory_space<vmem>>, vector<1x1xf32>
      %get3A_3617 = vector.extract %get3A_3616[0, 0] : f32 from vector<1x1xf32>
      %convert_element_type3A_3618 = arith.truncf %get3A_3617 : f32 to bf16
      %mul3A_3619 = vector.broadcast %convert_element_type3A_3618 : bf16 to vector<136x128xbf16>
      %mul3A_3620 = arith.mulf %convert_element_type3A_148, %mul3A_3619 : vector<136x128xbf16>
      %add3A_3621 = arith.addf %add3A_3613, %mul3A_3620 : vector<136x128xbf16>
      %get3A_3622 = arith.constant 46 : index
      %get3A_3623 = arith.constant 8 : index
      %get3A_3624 = vector.load %arg2[%get3A_3622, %get3A_3623] : memref<64x9xf32, #tpu.memory_space<vmem>>, vector<1x1xf32>
      %get3A_3625 = vector.extract %get3A_3624[0, 0] : f32 from vector<1x1xf32>
      %convert_element_type3A_3626 = arith.truncf %get3A_3625 : f32 to bf16
      %mul3A_3627 = vector.broadcast %convert_element_type3A_3626 : bf16 to vector<136x128xbf16>
      %mul3A_3628 = arith.mulf %convert_element_type3A_154, %mul3A_3627 : vector<136x128xbf16>
      %add3A_3629 = arith.addf %add3A_3621, %mul3A_3628 : vector<136x128xbf16>
      %swap3A_3630 = arith.constant 0 : index
      %swap3A_3631 = arith.constant 5888 : index
      %swap3A_3632 = vector.load %arg7[%swap3A_3630, %swap3A_3631] : memref<137x8192xbf16, #tpu.memory_space<vmem>>, vector<136x128xbf16>
      tpu.vector_store %arg7[%swap3A_3630, %swap3A_3631], %add3A_3629 {strides = array<i32>} : memref<137x8192xbf16, #tpu.memory_space<vmem>>, vector<136x128xbf16>,
      %get3A_3633 = arith.constant 47 : index
      %get3A_3634 = arith.constant 0 : index
      %get3A_3635 = vector.load %arg2[%get3A_3633, %get3A_3634] : memref<64x9xf32, #tpu.memory_space<vmem>>, vector<1x1xf32>
      %get3A_3636 = vector.extract %get3A_3635[0, 0] : f32 from vector<1x1xf32>
      %convert_element_type3A_3637 = arith.truncf %get3A_3636 : f32 to bf16
      %mul3A_3638 = vector.broadcast %convert_element_type3A_3637 : bf16 to vector<136x128xbf16>
      %mul3A_3639 = arith.mulf %convert_element_type3A_106, %mul3A_3638 : vector<136x128xbf16>
      %get3A_3640 = arith.constant 47 : index
      %get3A_3641 = arith.constant 1 : index
      %get3A_3642 = vector.load %arg2[%get3A_3640, %get3A_3641] : memref<64x9xf32, #tpu.memory_space<vmem>>, vector<1x1xf32>
      %get3A_3643 = vector.extract %get3A_3642[0, 0] : f32 from vector<1x1xf32>
      %convert_element_type3A_3644 = arith.truncf %get3A_3643 : f32 to bf16
      %mul3A_3645 = vector.broadcast %convert_element_type3A_3644 : bf16 to vector<136x128xbf16>
      %mul3A_3646 = arith.mulf %convert_element_type3A_112, %mul3A_3645 : vector<136x128xbf16>
      %add3A_3647 = arith.addf %mul3A_3639, %mul3A_3646 : vector<136x128xbf16>
      %get3A_3648 = arith.constant 47 : index
      %get3A_3649 = arith.constant 2 : index
      %get3A_3650 = vector.load %arg2[%get3A_3648, %get3A_3649] : memref<64x9xf32, #tpu.memory_space<vmem>>, vector<1x1xf32>
      %get3A_3651 = vector.extract %get3A_3650[0, 0] : f32 from vector<1x1xf32>
      %convert_element_type3A_3652 = arith.truncf %get3A_3651 : f32 to bf16
      %mul3A_3653 = vector.broadcast %convert_element_type3A_3652 : bf16 to vector<136x128xbf16>
      %mul3A_3654 = arith.mulf %convert_element_type3A_118, %mul3A_3653 : vector<136x128xbf16>
      %add3A_3655 = arith.addf %add3A_3647, %mul3A_3654 : vector<136x128xbf16>
      %get3A_3656 = arith.constant 47 : index
      %get3A_3657 = arith.constant 3 : index
      %get3A_3658 = vector.load %arg2[%get3A_3656, %get3A_3657] : memref<64x9xf32, #tpu.memory_space<vmem>>, vector<1x1xf32>
      %get3A_3659 = vector.extract %get3A_3658[0, 0] : f32 from vector<1x1xf32>
      %convert_element_type3A_3660 = arith.truncf %get3A_3659 : f32 to bf16
      %mul3A_3661 = vector.broadcast %convert_element_type3A_3660 : bf16 to vector<136x128xbf16>
      %mul3A_3662 = arith.mulf %convert_element_type3A_124, %mul3A_3661 : vector<136x128xbf16>
      %add3A_3663 = arith.addf %add3A_3655, %mul3A_3662 : vector<136x128xbf16>
      %get3A_3664 = arith.constant 47 : index
      %get3A_3665 = arith.constant 4 : index
      %get3A_3666 = vector.load %arg2[%get3A_3664, %get3A_3665] : memref<64x9xf32, #tpu.memory_space<vmem>>, vector<1x1xf32>
      %get3A_3667 = vector.extract %get3A_3666[0, 0] : f32 from vector<1x1xf32>
      %convert_element_type3A_3668 = arith.truncf %get3A_3667 : f32 to bf16
      %mul3A_3669 = vector.broadcast %convert_element_type3A_3668 : bf16 to vector<136x128xbf16>
      %mul3A_3670 = arith.mulf %convert_element_type3A_130, %mul3A_3669 : vector<136x128xbf16>
      %add3A_3671 = arith.addf %add3A_3663, %mul3A_3670 : vector<136x128xbf16>
      %get3A_3672 = arith.constant 47 : index
      %get3A_3673 = arith.constant 5 : index
      %get3A_3674 = vector.load %arg2[%get3A_3672, %get3A_3673] : memref<64x9xf32, #tpu.memory_space<vmem>>, vector<1x1xf32>
      %get3A_3675 = vector.extract %get3A_3674[0, 0] : f32 from vector<1x1xf32>
      %convert_element_type3A_3676 = arith.truncf %get3A_3675 : f32 to bf16
      %mul3A_3677 = vector.broadcast %convert_element_type3A_3676 : bf16 to vector<136x128xbf16>
      %mul3A_3678 = arith.mulf %convert_element_type3A_136, %mul3A_3677 : vector<136x128xbf16>
      %add3A_3679 = arith.addf %add3A_3671, %mul3A_3678 : vector<136x128xbf16>
      %get3A_3680 = arith.constant 47 : index
      %get3A_3681 = arith.constant 6 : index
      %get3A_3682 = vector.load %arg2[%get3A_3680, %get3A_3681] : memref<64x9xf32, #tpu.memory_space<vmem>>, vector<1x1xf32>
      %get3A_3683 = vector.extract %get3A_3682[0, 0] : f32 from vector<1x1xf32>
      %convert_element_type3A_3684 = arith.truncf %get3A_3683 : f32 to bf16
      %mul3A_3685 = vector.broadcast %convert_element_type3A_3684 : bf16 to vector<136x128xbf16>
      %mul3A_3686 = arith.mulf %convert_element_type3A_142, %mul3A_3685 : vector<136x128xbf16>
      %add3A_3687 = arith.addf %add3A_3679, %mul3A_3686 : vector<136x128xbf16>
      %get3A_3688 = arith.constant 47 : index
      %get3A_3689 = arith.constant 7 : index
      %get3A_3690 = vector.load %arg2[%get3A_3688, %get3A_3689] : memref<64x9xf32, #tpu.memory_space<vmem>>, vector<1x1xf32>
      %get3A_3691 = vector.extract %get3A_3690[0, 0] : f32 from vector<1x1xf32>
      %convert_element_type3A_3692 = arith.truncf %get3A_3691 : f32 to bf16
      %mul3A_3693 = vector.broadcast %convert_element_type3A_3692 : bf16 to vector<136x128xbf16>
      %mul3A_3694 = arith.mulf %convert_element_type3A_148, %mul3A_3693 : vector<136x128xbf16>
      %add3A_3695 = arith.addf %add3A_3687, %mul3A_3694 : vector<136x128xbf16>
      %get3A_3696 = arith.constant 47 : index
      %get3A_3697 = arith.constant 8 : index
      %get3A_3698 = vector.load %arg2[%get3A_3696, %get3A_3697] : memref<64x9xf32, #tpu.memory_space<vmem>>, vector<1x1xf32>
      %get3A_3699 = vector.extract %get3A_3698[0, 0] : f32 from vector<1x1xf32>
      %convert_element_type3A_3700 = arith.truncf %get3A_3699 : f32 to bf16
      %mul3A_3701 = vector.broadcast %convert_element_type3A_3700 : bf16 to vector<136x128xbf16>
      %mul3A_3702 = arith.mulf %convert_element_type3A_154, %mul3A_3701 : vector<136x128xbf16>
      %add3A_3703 = arith.addf %add3A_3695, %mul3A_3702 : vector<136x128xbf16>
      %swap3A_3704 = arith.constant 0 : index
      %swap3A_3705 = arith.constant 6016 : index
      %swap3A_3706 = vector.load %arg7[%swap3A_3704, %swap3A_3705] : memref<137x8192xbf16, #tpu.memory_space<vmem>>, vector<136x128xbf16>
      tpu.vector_store %arg7[%swap3A_3704, %swap3A_3705], %add3A_3703 {strides = array<i32>} : memref<137x8192xbf16, #tpu.memory_space<vmem>>, vector<136x128xbf16>,
      %get3A_3707 = arith.constant 48 : index
      %get3A_3708 = arith.constant 0 : index
      %get3A_3709 = vector.load %arg2[%get3A_3707, %get3A_3708] : memref<64x9xf32, #tpu.memory_space<vmem>>, vector<1x1xf32>
      %get3A_3710 = vector.extract %get3A_3709[0, 0] : f32 from vector<1x1xf32>
      %convert_element_type3A_3711 = arith.truncf %get3A_3710 : f32 to bf16
      %mul3A_3712 = vector.broadcast %convert_element_type3A_3711 : bf16 to vector<136x128xbf16>
      %mul3A_3713 = arith.mulf %convert_element_type3A_106, %mul3A_3712 : vector<136x128xbf16>
      %get3A_3714 = arith.constant 48 : index
      %get3A_3715 = arith.constant 1 : index
      %get3A_3716 = vector.load %arg2[%get3A_3714, %get3A_3715] : memref<64x9xf32, #tpu.memory_space<vmem>>, vector<1x1xf32>
      %get3A_3717 = vector.extract %get3A_3716[0, 0] : f32 from vector<1x1xf32>
      %convert_element_type3A_3718 = arith.truncf %get3A_3717 : f32 to bf16
      %mul3A_3719 = vector.broadcast %convert_element_type3A_3718 : bf16 to vector<136x128xbf16>
      %mul3A_3720 = arith.mulf %convert_element_type3A_112, %mul3A_3719 : vector<136x128xbf16>
      %add3A_3721 = arith.addf %mul3A_3713, %mul3A_3720 : vector<136x128xbf16>
      %get3A_3722 = arith.constant 48 : index
      %get3A_3723 = arith.constant 2 : index
      %get3A_3724 = vector.load %arg2[%get3A_3722, %get3A_3723] : memref<64x9xf32, #tpu.memory_space<vmem>>, vector<1x1xf32>
      %get3A_3725 = vector.extract %get3A_3724[0, 0] : f32 from vector<1x1xf32>
      %convert_element_type3A_3726 = arith.truncf %get3A_3725 : f32 to bf16
      %mul3A_3727 = vector.broadcast %convert_element_type3A_3726 : bf16 to vector<136x128xbf16>
      %mul3A_3728 = arith.mulf %convert_element_type3A_118, %mul3A_3727 : vector<136x128xbf16>
      %add3A_3729 = arith.addf %add3A_3721, %mul3A_3728 : vector<136x128xbf16>
      %get3A_3730 = arith.constant 48 : index
      %get3A_3731 = arith.constant 3 : index
      %get3A_3732 = vector.load %arg2[%get3A_3730, %get3A_3731] : memref<64x9xf32, #tpu.memory_space<vmem>>, vector<1x1xf32>
      %get3A_3733 = vector.extract %get3A_3732[0, 0] : f32 from vector<1x1xf32>
      %convert_element_type3A_3734 = arith.truncf %get3A_3733 : f32 to bf16
      %mul3A_3735 = vector.broadcast %convert_element_type3A_3734 : bf16 to vector<136x128xbf16>
      %mul3A_3736 = arith.mulf %convert_element_type3A_124, %mul3A_3735 : vector<136x128xbf16>
      %add3A_3737 = arith.addf %add3A_3729, %mul3A_3736 : vector<136x128xbf16>
      %get3A_3738 = arith.constant 48 : index
      %get3A_3739 = arith.constant 4 : index
      %get3A_3740 = vector.load %arg2[%get3A_3738, %get3A_3739] : memref<64x9xf32, #tpu.memory_space<vmem>>, vector<1x1xf32>
      %get3A_3741 = vector.extract %get3A_3740[0, 0] : f32 from vector<1x1xf32>
      %convert_element_type3A_3742 = arith.truncf %get3A_3741 : f32 to bf16
      %mul3A_3743 = vector.broadcast %convert_element_type3A_3742 : bf16 to vector<136x128xbf16>
      %mul3A_3744 = arith.mulf %convert_element_type3A_130, %mul3A_3743 : vector<136x128xbf16>
      %add3A_3745 = arith.addf %add3A_3737, %mul3A_3744 : vector<136x128xbf16>
      %get3A_3746 = arith.constant 48 : index
      %get3A_3747 = arith.constant 5 : index
      %get3A_3748 = vector.load %arg2[%get3A_3746, %get3A_3747] : memref<64x9xf32, #tpu.memory_space<vmem>>, vector<1x1xf32>
      %get3A_3749 = vector.extract %get3A_3748[0, 0] : f32 from vector<1x1xf32>
      %convert_element_type3A_3750 = arith.truncf %get3A_3749 : f32 to bf16
      %mul3A_3751 = vector.broadcast %convert_element_type3A_3750 : bf16 to vector<136x128xbf16>
      %mul3A_3752 = arith.mulf %convert_element_type3A_136, %mul3A_3751 : vector<136x128xbf16>
      %add3A_3753 = arith.addf %add3A_3745, %mul3A_3752 : vector<136x128xbf16>
      %get3A_3754 = arith.constant 48 : index
      %get3A_3755 = arith.constant 6 : index
      %get3A_3756 = vector.load %arg2[%get3A_3754, %get3A_3755] : memref<64x9xf32, #tpu.memory_space<vmem>>, vector<1x1xf32>
      %get3A_3757 = vector.extract %get3A_3756[0, 0] : f32 from vector<1x1xf32>
      %convert_element_type3A_3758 = arith.truncf %get3A_3757 : f32 to bf16
      %mul3A_3759 = vector.broadcast %convert_element_type3A_3758 : bf16 to vector<136x128xbf16>
      %mul3A_3760 = arith.mulf %convert_element_type3A_142, %mul3A_3759 : vector<136x128xbf16>
      %add3A_3761 = arith.addf %add3A_3753, %mul3A_3760 : vector<136x128xbf16>
      %get3A_3762 = arith.constant 48 : index
      %get3A_3763 = arith.constant 7 : index
      %get3A_3764 = vector.load %arg2[%get3A_3762, %get3A_3763] : memref<64x9xf32, #tpu.memory_space<vmem>>, vector<1x1xf32>
      %get3A_3765 = vector.extract %get3A_3764[0, 0] : f32 from vector<1x1xf32>
      %convert_element_type3A_3766 = arith.truncf %get3A_3765 : f32 to bf16
      %mul3A_3767 = vector.broadcast %convert_element_type3A_3766 : bf16 to vector<136x128xbf16>
      %mul3A_3768 = arith.mulf %convert_element_type3A_148, %mul3A_3767 : vector<136x128xbf16>
      %add3A_3769 = arith.addf %add3A_3761, %mul3A_3768 : vector<136x128xbf16>
      %get3A_3770 = arith.constant 48 : index
      %get3A_3771 = arith.constant 8 : index
      %get3A_3772 = vector.load %arg2[%get3A_3770, %get3A_3771] : memref<64x9xf32, #tpu.memory_space<vmem>>, vector<1x1xf32>
      %get3A_3773 = vector.extract %get3A_3772[0, 0] : f32 from vector<1x1xf32>
      %convert_element_type3A_3774 = arith.truncf %get3A_3773 : f32 to bf16
      %mul3A_3775 = vector.broadcast %convert_element_type3A_3774 : bf16 to vector<136x128xbf16>
      %mul3A_3776 = arith.mulf %convert_element_type3A_154, %mul3A_3775 : vector<136x128xbf16>
      %add3A_3777 = arith.addf %add3A_3769, %mul3A_3776 : vector<136x128xbf16>
      %swap3A_3778 = arith.constant 0 : index
      %swap3A_3779 = arith.constant 6144 : index
      %swap3A_3780 = vector.load %arg7[%swap3A_3778, %swap3A_3779] : memref<137x8192xbf16, #tpu.memory_space<vmem>>, vector<136x128xbf16>
      tpu.vector_store %arg7[%swap3A_3778, %swap3A_3779], %add3A_3777 {strides = array<i32>} : memref<137x8192xbf16, #tpu.memory_space<vmem>>, vector<136x128xbf16>,
      %get3A_3781 = arith.constant 49 : index
      %get3A_3782 = arith.constant 0 : index
      %get3A_3783 = vector.load %arg2[%get3A_3781, %get3A_3782] : memref<64x9xf32, #tpu.memory_space<vmem>>, vector<1x1xf32>
      %get3A_3784 = vector.extract %get3A_3783[0, 0] : f32 from vector<1x1xf32>
      %convert_element_type3A_3785 = arith.truncf %get3A_3784 : f32 to bf16
      %mul3A_3786 = vector.broadcast %convert_element_type3A_3785 : bf16 to vector<136x128xbf16>
      %mul3A_3787 = arith.mulf %convert_element_type3A_106, %mul3A_3786 : vector<136x128xbf16>
      %get3A_3788 = arith.constant 49 : index
      %get3A_3789 = arith.constant 1 : index
      %get3A_3790 = vector.load %arg2[%get3A_3788, %get3A_3789] : memref<64x9xf32, #tpu.memory_space<vmem>>, vector<1x1xf32>
      %get3A_3791 = vector.extract %get3A_3790[0, 0] : f32 from vector<1x1xf32>
      %convert_element_type3A_3792 = arith.truncf %get3A_3791 : f32 to bf16
      %mul3A_3793 = vector.broadcast %convert_element_type3A_3792 : bf16 to vector<136x128xbf16>
      %mul3A_3794 = arith.mulf %convert_element_type3A_112, %mul3A_3793 : vector<136x128xbf16>
      %add3A_3795 = arith.addf %mul3A_3787, %mul3A_3794 : vector<136x128xbf16>
      %get3A_3796 = arith.constant 49 : index
      %get3A_3797 = arith.constant 2 : index
      %get3A_3798 = vector.load %arg2[%get3A_3796, %get3A_3797] : memref<64x9xf32, #tpu.memory_space<vmem>>, vector<1x1xf32>
      %get3A_3799 = vector.extract %get3A_3798[0, 0] : f32 from vector<1x1xf32>
      %convert_element_type3A_3800 = arith.truncf %get3A_3799 : f32 to bf16
      %mul3A_3801 = vector.broadcast %convert_element_type3A_3800 : bf16 to vector<136x128xbf16>
      %mul3A_3802 = arith.mulf %convert_element_type3A_118, %mul3A_3801 : vector<136x128xbf16>
      %add3A_3803 = arith.addf %add3A_3795, %mul3A_3802 : vector<136x128xbf16>
      %get3A_3804 = arith.constant 49 : index
      %get3A_3805 = arith.constant 3 : index
      %get3A_3806 = vector.load %arg2[%get3A_3804, %get3A_3805] : memref<64x9xf32, #tpu.memory_space<vmem>>, vector<1x1xf32>
      %get3A_3807 = vector.extract %get3A_3806[0, 0] : f32 from vector<1x1xf32>
      %convert_element_type3A_3808 = arith.truncf %get3A_3807 : f32 to bf16
      %mul3A_3809 = vector.broadcast %convert_element_type3A_3808 : bf16 to vector<136x128xbf16>
      %mul3A_3810 = arith.mulf %convert_element_type3A_124, %mul3A_3809 : vector<136x128xbf16>
      %add3A_3811 = arith.addf %add3A_3803, %mul3A_3810 : vector<136x128xbf16>
      %get3A_3812 = arith.constant 49 : index
      %get3A_3813 = arith.constant 4 : index
      %get3A_3814 = vector.load %arg2[%get3A_3812, %get3A_3813] : memref<64x9xf32, #tpu.memory_space<vmem>>, vector<1x1xf32>
      %get3A_3815 = vector.extract %get3A_3814[0, 0] : f32 from vector<1x1xf32>
      %convert_element_type3A_3816 = arith.truncf %get3A_3815 : f32 to bf16
      %mul3A_3817 = vector.broadcast %convert_element_type3A_3816 : bf16 to vector<136x128xbf16>
      %mul3A_3818 = arith.mulf %convert_element_type3A_130, %mul3A_3817 : vector<136x128xbf16>
      %add3A_3819 = arith.addf %add3A_3811, %mul3A_3818 : vector<136x128xbf16>
      %get3A_3820 = arith.constant 49 : index
      %get3A_3821 = arith.constant 5 : index
      %get3A_3822 = vector.load %arg2[%get3A_3820, %get3A_3821] : memref<64x9xf32, #tpu.memory_space<vmem>>, vector<1x1xf32>
      %get3A_3823 = vector.extract %get3A_3822[0, 0] : f32 from vector<1x1xf32>
      %convert_element_type3A_3824 = arith.truncf %get3A_3823 : f32 to bf16
      %mul3A_3825 = vector.broadcast %convert_element_type3A_3824 : bf16 to vector<136x128xbf16>
      %mul3A_3826 = arith.mulf %convert_element_type3A_136, %mul3A_3825 : vector<136x128xbf16>
      %add3A_3827 = arith.addf %add3A_3819, %mul3A_3826 : vector<136x128xbf16>
      %get3A_3828 = arith.constant 49 : index
      %get3A_3829 = arith.constant 6 : index
      %get3A_3830 = vector.load %arg2[%get3A_3828, %get3A_3829] : memref<64x9xf32, #tpu.memory_space<vmem>>, vector<1x1xf32>
      %get3A_3831 = vector.extract %get3A_3830[0, 0] : f32 from vector<1x1xf32>
      %convert_element_type3A_3832 = arith.truncf %get3A_3831 : f32 to bf16
      %mul3A_3833 = vector.broadcast %convert_element_type3A_3832 : bf16 to vector<136x128xbf16>
      %mul3A_3834 = arith.mulf %convert_element_type3A_142, %mul3A_3833 : vector<136x128xbf16>
      %add3A_3835 = arith.addf %add3A_3827, %mul3A_3834 : vector<136x128xbf16>
      %get3A_3836 = arith.constant 49 : index
      %get3A_3837 = arith.constant 7 : index
      %get3A_3838 = vector.load %arg2[%get3A_3836, %get3A_3837] : memref<64x9xf32, #tpu.memory_space<vmem>>, vector<1x1xf32>
      %get3A_3839 = vector.extract %get3A_3838[0, 0] : f32 from vector<1x1xf32>
      %convert_element_type3A_3840 = arith.truncf %get3A_3839 : f32 to bf16
      %mul3A_3841 = vector.broadcast %convert_element_type3A_3840 : bf16 to vector<136x128xbf16>
      %mul3A_3842 = arith.mulf %convert_element_type3A_148, %mul3A_3841 : vector<136x128xbf16>
      %add3A_3843 = arith.addf %add3A_3835, %mul3A_3842 : vector<136x128xbf16>
      %get3A_3844 = arith.constant 49 : index
      %get3A_3845 = arith.constant 8 : index
      %get3A_3846 = vector.load %arg2[%get3A_3844, %get3A_3845] : memref<64x9xf32, #tpu.memory_space<vmem>>, vector<1x1xf32>
      %get3A_3847 = vector.extract %get3A_3846[0, 0] : f32 from vector<1x1xf32>
      %convert_element_type3A_3848 = arith.truncf %get3A_3847 : f32 to bf16
      %mul3A_3849 = vector.broadcast %convert_element_type3A_3848 : bf16 to vector<136x128xbf16>
      %mul3A_3850 = arith.mulf %convert_element_type3A_154, %mul3A_3849 : vector<136x128xbf16>
      %add3A_3851 = arith.addf %add3A_3843, %mul3A_3850 : vector<136x128xbf16>
      %swap3A_3852 = arith.constant 0 : index
      %swap3A_3853 = arith.constant 6272 : index
      %swap3A_3854 = vector.load %arg7[%swap3A_3852, %swap3A_3853] : memref<137x8192xbf16, #tpu.memory_space<vmem>>, vector<136x128xbf16>
      tpu.vector_store %arg7[%swap3A_3852, %swap3A_3853], %add3A_3851 {strides = array<i32>} : memref<137x8192xbf16, #tpu.memory_space<vmem>>, vector<136x128xbf16>,
      %get3A_3855 = arith.constant 50 : index
      %get3A_3856 = arith.constant 0 : index
      %get3A_3857 = vector.load %arg2[%get3A_3855, %get3A_3856] : memref<64x9xf32, #tpu.memory_space<vmem>>, vector<1x1xf32>
      %get3A_3858 = vector.extract %get3A_3857[0, 0] : f32 from vector<1x1xf32>
      %convert_element_type3A_3859 = arith.truncf %get3A_3858 : f32 to bf16
      %mul3A_3860 = vector.broadcast %convert_element_type3A_3859 : bf16 to vector<136x128xbf16>
      %mul3A_3861 = arith.mulf %convert_element_type3A_106, %mul3A_3860 : vector<136x128xbf16>
      %get3A_3862 = arith.constant 50 : index
      %get3A_3863 = arith.constant 1 : index
      %get3A_3864 = vector.load %arg2[%get3A_3862, %get3A_3863] : memref<64x9xf32, #tpu.memory_space<vmem>>, vector<1x1xf32>
      %get3A_3865 = vector.extract %get3A_3864[0, 0] : f32 from vector<1x1xf32>
      %convert_element_type3A_3866 = arith.truncf %get3A_3865 : f32 to bf16
      %mul3A_3867 = vector.broadcast %convert_element_type3A_3866 : bf16 to vector<136x128xbf16>
      %mul3A_3868 = arith.mulf %convert_element_type3A_112, %mul3A_3867 : vector<136x128xbf16>
      %add3A_3869 = arith.addf %mul3A_3861, %mul3A_3868 : vector<136x128xbf16>
      %get3A_3870 = arith.constant 50 : index
      %get3A_3871 = arith.constant 2 : index
      %get3A_3872 = vector.load %arg2[%get3A_3870, %get3A_3871] : memref<64x9xf32, #tpu.memory_space<vmem>>, vector<1x1xf32>
      %get3A_3873 = vector.extract %get3A_3872[0, 0] : f32 from vector<1x1xf32>
      %convert_element_type3A_3874 = arith.truncf %get3A_3873 : f32 to bf16
      %mul3A_3875 = vector.broadcast %convert_element_type3A_3874 : bf16 to vector<136x128xbf16>
      %mul3A_3876 = arith.mulf %convert_element_type3A_118, %mul3A_3875 : vector<136x128xbf16>
      %add3A_3877 = arith.addf %add3A_3869, %mul3A_3876 : vector<136x128xbf16>
      %get3A_3878 = arith.constant 50 : index
      %get3A_3879 = arith.constant 3 : index
      %get3A_3880 = vector.load %arg2[%get3A_3878, %get3A_3879] : memref<64x9xf32, #tpu.memory_space<vmem>>, vector<1x1xf32>
      %get3A_3881 = vector.extract %get3A_3880[0, 0] : f32 from vector<1x1xf32>
      %convert_element_type3A_3882 = arith.truncf %get3A_3881 : f32 to bf16
      %mul3A_3883 = vector.broadcast %convert_element_type3A_3882 : bf16 to vector<136x128xbf16>
      %mul3A_3884 = arith.mulf %convert_element_type3A_124, %mul3A_3883 : vector<136x128xbf16>
      %add3A_3885 = arith.addf %add3A_3877, %mul3A_3884 : vector<136x128xbf16>
      %get3A_3886 = arith.constant 50 : index
      %get3A_3887 = arith.constant 4 : index
      %get3A_3888 = vector.load %arg2[%get3A_3886, %get3A_3887] : memref<64x9xf32, #tpu.memory_space<vmem>>, vector<1x1xf32>
      %get3A_3889 = vector.extract %get3A_3888[0, 0] : f32 from vector<1x1xf32>
      %convert_element_type3A_3890 = arith.truncf %get3A_3889 : f32 to bf16
      %mul3A_3891 = vector.broadcast %convert_element_type3A_3890 : bf16 to vector<136x128xbf16>
      %mul3A_3892 = arith.mulf %convert_element_type3A_130, %mul3A_3891 : vector<136x128xbf16>
      %add3A_3893 = arith.addf %add3A_3885, %mul3A_3892 : vector<136x128xbf16>
      %get3A_3894 = arith.constant 50 : index
      %get3A_3895 = arith.constant 5 : index
      %get3A_3896 = vector.load %arg2[%get3A_3894, %get3A_3895] : memref<64x9xf32, #tpu.memory_space<vmem>>, vector<1x1xf32>
      %get3A_3897 = vector.extract %get3A_3896[0, 0] : f32 from vector<1x1xf32>
      %convert_element_type3A_3898 = arith.truncf %get3A_3897 : f32 to bf16
      %mul3A_3899 = vector.broadcast %convert_element_type3A_3898 : bf16 to vector<136x128xbf16>
      %mul3A_3900 = arith.mulf %convert_element_type3A_136, %mul3A_3899 : vector<136x128xbf16>
      %add3A_3901 = arith.addf %add3A_3893, %mul3A_3900 : vector<136x128xbf16>
      %get3A_3902 = arith.constant 50 : index
      %get3A_3903 = arith.constant 6 : index
      %get3A_3904 = vector.load %arg2[%get3A_3902, %get3A_3903] : memref<64x9xf32, #tpu.memory_space<vmem>>, vector<1x1xf32>
      %get3A_3905 = vector.extract %get3A_3904[0, 0] : f32 from vector<1x1xf32>
      %convert_element_type3A_3906 = arith.truncf %get3A_3905 : f32 to bf16
      %mul3A_3907 = vector.broadcast %convert_element_type3A_3906 : bf16 to vector<136x128xbf16>
      %mul3A_3908 = arith.mulf %convert_element_type3A_142, %mul3A_3907 : vector<136x128xbf16>
      %add3A_3909 = arith.addf %add3A_3901, %mul3A_3908 : vector<136x128xbf16>
      %get3A_3910 = arith.constant 50 : index
      %get3A_3911 = arith.constant 7 : index
      %get3A_3912 = vector.load %arg2[%get3A_3910, %get3A_3911] : memref<64x9xf32, #tpu.memory_space<vmem>>, vector<1x1xf32>
      %get3A_3913 = vector.extract %get3A_3912[0, 0] : f32 from vector<1x1xf32>
      %convert_element_type3A_3914 = arith.truncf %get3A_3913 : f32 to bf16
      %mul3A_3915 = vector.broadcast %convert_element_type3A_3914 : bf16 to vector<136x128xbf16>
      %mul3A_3916 = arith.mulf %convert_element_type3A_148, %mul3A_3915 : vector<136x128xbf16>
      %add3A_3917 = arith.addf %add3A_3909, %mul3A_3916 : vector<136x128xbf16>
      %get3A_3918 = arith.constant 50 : index
      %get3A_3919 = arith.constant 8 : index
      %get3A_3920 = vector.load %arg2[%get3A_3918, %get3A_3919] : memref<64x9xf32, #tpu.memory_space<vmem>>, vector<1x1xf32>
      %get3A_3921 = vector.extract %get3A_3920[0, 0] : f32 from vector<1x1xf32>
      %convert_element_type3A_3922 = arith.truncf %get3A_3921 : f32 to bf16
      %mul3A_3923 = vector.broadcast %convert_element_type3A_3922 : bf16 to vector<136x128xbf16>
      %mul3A_3924 = arith.mulf %convert_element_type3A_154, %mul3A_3923 : vector<136x128xbf16>
      %add3A_3925 = arith.addf %add3A_3917, %mul3A_3924 : vector<136x128xbf16>
      %swap3A_3926 = arith.constant 0 : index
      %swap3A_3927 = arith.constant 6400 : index
      %swap3A_3928 = vector.load %arg7[%swap3A_3926, %swap3A_3927] : memref<137x8192xbf16, #tpu.memory_space<vmem>>, vector<136x128xbf16>
      tpu.vector_store %arg7[%swap3A_3926, %swap3A_3927], %add3A_3925 {strides = array<i32>} : memref<137x8192xbf16, #tpu.memory_space<vmem>>, vector<136x128xbf16>,
      %get3A_3929 = arith.constant 51 : index
      %get3A_3930 = arith.constant 0 : index
      %get3A_3931 = vector.load %arg2[%get3A_3929, %get3A_3930] : memref<64x9xf32, #tpu.memory_space<vmem>>, vector<1x1xf32>
      %get3A_3932 = vector.extract %get3A_3931[0, 0] : f32 from vector<1x1xf32>
      %convert_element_type3A_3933 = arith.truncf %get3A_3932 : f32 to bf16
      %mul3A_3934 = vector.broadcast %convert_element_type3A_3933 : bf16 to vector<136x128xbf16>
      %mul3A_3935 = arith.mulf %convert_element_type3A_106, %mul3A_3934 : vector<136x128xbf16>
      %get3A_3936 = arith.constant 51 : index
      %get3A_3937 = arith.constant 1 : index
      %get3A_3938 = vector.load %arg2[%get3A_3936, %get3A_3937] : memref<64x9xf32, #tpu.memory_space<vmem>>, vector<1x1xf32>
      %get3A_3939 = vector.extract %get3A_3938[0, 0] : f32 from vector<1x1xf32>
      %convert_element_type3A_3940 = arith.truncf %get3A_3939 : f32 to bf16
      %mul3A_3941 = vector.broadcast %convert_element_type3A_3940 : bf16 to vector<136x128xbf16>
      %mul3A_3942 = arith.mulf %convert_element_type3A_112, %mul3A_3941 : vector<136x128xbf16>
      %add3A_3943 = arith.addf %mul3A_3935, %mul3A_3942 : vector<136x128xbf16>
      %get3A_3944 = arith.constant 51 : index
      %get3A_3945 = arith.constant 2 : index
      %get3A_3946 = vector.load %arg2[%get3A_3944, %get3A_3945] : memref<64x9xf32, #tpu.memory_space<vmem>>, vector<1x1xf32>
      %get3A_3947 = vector.extract %get3A_3946[0, 0] : f32 from vector<1x1xf32>
      %convert_element_type3A_3948 = arith.truncf %get3A_3947 : f32 to bf16
      %mul3A_3949 = vector.broadcast %convert_element_type3A_3948 : bf16 to vector<136x128xbf16>
      %mul3A_3950 = arith.mulf %convert_element_type3A_118, %mul3A_3949 : vector<136x128xbf16>
      %add3A_3951 = arith.addf %add3A_3943, %mul3A_3950 : vector<136x128xbf16>
      %get3A_3952 = arith.constant 51 : index
      %get3A_3953 = arith.constant 3 : index
      %get3A_3954 = vector.load %arg2[%get3A_3952, %get3A_3953] : memref<64x9xf32, #tpu.memory_space<vmem>>, vector<1x1xf32>
      %get3A_3955 = vector.extract %get3A_3954[0, 0] : f32 from vector<1x1xf32>
      %convert_element_type3A_3956 = arith.truncf %get3A_3955 : f32 to bf16
      %mul3A_3957 = vector.broadcast %convert_element_type3A_3956 : bf16 to vector<136x128xbf16>
      %mul3A_3958 = arith.mulf %convert_element_type3A_124, %mul3A_3957 : vector<136x128xbf16>
      %add3A_3959 = arith.addf %add3A_3951, %mul3A_3958 : vector<136x128xbf16>
      %get3A_3960 = arith.constant 51 : index
      %get3A_3961 = arith.constant 4 : index
      %get3A_3962 = vector.load %arg2[%get3A_3960, %get3A_3961] : memref<64x9xf32, #tpu.memory_space<vmem>>, vector<1x1xf32>
      %get3A_3963 = vector.extract %get3A_3962[0, 0] : f32 from vector<1x1xf32>
      %convert_element_type3A_3964 = arith.truncf %get3A_3963 : f32 to bf16
      %mul3A_3965 = vector.broadcast %convert_element_type3A_3964 : bf16 to vector<136x128xbf16>
      %mul3A_3966 = arith.mulf %convert_element_type3A_130, %mul3A_3965 : vector<136x128xbf16>
      %add3A_3967 = arith.addf %add3A_3959, %mul3A_3966 : vector<136x128xbf16>
      %get3A_3968 = arith.constant 51 : index
      %get3A_3969 = arith.constant 5 : index
      %get3A_3970 = vector.load %arg2[%get3A_3968, %get3A_3969] : memref<64x9xf32, #tpu.memory_space<vmem>>, vector<1x1xf32>
      %get3A_3971 = vector.extract %get3A_3970[0, 0] : f32 from vector<1x1xf32>
      %convert_element_type3A_3972 = arith.truncf %get3A_3971 : f32 to bf16
      %mul3A_3973 = vector.broadcast %convert_element_type3A_3972 : bf16 to vector<136x128xbf16>
      %mul3A_3974 = arith.mulf %convert_element_type3A_136, %mul3A_3973 : vector<136x128xbf16>
      %add3A_3975 = arith.addf %add3A_3967, %mul3A_3974 : vector<136x128xbf16>
      %get3A_3976 = arith.constant 51 : index
      %get3A_3977 = arith.constant 6 : index
      %get3A_3978 = vector.load %arg2[%get3A_3976, %get3A_3977] : memref<64x9xf32, #tpu.memory_space<vmem>>, vector<1x1xf32>
      %get3A_3979 = vector.extract %get3A_3978[0, 0] : f32 from vector<1x1xf32>
      %convert_element_type3A_3980 = arith.truncf %get3A_3979 : f32 to bf16
      %mul3A_3981 = vector.broadcast %convert_element_type3A_3980 : bf16 to vector<136x128xbf16>
      %mul3A_3982 = arith.mulf %convert_element_type3A_142, %mul3A_3981 : vector<136x128xbf16>
      %add3A_3983 = arith.addf %add3A_3975, %mul3A_3982 : vector<136x128xbf16>
      %get3A_3984 = arith.constant 51 : index
      %get3A_3985 = arith.constant 7 : index
      %get3A_3986 = vector.load %arg2[%get3A_3984, %get3A_3985] : memref<64x9xf32, #tpu.memory_space<vmem>>, vector<1x1xf32>
      %get3A_3987 = vector.extract %get3A_3986[0, 0] : f32 from vector<1x1xf32>
      %convert_element_type3A_3988 = arith.truncf %get3A_3987 : f32 to bf16
      %mul3A_3989 = vector.broadcast %convert_element_type3A_3988 : bf16 to vector<136x128xbf16>
      %mul3A_3990 = arith.mulf %convert_element_type3A_148, %mul3A_3989 : vector<136x128xbf16>
      %add3A_3991 = arith.addf %add3A_3983, %mul3A_3990 : vector<136x128xbf16>
      %get3A_3992 = arith.constant 51 : index
      %get3A_3993 = arith.constant 8 : index
      %get3A_3994 = vector.load %arg2[%get3A_3992, %get3A_3993] : memref<64x9xf32, #tpu.memory_space<vmem>>, vector<1x1xf32>
      %get3A_3995 = vector.extract %get3A_3994[0, 0] : f32 from vector<1x1xf32>
      %convert_element_type3A_3996 = arith.truncf %get3A_3995 : f32 to bf16
      %mul3A_3997 = vector.broadcast %convert_element_type3A_3996 : bf16 to vector<136x128xbf16>
      %mul3A_3998 = arith.mulf %convert_element_type3A_154, %mul3A_3997 : vector<136x128xbf16>
      %add3A_3999 = arith.addf %add3A_3991, %mul3A_3998 : vector<136x128xbf16>
      %swap3A_4000 = arith.constant 0 : index
      %swap3A_4001 = arith.constant 6528 : index
      %swap3A_4002 = vector.load %arg7[%swap3A_4000, %swap3A_4001] : memref<137x8192xbf16, #tpu.memory_space<vmem>>, vector<136x128xbf16>
      tpu.vector_store %arg7[%swap3A_4000, %swap3A_4001], %add3A_3999 {strides = array<i32>} : memref<137x8192xbf16, #tpu.memory_space<vmem>>, vector<136x128xbf16>,
      %get3A_4003 = arith.constant 52 : index
      %get3A_4004 = arith.constant 0 : index
      %get3A_4005 = vector.load %arg2[%get3A_4003, %get3A_4004] : memref<64x9xf32, #tpu.memory_space<vmem>>, vector<1x1xf32>
      %get3A_4006 = vector.extract %get3A_4005[0, 0] : f32 from vector<1x1xf32>
      %convert_element_type3A_4007 = arith.truncf %get3A_4006 : f32 to bf16
      %mul3A_4008 = vector.broadcast %convert_element_type3A_4007 : bf16 to vector<136x128xbf16>
      %mul3A_4009 = arith.mulf %convert_element_type3A_106, %mul3A_4008 : vector<136x128xbf16>
      %get3A_4010 = arith.constant 52 : index
      %get3A_4011 = arith.constant 1 : index
      %get3A_4012 = vector.load %arg2[%get3A_4010, %get3A_4011] : memref<64x9xf32, #tpu.memory_space<vmem>>, vector<1x1xf32>
      %get3A_4013 = vector.extract %get3A_4012[0, 0] : f32 from vector<1x1xf32>
      %convert_element_type3A_4014 = arith.truncf %get3A_4013 : f32 to bf16
      %mul3A_4015 = vector.broadcast %convert_element_type3A_4014 : bf16 to vector<136x128xbf16>
      %mul3A_4016 = arith.mulf %convert_element_type3A_112, %mul3A_4015 : vector<136x128xbf16>
      %add3A_4017 = arith.addf %mul3A_4009, %mul3A_4016 : vector<136x128xbf16>
      %get3A_4018 = arith.constant 52 : index
      %get3A_4019 = arith.constant 2 : index
      %get3A_4020 = vector.load %arg2[%get3A_4018, %get3A_4019] : memref<64x9xf32, #tpu.memory_space<vmem>>, vector<1x1xf32>
      %get3A_4021 = vector.extract %get3A_4020[0, 0] : f32 from vector<1x1xf32>
      %convert_element_type3A_4022 = arith.truncf %get3A_4021 : f32 to bf16
      %mul3A_4023 = vector.broadcast %convert_element_type3A_4022 : bf16 to vector<136x128xbf16>
      %mul3A_4024 = arith.mulf %convert_element_type3A_118, %mul3A_4023 : vector<136x128xbf16>
      %add3A_4025 = arith.addf %add3A_4017, %mul3A_4024 : vector<136x128xbf16>
      %get3A_4026 = arith.constant 52 : index
      %get3A_4027 = arith.constant 3 : index
      %get3A_4028 = vector.load %arg2[%get3A_4026, %get3A_4027] : memref<64x9xf32, #tpu.memory_space<vmem>>, vector<1x1xf32>
      %get3A_4029 = vector.extract %get3A_4028[0, 0] : f32 from vector<1x1xf32>
      %convert_element_type3A_4030 = arith.truncf %get3A_4029 : f32 to bf16
      %mul3A_4031 = vector.broadcast %convert_element_type3A_4030 : bf16 to vector<136x128xbf16>
      %mul3A_4032 = arith.mulf %convert_element_type3A_124, %mul3A_4031 : vector<136x128xbf16>
      %add3A_4033 = arith.addf %add3A_4025, %mul3A_4032 : vector<136x128xbf16>
      %get3A_4034 = arith.constant 52 : index
      %get3A_4035 = arith.constant 4 : index
      %get3A_4036 = vector.load %arg2[%get3A_4034, %get3A_4035] : memref<64x9xf32, #tpu.memory_space<vmem>>, vector<1x1xf32>
      %get3A_4037 = vector.extract %get3A_4036[0, 0] : f32 from vector<1x1xf32>
      %convert_element_type3A_4038 = arith.truncf %get3A_4037 : f32 to bf16
      %mul3A_4039 = vector.broadcast %convert_element_type3A_4038 : bf16 to vector<136x128xbf16>
      %mul3A_4040 = arith.mulf %convert_element_type3A_130, %mul3A_4039 : vector<136x128xbf16>
      %add3A_4041 = arith.addf %add3A_4033, %mul3A_4040 : vector<136x128xbf16>
      %get3A_4042 = arith.constant 52 : index
      %get3A_4043 = arith.constant 5 : index
      %get3A_4044 = vector.load %arg2[%get3A_4042, %get3A_4043] : memref<64x9xf32, #tpu.memory_space<vmem>>, vector<1x1xf32>
      %get3A_4045 = vector.extract %get3A_4044[0, 0] : f32 from vector<1x1xf32>
      %convert_element_type3A_4046 = arith.truncf %get3A_4045 : f32 to bf16
      %mul3A_4047 = vector.broadcast %convert_element_type3A_4046 : bf16 to vector<136x128xbf16>
      %mul3A_4048 = arith.mulf %convert_element_type3A_136, %mul3A_4047 : vector<136x128xbf16>
      %add3A_4049 = arith.addf %add3A_4041, %mul3A_4048 : vector<136x128xbf16>
      %get3A_4050 = arith.constant 52 : index
      %get3A_4051 = arith.constant 6 : index
      %get3A_4052 = vector.load %arg2[%get3A_4050, %get3A_4051] : memref<64x9xf32, #tpu.memory_space<vmem>>, vector<1x1xf32>
      %get3A_4053 = vector.extract %get3A_4052[0, 0] : f32 from vector<1x1xf32>
      %convert_element_type3A_4054 = arith.truncf %get3A_4053 : f32 to bf16
      %mul3A_4055 = vector.broadcast %convert_element_type3A_4054 : bf16 to vector<136x128xbf16>
      %mul3A_4056 = arith.mulf %convert_element_type3A_142, %mul3A_4055 : vector<136x128xbf16>
      %add3A_4057 = arith.addf %add3A_4049, %mul3A_4056 : vector<136x128xbf16>
      %get3A_4058 = arith.constant 52 : index
      %get3A_4059 = arith.constant 7 : index
      %get3A_4060 = vector.load %arg2[%get3A_4058, %get3A_4059] : memref<64x9xf32, #tpu.memory_space<vmem>>, vector<1x1xf32>
      %get3A_4061 = vector.extract %get3A_4060[0, 0] : f32 from vector<1x1xf32>
      %convert_element_type3A_4062 = arith.truncf %get3A_4061 : f32 to bf16
      %mul3A_4063 = vector.broadcast %convert_element_type3A_4062 : bf16 to vector<136x128xbf16>
      %mul3A_4064 = arith.mulf %convert_element_type3A_148, %mul3A_4063 : vector<136x128xbf16>
      %add3A_4065 = arith.addf %add3A_4057, %mul3A_4064 : vector<136x128xbf16>
      %get3A_4066 = arith.constant 52 : index
      %get3A_4067 = arith.constant 8 : index
      %get3A_4068 = vector.load %arg2[%get3A_4066, %get3A_4067] : memref<64x9xf32, #tpu.memory_space<vmem>>, vector<1x1xf32>
      %get3A_4069 = vector.extract %get3A_4068[0, 0] : f32 from vector<1x1xf32>
      %convert_element_type3A_4070 = arith.truncf %get3A_4069 : f32 to bf16
      %mul3A_4071 = vector.broadcast %convert_element_type3A_4070 : bf16 to vector<136x128xbf16>
      %mul3A_4072 = arith.mulf %convert_element_type3A_154, %mul3A_4071 : vector<136x128xbf16>
      %add3A_4073 = arith.addf %add3A_4065, %mul3A_4072 : vector<136x128xbf16>
      %swap3A_4074 = arith.constant 0 : index
      %swap3A_4075 = arith.constant 6656 : index
      %swap3A_4076 = vector.load %arg7[%swap3A_4074, %swap3A_4075] : memref<137x8192xbf16, #tpu.memory_space<vmem>>, vector<136x128xbf16>
      tpu.vector_store %arg7[%swap3A_4074, %swap3A_4075], %add3A_4073 {strides = array<i32>} : memref<137x8192xbf16, #tpu.memory_space<vmem>>, vector<136x128xbf16>,
      %get3A_4077 = arith.constant 53 : index
      %get3A_4078 = arith.constant 0 : index
      %get3A_4079 = vector.load %arg2[%get3A_4077, %get3A_4078] : memref<64x9xf32, #tpu.memory_space<vmem>>, vector<1x1xf32>
      %get3A_4080 = vector.extract %get3A_4079[0, 0] : f32 from vector<1x1xf32>
      %convert_element_type3A_4081 = arith.truncf %get3A_4080 : f32 to bf16
      %mul3A_4082 = vector.broadcast %convert_element_type3A_4081 : bf16 to vector<136x128xbf16>
      %mul3A_4083 = arith.mulf %convert_element_type3A_106, %mul3A_4082 : vector<136x128xbf16>
      %get3A_4084 = arith.constant 53 : index
      %get3A_4085 = arith.constant 1 : index
      %get3A_4086 = vector.load %arg2[%get3A_4084, %get3A_4085] : memref<64x9xf32, #tpu.memory_space<vmem>>, vector<1x1xf32>
      %get3A_4087 = vector.extract %get3A_4086[0, 0] : f32 from vector<1x1xf32>
      %convert_element_type3A_4088 = arith.truncf %get3A_4087 : f32 to bf16
      %mul3A_4089 = vector.broadcast %convert_element_type3A_4088 : bf16 to vector<136x128xbf16>
      %mul3A_4090 = arith.mulf %convert_element_type3A_112, %mul3A_4089 : vector<136x128xbf16>
      %add3A_4091 = arith.addf %mul3A_4083, %mul3A_4090 : vector<136x128xbf16>
      %get3A_4092 = arith.constant 53 : index
      %get3A_4093 = arith.constant 2 : index
      %get3A_4094 = vector.load %arg2[%get3A_4092, %get3A_4093] : memref<64x9xf32, #tpu.memory_space<vmem>>, vector<1x1xf32>
      %get3A_4095 = vector.extract %get3A_4094[0, 0] : f32 from vector<1x1xf32>
      %convert_element_type3A_4096 = arith.truncf %get3A_4095 : f32 to bf16
      %mul3A_4097 = vector.broadcast %convert_element_type3A_4096 : bf16 to vector<136x128xbf16>
      %mul3A_4098 = arith.mulf %convert_element_type3A_118, %mul3A_4097 : vector<136x128xbf16>
      %add3A_4099 = arith.addf %add3A_4091, %mul3A_4098 : vector<136x128xbf16>
      %get3A_4100 = arith.constant 53 : index
      %get3A_4101 = arith.constant 3 : index
      %get3A_4102 = vector.load %arg2[%get3A_4100, %get3A_4101] : memref<64x9xf32, #tpu.memory_space<vmem>>, vector<1x1xf32>
      %get3A_4103 = vector.extract %get3A_4102[0, 0] : f32 from vector<1x1xf32>
      %convert_element_type3A_4104 = arith.truncf %get3A_4103 : f32 to bf16
      %mul3A_4105 = vector.broadcast %convert_element_type3A_4104 : bf16 to vector<136x128xbf16>
      %mul3A_4106 = arith.mulf %convert_element_type3A_124, %mul3A_4105 : vector<136x128xbf16>
      %add3A_4107 = arith.addf %add3A_4099, %mul3A_4106 : vector<136x128xbf16>
      %get3A_4108 = arith.constant 53 : index
      %get3A_4109 = arith.constant 4 : index
      %get3A_4110 = vector.load %arg2[%get3A_4108, %get3A_4109] : memref<64x9xf32, #tpu.memory_space<vmem>>, vector<1x1xf32>
      %get3A_4111 = vector.extract %get3A_4110[0, 0] : f32 from vector<1x1xf32>
      %convert_element_type3A_4112 = arith.truncf %get3A_4111 : f32 to bf16
      %mul3A_4113 = vector.broadcast %convert_element_type3A_4112 : bf16 to vector<136x128xbf16>
      %mul3A_4114 = arith.mulf %convert_element_type3A_130, %mul3A_4113 : vector<136x128xbf16>
      %add3A_4115 = arith.addf %add3A_4107, %mul3A_4114 : vector<136x128xbf16>
      %get3A_4116 = arith.constant 53 : index
      %get3A_4117 = arith.constant 5 : index
      %get3A_4118 = vector.load %arg2[%get3A_4116, %get3A_4117] : memref<64x9xf32, #tpu.memory_space<vmem>>, vector<1x1xf32>
      %get3A_4119 = vector.extract %get3A_4118[0, 0] : f32 from vector<1x1xf32>
      %convert_element_type3A_4120 = arith.truncf %get3A_4119 : f32 to bf16
      %mul3A_4121 = vector.broadcast %convert_element_type3A_4120 : bf16 to vector<136x128xbf16>
      %mul3A_4122 = arith.mulf %convert_element_type3A_136, %mul3A_4121 : vector<136x128xbf16>
      %add3A_4123 = arith.addf %add3A_4115, %mul3A_4122 : vector<136x128xbf16>
      %get3A_4124 = arith.constant 53 : index
      %get3A_4125 = arith.constant 6 : index
      %get3A_4126 = vector.load %arg2[%get3A_4124, %get3A_4125] : memref<64x9xf32, #tpu.memory_space<vmem>>, vector<1x1xf32>
      %get3A_4127 = vector.extract %get3A_4126[0, 0] : f32 from vector<1x1xf32>
      %convert_element_type3A_4128 = arith.truncf %get3A_4127 : f32 to bf16
      %mul3A_4129 = vector.broadcast %convert_element_type3A_4128 : bf16 to vector<136x128xbf16>
      %mul3A_4130 = arith.mulf %convert_element_type3A_142, %mul3A_4129 : vector<136x128xbf16>
      %add3A_4131 = arith.addf %add3A_4123, %mul3A_4130 : vector<136x128xbf16>
      %get3A_4132 = arith.constant 53 : index
      %get3A_4133 = arith.constant 7 : index
      %get3A_4134 = vector.load %arg2[%get3A_4132, %get3A_4133] : memref<64x9xf32, #tpu.memory_space<vmem>>, vector<1x1xf32>
      %get3A_4135 = vector.extract %get3A_4134[0, 0] : f32 from vector<1x1xf32>
      %convert_element_type3A_4136 = arith.truncf %get3A_4135 : f32 to bf16
      %mul3A_4137 = vector.broadcast %convert_element_type3A_4136 : bf16 to vector<136x128xbf16>
      %mul3A_4138 = arith.mulf %convert_element_type3A_148, %mul3A_4137 : vector<136x128xbf16>
      %add3A_4139 = arith.addf %add3A_4131, %mul3A_4138 : vector<136x128xbf16>
      %get3A_4140 = arith.constant 53 : index
      %get3A_4141 = arith.constant 8 : index
      %get3A_4142 = vector.load %arg2[%get3A_4140, %get3A_4141] : memref<64x9xf32, #tpu.memory_space<vmem>>, vector<1x1xf32>
      %get3A_4143 = vector.extract %get3A_4142[0, 0] : f32 from vector<1x1xf32>
      %convert_element_type3A_4144 = arith.truncf %get3A_4143 : f32 to bf16
      %mul3A_4145 = vector.broadcast %convert_element_type3A_4144 : bf16 to vector<136x128xbf16>
      %mul3A_4146 = arith.mulf %convert_element_type3A_154, %mul3A_4145 : vector<136x128xbf16>
      %add3A_4147 = arith.addf %add3A_4139, %mul3A_4146 : vector<136x128xbf16>
      %swap3A_4148 = arith.constant 0 : index
      %swap3A_4149 = arith.constant 6784 : index
      %swap3A_4150 = vector.load %arg7[%swap3A_4148, %swap3A_4149] : memref<137x8192xbf16, #tpu.memory_space<vmem>>, vector<136x128xbf16>
      tpu.vector_store %arg7[%swap3A_4148, %swap3A_4149], %add3A_4147 {strides = array<i32>} : memref<137x8192xbf16, #tpu.memory_space<vmem>>, vector<136x128xbf16>,
      %get3A_4151 = arith.constant 54 : index
      %get3A_4152 = arith.constant 0 : index
      %get3A_4153 = vector.load %arg2[%get3A_4151, %get3A_4152] : memref<64x9xf32, #tpu.memory_space<vmem>>, vector<1x1xf32>
      %get3A_4154 = vector.extract %get3A_4153[0, 0] : f32 from vector<1x1xf32>
      %convert_element_type3A_4155 = arith.truncf %get3A_4154 : f32 to bf16
      %mul3A_4156 = vector.broadcast %convert_element_type3A_4155 : bf16 to vector<136x128xbf16>
      %mul3A_4157 = arith.mulf %convert_element_type3A_106, %mul3A_4156 : vector<136x128xbf16>
      %get3A_4158 = arith.constant 54 : index
      %get3A_4159 = arith.constant 1 : index
      %get3A_4160 = vector.load %arg2[%get3A_4158, %get3A_4159] : memref<64x9xf32, #tpu.memory_space<vmem>>, vector<1x1xf32>
      %get3A_4161 = vector.extract %get3A_4160[0, 0] : f32 from vector<1x1xf32>
      %convert_element_type3A_4162 = arith.truncf %get3A_4161 : f32 to bf16
      %mul3A_4163 = vector.broadcast %convert_element_type3A_4162 : bf16 to vector<136x128xbf16>
      %mul3A_4164 = arith.mulf %convert_element_type3A_112, %mul3A_4163 : vector<136x128xbf16>
      %add3A_4165 = arith.addf %mul3A_4157, %mul3A_4164 : vector<136x128xbf16>
      %get3A_4166 = arith.constant 54 : index
      %get3A_4167 = arith.constant 2 : index
      %get3A_4168 = vector.load %arg2[%get3A_4166, %get3A_4167] : memref<64x9xf32, #tpu.memory_space<vmem>>, vector<1x1xf32>
      %get3A_4169 = vector.extract %get3A_4168[0, 0] : f32 from vector<1x1xf32>
      %convert_element_type3A_4170 = arith.truncf %get3A_4169 : f32 to bf16
      %mul3A_4171 = vector.broadcast %convert_element_type3A_4170 : bf16 to vector<136x128xbf16>
      %mul3A_4172 = arith.mulf %convert_element_type3A_118, %mul3A_4171 : vector<136x128xbf16>
      %add3A_4173 = arith.addf %add3A_4165, %mul3A_4172 : vector<136x128xbf16>
      %get3A_4174 = arith.constant 54 : index
      %get3A_4175 = arith.constant 3 : index
      %get3A_4176 = vector.load %arg2[%get3A_4174, %get3A_4175] : memref<64x9xf32, #tpu.memory_space<vmem>>, vector<1x1xf32>
      %get3A_4177 = vector.extract %get3A_4176[0, 0] : f32 from vector<1x1xf32>
      %convert_element_type3A_4178 = arith.truncf %get3A_4177 : f32 to bf16
      %mul3A_4179 = vector.broadcast %convert_element_type3A_4178 : bf16 to vector<136x128xbf16>
      %mul3A_4180 = arith.mulf %convert_element_type3A_124, %mul3A_4179 : vector<136x128xbf16>
      %add3A_4181 = arith.addf %add3A_4173, %mul3A_4180 : vector<136x128xbf16>
      %get3A_4182 = arith.constant 54 : index
      %get3A_4183 = arith.constant 4 : index
      %get3A_4184 = vector.load %arg2[%get3A_4182, %get3A_4183] : memref<64x9xf32, #tpu.memory_space<vmem>>, vector<1x1xf32>
      %get3A_4185 = vector.extract %get3A_4184[0, 0] : f32 from vector<1x1xf32>
      %convert_element_type3A_4186 = arith.truncf %get3A_4185 : f32 to bf16
      %mul3A_4187 = vector.broadcast %convert_element_type3A_4186 : bf16 to vector<136x128xbf16>
      %mul3A_4188 = arith.mulf %convert_element_type3A_130, %mul3A_4187 : vector<136x128xbf16>
      %add3A_4189 = arith.addf %add3A_4181, %mul3A_4188 : vector<136x128xbf16>
      %get3A_4190 = arith.constant 54 : index
      %get3A_4191 = arith.constant 5 : index
      %get3A_4192 = vector.load %arg2[%get3A_4190, %get3A_4191] : memref<64x9xf32, #tpu.memory_space<vmem>>, vector<1x1xf32>
      %get3A_4193 = vector.extract %get3A_4192[0, 0] : f32 from vector<1x1xf32>
      %convert_element_type3A_4194 = arith.truncf %get3A_4193 : f32 to bf16
      %mul3A_4195 = vector.broadcast %convert_element_type3A_4194 : bf16 to vector<136x128xbf16>
      %mul3A_4196 = arith.mulf %convert_element_type3A_136, %mul3A_4195 : vector<136x128xbf16>
      %add3A_4197 = arith.addf %add3A_4189, %mul3A_4196 : vector<136x128xbf16>
      %get3A_4198 = arith.constant 54 : index
      %get3A_4199 = arith.constant 6 : index
      %get3A_4200 = vector.load %arg2[%get3A_4198, %get3A_4199] : memref<64x9xf32, #tpu.memory_space<vmem>>, vector<1x1xf32>
      %get3A_4201 = vector.extract %get3A_4200[0, 0] : f32 from vector<1x1xf32>
      %convert_element_type3A_4202 = arith.truncf %get3A_4201 : f32 to bf16
      %mul3A_4203 = vector.broadcast %convert_element_type3A_4202 : bf16 to vector<136x128xbf16>
      %mul3A_4204 = arith.mulf %convert_element_type3A_142, %mul3A_4203 : vector<136x128xbf16>
      %add3A_4205 = arith.addf %add3A_4197, %mul3A_4204 : vector<136x128xbf16>
      %get3A_4206 = arith.constant 54 : index
      %get3A_4207 = arith.constant 7 : index
      %get3A_4208 = vector.load %arg2[%get3A_4206, %get3A_4207] : memref<64x9xf32, #tpu.memory_space<vmem>>, vector<1x1xf32>
      %get3A_4209 = vector.extract %get3A_4208[0, 0] : f32 from vector<1x1xf32>
      %convert_element_type3A_4210 = arith.truncf %get3A_4209 : f32 to bf16
      %mul3A_4211 = vector.broadcast %convert_element_type3A_4210 : bf16 to vector<136x128xbf16>
      %mul3A_4212 = arith.mulf %convert_element_type3A_148, %mul3A_4211 : vector<136x128xbf16>
      %add3A_4213 = arith.addf %add3A_4205, %mul3A_4212 : vector<136x128xbf16>
      %get3A_4214 = arith.constant 54 : index
      %get3A_4215 = arith.constant 8 : index
      %get3A_4216 = vector.load %arg2[%get3A_4214, %get3A_4215] : memref<64x9xf32, #tpu.memory_space<vmem>>, vector<1x1xf32>
      %get3A_4217 = vector.extract %get3A_4216[0, 0] : f32 from vector<1x1xf32>
      %convert_element_type3A_4218 = arith.truncf %get3A_4217 : f32 to bf16
      %mul3A_4219 = vector.broadcast %convert_element_type3A_4218 : bf16 to vector<136x128xbf16>
      %mul3A_4220 = arith.mulf %convert_element_type3A_154, %mul3A_4219 : vector<136x128xbf16>
      %add3A_4221 = arith.addf %add3A_4213, %mul3A_4220 : vector<136x128xbf16>
      %swap3A_4222 = arith.constant 0 : index
      %swap3A_4223 = arith.constant 6912 : index
      %swap3A_4224 = vector.load %arg7[%swap3A_4222, %swap3A_4223] : memref<137x8192xbf16, #tpu.memory_space<vmem>>, vector<136x128xbf16>
      tpu.vector_store %arg7[%swap3A_4222, %swap3A_4223], %add3A_4221 {strides = array<i32>} : memref<137x8192xbf16, #tpu.memory_space<vmem>>, vector<136x128xbf16>,
      %get3A_4225 = arith.constant 55 : index
      %get3A_4226 = arith.constant 0 : index
      %get3A_4227 = vector.load %arg2[%get3A_4225, %get3A_4226] : memref<64x9xf32, #tpu.memory_space<vmem>>, vector<1x1xf32>
      %get3A_4228 = vector.extract %get3A_4227[0, 0] : f32 from vector<1x1xf32>
      %convert_element_type3A_4229 = arith.truncf %get3A_4228 : f32 to bf16
      %mul3A_4230 = vector.broadcast %convert_element_type3A_4229 : bf16 to vector<136x128xbf16>
      %mul3A_4231 = arith.mulf %convert_element_type3A_106, %mul3A_4230 : vector<136x128xbf16>
      %get3A_4232 = arith.constant 55 : index
      %get3A_4233 = arith.constant 1 : index
      %get3A_4234 = vector.load %arg2[%get3A_4232, %get3A_4233] : memref<64x9xf32, #tpu.memory_space<vmem>>, vector<1x1xf32>
      %get3A_4235 = vector.extract %get3A_4234[0, 0] : f32 from vector<1x1xf32>
      %convert_element_type3A_4236 = arith.truncf %get3A_4235 : f32 to bf16
      %mul3A_4237 = vector.broadcast %convert_element_type3A_4236 : bf16 to vector<136x128xbf16>
      %mul3A_4238 = arith.mulf %convert_element_type3A_112, %mul3A_4237 : vector<136x128xbf16>
      %add3A_4239 = arith.addf %mul3A_4231, %mul3A_4238 : vector<136x128xbf16>
      %get3A_4240 = arith.constant 55 : index
      %get3A_4241 = arith.constant 2 : index
      %get3A_4242 = vector.load %arg2[%get3A_4240, %get3A_4241] : memref<64x9xf32, #tpu.memory_space<vmem>>, vector<1x1xf32>
      %get3A_4243 = vector.extract %get3A_4242[0, 0] : f32 from vector<1x1xf32>
      %convert_element_type3A_4244 = arith.truncf %get3A_4243 : f32 to bf16
      %mul3A_4245 = vector.broadcast %convert_element_type3A_4244 : bf16 to vector<136x128xbf16>
      %mul3A_4246 = arith.mulf %convert_element_type3A_118, %mul3A_4245 : vector<136x128xbf16>
      %add3A_4247 = arith.addf %add3A_4239, %mul3A_4246 : vector<136x128xbf16>
      %get3A_4248 = arith.constant 55 : index
      %get3A_4249 = arith.constant 3 : index
      %get3A_4250 = vector.load %arg2[%get3A_4248, %get3A_4249] : memref<64x9xf32, #tpu.memory_space<vmem>>, vector<1x1xf32>
      %get3A_4251 = vector.extract %get3A_4250[0, 0] : f32 from vector<1x1xf32>
      %convert_element_type3A_4252 = arith.truncf %get3A_4251 : f32 to bf16
      %mul3A_4253 = vector.broadcast %convert_element_type3A_4252 : bf16 to vector<136x128xbf16>
      %mul3A_4254 = arith.mulf %convert_element_type3A_124, %mul3A_4253 : vector<136x128xbf16>
      %add3A_4255 = arith.addf %add3A_4247, %mul3A_4254 : vector<136x128xbf16>
      %get3A_4256 = arith.constant 55 : index
      %get3A_4257 = arith.constant 4 : index
      %get3A_4258 = vector.load %arg2[%get3A_4256, %get3A_4257] : memref<64x9xf32, #tpu.memory_space<vmem>>, vector<1x1xf32>
      %get3A_4259 = vector.extract %get3A_4258[0, 0] : f32 from vector<1x1xf32>
      %convert_element_type3A_4260 = arith.truncf %get3A_4259 : f32 to bf16
      %mul3A_4261 = vector.broadcast %convert_element_type3A_4260 : bf16 to vector<136x128xbf16>
      %mul3A_4262 = arith.mulf %convert_element_type3A_130, %mul3A_4261 : vector<136x128xbf16>
      %add3A_4263 = arith.addf %add3A_4255, %mul3A_4262 : vector<136x128xbf16>
      %get3A_4264 = arith.constant 55 : index
      %get3A_4265 = arith.constant 5 : index
      %get3A_4266 = vector.load %arg2[%get3A_4264, %get3A_4265] : memref<64x9xf32, #tpu.memory_space<vmem>>, vector<1x1xf32>
      %get3A_4267 = vector.extract %get3A_4266[0, 0] : f32 from vector<1x1xf32>
      %convert_element_type3A_4268 = arith.truncf %get3A_4267 : f32 to bf16
      %mul3A_4269 = vector.broadcast %convert_element_type3A_4268 : bf16 to vector<136x128xbf16>
      %mul3A_4270 = arith.mulf %convert_element_type3A_136, %mul3A_4269 : vector<136x128xbf16>
      %add3A_4271 = arith.addf %add3A_4263, %mul3A_4270 : vector<136x128xbf16>
      %get3A_4272 = arith.constant 55 : index
      %get3A_4273 = arith.constant 6 : index
      %get3A_4274 = vector.load %arg2[%get3A_4272, %get3A_4273] : memref<64x9xf32, #tpu.memory_space<vmem>>, vector<1x1xf32>
      %get3A_4275 = vector.extract %get3A_4274[0, 0] : f32 from vector<1x1xf32>
      %convert_element_type3A_4276 = arith.truncf %get3A_4275 : f32 to bf16
      %mul3A_4277 = vector.broadcast %convert_element_type3A_4276 : bf16 to vector<136x128xbf16>
      %mul3A_4278 = arith.mulf %convert_element_type3A_142, %mul3A_4277 : vector<136x128xbf16>
      %add3A_4279 = arith.addf %add3A_4271, %mul3A_4278 : vector<136x128xbf16>
      %get3A_4280 = arith.constant 55 : index
      %get3A_4281 = arith.constant 7 : index
      %get3A_4282 = vector.load %arg2[%get3A_4280, %get3A_4281] : memref<64x9xf32, #tpu.memory_space<vmem>>, vector<1x1xf32>
      %get3A_4283 = vector.extract %get3A_4282[0, 0] : f32 from vector<1x1xf32>
      %convert_element_type3A_4284 = arith.truncf %get3A_4283 : f32 to bf16
      %mul3A_4285 = vector.broadcast %convert_element_type3A_4284 : bf16 to vector<136x128xbf16>
      %mul3A_4286 = arith.mulf %convert_element_type3A_148, %mul3A_4285 : vector<136x128xbf16>
      %add3A_4287 = arith.addf %add3A_4279, %mul3A_4286 : vector<136x128xbf16>
      %get3A_4288 = arith.constant 55 : index
      %get3A_4289 = arith.constant 8 : index
      %get3A_4290 = vector.load %arg2[%get3A_4288, %get3A_4289] : memref<64x9xf32, #tpu.memory_space<vmem>>, vector<1x1xf32>
      %get3A_4291 = vector.extract %get3A_4290[0, 0] : f32 from vector<1x1xf32>
      %convert_element_type3A_4292 = arith.truncf %get3A_4291 : f32 to bf16
      %mul3A_4293 = vector.broadcast %convert_element_type3A_4292 : bf16 to vector<136x128xbf16>
      %mul3A_4294 = arith.mulf %convert_element_type3A_154, %mul3A_4293 : vector<136x128xbf16>
      %add3A_4295 = arith.addf %add3A_4287, %mul3A_4294 : vector<136x128xbf16>
      %swap3A_4296 = arith.constant 0 : index
      %swap3A_4297 = arith.constant 7040 : index
      %swap3A_4298 = vector.load %arg7[%swap3A_4296, %swap3A_4297] : memref<137x8192xbf16, #tpu.memory_space<vmem>>, vector<136x128xbf16>
      tpu.vector_store %arg7[%swap3A_4296, %swap3A_4297], %add3A_4295 {strides = array<i32>} : memref<137x8192xbf16, #tpu.memory_space<vmem>>, vector<136x128xbf16>,
      %get3A_4299 = arith.constant 56 : index
      %get3A_4300 = arith.constant 0 : index
      %get3A_4301 = vector.load %arg2[%get3A_4299, %get3A_4300] : memref<64x9xf32, #tpu.memory_space<vmem>>, vector<1x1xf32>
      %get3A_4302 = vector.extract %get3A_4301[0, 0] : f32 from vector<1x1xf32>
      %convert_element_type3A_4303 = arith.truncf %get3A_4302 : f32 to bf16
      %mul3A_4304 = vector.broadcast %convert_element_type3A_4303 : bf16 to vector<136x128xbf16>
      %mul3A_4305 = arith.mulf %convert_element_type3A_106, %mul3A_4304 : vector<136x128xbf16>
      %get3A_4306 = arith.constant 56 : index
      %get3A_4307 = arith.constant 1 : index
      %get3A_4308 = vector.load %arg2[%get3A_4306, %get3A_4307] : memref<64x9xf32, #tpu.memory_space<vmem>>, vector<1x1xf32>
      %get3A_4309 = vector.extract %get3A_4308[0, 0] : f32 from vector<1x1xf32>
      %convert_element_type3A_4310 = arith.truncf %get3A_4309 : f32 to bf16
      %mul3A_4311 = vector.broadcast %convert_element_type3A_4310 : bf16 to vector<136x128xbf16>
      %mul3A_4312 = arith.mulf %convert_element_type3A_112, %mul3A_4311 : vector<136x128xbf16>
      %add3A_4313 = arith.addf %mul3A_4305, %mul3A_4312 : vector<136x128xbf16>
      %get3A_4314 = arith.constant 56 : index
      %get3A_4315 = arith.constant 2 : index
      %get3A_4316 = vector.load %arg2[%get3A_4314, %get3A_4315] : memref<64x9xf32, #tpu.memory_space<vmem>>, vector<1x1xf32>
      %get3A_4317 = vector.extract %get3A_4316[0, 0] : f32 from vector<1x1xf32>
      %convert_element_type3A_4318 = arith.truncf %get3A_4317 : f32 to bf16
      %mul3A_4319 = vector.broadcast %convert_element_type3A_4318 : bf16 to vector<136x128xbf16>
      %mul3A_4320 = arith.mulf %convert_element_type3A_118, %mul3A_4319 : vector<136x128xbf16>
      %add3A_4321 = arith.addf %add3A_4313, %mul3A_4320 : vector<136x128xbf16>
      %get3A_4322 = arith.constant 56 : index
      %get3A_4323 = arith.constant 3 : index
      %get3A_4324 = vector.load %arg2[%get3A_4322, %get3A_4323] : memref<64x9xf32, #tpu.memory_space<vmem>>, vector<1x1xf32>
      %get3A_4325 = vector.extract %get3A_4324[0, 0] : f32 from vector<1x1xf32>
      %convert_element_type3A_4326 = arith.truncf %get3A_4325 : f32 to bf16
      %mul3A_4327 = vector.broadcast %convert_element_type3A_4326 : bf16 to vector<136x128xbf16>
      %mul3A_4328 = arith.mulf %convert_element_type3A_124, %mul3A_4327 : vector<136x128xbf16>
      %add3A_4329 = arith.addf %add3A_4321, %mul3A_4328 : vector<136x128xbf16>
      %get3A_4330 = arith.constant 56 : index
      %get3A_4331 = arith.constant 4 : index
      %get3A_4332 = vector.load %arg2[%get3A_4330, %get3A_4331] : memref<64x9xf32, #tpu.memory_space<vmem>>, vector<1x1xf32>
      %get3A_4333 = vector.extract %get3A_4332[0, 0] : f32 from vector<1x1xf32>
      %convert_element_type3A_4334 = arith.truncf %get3A_4333 : f32 to bf16
      %mul3A_4335 = vector.broadcast %convert_element_type3A_4334 : bf16 to vector<136x128xbf16>
      %mul3A_4336 = arith.mulf %convert_element_type3A_130, %mul3A_4335 : vector<136x128xbf16>
      %add3A_4337 = arith.addf %add3A_4329, %mul3A_4336 : vector<136x128xbf16>
      %get3A_4338 = arith.constant 56 : index
      %get3A_4339 = arith.constant 5 : index
      %get3A_4340 = vector.load %arg2[%get3A_4338, %get3A_4339] : memref<64x9xf32, #tpu.memory_space<vmem>>, vector<1x1xf32>
      %get3A_4341 = vector.extract %get3A_4340[0, 0] : f32 from vector<1x1xf32>
      %convert_element_type3A_4342 = arith.truncf %get3A_4341 : f32 to bf16
      %mul3A_4343 = vector.broadcast %convert_element_type3A_4342 : bf16 to vector<136x128xbf16>
      %mul3A_4344 = arith.mulf %convert_element_type3A_136, %mul3A_4343 : vector<136x128xbf16>
      %add3A_4345 = arith.addf %add3A_4337, %mul3A_4344 : vector<136x128xbf16>
      %get3A_4346 = arith.constant 56 : index
      %get3A_4347 = arith.constant 6 : index
      %get3A_4348 = vector.load %arg2[%get3A_4346, %get3A_4347] : memref<64x9xf32, #tpu.memory_space<vmem>>, vector<1x1xf32>
      %get3A_4349 = vector.extract %get3A_4348[0, 0] : f32 from vector<1x1xf32>
      %convert_element_type3A_4350 = arith.truncf %get3A_4349 : f32 to bf16
      %mul3A_4351 = vector.broadcast %convert_element_type3A_4350 : bf16 to vector<136x128xbf16>
      %mul3A_4352 = arith.mulf %convert_element_type3A_142, %mul3A_4351 : vector<136x128xbf16>
      %add3A_4353 = arith.addf %add3A_4345, %mul3A_4352 : vector<136x128xbf16>
      %get3A_4354 = arith.constant 56 : index
      %get3A_4355 = arith.constant 7 : index
      %get3A_4356 = vector.load %arg2[%get3A_4354, %get3A_4355] : memref<64x9xf32, #tpu.memory_space<vmem>>, vector<1x1xf32>
      %get3A_4357 = vector.extract %get3A_4356[0, 0] : f32 from vector<1x1xf32>
      %convert_element_type3A_4358 = arith.truncf %get3A_4357 : f32 to bf16
      %mul3A_4359 = vector.broadcast %convert_element_type3A_4358 : bf16 to vector<136x128xbf16>
      %mul3A_4360 = arith.mulf %convert_element_type3A_148, %mul3A_4359 : vector<136x128xbf16>
      %add3A_4361 = arith.addf %add3A_4353, %mul3A_4360 : vector<136x128xbf16>
      %get3A_4362 = arith.constant 56 : index
      %get3A_4363 = arith.constant 8 : index
      %get3A_4364 = vector.load %arg2[%get3A_4362, %get3A_4363] : memref<64x9xf32, #tpu.memory_space<vmem>>, vector<1x1xf32>
      %get3A_4365 = vector.extract %get3A_4364[0, 0] : f32 from vector<1x1xf32>
      %convert_element_type3A_4366 = arith.truncf %get3A_4365 : f32 to bf16
      %mul3A_4367 = vector.broadcast %convert_element_type3A_4366 : bf16 to vector<136x128xbf16>
      %mul3A_4368 = arith.mulf %convert_element_type3A_154, %mul3A_4367 : vector<136x128xbf16>
      %add3A_4369 = arith.addf %add3A_4361, %mul3A_4368 : vector<136x128xbf16>
      %swap3A_4370 = arith.constant 0 : index
      %swap3A_4371 = arith.constant 7168 : index
      %swap3A_4372 = vector.load %arg7[%swap3A_4370, %swap3A_4371] : memref<137x8192xbf16, #tpu.memory_space<vmem>>, vector<136x128xbf16>
      tpu.vector_store %arg7[%swap3A_4370, %swap3A_4371], %add3A_4369 {strides = array<i32>} : memref<137x8192xbf16, #tpu.memory_space<vmem>>, vector<136x128xbf16>,
      %get3A_4373 = arith.constant 57 : index
      %get3A_4374 = arith.constant 0 : index
      %get3A_4375 = vector.load %arg2[%get3A_4373, %get3A_4374] : memref<64x9xf32, #tpu.memory_space<vmem>>, vector<1x1xf32>
      %get3A_4376 = vector.extract %get3A_4375[0, 0] : f32 from vector<1x1xf32>
      %convert_element_type3A_4377 = arith.truncf %get3A_4376 : f32 to bf16
      %mul3A_4378 = vector.broadcast %convert_element_type3A_4377 : bf16 to vector<136x128xbf16>
      %mul3A_4379 = arith.mulf %convert_element_type3A_106, %mul3A_4378 : vector<136x128xbf16>
      %get3A_4380 = arith.constant 57 : index
      %get3A_4381 = arith.constant 1 : index
      %get3A_4382 = vector.load %arg2[%get3A_4380, %get3A_4381] : memref<64x9xf32, #tpu.memory_space<vmem>>, vector<1x1xf32>
      %get3A_4383 = vector.extract %get3A_4382[0, 0] : f32 from vector<1x1xf32>
      %convert_element_type3A_4384 = arith.truncf %get3A_4383 : f32 to bf16
      %mul3A_4385 = vector.broadcast %convert_element_type3A_4384 : bf16 to vector<136x128xbf16>
      %mul3A_4386 = arith.mulf %convert_element_type3A_112, %mul3A_4385 : vector<136x128xbf16>
      %add3A_4387 = arith.addf %mul3A_4379, %mul3A_4386 : vector<136x128xbf16>
      %get3A_4388 = arith.constant 57 : index
      %get3A_4389 = arith.constant 2 : index
      %get3A_4390 = vector.load %arg2[%get3A_4388, %get3A_4389] : memref<64x9xf32, #tpu.memory_space<vmem>>, vector<1x1xf32>
      %get3A_4391 = vector.extract %get3A_4390[0, 0] : f32 from vector<1x1xf32>
      %convert_element_type3A_4392 = arith.truncf %get3A_4391 : f32 to bf16
      %mul3A_4393 = vector.broadcast %convert_element_type3A_4392 : bf16 to vector<136x128xbf16>
      %mul3A_4394 = arith.mulf %convert_element_type3A_118, %mul3A_4393 : vector<136x128xbf16>
      %add3A_4395 = arith.addf %add3A_4387, %mul3A_4394 : vector<136x128xbf16>
      %get3A_4396 = arith.constant 57 : index
      %get3A_4397 = arith.constant 3 : index
      %get3A_4398 = vector.load %arg2[%get3A_4396, %get3A_4397] : memref<64x9xf32, #tpu.memory_space<vmem>>, vector<1x1xf32>
      %get3A_4399 = vector.extract %get3A_4398[0, 0] : f32 from vector<1x1xf32>
      %convert_element_type3A_4400 = arith.truncf %get3A_4399 : f32 to bf16
      %mul3A_4401 = vector.broadcast %convert_element_type3A_4400 : bf16 to vector<136x128xbf16>
      %mul3A_4402 = arith.mulf %convert_element_type3A_124, %mul3A_4401 : vector<136x128xbf16>
      %add3A_4403 = arith.addf %add3A_4395, %mul3A_4402 : vector<136x128xbf16>
      %get3A_4404 = arith.constant 57 : index
      %get3A_4405 = arith.constant 4 : index
      %get3A_4406 = vector.load %arg2[%get3A_4404, %get3A_4405] : memref<64x9xf32, #tpu.memory_space<vmem>>, vector<1x1xf32>
      %get3A_4407 = vector.extract %get3A_4406[0, 0] : f32 from vector<1x1xf32>
      %convert_element_type3A_4408 = arith.truncf %get3A_4407 : f32 to bf16
      %mul3A_4409 = vector.broadcast %convert_element_type3A_4408 : bf16 to vector<136x128xbf16>
      %mul3A_4410 = arith.mulf %convert_element_type3A_130, %mul3A_4409 : vector<136x128xbf16>
      %add3A_4411 = arith.addf %add3A_4403, %mul3A_4410 : vector<136x128xbf16>
      %get3A_4412 = arith.constant 57 : index
      %get3A_4413 = arith.constant 5 : index
      %get3A_4414 = vector.load %arg2[%get3A_4412, %get3A_4413] : memref<64x9xf32, #tpu.memory_space<vmem>>, vector<1x1xf32>
      %get3A_4415 = vector.extract %get3A_4414[0, 0] : f32 from vector<1x1xf32>
      %convert_element_type3A_4416 = arith.truncf %get3A_4415 : f32 to bf16
      %mul3A_4417 = vector.broadcast %convert_element_type3A_4416 : bf16 to vector<136x128xbf16>
      %mul3A_4418 = arith.mulf %convert_element_type3A_136, %mul3A_4417 : vector<136x128xbf16>
      %add3A_4419 = arith.addf %add3A_4411, %mul3A_4418 : vector<136x128xbf16>
      %get3A_4420 = arith.constant 57 : index
      %get3A_4421 = arith.constant 6 : index
      %get3A_4422 = vector.load %arg2[%get3A_4420, %get3A_4421] : memref<64x9xf32, #tpu.memory_space<vmem>>, vector<1x1xf32>
      %get3A_4423 = vector.extract %get3A_4422[0, 0] : f32 from vector<1x1xf32>
      %convert_element_type3A_4424 = arith.truncf %get3A_4423 : f32 to bf16
      %mul3A_4425 = vector.broadcast %convert_element_type3A_4424 : bf16 to vector<136x128xbf16>
      %mul3A_4426 = arith.mulf %convert_element_type3A_142, %mul3A_4425 : vector<136x128xbf16>
      %add3A_4427 = arith.addf %add3A_4419, %mul3A_4426 : vector<136x128xbf16>
      %get3A_4428 = arith.constant 57 : index
      %get3A_4429 = arith.constant 7 : index
      %get3A_4430 = vector.load %arg2[%get3A_4428, %get3A_4429] : memref<64x9xf32, #tpu.memory_space<vmem>>, vector<1x1xf32>
      %get3A_4431 = vector.extract %get3A_4430[0, 0] : f32 from vector<1x1xf32>
      %convert_element_type3A_4432 = arith.truncf %get3A_4431 : f32 to bf16
      %mul3A_4433 = vector.broadcast %convert_element_type3A_4432 : bf16 to vector<136x128xbf16>
      %mul3A_4434 = arith.mulf %convert_element_type3A_148, %mul3A_4433 : vector<136x128xbf16>
      %add3A_4435 = arith.addf %add3A_4427, %mul3A_4434 : vector<136x128xbf16>
      %get3A_4436 = arith.constant 57 : index
      %get3A_4437 = arith.constant 8 : index
      %get3A_4438 = vector.load %arg2[%get3A_4436, %get3A_4437] : memref<64x9xf32, #tpu.memory_space<vmem>>, vector<1x1xf32>
      %get3A_4439 = vector.extract %get3A_4438[0, 0] : f32 from vector<1x1xf32>
      %convert_element_type3A_4440 = arith.truncf %get3A_4439 : f32 to bf16
      %mul3A_4441 = vector.broadcast %convert_element_type3A_4440 : bf16 to vector<136x128xbf16>
      %mul3A_4442 = arith.mulf %convert_element_type3A_154, %mul3A_4441 : vector<136x128xbf16>
      %add3A_4443 = arith.addf %add3A_4435, %mul3A_4442 : vector<136x128xbf16>
      %swap3A_4444 = arith.constant 0 : index
      %swap3A_4445 = arith.constant 7296 : index
      %swap3A_4446 = vector.load %arg7[%swap3A_4444, %swap3A_4445] : memref<137x8192xbf16, #tpu.memory_space<vmem>>, vector<136x128xbf16>
      tpu.vector_store %arg7[%swap3A_4444, %swap3A_4445], %add3A_4443 {strides = array<i32>} : memref<137x8192xbf16, #tpu.memory_space<vmem>>, vector<136x128xbf16>,
      %get3A_4447 = arith.constant 58 : index
      %get3A_4448 = arith.constant 0 : index
      %get3A_4449 = vector.load %arg2[%get3A_4447, %get3A_4448] : memref<64x9xf32, #tpu.memory_space<vmem>>, vector<1x1xf32>
      %get3A_4450 = vector.extract %get3A_4449[0, 0] : f32 from vector<1x1xf32>
      %convert_element_type3A_4451 = arith.truncf %get3A_4450 : f32 to bf16
      %mul3A_4452 = vector.broadcast %convert_element_type3A_4451 : bf16 to vector<136x128xbf16>
      %mul3A_4453 = arith.mulf %convert_element_type3A_106, %mul3A_4452 : vector<136x128xbf16>
      %get3A_4454 = arith.constant 58 : index
      %get3A_4455 = arith.constant 1 : index
      %get3A_4456 = vector.load %arg2[%get3A_4454, %get3A_4455] : memref<64x9xf32, #tpu.memory_space<vmem>>, vector<1x1xf32>
      %get3A_4457 = vector.extract %get3A_4456[0, 0] : f32 from vector<1x1xf32>
      %convert_element_type3A_4458 = arith.truncf %get3A_4457 : f32 to bf16
      %mul3A_4459 = vector.broadcast %convert_element_type3A_4458 : bf16 to vector<136x128xbf16>
      %mul3A_4460 = arith.mulf %convert_element_type3A_112, %mul3A_4459 : vector<136x128xbf16>
      %add3A_4461 = arith.addf %mul3A_4453, %mul3A_4460 : vector<136x128xbf16>
      %get3A_4462 = arith.constant 58 : index
      %get3A_4463 = arith.constant 2 : index
      %get3A_4464 = vector.load %arg2[%get3A_4462, %get3A_4463] : memref<64x9xf32, #tpu.memory_space<vmem>>, vector<1x1xf32>
      %get3A_4465 = vector.extract %get3A_4464[0, 0] : f32 from vector<1x1xf32>
      %convert_element_type3A_4466 = arith.truncf %get3A_4465 : f32 to bf16
      %mul3A_4467 = vector.broadcast %convert_element_type3A_4466 : bf16 to vector<136x128xbf16>
      %mul3A_4468 = arith.mulf %convert_element_type3A_118, %mul3A_4467 : vector<136x128xbf16>
      %add3A_4469 = arith.addf %add3A_4461, %mul3A_4468 : vector<136x128xbf16>
      %get3A_4470 = arith.constant 58 : index
      %get3A_4471 = arith.constant 3 : index
      %get3A_4472 = vector.load %arg2[%get3A_4470, %get3A_4471] : memref<64x9xf32, #tpu.memory_space<vmem>>, vector<1x1xf32>
      %get3A_4473 = vector.extract %get3A_4472[0, 0] : f32 from vector<1x1xf32>
      %convert_element_type3A_4474 = arith.truncf %get3A_4473 : f32 to bf16
      %mul3A_4475 = vector.broadcast %convert_element_type3A_4474 : bf16 to vector<136x128xbf16>
      %mul3A_4476 = arith.mulf %convert_element_type3A_124, %mul3A_4475 : vector<136x128xbf16>
      %add3A_4477 = arith.addf %add3A_4469, %mul3A_4476 : vector<136x128xbf16>
      %get3A_4478 = arith.constant 58 : index
      %get3A_4479 = arith.constant 4 : index
      %get3A_4480 = vector.load %arg2[%get3A_4478, %get3A_4479] : memref<64x9xf32, #tpu.memory_space<vmem>>, vector<1x1xf32>
      %get3A_4481 = vector.extract %get3A_4480[0, 0] : f32 from vector<1x1xf32>
      %convert_element_type3A_4482 = arith.truncf %get3A_4481 : f32 to bf16
      %mul3A_4483 = vector.broadcast %convert_element_type3A_4482 : bf16 to vector<136x128xbf16>
      %mul3A_4484 = arith.mulf %convert_element_type3A_130, %mul3A_4483 : vector<136x128xbf16>
      %add3A_4485 = arith.addf %add3A_4477, %mul3A_4484 : vector<136x128xbf16>
      %get3A_4486 = arith.constant 58 : index
      %get3A_4487 = arith.constant 5 : index
      %get3A_4488 = vector.load %arg2[%get3A_4486, %get3A_4487] : memref<64x9xf32, #tpu.memory_space<vmem>>, vector<1x1xf32>
      %get3A_4489 = vector.extract %get3A_4488[0, 0] : f32 from vector<1x1xf32>
      %convert_element_type3A_4490 = arith.truncf %get3A_4489 : f32 to bf16
      %mul3A_4491 = vector.broadcast %convert_element_type3A_4490 : bf16 to vector<136x128xbf16>
      %mul3A_4492 = arith.mulf %convert_element_type3A_136, %mul3A_4491 : vector<136x128xbf16>
      %add3A_4493 = arith.addf %add3A_4485, %mul3A_4492 : vector<136x128xbf16>
      %get3A_4494 = arith.constant 58 : index
      %get3A_4495 = arith.constant 6 : index
      %get3A_4496 = vector.load %arg2[%get3A_4494, %get3A_4495] : memref<64x9xf32, #tpu.memory_space<vmem>>, vector<1x1xf32>
      %get3A_4497 = vector.extract %get3A_4496[0, 0] : f32 from vector<1x1xf32>
      %convert_element_type3A_4498 = arith.truncf %get3A_4497 : f32 to bf16
      %mul3A_4499 = vector.broadcast %convert_element_type3A_4498 : bf16 to vector<136x128xbf16>
      %mul3A_4500 = arith.mulf %convert_element_type3A_142, %mul3A_4499 : vector<136x128xbf16>
      %add3A_4501 = arith.addf %add3A_4493, %mul3A_4500 : vector<136x128xbf16>
      %get3A_4502 = arith.constant 58 : index
      %get3A_4503 = arith.constant 7 : index
      %get3A_4504 = vector.load %arg2[%get3A_4502, %get3A_4503] : memref<64x9xf32, #tpu.memory_space<vmem>>, vector<1x1xf32>
      %get3A_4505 = vector.extract %get3A_4504[0, 0] : f32 from vector<1x1xf32>
      %convert_element_type3A_4506 = arith.truncf %get3A_4505 : f32 to bf16
      %mul3A_4507 = vector.broadcast %convert_element_type3A_4506 : bf16 to vector<136x128xbf16>
      %mul3A_4508 = arith.mulf %convert_element_type3A_148, %mul3A_4507 : vector<136x128xbf16>
      %add3A_4509 = arith.addf %add3A_4501, %mul3A_4508 : vector<136x128xbf16>
      %get3A_4510 = arith.constant 58 : index
      %get3A_4511 = arith.constant 8 : index
      %get3A_4512 = vector.load %arg2[%get3A_4510, %get3A_4511] : memref<64x9xf32, #tpu.memory_space<vmem>>, vector<1x1xf32>
      %get3A_4513 = vector.extract %get3A_4512[0, 0] : f32 from vector<1x1xf32>
      %convert_element_type3A_4514 = arith.truncf %get3A_4513 : f32 to bf16
      %mul3A_4515 = vector.broadcast %convert_element_type3A_4514 : bf16 to vector<136x128xbf16>
      %mul3A_4516 = arith.mulf %convert_element_type3A_154, %mul3A_4515 : vector<136x128xbf16>
      %add3A_4517 = arith.addf %add3A_4509, %mul3A_4516 : vector<136x128xbf16>
      %swap3A_4518 = arith.constant 0 : index
      %swap3A_4519 = arith.constant 7424 : index
      %swap3A_4520 = vector.load %arg7[%swap3A_4518, %swap3A_4519] : memref<137x8192xbf16, #tpu.memory_space<vmem>>, vector<136x128xbf16>
      tpu.vector_store %arg7[%swap3A_4518, %swap3A_4519], %add3A_4517 {strides = array<i32>} : memref<137x8192xbf16, #tpu.memory_space<vmem>>, vector<136x128xbf16>,
      %get3A_4521 = arith.constant 59 : index
      %get3A_4522 = arith.constant 0 : index
      %get3A_4523 = vector.load %arg2[%get3A_4521, %get3A_4522] : memref<64x9xf32, #tpu.memory_space<vmem>>, vector<1x1xf32>
      %get3A_4524 = vector.extract %get3A_4523[0, 0] : f32 from vector<1x1xf32>
      %convert_element_type3A_4525 = arith.truncf %get3A_4524 : f32 to bf16
      %mul3A_4526 = vector.broadcast %convert_element_type3A_4525 : bf16 to vector<136x128xbf16>
      %mul3A_4527 = arith.mulf %convert_element_type3A_106, %mul3A_4526 : vector<136x128xbf16>
      %get3A_4528 = arith.constant 59 : index
      %get3A_4529 = arith.constant 1 : index
      %get3A_4530 = vector.load %arg2[%get3A_4528, %get3A_4529] : memref<64x9xf32, #tpu.memory_space<vmem>>, vector<1x1xf32>
      %get3A_4531 = vector.extract %get3A_4530[0, 0] : f32 from vector<1x1xf32>
      %convert_element_type3A_4532 = arith.truncf %get3A_4531 : f32 to bf16
      %mul3A_4533 = vector.broadcast %convert_element_type3A_4532 : bf16 to vector<136x128xbf16>
      %mul3A_4534 = arith.mulf %convert_element_type3A_112, %mul3A_4533 : vector<136x128xbf16>
      %add3A_4535 = arith.addf %mul3A_4527, %mul3A_4534 : vector<136x128xbf16>
      %get3A_4536 = arith.constant 59 : index
      %get3A_4537 = arith.constant 2 : index
      %get3A_4538 = vector.load %arg2[%get3A_4536, %get3A_4537] : memref<64x9xf32, #tpu.memory_space<vmem>>, vector<1x1xf32>
      %get3A_4539 = vector.extract %get3A_4538[0, 0] : f32 from vector<1x1xf32>
      %convert_element_type3A_4540 = arith.truncf %get3A_4539 : f32 to bf16
      %mul3A_4541 = vector.broadcast %convert_element_type3A_4540 : bf16 to vector<136x128xbf16>
      %mul3A_4542 = arith.mulf %convert_element_type3A_118, %mul3A_4541 : vector<136x128xbf16>
      %add3A_4543 = arith.addf %add3A_4535, %mul3A_4542 : vector<136x128xbf16>
      %get3A_4544 = arith.constant 59 : index
      %get3A_4545 = arith.constant 3 : index
      %get3A_4546 = vector.load %arg2[%get3A_4544, %get3A_4545] : memref<64x9xf32, #tpu.memory_space<vmem>>, vector<1x1xf32>
      %get3A_4547 = vector.extract %get3A_4546[0, 0] : f32 from vector<1x1xf32>
      %convert_element_type3A_4548 = arith.truncf %get3A_4547 : f32 to bf16
      %mul3A_4549 = vector.broadcast %convert_element_type3A_4548 : bf16 to vector<136x128xbf16>
      %mul3A_4550 = arith.mulf %convert_element_type3A_124, %mul3A_4549 : vector<136x128xbf16>
      %add3A_4551 = arith.addf %add3A_4543, %mul3A_4550 : vector<136x128xbf16>
      %get3A_4552 = arith.constant 59 : index
      %get3A_4553 = arith.constant 4 : index
      %get3A_4554 = vector.load %arg2[%get3A_4552, %get3A_4553] : memref<64x9xf32, #tpu.memory_space<vmem>>, vector<1x1xf32>
      %get3A_4555 = vector.extract %get3A_4554[0, 0] : f32 from vector<1x1xf32>
      %convert_element_type3A_4556 = arith.truncf %get3A_4555 : f32 to bf16
      %mul3A_4557 = vector.broadcast %convert_element_type3A_4556 : bf16 to vector<136x128xbf16>
      %mul3A_4558 = arith.mulf %convert_element_type3A_130, %mul3A_4557 : vector<136x128xbf16>
      %add3A_4559 = arith.addf %add3A_4551, %mul3A_4558 : vector<136x128xbf16>
      %get3A_4560 = arith.constant 59 : index
      %get3A_4561 = arith.constant 5 : index
      %get3A_4562 = vector.load %arg2[%get3A_4560, %get3A_4561] : memref<64x9xf32, #tpu.memory_space<vmem>>, vector<1x1xf32>
      %get3A_4563 = vector.extract %get3A_4562[0, 0] : f32 from vector<1x1xf32>
      %convert_element_type3A_4564 = arith.truncf %get3A_4563 : f32 to bf16
      %mul3A_4565 = vector.broadcast %convert_element_type3A_4564 : bf16 to vector<136x128xbf16>
      %mul3A_4566 = arith.mulf %convert_element_type3A_136, %mul3A_4565 : vector<136x128xbf16>
      %add3A_4567 = arith.addf %add3A_4559, %mul3A_4566 : vector<136x128xbf16>
      %get3A_4568 = arith.constant 59 : index
      %get3A_4569 = arith.constant 6 : index
      %get3A_4570 = vector.load %arg2[%get3A_4568, %get3A_4569] : memref<64x9xf32, #tpu.memory_space<vmem>>, vector<1x1xf32>
      %get3A_4571 = vector.extract %get3A_4570[0, 0] : f32 from vector<1x1xf32>
      %convert_element_type3A_4572 = arith.truncf %get3A_4571 : f32 to bf16
      %mul3A_4573 = vector.broadcast %convert_element_type3A_4572 : bf16 to vector<136x128xbf16>
      %mul3A_4574 = arith.mulf %convert_element_type3A_142, %mul3A_4573 : vector<136x128xbf16>
      %add3A_4575 = arith.addf %add3A_4567, %mul3A_4574 : vector<136x128xbf16>
      %get3A_4576 = arith.constant 59 : index
      %get3A_4577 = arith.constant 7 : index
      %get3A_4578 = vector.load %arg2[%get3A_4576, %get3A_4577] : memref<64x9xf32, #tpu.memory_space<vmem>>, vector<1x1xf32>
      %get3A_4579 = vector.extract %get3A_4578[0, 0] : f32 from vector<1x1xf32>
      %convert_element_type3A_4580 = arith.truncf %get3A_4579 : f32 to bf16
      %mul3A_4581 = vector.broadcast %convert_element_type3A_4580 : bf16 to vector<136x128xbf16>
      %mul3A_4582 = arith.mulf %convert_element_type3A_148, %mul3A_4581 : vector<136x128xbf16>
      %add3A_4583 = arith.addf %add3A_4575, %mul3A_4582 : vector<136x128xbf16>
      %get3A_4584 = arith.constant 59 : index
      %get3A_4585 = arith.constant 8 : index
      %get3A_4586 = vector.load %arg2[%get3A_4584, %get3A_4585] : memref<64x9xf32, #tpu.memory_space<vmem>>, vector<1x1xf32>
      %get3A_4587 = vector.extract %get3A_4586[0, 0] : f32 from vector<1x1xf32>
      %convert_element_type3A_4588 = arith.truncf %get3A_4587 : f32 to bf16
      %mul3A_4589 = vector.broadcast %convert_element_type3A_4588 : bf16 to vector<136x128xbf16>
      %mul3A_4590 = arith.mulf %convert_element_type3A_154, %mul3A_4589 : vector<136x128xbf16>
      %add3A_4591 = arith.addf %add3A_4583, %mul3A_4590 : vector<136x128xbf16>
      %swap3A_4592 = arith.constant 0 : index
      %swap3A_4593 = arith.constant 7552 : index
      %swap3A_4594 = vector.load %arg7[%swap3A_4592, %swap3A_4593] : memref<137x8192xbf16, #tpu.memory_space<vmem>>, vector<136x128xbf16>
      tpu.vector_store %arg7[%swap3A_4592, %swap3A_4593], %add3A_4591 {strides = array<i32>} : memref<137x8192xbf16, #tpu.memory_space<vmem>>, vector<136x128xbf16>,
      %get3A_4595 = arith.constant 60 : index
      %get3A_4596 = arith.constant 0 : index
      %get3A_4597 = vector.load %arg2[%get3A_4595, %get3A_4596] : memref<64x9xf32, #tpu.memory_space<vmem>>, vector<1x1xf32>
      %get3A_4598 = vector.extract %get3A_4597[0, 0] : f32 from vector<1x1xf32>
      %convert_element_type3A_4599 = arith.truncf %get3A_4598 : f32 to bf16
      %mul3A_4600 = vector.broadcast %convert_element_type3A_4599 : bf16 to vector<136x128xbf16>
      %mul3A_4601 = arith.mulf %convert_element_type3A_106, %mul3A_4600 : vector<136x128xbf16>
      %get3A_4602 = arith.constant 60 : index
      %get3A_4603 = arith.constant 1 : index
      %get3A_4604 = vector.load %arg2[%get3A_4602, %get3A_4603] : memref<64x9xf32, #tpu.memory_space<vmem>>, vector<1x1xf32>
      %get3A_4605 = vector.extract %get3A_4604[0, 0] : f32 from vector<1x1xf32>
      %convert_element_type3A_4606 = arith.truncf %get3A_4605 : f32 to bf16
      %mul3A_4607 = vector.broadcast %convert_element_type3A_4606 : bf16 to vector<136x128xbf16>
      %mul3A_4608 = arith.mulf %convert_element_type3A_112, %mul3A_4607 : vector<136x128xbf16>
      %add3A_4609 = arith.addf %mul3A_4601, %mul3A_4608 : vector<136x128xbf16>
      %get3A_4610 = arith.constant 60 : index
      %get3A_4611 = arith.constant 2 : index
      %get3A_4612 = vector.load %arg2[%get3A_4610, %get3A_4611] : memref<64x9xf32, #tpu.memory_space<vmem>>, vector<1x1xf32>
      %get3A_4613 = vector.extract %get3A_4612[0, 0] : f32 from vector<1x1xf32>
      %convert_element_type3A_4614 = arith.truncf %get3A_4613 : f32 to bf16
      %mul3A_4615 = vector.broadcast %convert_element_type3A_4614 : bf16 to vector<136x128xbf16>
      %mul3A_4616 = arith.mulf %convert_element_type3A_118, %mul3A_4615 : vector<136x128xbf16>
      %add3A_4617 = arith.addf %add3A_4609, %mul3A_4616 : vector<136x128xbf16>
      %get3A_4618 = arith.constant 60 : index
      %get3A_4619 = arith.constant 3 : index
      %get3A_4620 = vector.load %arg2[%get3A_4618, %get3A_4619] : memref<64x9xf32, #tpu.memory_space<vmem>>, vector<1x1xf32>
      %get3A_4621 = vector.extract %get3A_4620[0, 0] : f32 from vector<1x1xf32>
      %convert_element_type3A_4622 = arith.truncf %get3A_4621 : f32 to bf16
      %mul3A_4623 = vector.broadcast %convert_element_type3A_4622 : bf16 to vector<136x128xbf16>
      %mul3A_4624 = arith.mulf %convert_element_type3A_124, %mul3A_4623 : vector<136x128xbf16>
      %add3A_4625 = arith.addf %add3A_4617, %mul3A_4624 : vector<136x128xbf16>
      %get3A_4626 = arith.constant 60 : index
      %get3A_4627 = arith.constant 4 : index
      %get3A_4628 = vector.load %arg2[%get3A_4626, %get3A_4627] : memref<64x9xf32, #tpu.memory_space<vmem>>, vector<1x1xf32>
      %get3A_4629 = vector.extract %get3A_4628[0, 0] : f32 from vector<1x1xf32>
      %convert_element_type3A_4630 = arith.truncf %get3A_4629 : f32 to bf16
      %mul3A_4631 = vector.broadcast %convert_element_type3A_4630 : bf16 to vector<136x128xbf16>
      %mul3A_4632 = arith.mulf %convert_element_type3A_130, %mul3A_4631 : vector<136x128xbf16>
      %add3A_4633 = arith.addf %add3A_4625, %mul3A_4632 : vector<136x128xbf16>
      %get3A_4634 = arith.constant 60 : index
      %get3A_4635 = arith.constant 5 : index
      %get3A_4636 = vector.load %arg2[%get3A_4634, %get3A_4635] : memref<64x9xf32, #tpu.memory_space<vmem>>, vector<1x1xf32>
      %get3A_4637 = vector.extract %get3A_4636[0, 0] : f32 from vector<1x1xf32>
      %convert_element_type3A_4638 = arith.truncf %get3A_4637 : f32 to bf16
      %mul3A_4639 = vector.broadcast %convert_element_type3A_4638 : bf16 to vector<136x128xbf16>
      %mul3A_4640 = arith.mulf %convert_element_type3A_136, %mul3A_4639 : vector<136x128xbf16>
      %add3A_4641 = arith.addf %add3A_4633, %mul3A_4640 : vector<136x128xbf16>
      %get3A_4642 = arith.constant 60 : index
      %get3A_4643 = arith.constant 6 : index
      %get3A_4644 = vector.load %arg2[%get3A_4642, %get3A_4643] : memref<64x9xf32, #tpu.memory_space<vmem>>, vector<1x1xf32>
      %get3A_4645 = vector.extract %get3A_4644[0, 0] : f32 from vector<1x1xf32>
      %convert_element_type3A_4646 = arith.truncf %get3A_4645 : f32 to bf16
      %mul3A_4647 = vector.broadcast %convert_element_type3A_4646 : bf16 to vector<136x128xbf16>
      %mul3A_4648 = arith.mulf %convert_element_type3A_142, %mul3A_4647 : vector<136x128xbf16>
      %add3A_4649 = arith.addf %add3A_4641, %mul3A_4648 : vector<136x128xbf16>
      %get3A_4650 = arith.constant 60 : index
      %get3A_4651 = arith.constant 7 : index
      %get3A_4652 = vector.load %arg2[%get3A_4650, %get3A_4651] : memref<64x9xf32, #tpu.memory_space<vmem>>, vector<1x1xf32>
      %get3A_4653 = vector.extract %get3A_4652[0, 0] : f32 from vector<1x1xf32>
      %convert_element_type3A_4654 = arith.truncf %get3A_4653 : f32 to bf16
      %mul3A_4655 = vector.broadcast %convert_element_type3A_4654 : bf16 to vector<136x128xbf16>
      %mul3A_4656 = arith.mulf %convert_element_type3A_148, %mul3A_4655 : vector<136x128xbf16>
      %add3A_4657 = arith.addf %add3A_4649, %mul3A_4656 : vector<136x128xbf16>
      %get3A_4658 = arith.constant 60 : index
      %get3A_4659 = arith.constant 8 : index
      %get3A_4660 = vector.load %arg2[%get3A_4658, %get3A_4659] : memref<64x9xf32, #tpu.memory_space<vmem>>, vector<1x1xf32>
      %get3A_4661 = vector.extract %get3A_4660[0, 0] : f32 from vector<1x1xf32>
      %convert_element_type3A_4662 = arith.truncf %get3A_4661 : f32 to bf16
      %mul3A_4663 = vector.broadcast %convert_element_type3A_4662 : bf16 to vector<136x128xbf16>
      %mul3A_4664 = arith.mulf %convert_element_type3A_154, %mul3A_4663 : vector<136x128xbf16>
      %add3A_4665 = arith.addf %add3A_4657, %mul3A_4664 : vector<136x128xbf16>
      %swap3A_4666 = arith.constant 0 : index
      %swap3A_4667 = arith.constant 7680 : index
      %swap3A_4668 = vector.load %arg7[%swap3A_4666, %swap3A_4667] : memref<137x8192xbf16, #tpu.memory_space<vmem>>, vector<136x128xbf16>
      tpu.vector_store %arg7[%swap3A_4666, %swap3A_4667], %add3A_4665 {strides = array<i32>} : memref<137x8192xbf16, #tpu.memory_space<vmem>>, vector<136x128xbf16>,
      %get3A_4669 = arith.constant 61 : index
      %get3A_4670 = arith.constant 0 : index
      %get3A_4671 = vector.load %arg2[%get3A_4669, %get3A_4670] : memref<64x9xf32, #tpu.memory_space<vmem>>, vector<1x1xf32>
      %get3A_4672 = vector.extract %get3A_4671[0, 0] : f32 from vector<1x1xf32>
      %convert_element_type3A_4673 = arith.truncf %get3A_4672 : f32 to bf16
      %mul3A_4674 = vector.broadcast %convert_element_type3A_4673 : bf16 to vector<136x128xbf16>
      %mul3A_4675 = arith.mulf %convert_element_type3A_106, %mul3A_4674 : vector<136x128xbf16>
      %get3A_4676 = arith.constant 61 : index
      %get3A_4677 = arith.constant 1 : index
      %get3A_4678 = vector.load %arg2[%get3A_4676, %get3A_4677] : memref<64x9xf32, #tpu.memory_space<vmem>>, vector<1x1xf32>
      %get3A_4679 = vector.extract %get3A_4678[0, 0] : f32 from vector<1x1xf32>
      %convert_element_type3A_4680 = arith.truncf %get3A_4679 : f32 to bf16
      %mul3A_4681 = vector.broadcast %convert_element_type3A_4680 : bf16 to vector<136x128xbf16>
      %mul3A_4682 = arith.mulf %convert_element_type3A_112, %mul3A_4681 : vector<136x128xbf16>
      %add3A_4683 = arith.addf %mul3A_4675, %mul3A_4682 : vector<136x128xbf16>
      %get3A_4684 = arith.constant 61 : index
      %get3A_4685 = arith.constant 2 : index
      %get3A_4686 = vector.load %arg2[%get3A_4684, %get3A_4685] : memref<64x9xf32, #tpu.memory_space<vmem>>, vector<1x1xf32>
      %get3A_4687 = vector.extract %get3A_4686[0, 0] : f32 from vector<1x1xf32>
      %convert_element_type3A_4688 = arith.truncf %get3A_4687 : f32 to bf16
      %mul3A_4689 = vector.broadcast %convert_element_type3A_4688 : bf16 to vector<136x128xbf16>
      %mul3A_4690 = arith.mulf %convert_element_type3A_118, %mul3A_4689 : vector<136x128xbf16>
      %add3A_4691 = arith.addf %add3A_4683, %mul3A_4690 : vector<136x128xbf16>
      %get3A_4692 = arith.constant 61 : index
      %get3A_4693 = arith.constant 3 : index
      %get3A_4694 = vector.load %arg2[%get3A_4692, %get3A_4693] : memref<64x9xf32, #tpu.memory_space<vmem>>, vector<1x1xf32>
      %get3A_4695 = vector.extract %get3A_4694[0, 0] : f32 from vector<1x1xf32>
      %convert_element_type3A_4696 = arith.truncf %get3A_4695 : f32 to bf16
      %mul3A_4697 = vector.broadcast %convert_element_type3A_4696 : bf16 to vector<136x128xbf16>
      %mul3A_4698 = arith.mulf %convert_element_type3A_124, %mul3A_4697 : vector<136x128xbf16>
      %add3A_4699 = arith.addf %add3A_4691, %mul3A_4698 : vector<136x128xbf16>
      %get3A_4700 = arith.constant 61 : index
      %get3A_4701 = arith.constant 4 : index
      %get3A_4702 = vector.load %arg2[%get3A_4700, %get3A_4701] : memref<64x9xf32, #tpu.memory_space<vmem>>, vector<1x1xf32>
      %get3A_4703 = vector.extract %get3A_4702[0, 0] : f32 from vector<1x1xf32>
      %convert_element_type3A_4704 = arith.truncf %get3A_4703 : f32 to bf16
      %mul3A_4705 = vector.broadcast %convert_element_type3A_4704 : bf16 to vector<136x128xbf16>
      %mul3A_4706 = arith.mulf %convert_element_type3A_130, %mul3A_4705 : vector<136x128xbf16>
      %add3A_4707 = arith.addf %add3A_4699, %mul3A_4706 : vector<136x128xbf16>
      %get3A_4708 = arith.constant 61 : index
      %get3A_4709 = arith.constant 5 : index
      %get3A_4710 = vector.load %arg2[%get3A_4708, %get3A_4709] : memref<64x9xf32, #tpu.memory_space<vmem>>, vector<1x1xf32>
      %get3A_4711 = vector.extract %get3A_4710[0, 0] : f32 from vector<1x1xf32>
      %convert_element_type3A_4712 = arith.truncf %get3A_4711 : f32 to bf16
      %mul3A_4713 = vector.broadcast %convert_element_type3A_4712 : bf16 to vector<136x128xbf16>
      %mul3A_4714 = arith.mulf %convert_element_type3A_136, %mul3A_4713 : vector<136x128xbf16>
      %add3A_4715 = arith.addf %add3A_4707, %mul3A_4714 : vector<136x128xbf16>
      %get3A_4716 = arith.constant 61 : index
      %get3A_4717 = arith.constant 6 : index
      %get3A_4718 = vector.load %arg2[%get3A_4716, %get3A_4717] : memref<64x9xf32, #tpu.memory_space<vmem>>, vector<1x1xf32>
      %get3A_4719 = vector.extract %get3A_4718[0, 0] : f32 from vector<1x1xf32>
      %convert_element_type3A_4720 = arith.truncf %get3A_4719 : f32 to bf16
      %mul3A_4721 = vector.broadcast %convert_element_type3A_4720 : bf16 to vector<136x128xbf16>
      %mul3A_4722 = arith.mulf %convert_element_type3A_142, %mul3A_4721 : vector<136x128xbf16>
      %add3A_4723 = arith.addf %add3A_4715, %mul3A_4722 : vector<136x128xbf16>
      %get3A_4724 = arith.constant 61 : index
      %get3A_4725 = arith.constant 7 : index
      %get3A_4726 = vector.load %arg2[%get3A_4724, %get3A_4725] : memref<64x9xf32, #tpu.memory_space<vmem>>, vector<1x1xf32>
      %get3A_4727 = vector.extract %get3A_4726[0, 0] : f32 from vector<1x1xf32>
      %convert_element_type3A_4728 = arith.truncf %get3A_4727 : f32 to bf16
      %mul3A_4729 = vector.broadcast %convert_element_type3A_4728 : bf16 to vector<136x128xbf16>
      %mul3A_4730 = arith.mulf %convert_element_type3A_148, %mul3A_4729 : vector<136x128xbf16>
      %add3A_4731 = arith.addf %add3A_4723, %mul3A_4730 : vector<136x128xbf16>
      %get3A_4732 = arith.constant 61 : index
      %get3A_4733 = arith.constant 8 : index
      %get3A_4734 = vector.load %arg2[%get3A_4732, %get3A_4733] : memref<64x9xf32, #tpu.memory_space<vmem>>, vector<1x1xf32>
      %get3A_4735 = vector.extract %get3A_4734[0, 0] : f32 from vector<1x1xf32>
      %convert_element_type3A_4736 = arith.truncf %get3A_4735 : f32 to bf16
      %mul3A_4737 = vector.broadcast %convert_element_type3A_4736 : bf16 to vector<136x128xbf16>
      %mul3A_4738 = arith.mulf %convert_element_type3A_154, %mul3A_4737 : vector<136x128xbf16>
      %add3A_4739 = arith.addf %add3A_4731, %mul3A_4738 : vector<136x128xbf16>
      %swap3A_4740 = arith.constant 0 : index
      %swap3A_4741 = arith.constant 7808 : index
      %swap3A_4742 = vector.load %arg7[%swap3A_4740, %swap3A_4741] : memref<137x8192xbf16, #tpu.memory_space<vmem>>, vector<136x128xbf16>
      tpu.vector_store %arg7[%swap3A_4740, %swap3A_4741], %add3A_4739 {strides = array<i32>} : memref<137x8192xbf16, #tpu.memory_space<vmem>>, vector<136x128xbf16>,
      %get3A_4743 = arith.constant 62 : index
      %get3A_4744 = arith.constant 0 : index
      %get3A_4745 = vector.load %arg2[%get3A_4743, %get3A_4744] : memref<64x9xf32, #tpu.memory_space<vmem>>, vector<1x1xf32>
      %get3A_4746 = vector.extract %get3A_4745[0, 0] : f32 from vector<1x1xf32>
      %convert_element_type3A_4747 = arith.truncf %get3A_4746 : f32 to bf16
      %mul3A_4748 = vector.broadcast %convert_element_type3A_4747 : bf16 to vector<136x128xbf16>
      %mul3A_4749 = arith.mulf %convert_element_type3A_106, %mul3A_4748 : vector<136x128xbf16>
      %get3A_4750 = arith.constant 62 : index
      %get3A_4751 = arith.constant 1 : index
      %get3A_4752 = vector.load %arg2[%get3A_4750, %get3A_4751] : memref<64x9xf32, #tpu.memory_space<vmem>>, vector<1x1xf32>
      %get3A_4753 = vector.extract %get3A_4752[0, 0] : f32 from vector<1x1xf32>
      %convert_element_type3A_4754 = arith.truncf %get3A_4753 : f32 to bf16
      %mul3A_4755 = vector.broadcast %convert_element_type3A_4754 : bf16 to vector<136x128xbf16>
      %mul3A_4756 = arith.mulf %convert_element_type3A_112, %mul3A_4755 : vector<136x128xbf16>
      %add3A_4757 = arith.addf %mul3A_4749, %mul3A_4756 : vector<136x128xbf16>
      %get3A_4758 = arith.constant 62 : index
      %get3A_4759 = arith.constant 2 : index
      %get3A_4760 = vector.load %arg2[%get3A_4758, %get3A_4759] : memref<64x9xf32, #tpu.memory_space<vmem>>, vector<1x1xf32>
      %get3A_4761 = vector.extract %get3A_4760[0, 0] : f32 from vector<1x1xf32>
      %convert_element_type3A_4762 = arith.truncf %get3A_4761 : f32 to bf16
      %mul3A_4763 = vector.broadcast %convert_element_type3A_4762 : bf16 to vector<136x128xbf16>
      %mul3A_4764 = arith.mulf %convert_element_type3A_118, %mul3A_4763 : vector<136x128xbf16>
      %add3A_4765 = arith.addf %add3A_4757, %mul3A_4764 : vector<136x128xbf16>
      %get3A_4766 = arith.constant 62 : index
      %get3A_4767 = arith.constant 3 : index
      %get3A_4768 = vector.load %arg2[%get3A_4766, %get3A_4767] : memref<64x9xf32, #tpu.memory_space<vmem>>, vector<1x1xf32>
      %get3A_4769 = vector.extract %get3A_4768[0, 0] : f32 from vector<1x1xf32>
      %convert_element_type3A_4770 = arith.truncf %get3A_4769 : f32 to bf16
      %mul3A_4771 = vector.broadcast %convert_element_type3A_4770 : bf16 to vector<136x128xbf16>
      %mul3A_4772 = arith.mulf %convert_element_type3A_124, %mul3A_4771 : vector<136x128xbf16>
      %add3A_4773 = arith.addf %add3A_4765, %mul3A_4772 : vector<136x128xbf16>
      %get3A_4774 = arith.constant 62 : index
      %get3A_4775 = arith.constant 4 : index
      %get3A_4776 = vector.load %arg2[%get3A_4774, %get3A_4775] : memref<64x9xf32, #tpu.memory_space<vmem>>, vector<1x1xf32>
      %get3A_4777 = vector.extract %get3A_4776[0, 0] : f32 from vector<1x1xf32>
      %convert_element_type3A_4778 = arith.truncf %get3A_4777 : f32 to bf16
      %mul3A_4779 = vector.broadcast %convert_element_type3A_4778 : bf16 to vector<136x128xbf16>
      %mul3A_4780 = arith.mulf %convert_element_type3A_130, %mul3A_4779 : vector<136x128xbf16>
      %add3A_4781 = arith.addf %add3A_4773, %mul3A_4780 : vector<136x128xbf16>
      %get3A_4782 = arith.constant 62 : index
      %get3A_4783 = arith.constant 5 : index
      %get3A_4784 = vector.load %arg2[%get3A_4782, %get3A_4783] : memref<64x9xf32, #tpu.memory_space<vmem>>, vector<1x1xf32>
      %get3A_4785 = vector.extract %get3A_4784[0, 0] : f32 from vector<1x1xf32>
      %convert_element_type3A_4786 = arith.truncf %get3A_4785 : f32 to bf16
      %mul3A_4787 = vector.broadcast %convert_element_type3A_4786 : bf16 to vector<136x128xbf16>
      %mul3A_4788 = arith.mulf %convert_element_type3A_136, %mul3A_4787 : vector<136x128xbf16>
      %add3A_4789 = arith.addf %add3A_4781, %mul3A_4788 : vector<136x128xbf16>
      %get3A_4790 = arith.constant 62 : index
      %get3A_4791 = arith.constant 6 : index
      %get3A_4792 = vector.load %arg2[%get3A_4790, %get3A_4791] : memref<64x9xf32, #tpu.memory_space<vmem>>, vector<1x1xf32>
      %get3A_4793 = vector.extract %get3A_4792[0, 0] : f32 from vector<1x1xf32>
      %convert_element_type3A_4794 = arith.truncf %get3A_4793 : f32 to bf16
      %mul3A_4795 = vector.broadcast %convert_element_type3A_4794 : bf16 to vector<136x128xbf16>
      %mul3A_4796 = arith.mulf %convert_element_type3A_142, %mul3A_4795 : vector<136x128xbf16>
      %add3A_4797 = arith.addf %add3A_4789, %mul3A_4796 : vector<136x128xbf16>
      %get3A_4798 = arith.constant 62 : index
      %get3A_4799 = arith.constant 7 : index
      %get3A_4800 = vector.load %arg2[%get3A_4798, %get3A_4799] : memref<64x9xf32, #tpu.memory_space<vmem>>, vector<1x1xf32>
      %get3A_4801 = vector.extract %get3A_4800[0, 0] : f32 from vector<1x1xf32>
      %convert_element_type3A_4802 = arith.truncf %get3A_4801 : f32 to bf16
      %mul3A_4803 = vector.broadcast %convert_element_type3A_4802 : bf16 to vector<136x128xbf16>
      %mul3A_4804 = arith.mulf %convert_element_type3A_148, %mul3A_4803 : vector<136x128xbf16>
      %add3A_4805 = arith.addf %add3A_4797, %mul3A_4804 : vector<136x128xbf16>
      %get3A_4806 = arith.constant 62 : index
      %get3A_4807 = arith.constant 8 : index
      %get3A_4808 = vector.load %arg2[%get3A_4806, %get3A_4807] : memref<64x9xf32, #tpu.memory_space<vmem>>, vector<1x1xf32>
      %get3A_4809 = vector.extract %get3A_4808[0, 0] : f32 from vector<1x1xf32>
      %convert_element_type3A_4810 = arith.truncf %get3A_4809 : f32 to bf16
      %mul3A_4811 = vector.broadcast %convert_element_type3A_4810 : bf16 to vector<136x128xbf16>
      %mul3A_4812 = arith.mulf %convert_element_type3A_154, %mul3A_4811 : vector<136x128xbf16>
      %add3A_4813 = arith.addf %add3A_4805, %mul3A_4812 : vector<136x128xbf16>
      %swap3A_4814 = arith.constant 0 : index
      %swap3A_4815 = arith.constant 7936 : index
      %swap3A_4816 = vector.load %arg7[%swap3A_4814, %swap3A_4815] : memref<137x8192xbf16, #tpu.memory_space<vmem>>, vector<136x128xbf16>
      tpu.vector_store %arg7[%swap3A_4814, %swap3A_4815], %add3A_4813 {strides = array<i32>} : memref<137x8192xbf16, #tpu.memory_space<vmem>>, vector<136x128xbf16>,
      %get3A_4817 = arith.constant 63 : index
      %get3A_4818 = arith.constant 0 : index
      %get3A_4819 = vector.load %arg2[%get3A_4817, %get3A_4818] : memref<64x9xf32, #tpu.memory_space<vmem>>, vector<1x1xf32>
      %get3A_4820 = vector.extract %get3A_4819[0, 0] : f32 from vector<1x1xf32>
      %convert_element_type3A_4821 = arith.truncf %get3A_4820 : f32 to bf16
      %mul3A_4822 = vector.broadcast %convert_element_type3A_4821 : bf16 to vector<136x128xbf16>
      %mul3A_4823 = arith.mulf %convert_element_type3A_106, %mul3A_4822 : vector<136x128xbf16>
      %get3A_4824 = arith.constant 63 : index
      %get3A_4825 = arith.constant 1 : index
      %get3A_4826 = vector.load %arg2[%get3A_4824, %get3A_4825] : memref<64x9xf32, #tpu.memory_space<vmem>>, vector<1x1xf32>
      %get3A_4827 = vector.extract %get3A_4826[0, 0] : f32 from vector<1x1xf32>
      %convert_element_type3A_4828 = arith.truncf %get3A_4827 : f32 to bf16
      %mul3A_4829 = vector.broadcast %convert_element_type3A_4828 : bf16 to vector<136x128xbf16>
      %mul3A_4830 = arith.mulf %convert_element_type3A_112, %mul3A_4829 : vector<136x128xbf16>
      %add3A_4831 = arith.addf %mul3A_4823, %mul3A_4830 : vector<136x128xbf16>
      %get3A_4832 = arith.constant 63 : index
      %get3A_4833 = arith.constant 2 : index
      %get3A_4834 = vector.load %arg2[%get3A_4832, %get3A_4833] : memref<64x9xf32, #tpu.memory_space<vmem>>, vector<1x1xf32>
      %get3A_4835 = vector.extract %get3A_4834[0, 0] : f32 from vector<1x1xf32>
      %convert_element_type3A_4836 = arith.truncf %get3A_4835 : f32 to bf16
      %mul3A_4837 = vector.broadcast %convert_element_type3A_4836 : bf16 to vector<136x128xbf16>
      %mul3A_4838 = arith.mulf %convert_element_type3A_118, %mul3A_4837 : vector<136x128xbf16>
      %add3A_4839 = arith.addf %add3A_4831, %mul3A_4838 : vector<136x128xbf16>
      %get3A_4840 = arith.constant 63 : index
      %get3A_4841 = arith.constant 3 : index
      %get3A_4842 = vector.load %arg2[%get3A_4840, %get3A_4841] : memref<64x9xf32, #tpu.memory_space<vmem>>, vector<1x1xf32>
      %get3A_4843 = vector.extract %get3A_4842[0, 0] : f32 from vector<1x1xf32>
      %convert_element_type3A_4844 = arith.truncf %get3A_4843 : f32 to bf16
      %mul3A_4845 = vector.broadcast %convert_element_type3A_4844 : bf16 to vector<136x128xbf16>
      %mul3A_4846 = arith.mulf %convert_element_type3A_124, %mul3A_4845 : vector<136x128xbf16>
      %add3A_4847 = arith.addf %add3A_4839, %mul3A_4846 : vector<136x128xbf16>
      %get3A_4848 = arith.constant 63 : index
      %get3A_4849 = arith.constant 4 : index
      %get3A_4850 = vector.load %arg2[%get3A_4848, %get3A_4849] : memref<64x9xf32, #tpu.memory_space<vmem>>, vector<1x1xf32>
      %get3A_4851 = vector.extract %get3A_4850[0, 0] : f32 from vector<1x1xf32>
      %convert_element_type3A_4852 = arith.truncf %get3A_4851 : f32 to bf16
      %mul3A_4853 = vector.broadcast %convert_element_type3A_4852 : bf16 to vector<136x128xbf16>
      %mul3A_4854 = arith.mulf %convert_element_type3A_130, %mul3A_4853 : vector<136x128xbf16>
      %add3A_4855 = arith.addf %add3A_4847, %mul3A_4854 : vector<136x128xbf16>
      %get3A_4856 = arith.constant 63 : index
      %get3A_4857 = arith.constant 5 : index
      %get3A_4858 = vector.load %arg2[%get3A_4856, %get3A_4857] : memref<64x9xf32, #tpu.memory_space<vmem>>, vector<1x1xf32>
      %get3A_4859 = vector.extract %get3A_4858[0, 0] : f32 from vector<1x1xf32>
      %convert_element_type3A_4860 = arith.truncf %get3A_4859 : f32 to bf16
      %mul3A_4861 = vector.broadcast %convert_element_type3A_4860 : bf16 to vector<136x128xbf16>
      %mul3A_4862 = arith.mulf %convert_element_type3A_136, %mul3A_4861 : vector<136x128xbf16>
      %add3A_4863 = arith.addf %add3A_4855, %mul3A_4862 : vector<136x128xbf16>
      %get3A_4864 = arith.constant 63 : index
      %get3A_4865 = arith.constant 6 : index
      %get3A_4866 = vector.load %arg2[%get3A_4864, %get3A_4865] : memref<64x9xf32, #tpu.memory_space<vmem>>, vector<1x1xf32>
      %get3A_4867 = vector.extract %get3A_4866[0, 0] : f32 from vector<1x1xf32>
      %convert_element_type3A_4868 = arith.truncf %get3A_4867 : f32 to bf16
      %mul3A_4869 = vector.broadcast %convert_element_type3A_4868 : bf16 to vector<136x128xbf16>
      %mul3A_4870 = arith.mulf %convert_element_type3A_142, %mul3A_4869 : vector<136x128xbf16>
      %add3A_4871 = arith.addf %add3A_4863, %mul3A_4870 : vector<136x128xbf16>
      %get3A_4872 = arith.constant 63 : index
      %get3A_4873 = arith.constant 7 : index
      %get3A_4874 = vector.load %arg2[%get3A_4872, %get3A_4873] : memref<64x9xf32, #tpu.memory_space<vmem>>, vector<1x1xf32>
      %get3A_4875 = vector.extract %get3A_4874[0, 0] : f32 from vector<1x1xf32>
      %convert_element_type3A_4876 = arith.truncf %get3A_4875 : f32 to bf16
      %mul3A_4877 = vector.broadcast %convert_element_type3A_4876 : bf16 to vector<136x128xbf16>
      %mul3A_4878 = arith.mulf %convert_element_type3A_148, %mul3A_4877 : vector<136x128xbf16>
      %add3A_4879 = arith.addf %add3A_4871, %mul3A_4878 : vector<136x128xbf16>
      %get3A_4880 = arith.constant 63 : index
      %get3A_4881 = arith.constant 8 : index
      %get3A_4882 = vector.load %arg2[%get3A_4880, %get3A_4881] : memref<64x9xf32, #tpu.memory_space<vmem>>, vector<1x1xf32>
      %get3A_4883 = vector.extract %get3A_4882[0, 0] : f32 from vector<1x1xf32>
      %convert_element_type3A_4884 = arith.truncf %get3A_4883 : f32 to bf16
      %mul3A_4885 = vector.broadcast %convert_element_type3A_4884 : bf16 to vector<136x128xbf16>
      %mul3A_4886 = arith.mulf %convert_element_type3A_154, %mul3A_4885 : vector<136x128xbf16>
      %add3A_4887 = arith.addf %add3A_4879, %mul3A_4886 : vector<136x128xbf16>
      %swap3A_4888 = arith.constant 0 : index
      %swap3A_4889 = arith.constant 8064 : index
      %swap3A_4890 = vector.load %arg7[%swap3A_4888, %swap3A_4889] : memref<137x8192xbf16, #tpu.memory_space<vmem>>, vector<136x128xbf16>
      tpu.vector_store %arg7[%swap3A_4888, %swap3A_4889], %add3A_4887 {strides = array<i32>} : memref<137x8192xbf16, #tpu.memory_space<vmem>>, vector<136x128xbf16>,
      %get3A_4891 = arith.constant 0 : index
      %get3A_4892 = arith.constant 0 : index
      %get3A_4893 = vector.load %arg3[%get3A_4891, %get3A_4892] : memref<1x8192xbf16, #tpu.memory_space<vmem>>, vector<1x8192xbf16>
      %neg3A = arith.constant 0.000000e+00 : bf16
      %neg3A_4894 = vector.broadcast %neg3A : bf16 to vector<1x8192xbf16>
      %neg3A_4895 = arith.subf %neg3A_4894, %get3A_4893 : vector<1x8192xbf16>
      %swap3A_4896 = arith.constant 136 : index
      %swap3A_4897 = arith.constant 0 : index
      %swap3A_4898 = vector.load %arg7[%swap3A_4896, %swap3A_4897] : memref<137x8192xbf16, #tpu.memory_space<vmem>>, vector<1x8192xbf16>
      tpu.vector_store %arg7[%swap3A_4896, %swap3A_4897], %neg3A_4895 {strides = array<i32>} : memref<137x8192xbf16, #tpu.memory_space<vmem>>, vector<1x8192xbf16>,
    } else {
    }
    %get3A = arith.constant 0 : index
    %get3A_2 = arith.constant 0 : index
    %get3A_3 = vector.load %arg1[%get3A, %get3A_2] : memref<64x1032xbf16, #tpu.memory_space<vmem>>, vector<64x136xbf16>
    %get3A_4 = arith.constant 0 : index
    %get3A_5 = arith.constant 128 : index
    %get3A_6 = vector.load %arg1[%get3A_4, %get3A_5] : memref<64x1032xbf16, #tpu.memory_space<vmem>>, vector<64x136xbf16>
    %get3A_7 = arith.constant 0 : index
    %get3A_8 = arith.constant 256 : index
    %get3A_9 = vector.load %arg1[%get3A_7, %get3A_8] : memref<64x1032xbf16, #tpu.memory_space<vmem>>, vector<64x136xbf16>
    %get3A_10 = arith.constant 0 : index
    %get3A_11 = arith.constant 384 : index
    %get3A_12 = vector.load %arg1[%get3A_10, %get3A_11] : memref<64x1032xbf16, #tpu.memory_space<vmem>>, vector<64x136xbf16>
    %get3A_13 = arith.constant 0 : index
    %get3A_14 = arith.constant 512 : index
    %get3A_15 = vector.load %arg1[%get3A_13, %get3A_14] : memref<64x1032xbf16, #tpu.memory_space<vmem>>, vector<64x136xbf16>
    %get3A_16 = arith.constant 0 : index
    %get3A_17 = arith.constant 640 : index
    %get3A_18 = vector.load %arg1[%get3A_16, %get3A_17] : memref<64x1032xbf16, #tpu.memory_space<vmem>>, vector<64x136xbf16>
    %get3A_19 = arith.constant 0 : index
    %get3A_20 = arith.constant 768 : index
    %get3A_21 = vector.load %arg1[%get3A_19, %get3A_20] : memref<64x1032xbf16, #tpu.memory_space<vmem>>, vector<64x136xbf16>
    %get3A_22 = arith.constant 0 : index
    %get3A_23 = arith.constant 896 : index
    %get3A_24 = vector.load %arg1[%get3A_22, %get3A_23] : memref<64x1032xbf16, #tpu.memory_space<vmem>>, vector<64x136xbf16>
    %concatenate3A = tpu.concatenate %get3A_3, %get3A_6, %get3A_9, %get3A_12, %get3A_15, %get3A_18, %get3A_21, %get3A_24 in 0 : vector<64x136xbf16>, vector<64x136xbf16>, vector<64x136xbf16>, vector<64x136xbf16>, vector<64x136xbf16>, vector<64x136xbf16>, vector<64x136xbf16>, vector<64x136xbf16> -> vector<512x136xbf16>
    %broadcast_in_dim3A = arith.constant 1.000000e+00 : bf16
    %broadcast_in_dim3A_25 = vector.broadcast %broadcast_in_dim3A : bf16 to vector<512x1xbf16>
    %concatenate3A_26 = tpu.concatenate %concatenate3A, %broadcast_in_dim3A_25 in 1 : vector<512x136xbf16>, vector<512x1xbf16> -> vector<512x137xbf16>
    %get3A_27 = arith.constant 0 : index
    %get3A_28 = arith.constant 0 : index
    %get3A_29 = vector.load %arg7[%get3A_27, %get3A_28] : memref<137x8192xbf16, #tpu.memory_space<vmem>>, vector<137x8192xbf16>
    %dot_general3A = arith.constant dense<0.000000e+00> : vector<512x8192xf32>
    %dot_general3A_30 = tpu.matmul %concatenate3A_26, %get3A_29, %dot_general3A {dimension_numbers = #tpu.dot_dimension_numbers<[1], [0], [0], [1], [0, 0, 1, 1], [], []>, transpose_lhs_hint = false} : vector<512x137xbf16>, vector<137x8192xbf16>, vector<512x8192xf32> -> vector<512x8192xf32>
    %convert_element_type3A_31 = arith.truncf %dot_general3A_30 : vector<512x8192xf32> to vector<512x8192xbf16>
    %slice3A = vector.extract_strided_slice %convert_element_type3A_31 {offsets = [0, 0], sizes = [448, 8192], strides = [1, 1]} : vector<512x8192xbf16> to vector<448x8192xbf16>
    %slice3A_32 = vector.extract_strided_slice %convert_element_type3A_31 {offsets = [448, 0], sizes = [64, 8192], strides = [1, 1]} : vector<512x8192xbf16> to vector<64x8192xbf16>
    %gt3A = arith.constant 0.000000e+00 : bf16
    %gt3A_33 = vector.broadcast %gt3A : bf16 to vector<448x8192xbf16>
    %gt3A_34 = arith.cmpf ogt, %slice3A, %gt3A_33 : vector<448x8192xbf16>
    %jit3A = arith.constant 1.000000e+00 : bf16
    %jit3A_35 = arith.constant 0.000000e+00 : bf16
    %broadcast_in_dim3A_36 = vector.broadcast %jit3A : bf16 to vector<448x8192xbf16>
    %broadcast_in_dim3A_37 = vector.broadcast %jit3A_35 : bf16 to vector<448x8192xbf16>
    %select_n3A = arith.select %gt3A_34, %broadcast_in_dim3A_36, %broadcast_in_dim3A_37 : vector<448x8192xi1>, vector<448x8192xbf16>
    %gt3A_38 = arith.constant 0.000000e+00 : bf16
    %gt3A_39 = vector.broadcast %gt3A_38 : bf16 to vector<64x8192xbf16>
    %gt3A_40 = arith.cmpf ogt, %slice3A_32, %gt3A_39 : vector<64x8192xbf16>
    %get3A_41 = arith.constant 0 : index
    %get3A_42 = arith.constant 0 : index
    %get3A_43 = vector.load %arg4[%get3A_41, %get3A_42] : memref<1x8192xbf16, #tpu.memory_space<vmem>>, vector<1x8192xbf16>
    %jit3A_44 = arith.constant 0.000000e+00 : bf16
    %broadcast_in_dim3A_45 = vector.shape_cast %get3A_43 : vector<1x8192xbf16> to vector<1x8192xbf16>
    %broadcast_in_dim3A_46 = vector.broadcast %broadcast_in_dim3A_45 : vector<1x8192xbf16> to vector<64x8192xbf16>
    %broadcast_in_dim3A_47 = vector.broadcast %jit3A_44 : bf16 to vector<64x8192xbf16>
    %select_n3A_48 = arith.select %gt3A_40, %broadcast_in_dim3A_46, %broadcast_in_dim3A_47 : vector<64x8192xi1>, vector<64x8192xbf16>
    %concatenate3A_49 = tpu.concatenate %select_n3A, %select_n3A_48 in 0 : vector<448x8192xbf16>, vector<64x8192xbf16> -> vector<512x8192xbf16>
    %get3A_50 = arith.constant 0 : index
    %get3A_51 = arith.constant 0 : index
    %get3A_52 = vector.load %arg5[%get3A_50, %get3A_51] : memref<8192x64xbf16, #tpu.memory_space<vmem>>, vector<8192x64xbf16>
    %dot_general3A_53 = arith.constant dense<0.000000e+00> : vector<512x64xf32>
    %dot_general3A_54 = tpu.matmul %concatenate3A_49, %get3A_52, %dot_general3A_53 {dimension_numbers = #tpu.dot_dimension_numbers<[1], [0], [0], [1], [0, 0, 1, 1], [], []>, transpose_lhs_hint = false} : vector<512x8192xbf16>, vector<8192x64xbf16>, vector<512x64xf32> -> vector<512x64xf32>
    %slice3A_55 = vector.extract_strided_slice %dot_general3A_54 {offsets = [0, 0], sizes = [64, 64], strides = [1, 1]} : vector<512x64xf32> to vector<64x64xf32>
    %slice3A_56 = vector.extract_strided_slice %dot_general3A_54 {offsets = [64, 0], sizes = [64, 64], strides = [1, 1]} : vector<512x64xf32> to vector<64x64xf32>
    %add3A = arith.addf %slice3A_55, %slice3A_56 : vector<64x64xf32>
    %slice3A_57 = vector.extract_strided_slice %dot_general3A_54 {offsets = [128, 0], sizes = [64, 64], strides = [1, 1]} : vector<512x64xf32> to vector<64x64xf32>
    %add3A_58 = arith.addf %add3A, %slice3A_57 : vector<64x64xf32>
    %slice3A_59 = vector.extract_strided_slice %dot_general3A_54 {offsets = [192, 0], sizes = [64, 64], strides = [1, 1]} : vector<512x64xf32> to vector<64x64xf32>
    %add3A_60 = arith.addf %add3A_58, %slice3A_59 : vector<64x64xf32>
    %slice3A_61 = vector.extract_strided_slice %dot_general3A_54 {offsets = [256, 0], sizes = [64, 64], strides = [1, 1]} : vector<512x64xf32> to vector<64x64xf32>
    %add3A_62 = arith.addf %add3A_60, %slice3A_61 : vector<64x64xf32>
    %slice3A_63 = vector.extract_strided_slice %dot_general3A_54 {offsets = [320, 0], sizes = [64, 64], strides = [1, 1]} : vector<512x64xf32> to vector<64x64xf32>
    %add3A_64 = arith.addf %add3A_62, %slice3A_63 : vector<64x64xf32>
    %slice3A_65 = vector.extract_strided_slice %dot_general3A_54 {offsets = [384, 0], sizes = [64, 64], strides = [1, 1]} : vector<512x64xf32> to vector<64x64xf32>
    %add3A_66 = arith.addf %add3A_64, %slice3A_65 : vector<64x64xf32>
    %slice3A_67 = vector.extract_strided_slice %dot_general3A_54 {offsets = [448, 0], sizes = [64, 64], strides = [1, 1]} : vector<512x64xf32> to vector<64x64xf32>
    %add3A_68 = arith.addf %add3A_66, %slice3A_67 : vector<64x64xf32>
    %mul3A = arith.constant 0.00100806449 : f32
    %mul3A_69 = vector.broadcast %mul3A : f32 to vector<64x64xf32>
    %mul3A_70 = arith.mulf %add3A_68, %mul3A_69 : vector<64x64xf32>
    %get3A_71 = arith.constant 0 : index
    %get3A_72 = arith.constant 0 : index
    %get3A_73 = vector.load %arg4[%get3A_71, %get3A_72] : memref<1x8192xbf16, #tpu.memory_space<vmem>>, vector<1x8192xbf16>
    %gt3A_74 = arith.constant 0.000000e+00 : bf16
    %gt3A_75 = vector.broadcast %gt3A_74 : bf16 to vector<1x8192xbf16>
    %gt3A_76 = arith.cmpf ogt, %get3A_73, %gt3A_75 : vector<1x8192xbf16>
    %broadcast_in_dim3A_77 = arith.constant -3.004060e+38 : bf16
    %broadcast_in_dim3A_78 = vector.broadcast %broadcast_in_dim3A_77 : bf16 to vector<64x8192xbf16>
    %broadcast_in_dim3A_79 = vector.shape_cast %gt3A_76 : vector<1x8192xi1> to vector<1x8192xi1>
    %broadcast_in_dim3A_80 = vector.broadcast %broadcast_in_dim3A_79 : vector<1x8192xi1> to vector<64x8192xi1>
    %select_n3A_81 = arith.select %broadcast_in_dim3A_80, %slice3A_32, %broadcast_in_dim3A_78 : vector<64x8192xi1>, vector<64x8192xbf16>
    %slice3A_82 = vector.extract_strided_slice %slice3A {offsets = [0, 0], sizes = [64, 8192], strides = [1, 1]} : vector<448x8192xbf16> to vector<64x8192xbf16>
    %slice3A_83 = vector.extract_strided_slice %slice3A {offsets = [64, 0], sizes = [64, 8192], strides = [1, 1]} : vector<448x8192xbf16> to vector<64x8192xbf16>
    %max3A = arith.maximumf %slice3A_82, %slice3A_83 : vector<64x8192xbf16>
    %slice3A_84 = vector.extract_strided_slice %slice3A {offsets = [128, 0], sizes = [64, 8192], strides = [1, 1]} : vector<448x8192xbf16> to vector<64x8192xbf16>
    %max3A_85 = arith.maximumf %max3A, %slice3A_84 : vector<64x8192xbf16>
    %slice3A_86 = vector.extract_strided_slice %slice3A {offsets = [192, 0], sizes = [64, 8192], strides = [1, 1]} : vector<448x8192xbf16> to vector<64x8192xbf16>
    %max3A_87 = arith.maximumf %max3A_85, %slice3A_86 : vector<64x8192xbf16>
    %slice3A_88 = vector.extract_strided_slice %slice3A {offsets = [256, 0], sizes = [64, 8192], strides = [1, 1]} : vector<448x8192xbf16> to vector<64x8192xbf16>
    %max3A_89 = arith.maximumf %max3A_87, %slice3A_88 : vector<64x8192xbf16>
    %slice3A_90 = vector.extract_strided_slice %slice3A {offsets = [320, 0], sizes = [64, 8192], strides = [1, 1]} : vector<448x8192xbf16> to vector<64x8192xbf16>
    %max3A_91 = arith.maximumf %max3A_89, %slice3A_90 : vector<64x8192xbf16>
    %slice3A_92 = vector.extract_strided_slice %slice3A {offsets = [384, 0], sizes = [64, 8192], strides = [1, 1]} : vector<448x8192xbf16> to vector<64x8192xbf16>
    %max3A_93 = arith.maximumf %max3A_91, %slice3A_92 : vector<64x8192xbf16>
    %max3A_94 = arith.maximumf %max3A_93, %select_n3A_81 : vector<64x8192xbf16>
    %reshape3A = vector.shape_cast %max3A_94 : vector<64x8192xbf16> to vector<64x64x128xbf16>
    %reduce_max3A = arith.constant dense<0xFF80> : vector<64x64xbf16>
    %reduce_max3A_95 = vector.multi_reduction <maximumf>, %reshape3A, %reduce_max3A [2] : vector<64x64x128xbf16> to vector<64x64xbf16>
    %convert_element_type3A_96 = arith.extf %reduce_max3A_95 : vector<64x64xbf16> to vector<64x64xf32>
    %concatenate3A_97 = tpu.concatenate %mul3A_70, %convert_element_type3A_96 in 1 : vector<64x64xf32>, vector<64x64xf32> -> vector<64x128xf32>
    %swap3A = arith.constant 0 : index
    %swap3A_98 = arith.constant 0 : index
    %swap3A_99 = vector.load %arg6[%swap3A, %swap3A_98] : memref<64x128xf32, #tpu.memory_space<vmem>>, vector<64x128xf32>
    tpu.vector_store %arg6[%swap3A, %swap3A_98], %concatenate3A_97 {strides = array<i32>} : memref<64x128xf32, #tpu.memory_space<vmem>>, vector<64x128xf32>,
    return
  }
  func.func @transform_0(%arg0: i32) -> (i32, i32) {
    %c0_i32 = arith.constant 0 : i32
    %c0_i32_0 = arith.constant 0 : i32
    return %arg0, %c0_i32 : i32, i32
  }
  func.func @transform_1(%arg0: i32) -> (i32, i32) {
    %c0_i32 = arith.constant 0 : i32
    %c0_i32_0 = arith.constant 0 : i32
    %c0_i32_1 = arith.constant 0 : i32
    return %c0_i32, %c0_i32_0 : i32, i32
  }
  func.func @transform_2(%arg0: i32) -> (i32, i32) {
    %c0_i32 = arith.constant 0 : i32
    %c0_i32_0 = arith.constant 0 : i32
    %c0_i32_1 = arith.constant 0 : i32
    return %c0_i32, %c0_i32_0 : i32, i32
  }
  func.func @transform_3(%arg0: i32) -> (i32, i32) {
    %c0_i32 = arith.constant 0 : i32
    %c0_i32_0 = arith.constant 0 : i32
    %c0_i32_1 = arith.constant 0 : i32
    return %c0_i32, %c0_i32_0 : i32, i32
  }
  func.func @transform_4(%arg0: i32) -> (i32, i32) {
    %c0_i32 = arith.constant 0 : i32
    %c0_i32_0 = arith.constant 0 : i32
    %c0_i32_1 = arith.constant 0 : i32
    return %c0_i32, %c0_i32_0 : i32, i32
  }
  func.func @transform_5(%arg0: i32) -> (i32, i32) {
    %jit3A = arith.constant 1 : i32
    %eq3A = arith.constant 0 : i32
    %eq3A_0 = arith.cmpi eq, %jit3A, %eq3A : i32
    %jit3A_1 = arith.constant 1 : i32
    %select_n3A = arith.select %eq3A_0, %jit3A_1, %jit3A : i32
    %rem3A = arith.remsi %arg0, %select_n3A : i32
    %ne3A = arith.constant 0 : i32
    %ne3A_2 = arith.cmpi ne, %rem3A, %ne3A : i32
    %lt3A = arith.constant 0 : i32
    %lt3A_3 = arith.cmpi slt, %rem3A, %lt3A : i32
    %lt3A_4 = arith.constant 0 : i32
    %lt3A_5 = arith.cmpi slt, %select_n3A, %lt3A_4 : i32
    %ne3A_6 = arith.xori %lt3A_3, %lt3A_5 : i1
    %and3A = arith.andi %ne3A_6, %ne3A_2 : i1
    %add3A = arith.addi %rem3A, %select_n3A : i32
    %select_n3A_7 = arith.select %and3A, %add3A, %rem3A : i32
    %jit3A_8 = arith.constant 1 : i32
    %div3A = arith.divsi %arg0, %jit3A_8 : i32
    %sign3A = arith.constant 0 : i32
    %sign3A_9 = arith.cmpi sgt, %arg0, %sign3A : i32
    %sign3A_10 = arith.extui %sign3A_9 : i1 to i32
    %sign3A_11 = arith.constant 0 : i32
    %sign3A_12 = arith.cmpi slt, %arg0, %sign3A_11 : i32
    %sign3A_13 = arith.extui %sign3A_12 : i1 to i32
    %sign3A_14 = arith.subi %sign3A_10, %sign3A_13 : i32
    %sign3A_15 = arith.constant 0 : i32
    %sign3A_16 = arith.cmpi sgt, %jit3A_8, %sign3A_15 : i32
    %sign3A_17 = arith.extui %sign3A_16 : i1 to i32
    %sign3A_18 = arith.constant 0 : i32
    %sign3A_19 = arith.cmpi slt, %jit3A_8, %sign3A_18 : i32
    %sign3A_20 = arith.extui %sign3A_19 : i1 to i32
    %sign3A_21 = arith.subi %sign3A_17, %sign3A_20 : i32
    %ne3A_22 = arith.cmpi ne, %sign3A_14, %sign3A_21 : i32
    %rem3A_23 = arith.remsi %arg0, %jit3A_8 : i32
    %ne3A_24 = arith.constant 0 : i32
    %ne3A_25 = arith.cmpi ne, %rem3A_23, %ne3A_24 : i32
    %and3A_26 = arith.andi %ne3A_22, %ne3A_25 : i1
    %sub3A = arith.constant 1 : i32
    %sub3A_27 = arith.subi %div3A, %sub3A : i32
    %select_n3A_28 = arith.select %and3A_26, %sub3A_27, %div3A : i32
    %c0_i32 = arith.constant 0 : i32
    return %select_n3A_7, %select_n3A_28 : i32, i32
  }
}

</mosaic_0001>

<sc_bundles>
// kernel: kernel.5.cloned.1.call-start
scs
__scs_entry_jumppad:
0x0: {  	(pc) =	sbr.rel $0x88, $3  }
0x1: {  	(tag) =	ssettag $0x0;
	lr =	simm.s32 $0x1  }
0x2: {  	[smem:$0x3F9B] =	sst lr;
	_ =	strace $0xD0000000  }
0x3: {  	_ = 	snop  }
0x4: {  	_ = 	snop  }
0x5: {  	_ = 	snop  }
0x6: {  	_ = 	snop  }
0x7: {  	_ = 	snop  }
__scs_overlays_trampoline_lowered:
0x8: {  	[smem:$0x3FAA] =	sst s0  }
0x9: {  	[smem:$0x3FAB] =	sst s1  }
0xa: {  	[smem:$0x3FAC] =	sst s2  }
0xb: {  	[smem:$0x3FAD] =	sst s3  }
0xc: {  	[smem:$0x3FAE] =	sst s4  }
0xd: {  	[smem:$0x3FAF] =	sst s5  }
0xe: {  	[smem:$0x3FB0] =	sst s6  }
0xf: {  	[smem:$0x3FB1] =	sst s7  }
0x10: {  	[smem:$0x3FB2] =	sst s8  }
0x11: {  	[smem:$0x3FB3] =	sst s9;
	s0 =	simm.s32 @!p0 $0x0  }
0x12: {  	s1 =	sld [smem:$0x3F99];
	s0 =	simm.s32 @p0 $0x1  }
0x13: {  	[smem:$0x3FB4] =	sst s0;
	s0 =	simm.s32 @!p1 $0x0  }
0x14: {  	s2 =	sld [smem:$0x3F98];
	s0 =	simm.s32 @p1 $0x1  }
0x15: {  	[smem:$0x3FB5] =	sst s0;
	s0 =	simm.s32 @!p2 $0x0  }
0x16: {  	s3 =	sld [smem:$0x3FDB];
	s0 =	simm.s32 @p2 $0x1  }
0x17: {  	s4 =	simm.s32 $0x1BF5;
	[smem:$0x3FB7] =	sst s0  }
0x18: {  	s0 =	sld [smem:$0x3F9A];
	_ =	swait.ge [sflag:s4], $0x0  }
0x19: {  	s7 =	sld [smem:$0x3F9B]  }
0x1a: {  	s8 =	sadd.s32 $0xFFFFE003, lr  }
0x1b: {  	s9 =	sadd.s32 $0xFFFFFEF7, lr;
	s5 =	simm.s32 $0xFFFFFFFF;
	p2 =	slt.u32 s8, $0xFFFFF086  }
0x1c: {  	p1 =	slt.u32 s9, $0xF7A;
	s5 =	simm.s32 @!p2 $0x0  }
0x1d: {  	s5 =	simm.s32 @p1 $0x1;
	p0 =	seq.s32 s7, s2  }
0x1e: {  	s7 =	smul.u32 @!p0 $0xF7A, s2;
	p2 =	seq.s32 @!p0 s5, $0x0  }
0x1f: {  	s9 =	smul.u32 $0xF7A, s1;
	s8 =	simm.s32 @!p0 $0x1BF5;
	p2 =	por !p2, p0  }
0x20: {  	[sflag:s8] =	ssyncset.s32 @!p0 $0xFFFFF086;
	s6 =	sadd.s32 @!p0 s3, s7;
	s7 =	simm.s32 @!p0 $0x108  }
0x21: {  	s3 =	sadd.s32 s3, s9;
	s6 =	sadd.s32 @!p0 $0x88, s6;
	s7 =	simm.s32 @p2 $0x1082  }
0x22: {  	[simem:s7], [sflag:s8] =	dma.local @!p0 [hbm:s6], $0xF7A  }
0x23: {  	s9 =	sor.u32 $0xD0000000, s2;
	s6 =	simm.s32 $0x108;
	_ =	swait.ge @!p0 [sflag:s8], $0x0  }
0x24: {  	s3 =	sadd.s32 $0x88, s3;
	s6 =	simm.s32 @!p1 $0x1082;
	[sflag:s4] =	ssyncset.s32 $0xFFFFF086  }
0x25: {  	[simem:s6], [sflag:s4] =	dma.local [hbm:s3], $0xF7A  }
0x26: {  	[smem:$0x3F9B] =	sst s1;
	(tag) =	ssettag s2;
	_ =	strace s9  }
0x27: {  	s1 =	sld [smem:$0x3FAB]  }
0x28: {  	s2 =	sld [smem:$0x3FAC]  }
0x29: {  	s4 =	sld [smem:$0x3FAE]  }
0x2a: {  	p0 =	seq.s32 s5, $0x0;
	s5 =	sld [smem:$0x3FAF]  }
0x2b: {  	s6 =	sld [smem:$0x3FB0]  }
0x2c: {  	s7 =	sld [smem:$0x3FB1]  }
0x2d: {  	s3 =	simm.s32 $0x108;
	s8 =	sld [smem:$0x3FB2]  }
0x2e: {  	s3 =	simm.s32 @!p0 $0x1082;
	s9 =	sld [smem:$0x3FB3]  }
0x2f: {  	lr =	sadd.s32 s0, s3;
	s0 =	sld [smem:$0x3FAA]  }
0x30: {  	s3 =	sld [smem:$0x3FAD]  }
0x31: {  	[smem:$0x3FB6] =	sst s10  }
0x32: {  	s10 =	sld [smem:$0x3FB4];
	_ =	sdelay $0x3  }
0x33: {  	p0 =	seq.s32 s10, $0x1;
	s10 =	sld [smem:$0x3FB6];
	_ =	sdelay $0x3  }
0x34: {  	[smem:$0x3FB6] =	sst s10  }
0x35: {  	s10 =	sld [smem:$0x3FB5];
	_ =	sdelay $0x3  }
0x36: {  	p1 =	seq.s32 s10, $0x1;
	s10 =	sld [smem:$0x3FB6];
	_ =	sdelay $0x3  }
0x37: {  	[smem:$0x3FB6] =	sst s10  }
0x38: {  	s10 =	sld [smem:$0x3FB7]  }
0x39: {  	_ = 	snop;
	(pc) =	sbr.ind lr, $3  }
0x3a: {  	_ = 	snop  }
0x3b: {  	_ = 	snop  }
0x3c: {  	p2 =	seq.s32 s10, $0x1;
	s10 =	sld [smem:$0x3FB6]  }
0x3d: {  	_ =	shalt  }
0x3e: {  	_ =	shalt  }
0x3f: {  	_ =	shalt  }
0x40: {  	_ =	shalt  }
0x41: {  	_ =	shalt  }
0x42: {  	_ =	shalt  }
0x43: {  	_ =	shalt  }
0x44: {  	_ =	shalt  }
0x45: {  	_ =	shalt  }
0x46: {  	_ =	shalt  }
0x47: {  	_ =	shalt  }
0x48: {  	_ =	shalt  }
0x49: {  	_ =	shalt  }
0x4a: {  	_ =	shalt  }
0x4b: {  	_ =	shalt  }
0x4c: {  	_ =	shalt  }
0x4d: {  	_ =	shalt  }
0x4e: {  	_ =	shalt  }
0x4f: {  	_ =	shalt  }
0x50: {  	_ =	shalt  }
0x51: {  	_ =	shalt  }
0x52: {  	_ =	shalt  }
0x53: {  	_ =	shalt  }
0x54: {  	_ =	shalt  }
0x55: {  	_ =	shalt  }
0x56: {  	_ =	shalt  }
0x57: {  	_ =	shalt  }
0x58: {  	_ =	shalt  }
0x59: {  	_ =	shalt  }
0x5a: {  	_ =	shalt  }
0x5b: {  	_ =	shalt  }
0x5c: {  	_ =	shalt  }
0x5d: {  	_ =	shalt  }
0x5e: {  	_ =	shalt  }
0x5f: {  	_ =	shalt  }
0x60: {  	_ =	shalt  }
0x61: {  	_ =	shalt  }
0x62: {  	_ =	shalt  }
0x63: {  	_ =	shalt  }
0x64: {  	_ =	shalt  }
0x65: {  	_ =	shalt  }
0x66: {  	_ =	shalt  }
0x67: {  	_ =	shalt  }
0x68: {  	_ =	shalt  }
0x69: {  	_ =	shalt  }
0x6a: {  	_ =	shalt  }
0x6b: {  	_ =	shalt  }
0x6c: {  	_ =	shalt  }
0x6d: {  	_ =	shalt  }
0x6e: {  	_ =	shalt  }
0x6f: {  	_ =	shalt  }
0x70: {  	_ =	shalt  }
0x71: {  	_ =	shalt  }
0x72: {  	_ =	shalt  }
0x73: {  	_ =	shalt  }
0x74: {  	_ =	shalt  }
0x75: {  	_ =	shalt  }
0x76: {  	_ =	shalt  }
0x77: {  	_ =	shalt  }
0x78: {  	_ =	shalt  }
0x79: {  	_ =	shalt  }
0x7a: {  	_ =	shalt  }
0x7b: {  	_ =	shalt  }
0x7c: {  	_ =	shalt  }
0x7d: {  	_ =	shalt  }
0x7e: {  	_ =	shalt  }
0x7f: {  	_ =	shalt  }
0x80: {  	_ =	shalt  }
0x81: {  	_ =	shalt  }
0x82: {  	_ =	shalt  }
0x83: {  	_ =	shalt  }
0x84: {  	_ =	shalt  }
0x85: {  	_ =	shalt  }
0x86: {  	_ =	shalt  }
0x87: {  	_ =	shalt  }
.Lfunc_end0:
.L_simem_size_0:
called_computation_lowered:
.L_overlay_start_0:
0x88: {  	s2 =	sld [smem:$0x3FD9]  }
0x89: {  	s3 =	sld [smem:$0x3FFE];
	_ =	sdelay $0x1  }
0x8a: {  	s1 =	srdreg.scid  }
0x8b: {  	s0 =	sand.u32 $0x1, s1  }
0x8c: {  	s17 =	sshll.u32 s0, $0xA;
	s2 =	sadd.s32 s3, s2  }
0x8d: {  	s2 =	sadd.s32 s2, s17  }
0x8e: {  	[smem:$0x3FC2] =	sst s2  }
0x8f: {  	_ = 	snop  }
0x90: {  	s2 =	sld [smem:$0x3FC8]  }
0x91: {  	s18 =	sld [smem:$0x3FD0];
	(tm) =	ssettm $0x1  }
0x92: {  	s4 =	sld [smem:$0x3FFB];
	_ =	sdelay $0x3  }
0x93: {  	_ =	strace s4  }
0x94: {  	s4 =	sld [smem:$0x3FFC];
	_ =	sdelay $0x3  }
0x95: {  	_ =	strace s4  }
0x96: {  	s4 =	sld [smem:$0x3FFD];
	_ =	sdelay $0x3  }
0x97: {  	_ =	strace s4  }
0x98: {  	_ =	strace $0x8FFFFFFF  }
0x99: {  	s19 =	sld [smem:$0x3FDB];
	_ =	sdelay $0x1  }
0x9a: {  	s5 =	simm.s32 $_scs_section_size  }
0x9b: {  	s6 =	simm.s32 $_size__tile_overlayer_lowered;
	s7 =	simm.s32 $_tile_overlayer_lowered  }
0x9c: {  	s22 =	simm.s32 $0x1BFF;
	s21 =	sshll.u32 s7, $0x1;
	s4 =	sadd.s32 s5, s19  }
0x9d: {  	s8 =	simm.s32 $0x0;
	s20 =	sshll.u32 s6, $0x1;
	s6 =	sadd.s32 s21, s4  }
0x9e: {  	[timem:s8], [sflag:s22] =	dma.local [hbm:s6], s20  }
0x9f: {  	_ =	swait.ge [sflag:s22], s20  }
0xa0: {  	s5 =	ssub.s32 $0x0, s20;
	[sflag:s22] =	ssyncset.done $0x0  }
0xa1: {  	[sflag:s22] =	ssyncadd.s32 s5;
	_ =	sdelay $0x1  }
0xa2: {  	s23 =	simm.s32 $0x1B8B  }
0xa3: {  	_ =	swait.ge [sflag:s23], $0x1  }
0xa4: {  	[sflag:s23] =	ssyncset.done $0x0  }
0xa5: {  	s25 =	simm.s32 $0x1B8E;
	s24 =	sld [smem:$0x3FFE];
	[sflag:s23] =	ssyncadd.s32 $0xFFFFFFFF  }
0xa6: {  	s26 =	simm.s32 $execute0_lowered;
	[smem:$0x3FD2] =	sst s25  }
0xa7: {  	s6 =	sshll.u32 s26, $0x1;
	_ =	strace $0x80000046;
	[dreg:$0x1] =	wrdreg $0xFFFFFFFF  }
0xa8: {  	s28 =	simm.s32 $_size_execute0_lowered;
	s4 =	sadd.s32 s4, s6;
	[dreg:$0x0] =	wrdreg $0x0  }
0xa9: {  	s6 =	sshll.u32 s28, $0x1;
	[dreg:$0x2] =	wrdreg s4  }
0xaa: {  	[dreg:$0x3] =	wrdreg s6  }
0xab: {  	[dreg:$0x4] =	wrdreg $0xC0  }
0xac: {  	_ =	task [dreg:s8], $0x5FFFF  }
0xad: {  	[dreg:$0x1] =	wrdreg $0xFFFFFFFF  }
0xae: {  	[dreg:$0x0] =	wrdreg $0x60  }
0xaf: {  	[dreg:$0x2] =	wrdreg s2  }
0xb0: {  	[dreg:$0x3] =	wrdreg s24  }
0xb1: {  	[dreg:$0x4] =	wrdreg s18  }
0xb2: {  	[dreg:$0x5] =	wrdreg $0x14800  }
0xb3: {  	[dreg:$0x6] =	wrdreg $0x9  }
0xb4: {  	_ =	task.clear_ibuf [dreg:s8], $0x7FFFF;
	_ =	strace $0x90000046  }
0xb5: {  	s29 =	simm.s32 $0x9;
	_ =	strace $0x80000048  }
0xb6: {  	_ =	swait.ge [sflag:s29], $0x1  }
0xb7: {  	[sflag:s29] =	ssyncadd.s32 $0xFFFFFFFF  }
0xb8: {  	_ =	strace $0x90000048  }
0xb9: {  	_ =	sfence  }
0xba: {  	s30 =	sld [smem:$0x0];
	_ =	sdelay $0x2  }
0xbb: {  	s31 =	sshll.u32 s1, $0xD;
	s1 =	sshrl.u32 s1, $0x2  }
0xbc: {  	s3 =	sand.u32 $0x4000, s31;
	s1 =	sadd.s32 s1, s30  }
0xbd: {  	s0 =	sor.u32 s3, s0;
	s1 =	sshll.u32 s1, $0x11  }
0xbe: {  	s0 =	sor.u32 s1, s0  }
0xbf: {  	s0 =	sadd.s32 $0x8F2B, s0  }
0xc0: {  	[sflag:s0] =	ssyncadd.remote.s32 $0x1  }
0xc1: {  	_ =	sfence.sel $0xFFFF  }
0xc2: {  	[dreg:$0x0] =	wrdreg $0xFFFFFFFF;
	(pc) =	sbr.abs _section_cstart, $3  }
0xc3: {  	[dreg:$0x1] =	wrdreg $0xFFFFFFFF  }
0xc4: {  	_ =	task.clear_ibuf [dreg:s8], $0x2FFFF;
	_ =	strace $0x9FFFFFFF  }
0xc5: {  	(tm) =	ssettm $0x7FFFFFFF  }
tec
execute0_lowered:
.L_overlay_start_1:
0x0: {  	(tag) =	ssettag $0x1  }
0x1: {  	s3 =	rddreg [dreg:$0x0]  }
0x2: {  	s4 =	rddreg [dreg:$0x1]  }
0x3: {  	s6 =	rddreg [dreg:$0x2]  }
0x4: {  	s5 =	rddreg [dreg:$0x3];
	s2 =	srdreg.scid  }
0x5: {  	s0 =	rddreg [dreg:$0x4];
	s1 =	stileid.u32  }
0x6: {  	s12 =	simm.s32 $0x1080;
	s13 =	simm.s32 $0x20;
	s7 =	sand.u32 $0x1, s2  }
0x7: {  	s2 =	simm.s32 $0x0;
	s9 =	sshll.u32 s1, $0xA;
	s14 =	sshll.u32 s1, $0x6  }
0x8: {  	s8 =	sshll.u32 s7, $0x10;
	[smem:$0x7FF] =	sst s2;
	s10 =	ssub.s32 $0x2, s7  }
0x9: {  	s11 =	sshll.u32 s7, $0xE;
	s7 =	sshll.u32 s7, $0x2;
	s5 =	sadd.s32 s9, s5  }
0xa: {  	s14 =	sor.u32 $0x1C01, s14;
	s8 =	sor.u32 s9, s8;
	_ =	strace $0x80000047  }
0xb: {  	s29 =	sshrl.u32 s10, $0x1;
	s30 =	sor.u32 s9, s11;
	s3 =	sadd.s32 s3, s7  }
0xc: {  	s9 =	simm.s32 $0x400;
	s11 =	simm.s32 $0x80;
	s8 =	sshrl.u32 s8, $0x3  }
0xd: {  	s15 =	sshrl.u32 s5, $0x3;
	s31 =	sshrl.u32 s30, $0x3;
	s4 =	sadd.s32 s8, s4  }
0xe: {  	s8 =	ssub.s32 s10, s29;
	s6 =	sadd.s32 s6, s31;
	s10 =	simm.s32 $0x4000  }
0xf: {  	v0 =	vimm.f32 $0.0e+00;
	s4 =	sadd.s32 $0x1200, s4;
	s7 =	smax.u32 s8, $0x1;
	s8 =	simm.s32 $0x1  }
.LBB2_1:
0x10: {  	[tilespmem:s2], [sflag:$0x1] =	stream.linear.gather [hbm4b:s3+s2], $0x20, $0x38;
	[tilespmem:$0x1880] =	vst v63  }
0x11: {  	_ =	swait.ge [sflag:s8], $0x20  }
0x12: {  	[sflag:s8] =	ssyncset.done $0x0  }
0x13: {  	[sflag:s8] =	ssyncadd.s32 $0xFFFFFFE0  }
0x14: {  	[tilespmem:s11], [sflag:$0x1] =	stream.strided.gather [hbm4b:s4+s9], $0x1000, s10, s9, $0x38;
	[tilespmem:$0x1880] =	vst v63  }
0x15: {  	_ =	swait.ge [sflag:s8], $0x1000  }
0x16: {  	[sflag:s8] =	ssyncset.done $0x0  }
0x17: {  	[sflag:s8] =	ssyncadd.s32 $0xFFFFF000  }
0x18: {  	[tilespmem:$0x1080] =	vst v0  }
0x19: {  	[tilespmem:$0x1090] =	vst v0  }
0x1a: {  	[tilespmem:$0x10A0] =	vst v0  }
0x1b: {  	[tilespmem:$0x10B0] =	vst v0  }
0x1c: {  	[tilespmem:$0x10C0] =	vst v0  }
0x1d: {  	[tilespmem:$0x10D0] =	vst v0  }
0x1e: {  	[tilespmem:$0x10E0] =	vst v0  }
0x1f: {  	[tilespmem:$0x10F0] =	vst v0  }
0x20: {  	[tilespmem:$0x1100] =	vst v0  }
0x21: {  	[tilespmem:$0x1110] =	vst v0  }
0x22: {  	[tilespmem:$0x1120] =	vst v0  }
0x23: {  	[tilespmem:$0x1130] =	vst v0  }
0x24: {  	[tilespmem:$0x1140] =	vst v0  }
0x25: {  	[tilespmem:$0x1150] =	vst v0  }
0x26: {  	[tilespmem:$0x1160] =	vst v0  }
0x27: {  	[tilespmem:$0x1170] =	vst v0  }
0x28: {  	[tilespmem:$0x1180] =	vst v0  }
0x29: {  	[tilespmem:$0x1190] =	vst v0  }
0x2a: {  	[tilespmem:$0x11A0] =	vst v0  }
0x2b: {  	[tilespmem:$0x11B0] =	vst v0  }
0x2c: {  	[tilespmem:$0x11C0] =	vst v0  }
0x2d: {  	[tilespmem:$0x11D0] =	vst v0  }
0x2e: {  	[tilespmem:$0x11E0] =	vst v0  }
0x2f: {  	[tilespmem:$0x11F0] =	vst v0  }
0x30: {  	[tilespmem:$0x1200] =	vst v0  }
0x31: {  	[tilespmem:$0x1210] =	vst v0  }
0x32: {  	[tilespmem:$0x1220] =	vst v0  }
0x33: {  	[tilespmem:$0x1230] =	vst v0  }
0x34: {  	[tilespmem:$0x1240] =	vst v0  }
0x35: {  	[tilespmem:$0x1250] =	vst v0  }
0x36: {  	[tilespmem:$0x1260] =	vst v0  }
0x37: {  	[tilespmem:$0x1270] =	vst v0  }
0x38: {  	[tilespmem:$0x1280] =	vst v0  }
0x39: {  	[tilespmem:$0x1290] =	vst v0  }
0x3a: {  	[tilespmem:$0x12A0] =	vst v0  }
0x3b: {  	[tilespmem:$0x12B0] =	vst v0  }
0x3c: {  	[tilespmem:$0x12C0] =	vst v0  }
0x3d: {  	[tilespmem:$0x12D0] =	vst v0  }
0x3e: {  	[tilespmem:$0x12E0] =	vst v0  }
0x3f: {  	[tilespmem:$0x12F0] =	vst v0  }
0x40: {  	[tilespmem:$0x1300] =	vst v0  }
0x41: {  	[tilespmem:$0x1310] =	vst v0  }
0x42: {  	[tilespmem:$0x1320] =	vst v0  }
0x43: {  	[tilespmem:$0x1330] =	vst v0  }
0x44: {  	[tilespmem:$0x1340] =	vst v0  }
0x45: {  	[tilespmem:$0x1350] =	vst v0  }
0x46: {  	[tilespmem:$0x1360] =	vst v0  }
0x47: {  	[tilespmem:$0x1370] =	vst v0  }
0x48: {  	[tilespmem:$0x1380] =	vst v0  }
0x49: {  	[tilespmem:$0x1390] =	vst v0  }
0x4a: {  	[tilespmem:$0x13A0] =	vst v0  }
0x4b: {  	[tilespmem:$0x13B0] =	vst v0  }
0x4c: {  	[tilespmem:$0x13C0] =	vst v0  }
0x4d: {  	[tilespmem:$0x13D0] =	vst v0  }
0x4e: {  	[tilespmem:$0x13E0] =	vst v0  }
0x4f: {  	[tilespmem:$0x13F0] =	vst v0  }
0x50: {  	[tilespmem:$0x1400] =	vst v0  }
0x51: {  	[tilespmem:$0x1410] =	vst v0  }
0x52: {  	[tilespmem:$0x1420] =	vst v0  }
0x53: {  	[tilespmem:$0x1430] =	vst v0  }
0x54: {  	[tilespmem:$0x1440] =	vst v0  }
0x55: {  	[tilespmem:$0x1450] =	vst v0  }
0x56: {  	[tilespmem:$0x1460] =	vst v0  }
0x57: {  	[tilespmem:$0x1470] =	vst v0  }
0x58: {  	[spmem:s5] =	stream.linear.scatter [tilespmem:s12], [sflag:$0x1], $0x400, $0x38;
	[tilespmem:$0x1880] =	vst v63  }
0x59: {  	_ =	swait.ge [sflag:s8], $0x400  }
0x5a: {  	[sflag:s8] =	ssyncset.done $0x0  }
0x5b: {  	[sflag:s8] =	ssyncadd.s32 $0xFFFFFC00  }
0x5c: {  	[spmem:s5] =	stream.indirect.scatter.add.f32 [tilespmem:s11], [sflag:$0x1], $0x80, s2, s13, $0xb8;
	[tilespmem:$0x1880] =	vst v63  }
0x5d: {  	_ =	swait.ge [sflag:s8], $0x1000  }
0x5e: {  	p0 =	sne.s32 s7, $0x1;
	[sflag:s8] =	ssyncset.done $0x0  }
.Ltmp0:
0x5f: {  	[sflag:s8] =	ssyncadd.s32 $0xFFFFF000;
	(pc) =	sbr.rel @p0 .LBB2_1-.Ltmp0, $4  }
0x60: {  	[hbm:s6], [sflag:s14] =	dma.local [spmem:s15], $0x80  }
0x61: {  	_ =	swait.ge [sflag:s8], $0x80  }
0x62: {  	[sflag:s8] =	ssyncset.done $0x0  }
0x63: {  	s7 =	sadd.s32 $0xFFFFFFFF, s7;
	[sflag:s8] =	ssyncadd.s32 $0xFFFFFF80  }
0x64: {  	_ =	sfence.sel $0x180000  }
0x65: {  	[bflag:$0x0] =	sbarrier.arrive $0xFFFF  }
0x66: {  	p0 =	sne.s32 s1, $0x0;
	_ =	strace $0x90000047  }
0x67: {  	s0 =	sadd.s32 @!p0 $0x100000, s0;
	[bflag:$0x2] =	sbarrier.arrive $0xFFFF  }
0x68: {  	[sflag:s0] =	ssyncadd.tile.s32 @!p0 $0x1;
	_ =	shalt  }
.Lfunc_end2:
_tile_overlayer_lowered:
.L_overlay_start_2:
0x69: {  	(tag) =	ssettag $0x2  }
0x6a: {  	s0 =	rddreg [dreg:$0x0];
	s2 =	stileid.u32  }
0x6b: {  	s1 =	rddreg [dreg:$0x1];
	p0 =	sne.s32 s2, $0x0  }
0x6c: {  	s3 =	rddreg [dreg:$0x2];
	[bflag:$0x3] =	sbarrier.arrive $0xFFFF;
	s2 =	simm.s32 @!p0 $0x1C01  }
0x6d: {  	[timem:s3], [sflag:s2] =	dma.local @!p0 [hbm:s0], s1  }
0x6e: {  	s0 =	simm.s32 @!p0 $0x1  }
0x6f: {  	_ =	swait.ge @!p0 [sflag:s0], s1  }
0x70: {  	s1 =	ssub.s32 @!p0 $0x0, s1;
	[sflag:s0] =	ssyncset.done @!p0 $0x0  }
0x71: {  	[sflag:s0] =	ssyncadd.s32 @!p0 s1  }
0x72: {  	[bflag:$0x3] =	sbarrier.arrive $0xFFFF  }
0x73: {  	_ =	shalt  }

</sc_bundles>
